<compile_context>
chip_gen: v7x
topology: tpu7x:2x2x1
jax: 0.10.2.dev20260603
libtpu: 0.0.44.dev20260713+nightly
codegen_flags: <defaults>
</compile_context>

<pallas_src>
import functools

import jax
import jax.numpy as jnp
import numpy as np
from jax import lax
from jax.experimental import pallas as pl
from jax.experimental.pallas import tpu as pltpu
from jax.experimental.pallas import tpu_sc as plsc

B = 128
N = 32768
K = 64
L = 16
CHUNK = 256
NCH = N // CHUNK
NG = NCH // L
NW = 32
RPW = B // NW
BIG = np.int32(2**30)
NEGINF = np.float32(-np.inf)

_mesh = plsc.VectorSubcoreMesh(core_axis_name="c", subcore_axis_name="s")


@functools.partial(
    pl.kernel,
    mesh=_mesh,
    compiler_params=pltpu.CompilerParams(needs_layout_passes=False),
    out_type=[
        jax.ShapeDtypeStruct((B, K), jnp.float32),
        jax.ShapeDtypeStruct((B, K), jnp.int32),
    ],
    scratch_types=[
        pltpu.VMEM((N,), jnp.float32),
        pltpu.VMEM((N,), jnp.float32),
        pltpu.VMEM((N,), jnp.float32),
        pltpu.VMEM((K,), jnp.float32),
        pltpu.VMEM((K,), jnp.float32),
        pltpu.VMEM((K,), jnp.int32),
        pltpu.VMEM((K,), jnp.int32),
        pltpu.SemaphoreType.DMA,
        pltpu.SemaphoreType.DMA,
    ],
)
def _topk_sc(x_hbm, vals_hbm, idx_hbm, bufa, bufb, bufc, va, vb, ia, ib,
             sem0, sem1):
    wid = lax.axis_index("s") * 2 + lax.axis_index("c")
    lane = lax.iota(jnp.int32, L)
    lane0 = lane == 0

    _gdn = lax.GatherDimensionNumbers(
        offset_dims=(), collapsed_slice_dims=(0,), start_index_map=(0,))

    def _shuffle(v, perm):
        return lax.gather(
            v, perm[:, None], dimension_numbers=_gdn, slice_sizes=(1,),
            mode=lax.GatherScatterMode.PROMISE_IN_BOUNDS)

    def _allmax(v):
        for d in (8, 4, 2, 1):
            v = jnp.maximum(v, _shuffle(v, jnp.bitwise_xor(lane, d)))
        return v

    def _allmin(v):
        for d in (8, 4, 2, 1):
            v = jnp.minimum(v, _shuffle(v, jnp.bitwise_xor(lane, d)))
        return v

    def _allsum(v):
        for d in (8, 4, 2, 1):
            v = v + _shuffle(v, jnp.bitwise_xor(lane, d))
        return v

    def _store1(ref, ivec, vvec):
        plsc.store_scatter(ref, [ivec], vvec, mask=lane0)

    def process_pair(rowa, rowb, sa, sb):
        def chunk_body(c, carry2):
            base = c * CHUNK
            acca = jnp.full((L,), NEGINF, jnp.float32)
            accb = jnp.full((L,), NEGINF, jnp.float32)
            for j in range(CHUNK // L):
                off = pl.ds(base + j * L, L)
                acca = jnp.maximum(acca, sa[off])
                accb = jnp.maximum(accb, sb[off])
            cl = jnp.bitwise_and(c, L - 1)
            hit = lane == cl
            ma = carry2[:NG]
            mb = carry2[NG:]
            g0 = lax.shift_right_logical(c, 4)
            va_ = _allmax(acca)
            vb_ = _allmax(accb)
            ma = tuple(
                jnp.where(jnp.logical_and(g0 == g, hit), va_, ma[g])
                for g in range(NG))
            mb = tuple(
                jnp.where(jnp.logical_and(g0 == g, hit), vb_, mb[g])
                for g in range(NG))
            return ma + mb

        init = tuple(jnp.full((L,), NEGINF, jnp.float32) for _ in range(2 * NG))
        maxima = lax.fori_loop(0, NCH, chunk_body, init)

        def one_pick(sbuf, ovals, oidx, k, m1r):
            bv = m1r[0]
            bi = lane
            for g in range(1, NG):
                gt = m1r[g] > bv
                bv = jnp.where(gt, m1r[g], bv)
                bi = jnp.where(gt, lane + g * L, bi)
            m = _allmax(bv)
            cstar = _allmin(jnp.where(bv == m, bi, BIG))
            base = cstar * CHUNK
            cand = jnp.full((L,), BIG, jnp.int32)
            acc2 = jnp.full((L,), NEGINF, jnp.float32)
            occ = jnp.zeros((L,), jnp.int32)
            for j in range(CHUNK // L):
                pos = base + j * L + lane
                s = plsc.load_gather(sbuf, [pos])
                ism = s == m
                cand = jnp.minimum(cand, jnp.where(ism, pos, BIG))
                acc2 = jnp.maximum(acc2, jnp.where(ism, NEGINF, s))
                occ = occ + jnp.where(ism, 1, 0)
            idx = _allmin(cand)
            kvec = jnp.full((L,), k, jnp.int32)
            _store1(ovals, kvec, m)
            _store1(oidx, kvec, idx)
            _store1(sbuf, idx, jnp.full((L,), NEGINF, jnp.float32))
            newm = jnp.where(_allsum(occ) > 1, m, _allmax(acc2))
            l0 = jnp.bitwise_and(cstar, L - 1)
            g0 = lax.shift_right_logical(cstar, 4)
            hit = lane == l0
            return tuple(
                jnp.where(jnp.logical_and(g0 == g, hit), newm, m1r[g])
                for g in range(NG))

        def pick_body(k, carry2):
            m1ra = carry2[:NG]
            m1rb = carry2[NG:]
            m1ra = one_pick(sa, va, ia, k, m1ra)
            m1rb = one_pick(sb, vb, ib, k, m1rb)
            return m1ra + m1rb

        lax.fori_loop(0, K, pick_body, maxima)
        pltpu.sync_copy(va, vals_hbm.at[rowa])
        pltpu.sync_copy(ia, idx_hbm.at[rowa])
        pltpu.sync_copy(vb, vals_hbm.at[rowb])
        pltpu.sync_copy(ib, idx_hbm.at[rowb])

    base_row = wid * RPW
    h0a = pltpu.async_copy(x_hbm.at[base_row + 0], bufa, sem0)
    h0b = pltpu.async_copy(x_hbm.at[base_row + 1], bufb, sem0)
    h1a = pltpu.async_copy(x_hbm.at[base_row + 2], bufc, sem1)
    h0a.wait()
    h0b.wait()
    process_pair(base_row + 0, base_row + 1, bufa, bufb)
    h1b = pltpu.async_copy(x_hbm.at[base_row + 3], bufb, sem1)
    h1a.wait()
    h1b.wait()
    process_pair(base_row + 2, base_row + 3, bufc, bufb)


def kernel(x):
    vals, idx = _topk_sc(x)
    return vals, idx

# --- scband reference (transcript-rebuilt; emitter-appended) ---
"""Pipeline reference for scband-sort-84825604096352 (READ-ONLY COPY).

The authoritative reference and input builder live on the scoring server;
editing this copy changes nothing except your own understanding.
"""

import jax, jax.numpy as jnp
import numpy as np

TOPK = 64
MULTI_SORT = False
CLASS_NUM = 1


def setup_inputs(seed: int = 0) -> dict:
    key = jax.random.key(seed)
    x = jax.random.normal(key, (128, 32768), dtype=jnp.float32)
    return {"x": x}


def reference(x):
    # Faithful translation of custom_ops.Sort(x, topK, multi_sort, class_num):
    # sorts scores descending and returns the top-K values and their indices.
    # When multi_sort is enabled with class_num > 1, the candidate axis is
    # split into class_num groups and each group is sorted independently.
    if MULTI_SORT and CLASS_NUM > 1:
        B, N = x.shape
        per = N // CLASS_NUM
        xr = x.reshape(B, CLASS_NUM, per)
        vals, idx = jax.lax.top_k(xr, TOPK)
        return vals, idx
    vals, idx = jax.lax.top_k(x, TOPK)
    return vals, idx

if __name__ == "__main__":
    import jax
    _d = setup_inputs()
    print(jax.jit(kernel)(*tuple(_d.values())))

</pallas_src>

<mosaic_0001>
#map = affine_map<(d0, d1) -> (0, 0)>
module attributes {stable_mosaic.version = 14 : i64} {
  func.func @_topk_sc(%arg0: i32, %arg1: i32, %arg2: memref<128x32768xf32, #tpu.memory_space<hbm>>, %arg3: memref<128x64xf32, #tpu.memory_space<hbm>>, %arg4: memref<128x64xi32, #tpu.memory_space<hbm>>, %arg5: memref<32768xf32, #tpu.memory_space<vmem>>, %arg6: memref<32768xf32, #tpu.memory_space<vmem>>, %arg7: memref<32768xf32, #tpu.memory_space<vmem>>, %arg8: memref<64xf32, #tpu.memory_space<vmem>>, %arg9: memref<64xf32, #tpu.memory_space<vmem>>, %arg10: memref<64xi32, #tpu.memory_space<vmem>>, %arg11: memref<64xi32, #tpu.memory_space<vmem>>, %arg12: memref<!tpu.dma_semaphore, #tpu.memory_space<semaphore_mem>>, %arg13: memref<!tpu.dma_semaphore, #tpu.memory_space<semaphore_mem>>) attributes {dimension_semantics = [#tpu.dimension_semantics<core_parallel>, #tpu.dimension_semantics<subcore_parallel>], iteration_bounds = array<i64: 2, 16>, scalar_prefetch = 0 : i64, scratch_operands = 9 : i64, tpu.core_type = #tpu.core_type<sc_vector_subcore>, window_params = [{transform_indices = #map}, {transform_indices = #map}, {transform_indices = #map}]} {
    %mul3A = arith.constant 2 : i32
    %mul3A_0 = arith.muli %arg1, %mul3A : i32
    %add3A = arith.addi %mul3A_0, %arg0 : i32
    %iota3A = tpu.iota {dimensions = array<i32: 0>} : vector<16xi32>
    %eq3A = arith.constant 0 : i32
    %eq3A_1 = vector.broadcast %eq3A : i32 to vector<16xi32>
    %eq3A_2 = arith.cmpi eq, %iota3A, %eq3A_1 : vector<16xi32>
    %mul3A_3 = arith.constant 4 : i32
    %mul3A_4 = arith.muli %add3A, %mul3A_3 : i32
    %add3A_5 = arith.constant 0 : i32
    %add3A_6 = arith.addi %mul3A_4, %add3A_5 : i32
    %dma_start3A = arith.constant 0 : i32
    %dma_start3A_7 = tpu.memref_slice %arg2[%add3A_6, %dma_start3A] : memref<128x32768xf32, #tpu.memory_space<hbm>> -> memref<1x32768xf32, #tpu.memory_space<hbm>>
    %dma_start3A_8 = tpu.memref_squeeze %dma_start3A_7 : memref<1x32768xf32, #tpu.memory_space<hbm>> -> memref<32768xf32, #tpu.memory_space<hbm>>
    %dma_start3A_9 = arith.constant 0 : i32
    %dma_start3A_10 = tpu.memref_slice %arg2[%add3A_6, %dma_start3A_9] : memref<128x32768xf32, #tpu.memory_space<hbm>> -> memref<1x32768xf32, #tpu.memory_space<hbm>>
    %dma_start3A_11 = tpu.memref_squeeze %dma_start3A_10 : memref<1x32768xf32, #tpu.memory_space<hbm>> -> memref<32768xf32, #tpu.memory_space<hbm>>
    tpu.enqueue_dma source(%dma_start3A_11 : memref<32768xf32, #tpu.memory_space<hbm>>) target(%arg5 : memref<32768xf32, #tpu.memory_space<vmem>>) target_semaphore(%arg12 : memref<!tpu.dma_semaphore, #tpu.memory_space<semaphore_mem>>)
    %add3A_12 = arith.constant 1 : i32
    %add3A_13 = arith.addi %mul3A_4, %add3A_12 : i32
    %dma_start3A_14 = arith.constant 0 : i32
    %dma_start3A_15 = tpu.memref_slice %arg2[%add3A_13, %dma_start3A_14] : memref<128x32768xf32, #tpu.memory_space<hbm>> -> memref<1x32768xf32, #tpu.memory_space<hbm>>
    %dma_start3A_16 = tpu.memref_squeeze %dma_start3A_15 : memref<1x32768xf32, #tpu.memory_space<hbm>> -> memref<32768xf32, #tpu.memory_space<hbm>>
    %dma_start3A_17 = arith.constant 0 : i32
    %dma_start3A_18 = tpu.memref_slice %arg2[%add3A_13, %dma_start3A_17] : memref<128x32768xf32, #tpu.memory_space<hbm>> -> memref<1x32768xf32, #tpu.memory_space<hbm>>
    %dma_start3A_19 = tpu.memref_squeeze %dma_start3A_18 : memref<1x32768xf32, #tpu.memory_space<hbm>> -> memref<32768xf32, #tpu.memory_space<hbm>>
    tpu.enqueue_dma source(%dma_start3A_19 : memref<32768xf32, #tpu.memory_space<hbm>>) target(%arg6 : memref<32768xf32, #tpu.memory_space<vmem>>) target_semaphore(%arg12 : memref<!tpu.dma_semaphore, #tpu.memory_space<semaphore_mem>>)
    %add3A_20 = arith.constant 2 : i32
    %add3A_21 = arith.addi %mul3A_4, %add3A_20 : i32
    %dma_start3A_22 = arith.constant 0 : i32
    %dma_start3A_23 = tpu.memref_slice %arg2[%add3A_21, %dma_start3A_22] : memref<128x32768xf32, #tpu.memory_space<hbm>> -> memref<1x32768xf32, #tpu.memory_space<hbm>>
    %dma_start3A_24 = tpu.memref_squeeze %dma_start3A_23 : memref<1x32768xf32, #tpu.memory_space<hbm>> -> memref<32768xf32, #tpu.memory_space<hbm>>
    %dma_start3A_25 = arith.constant 0 : i32
    %dma_start3A_26 = tpu.memref_slice %arg2[%add3A_21, %dma_start3A_25] : memref<128x32768xf32, #tpu.memory_space<hbm>> -> memref<1x32768xf32, #tpu.memory_space<hbm>>
    %dma_start3A_27 = tpu.memref_squeeze %dma_start3A_26 : memref<1x32768xf32, #tpu.memory_space<hbm>> -> memref<32768xf32, #tpu.memory_space<hbm>>
    tpu.enqueue_dma source(%dma_start3A_27 : memref<32768xf32, #tpu.memory_space<hbm>>) target(%arg7 : memref<32768xf32, #tpu.memory_space<vmem>>) target_semaphore(%arg13 : memref<!tpu.dma_semaphore, #tpu.memory_space<semaphore_mem>>)
    %dma_wait3A = arith.constant 0 : i32
    %dma_wait3A_28 = tpu.memref_slice %arg2[%add3A_6, %dma_wait3A] : memref<128x32768xf32, #tpu.memory_space<hbm>> -> memref<1x32768xf32, #tpu.memory_space<hbm>>
    %dma_wait3A_29 = tpu.memref_squeeze %dma_wait3A_28 : memref<1x32768xf32, #tpu.memory_space<hbm>> -> memref<32768xf32, #tpu.memory_space<hbm>>
    %dma_wait3A_30 = arith.constant 0 : i32
    %dma_wait3A_31 = tpu.memref_slice %arg2[%add3A_6, %dma_wait3A_30] : memref<128x32768xf32, #tpu.memory_space<hbm>> -> memref<1x32768xf32, #tpu.memory_space<hbm>>
    %dma_wait3A_32 = tpu.memref_squeeze %dma_wait3A_31 : memref<1x32768xf32, #tpu.memory_space<hbm>> -> memref<32768xf32, #tpu.memory_space<hbm>>
    tpu.wait_dma2 semaphore(%arg12 : memref<!tpu.dma_semaphore, #tpu.memory_space<semaphore_mem>>) src(%dma_wait3A_32 : memref<32768xf32, #tpu.memory_space<hbm>>) dst(%arg5 : memref<32768xf32, #tpu.memory_space<vmem>>)
    %dma_wait3A_33 = arith.constant 0 : i32
    %dma_wait3A_34 = tpu.memref_slice %arg2[%add3A_13, %dma_wait3A_33] : memref<128x32768xf32, #tpu.memory_space<hbm>> -> memref<1x32768xf32, #tpu.memory_space<hbm>>
    %dma_wait3A_35 = tpu.memref_squeeze %dma_wait3A_34 : memref<1x32768xf32, #tpu.memory_space<hbm>> -> memref<32768xf32, #tpu.memory_space<hbm>>
    %dma_wait3A_36 = arith.constant 0 : i32
    %dma_wait3A_37 = tpu.memref_slice %arg2[%add3A_13, %dma_wait3A_36] : memref<128x32768xf32, #tpu.memory_space<hbm>> -> memref<1x32768xf32, #tpu.memory_space<hbm>>
    %dma_wait3A_38 = tpu.memref_squeeze %dma_wait3A_37 : memref<1x32768xf32, #tpu.memory_space<hbm>> -> memref<32768xf32, #tpu.memory_space<hbm>>
    tpu.wait_dma2 semaphore(%arg12 : memref<!tpu.dma_semaphore, #tpu.memory_space<semaphore_mem>>) src(%dma_wait3A_38 : memref<32768xf32, #tpu.memory_space<hbm>>) dst(%arg6 : memref<32768xf32, #tpu.memory_space<vmem>>)
    %add3A_39 = arith.constant 0 : i32
    %add3A_40 = arith.addi %mul3A_4, %add3A_39 : i32
    %add3A_41 = arith.constant 1 : i32
    %add3A_42 = arith.addi %mul3A_4, %add3A_41 : i32
    %broadcast_in_dim3A = arith.constant 0xFF800000 : f32
    %broadcast_in_dim3A_43 = vector.broadcast %broadcast_in_dim3A : f32 to vector<16xf32>
    %broadcast_in_dim3A_44 = arith.constant 0xFF800000 : f32
    %broadcast_in_dim3A_45 = vector.broadcast %broadcast_in_dim3A_44 : f32 to vector<16xf32>
    %broadcast_in_dim3A_46 = arith.constant 0xFF800000 : f32
    %broadcast_in_dim3A_47 = vector.broadcast %broadcast_in_dim3A_46 : f32 to vector<16xf32>
    %broadcast_in_dim3A_48 = arith.constant 0xFF800000 : f32
    %broadcast_in_dim3A_49 = vector.broadcast %broadcast_in_dim3A_48 : f32 to vector<16xf32>
    %broadcast_in_dim3A_50 = arith.constant 0xFF800000 : f32
    %broadcast_in_dim3A_51 = vector.broadcast %broadcast_in_dim3A_50 : f32 to vector<16xf32>
    %broadcast_in_dim3A_52 = arith.constant 0xFF800000 : f32
    %broadcast_in_dim3A_53 = vector.broadcast %broadcast_in_dim3A_52 : f32 to vector<16xf32>
    %broadcast_in_dim3A_54 = arith.constant 0xFF800000 : f32
    %broadcast_in_dim3A_55 = vector.broadcast %broadcast_in_dim3A_54 : f32 to vector<16xf32>
    %broadcast_in_dim3A_56 = arith.constant 0xFF800000 : f32
    %broadcast_in_dim3A_57 = vector.broadcast %broadcast_in_dim3A_56 : f32 to vector<16xf32>
    %broadcast_in_dim3A_58 = arith.constant 0xFF800000 : f32
    %broadcast_in_dim3A_59 = vector.broadcast %broadcast_in_dim3A_58 : f32 to vector<16xf32>
    %broadcast_in_dim3A_60 = arith.constant 0xFF800000 : f32
    %broadcast_in_dim3A_61 = vector.broadcast %broadcast_in_dim3A_60 : f32 to vector<16xf32>
    %broadcast_in_dim3A_62 = arith.constant 0xFF800000 : f32
    %broadcast_in_dim3A_63 = vector.broadcast %broadcast_in_dim3A_62 : f32 to vector<16xf32>
    %broadcast_in_dim3A_64 = arith.constant 0xFF800000 : f32
    %broadcast_in_dim3A_65 = vector.broadcast %broadcast_in_dim3A_64 : f32 to vector<16xf32>
    %broadcast_in_dim3A_66 = arith.constant 0xFF800000 : f32
    %broadcast_in_dim3A_67 = vector.broadcast %broadcast_in_dim3A_66 : f32 to vector<16xf32>
    %broadcast_in_dim3A_68 = arith.constant 0xFF800000 : f32
    %broadcast_in_dim3A_69 = vector.broadcast %broadcast_in_dim3A_68 : f32 to vector<16xf32>
    %broadcast_in_dim3A_70 = arith.constant 0xFF800000 : f32
    %broadcast_in_dim3A_71 = vector.broadcast %broadcast_in_dim3A_70 : f32 to vector<16xf32>
    %broadcast_in_dim3A_72 = arith.constant 0xFF800000 : f32
    %broadcast_in_dim3A_73 = vector.broadcast %broadcast_in_dim3A_72 : f32 to vector<16xf32>
    %scan3A = arith.constant 0 : i32
    %scan3A_74 = arith.constant 128 : i32
    %scan3A_75 = arith.addi %scan3A, %scan3A_74 : i32
    %scan3A_76 = arith.constant 1 : i32
    %scan3A_77:16 = scf.for %scan3A_153 = %scan3A to %scan3A_75 step %scan3A_76 iter_args(%scan3A_154 = %broadcast_in_dim3A_43, %scan3A_155 = %broadcast_in_dim3A_45, %scan3A_156 = %broadcast_in_dim3A_47, %scan3A_157 = %broadcast_in_dim3A_49, %scan3A_158 = %broadcast_in_dim3A_51, %scan3A_159 = %broadcast_in_dim3A_53, %scan3A_160 = %broadcast_in_dim3A_55, %scan3A_161 = %broadcast_in_dim3A_57, %scan3A_162 = %broadcast_in_dim3A_59, %scan3A_163 = %broadcast_in_dim3A_61, %scan3A_164 = %broadcast_in_dim3A_63, %scan3A_165 = %broadcast_in_dim3A_65, %scan3A_166 = %broadcast_in_dim3A_67, %scan3A_167 = %broadcast_in_dim3A_69, %scan3A_168 = %broadcast_in_dim3A_71, %scan3A_169 = %broadcast_in_dim3A_73) -> (vector<16xf32>, vector<16xf32>, vector<16xf32>, vector<16xf32>, vector<16xf32>, vector<16xf32>, vector<16xf32>, vector<16xf32>, vector<16xf32>, vector<16xf32>, vector<16xf32>, vector<16xf32>, vector<16xf32>, vector<16xf32>, vector<16xf32>, vector<16xf32>)  : i32 {
      %mul3A_170 = arith.constant 256 : i32
      %mul3A_171 = arith.muli %scan3A_153, %mul3A_170 : i32
      %broadcast_in_dim3A_172 = arith.constant 0xFF800000 : f32
      %broadcast_in_dim3A_173 = vector.broadcast %broadcast_in_dim3A_172 : f32 to vector<16xf32>
      %broadcast_in_dim3A_174 = arith.constant 0xFF800000 : f32
      %broadcast_in_dim3A_175 = vector.broadcast %broadcast_in_dim3A_174 : f32 to vector<16xf32>
      %add3A_176 = arith.constant 0 : i32
      %add3A_177 = arith.addi %mul3A_171, %add3A_176 : i32
      %get3A = arith.index_cast %add3A_177 : i32 to index
      %get3A_178 = tpu.vector_load %arg5[%get3A] {strides = array<i32>} : memref<32768xf32, #tpu.memory_space<vmem>>, vector<16xf32>,
      %max3A = arith.maximumf %broadcast_in_dim3A_173, %get3A_178 : vector<16xf32>
      %get3A_179 = arith.index_cast %add3A_177 : i32 to index
      %get3A_180 = tpu.vector_load %arg6[%get3A_179] {strides = array<i32>} : memref<32768xf32, #tpu.memory_space<vmem>>, vector<16xf32>,
      %max3A_181 = arith.maximumf %broadcast_in_dim3A_175, %get3A_180 : vector<16xf32>
      %add3A_182 = arith.constant 16 : i32
      %add3A_183 = arith.addi %mul3A_171, %add3A_182 : i32
      %get3A_184 = arith.index_cast %add3A_183 : i32 to index
      %get3A_185 = tpu.vector_load %arg5[%get3A_184] {strides = array<i32>} : memref<32768xf32, #tpu.memory_space<vmem>>, vector<16xf32>,
      %max3A_186 = arith.maximumf %max3A, %get3A_185 : vector<16xf32>
      %get3A_187 = arith.index_cast %add3A_183 : i32 to index
      %get3A_188 = tpu.vector_load %arg6[%get3A_187] {strides = array<i32>} : memref<32768xf32, #tpu.memory_space<vmem>>, vector<16xf32>,
      %max3A_189 = arith.maximumf %max3A_181, %get3A_188 : vector<16xf32>
      %add3A_190 = arith.constant 32 : i32
      %add3A_191 = arith.addi %mul3A_171, %add3A_190 : i32
      %get3A_192 = arith.index_cast %add3A_191 : i32 to index
      %get3A_193 = tpu.vector_load %arg5[%get3A_192] {strides = array<i32>} : memref<32768xf32, #tpu.memory_space<vmem>>, vector<16xf32>,
      %max3A_194 = arith.maximumf %max3A_186, %get3A_193 : vector<16xf32>
      %get3A_195 = arith.index_cast %add3A_191 : i32 to index
      %get3A_196 = tpu.vector_load %arg6[%get3A_195] {strides = array<i32>} : memref<32768xf32, #tpu.memory_space<vmem>>, vector<16xf32>,
      %max3A_197 = arith.maximumf %max3A_189, %get3A_196 : vector<16xf32>
      %add3A_198 = arith.constant 48 : i32
      %add3A_199 = arith.addi %mul3A_171, %add3A_198 : i32
      %get3A_200 = arith.index_cast %add3A_199 : i32 to index
      %get3A_201 = tpu.vector_load %arg5[%get3A_200] {strides = array<i32>} : memref<32768xf32, #tpu.memory_space<vmem>>, vector<16xf32>,
      %max3A_202 = arith.maximumf %max3A_194, %get3A_201 : vector<16xf32>
      %get3A_203 = arith.index_cast %add3A_199 : i32 to index
      %get3A_204 = tpu.vector_load %arg6[%get3A_203] {strides = array<i32>} : memref<32768xf32, #tpu.memory_space<vmem>>, vector<16xf32>,
      %max3A_205 = arith.maximumf %max3A_197, %get3A_204 : vector<16xf32>
      %add3A_206 = arith.constant 64 : i32
      %add3A_207 = arith.addi %mul3A_171, %add3A_206 : i32
      %get3A_208 = arith.index_cast %add3A_207 : i32 to index
      %get3A_209 = tpu.vector_load %arg5[%get3A_208] {strides = array<i32>} : memref<32768xf32, #tpu.memory_space<vmem>>, vector<16xf32>,
      %max3A_210 = arith.maximumf %max3A_202, %get3A_209 : vector<16xf32>
      %get3A_211 = arith.index_cast %add3A_207 : i32 to index
      %get3A_212 = tpu.vector_load %arg6[%get3A_211] {strides = array<i32>} : memref<32768xf32, #tpu.memory_space<vmem>>, vector<16xf32>,
      %max3A_213 = arith.maximumf %max3A_205, %get3A_212 : vector<16xf32>
      %add3A_214 = arith.constant 80 : i32
      %add3A_215 = arith.addi %mul3A_171, %add3A_214 : i32
      %get3A_216 = arith.index_cast %add3A_215 : i32 to index
      %get3A_217 = tpu.vector_load %arg5[%get3A_216] {strides = array<i32>} : memref<32768xf32, #tpu.memory_space<vmem>>, vector<16xf32>,
      %max3A_218 = arith.maximumf %max3A_210, %get3A_217 : vector<16xf32>
      %get3A_219 = arith.index_cast %add3A_215 : i32 to index
      %get3A_220 = tpu.vector_load %arg6[%get3A_219] {strides = array<i32>} : memref<32768xf32, #tpu.memory_space<vmem>>, vector<16xf32>,
      %max3A_221 = arith.maximumf %max3A_213, %get3A_220 : vector<16xf32>
      %add3A_222 = arith.constant 96 : i32
      %add3A_223 = arith.addi %mul3A_171, %add3A_222 : i32
      %get3A_224 = arith.index_cast %add3A_223 : i32 to index
      %get3A_225 = tpu.vector_load %arg5[%get3A_224] {strides = array<i32>} : memref<32768xf32, #tpu.memory_space<vmem>>, vector<16xf32>,
      %max3A_226 = arith.maximumf %max3A_218, %get3A_225 : vector<16xf32>
      %get3A_227 = arith.index_cast %add3A_223 : i32 to index
      %get3A_228 = tpu.vector_load %arg6[%get3A_227] {strides = array<i32>} : memref<32768xf32, #tpu.memory_space<vmem>>, vector<16xf32>,
      %max3A_229 = arith.maximumf %max3A_221, %get3A_228 : vector<16xf32>
      %add3A_230 = arith.constant 112 : i32
      %add3A_231 = arith.addi %mul3A_171, %add3A_230 : i32
      %get3A_232 = arith.index_cast %add3A_231 : i32 to index
      %get3A_233 = tpu.vector_load %arg5[%get3A_232] {strides = array<i32>} : memref<32768xf32, #tpu.memory_space<vmem>>, vector<16xf32>,
      %max3A_234 = arith.maximumf %max3A_226, %get3A_233 : vector<16xf32>
      %get3A_235 = arith.index_cast %add3A_231 : i32 to index
      %get3A_236 = tpu.vector_load %arg6[%get3A_235] {strides = array<i32>} : memref<32768xf32, #tpu.memory_space<vmem>>, vector<16xf32>,
      %max3A_237 = arith.maximumf %max3A_229, %get3A_236 : vector<16xf32>
      %add3A_238 = arith.constant 128 : i32
      %add3A_239 = arith.addi %mul3A_171, %add3A_238 : i32
      %get3A_240 = arith.index_cast %add3A_239 : i32 to index
      %get3A_241 = tpu.vector_load %arg5[%get3A_240] {strides = array<i32>} : memref<32768xf32, #tpu.memory_space<vmem>>, vector<16xf32>,
      %max3A_242 = arith.maximumf %max3A_234, %get3A_241 : vector<16xf32>
      %get3A_243 = arith.index_cast %add3A_239 : i32 to index
      %get3A_244 = tpu.vector_load %arg6[%get3A_243] {strides = array<i32>} : memref<32768xf32, #tpu.memory_space<vmem>>, vector<16xf32>,
      %max3A_245 = arith.maximumf %max3A_237, %get3A_244 : vector<16xf32>
      %add3A_246 = arith.constant 144 : i32
      %add3A_247 = arith.addi %mul3A_171, %add3A_246 : i32
      %get3A_248 = arith.index_cast %add3A_247 : i32 to index
      %get3A_249 = tpu.vector_load %arg5[%get3A_248] {strides = array<i32>} : memref<32768xf32, #tpu.memory_space<vmem>>, vector<16xf32>,
      %max3A_250 = arith.maximumf %max3A_242, %get3A_249 : vector<16xf32>
      %get3A_251 = arith.index_cast %add3A_247 : i32 to index
      %get3A_252 = tpu.vector_load %arg6[%get3A_251] {strides = array<i32>} : memref<32768xf32, #tpu.memory_space<vmem>>, vector<16xf32>,
      %max3A_253 = arith.maximumf %max3A_245, %get3A_252 : vector<16xf32>
      %add3A_254 = arith.constant 160 : i32
      %add3A_255 = arith.addi %mul3A_171, %add3A_254 : i32
      %get3A_256 = arith.index_cast %add3A_255 : i32 to index
      %get3A_257 = tpu.vector_load %arg5[%get3A_256] {strides = array<i32>} : memref<32768xf32, #tpu.memory_space<vmem>>, vector<16xf32>,
      %max3A_258 = arith.maximumf %max3A_250, %get3A_257 : vector<16xf32>
      %get3A_259 = arith.index_cast %add3A_255 : i32 to index
      %get3A_260 = tpu.vector_load %arg6[%get3A_259] {strides = array<i32>} : memref<32768xf32, #tpu.memory_space<vmem>>, vector<16xf32>,
      %max3A_261 = arith.maximumf %max3A_253, %get3A_260 : vector<16xf32>
      %add3A_262 = arith.constant 176 : i32
      %add3A_263 = arith.addi %mul3A_171, %add3A_262 : i32
      %get3A_264 = arith.index_cast %add3A_263 : i32 to index
      %get3A_265 = tpu.vector_load %arg5[%get3A_264] {strides = array<i32>} : memref<32768xf32, #tpu.memory_space<vmem>>, vector<16xf32>,
      %max3A_266 = arith.maximumf %max3A_258, %get3A_265 : vector<16xf32>
      %get3A_267 = arith.index_cast %add3A_263 : i32 to index
      %get3A_268 = tpu.vector_load %arg6[%get3A_267] {strides = array<i32>} : memref<32768xf32, #tpu.memory_space<vmem>>, vector<16xf32>,
      %max3A_269 = arith.maximumf %max3A_261, %get3A_268 : vector<16xf32>
      %add3A_270 = arith.constant 192 : i32
      %add3A_271 = arith.addi %mul3A_171, %add3A_270 : i32
      %get3A_272 = arith.index_cast %add3A_271 : i32 to index
      %get3A_273 = tpu.vector_load %arg5[%get3A_272] {strides = array<i32>} : memref<32768xf32, #tpu.memory_space<vmem>>, vector<16xf32>,
      %max3A_274 = arith.maximumf %max3A_266, %get3A_273 : vector<16xf32>
      %get3A_275 = arith.index_cast %add3A_271 : i32 to index
      %get3A_276 = tpu.vector_load %arg6[%get3A_275] {strides = array<i32>} : memref<32768xf32, #tpu.memory_space<vmem>>, vector<16xf32>,
      %max3A_277 = arith.maximumf %max3A_269, %get3A_276 : vector<16xf32>
      %add3A_278 = arith.constant 208 : i32
      %add3A_279 = arith.addi %mul3A_171, %add3A_278 : i32
      %get3A_280 = arith.index_cast %add3A_279 : i32 to index
      %get3A_281 = tpu.vector_load %arg5[%get3A_280] {strides = array<i32>} : memref<32768xf32, #tpu.memory_space<vmem>>, vector<16xf32>,
      %max3A_282 = arith.maximumf %max3A_274, %get3A_281 : vector<16xf32>
      %get3A_283 = arith.index_cast %add3A_279 : i32 to index
      %get3A_284 = tpu.vector_load %arg6[%get3A_283] {strides = array<i32>} : memref<32768xf32, #tpu.memory_space<vmem>>, vector<16xf32>,
      %max3A_285 = arith.maximumf %max3A_277, %get3A_284 : vector<16xf32>
      %add3A_286 = arith.constant 224 : i32
      %add3A_287 = arith.addi %mul3A_171, %add3A_286 : i32
      %get3A_288 = arith.index_cast %add3A_287 : i32 to index
      %get3A_289 = tpu.vector_load %arg5[%get3A_288] {strides = array<i32>} : memref<32768xf32, #tpu.memory_space<vmem>>, vector<16xf32>,
      %max3A_290 = arith.maximumf %max3A_282, %get3A_289 : vector<16xf32>
      %get3A_291 = arith.index_cast %add3A_287 : i32 to index
      %get3A_292 = tpu.vector_load %arg6[%get3A_291] {strides = array<i32>} : memref<32768xf32, #tpu.memory_space<vmem>>, vector<16xf32>,
      %max3A_293 = arith.maximumf %max3A_285, %get3A_292 : vector<16xf32>
      %add3A_294 = arith.constant 240 : i32
      %add3A_295 = arith.addi %mul3A_171, %add3A_294 : i32
      %get3A_296 = arith.index_cast %add3A_295 : i32 to index
      %get3A_297 = tpu.vector_load %arg5[%get3A_296] {strides = array<i32>} : memref<32768xf32, #tpu.memory_space<vmem>>, vector<16xf32>,
      %max3A_298 = arith.maximumf %max3A_290, %get3A_297 : vector<16xf32>
      %get3A_299 = arith.index_cast %add3A_295 : i32 to index
      %get3A_300 = tpu.vector_load %arg6[%get3A_299] {strides = array<i32>} : memref<32768xf32, #tpu.memory_space<vmem>>, vector<16xf32>,
      %max3A_301 = arith.maximumf %max3A_293, %get3A_300 : vector<16xf32>
      %and3A = arith.constant 15 : i32
      %and3A_302 = arith.andi %scan3A_153, %and3A : i32
      %eq3A_303 = vector.broadcast %and3A_302 : i32 to vector<16xi32>
      %eq3A_304 = arith.cmpi eq, %iota3A, %eq3A_303 : vector<16xi32>
      %shift_right_logical3A = arith.constant 4 : i32
      %shift_right_logical3A_305 = arith.shrui %scan3A_153, %shift_right_logical3A : i32
      %xor3A = arith.constant 8 : i32
      %xor3A_306 = vector.broadcast %xor3A : i32 to vector<16xi32>
      %xor3A_307 = arith.xori %iota3A, %xor3A_306 : vector<16xi32>
      %broadcast_in_dim3A_308 = vector.shape_cast %xor3A_307 : vector<16xi32> to vector<16x1xi32>
      %gather3A = vector.shape_cast %broadcast_in_dim3A_308 : vector<16x1xi32> to vector<16xi32>
      %gather3A_309 = tpu.dynamic_gather %max3A_298[%gather3A] in [0] : vector<16xf32>, vector<16xi32> -> vector<16xf32>
      %max3A_310 = arith.maximumf %max3A_298, %gather3A_309 : vector<16xf32>
      %xor3A_311 = arith.constant 4 : i32
      %xor3A_312 = vector.broadcast %xor3A_311 : i32 to vector<16xi32>
      %xor3A_313 = arith.xori %iota3A, %xor3A_312 : vector<16xi32>
      %broadcast_in_dim3A_314 = vector.shape_cast %xor3A_313 : vector<16xi32> to vector<16x1xi32>
      %gather3A_315 = vector.shape_cast %broadcast_in_dim3A_314 : vector<16x1xi32> to vector<16xi32>
      %gather3A_316 = tpu.dynamic_gather %max3A_310[%gather3A_315] in [0] : vector<16xf32>, vector<16xi32> -> vector<16xf32>
      %max3A_317 = arith.maximumf %max3A_310, %gather3A_316 : vector<16xf32>
      %xor3A_318 = arith.constant 2 : i32
      %xor3A_319 = vector.broadcast %xor3A_318 : i32 to vector<16xi32>
      %xor3A_320 = arith.xori %iota3A, %xor3A_319 : vector<16xi32>
      %broadcast_in_dim3A_321 = vector.shape_cast %xor3A_320 : vector<16xi32> to vector<16x1xi32>
      %gather3A_322 = vector.shape_cast %broadcast_in_dim3A_321 : vector<16x1xi32> to vector<16xi32>
      %gather3A_323 = tpu.dynamic_gather %max3A_317[%gather3A_322] in [0] : vector<16xf32>, vector<16xi32> -> vector<16xf32>
      %max3A_324 = arith.maximumf %max3A_317, %gather3A_323 : vector<16xf32>
      %xor3A_325 = arith.constant 1 : i32
      %xor3A_326 = vector.broadcast %xor3A_325 : i32 to vector<16xi32>
      %xor3A_327 = arith.xori %iota3A, %xor3A_326 : vector<16xi32>
      %broadcast_in_dim3A_328 = vector.shape_cast %xor3A_327 : vector<16xi32> to vector<16x1xi32>
      %gather3A_329 = vector.shape_cast %broadcast_in_dim3A_328 : vector<16x1xi32> to vector<16xi32>
      %gather3A_330 = tpu.dynamic_gather %max3A_324[%gather3A_329] in [0] : vector<16xf32>, vector<16xi32> -> vector<16xf32>
      %max3A_331 = arith.maximumf %max3A_324, %gather3A_330 : vector<16xf32>
      %xor3A_332 = arith.constant 8 : i32
      %xor3A_333 = vector.broadcast %xor3A_332 : i32 to vector<16xi32>
      %xor3A_334 = arith.xori %iota3A, %xor3A_333 : vector<16xi32>
      %broadcast_in_dim3A_335 = vector.shape_cast %xor3A_334 : vector<16xi32> to vector<16x1xi32>
      %gather3A_336 = vector.shape_cast %broadcast_in_dim3A_335 : vector<16x1xi32> to vector<16xi32>
      %gather3A_337 = tpu.dynamic_gather %max3A_301[%gather3A_336] in [0] : vector<16xf32>, vector<16xi32> -> vector<16xf32>
      %max3A_338 = arith.maximumf %max3A_301, %gather3A_337 : vector<16xf32>
      %xor3A_339 = arith.constant 4 : i32
      %xor3A_340 = vector.broadcast %xor3A_339 : i32 to vector<16xi32>
      %xor3A_341 = arith.xori %iota3A, %xor3A_340 : vector<16xi32>
      %broadcast_in_dim3A_342 = vector.shape_cast %xor3A_341 : vector<16xi32> to vector<16x1xi32>
      %gather3A_343 = vector.shape_cast %broadcast_in_dim3A_342 : vector<16x1xi32> to vector<16xi32>
      %gather3A_344 = tpu.dynamic_gather %max3A_338[%gather3A_343] in [0] : vector<16xf32>, vector<16xi32> -> vector<16xf32>
      %max3A_345 = arith.maximumf %max3A_338, %gather3A_344 : vector<16xf32>
      %xor3A_346 = arith.constant 2 : i32
      %xor3A_347 = vector.broadcast %xor3A_346 : i32 to vector<16xi32>
      %xor3A_348 = arith.xori %iota3A, %xor3A_347 : vector<16xi32>
      %broadcast_in_dim3A_349 = vector.shape_cast %xor3A_348 : vector<16xi32> to vector<16x1xi32>
      %gather3A_350 = vector.shape_cast %broadcast_in_dim3A_349 : vector<16x1xi32> to vector<16xi32>
      %gather3A_351 = tpu.dynamic_gather %max3A_345[%gather3A_350] in [0] : vector<16xf32>, vector<16xi32> -> vector<16xf32>
      %max3A_352 = arith.maximumf %max3A_345, %gather3A_351 : vector<16xf32>
      %xor3A_353 = arith.constant 1 : i32
      %xor3A_354 = vector.broadcast %xor3A_353 : i32 to vector<16xi32>
      %xor3A_355 = arith.xori %iota3A, %xor3A_354 : vector<16xi32>
      %broadcast_in_dim3A_356 = vector.shape_cast %xor3A_355 : vector<16xi32> to vector<16x1xi32>
      %gather3A_357 = vector.shape_cast %broadcast_in_dim3A_356 : vector<16x1xi32> to vector<16xi32>
      %gather3A_358 = tpu.dynamic_gather %max3A_352[%gather3A_357] in [0] : vector<16xf32>, vector<16xi32> -> vector<16xf32>
      %max3A_359 = arith.maximumf %max3A_352, %gather3A_358 : vector<16xf32>
      %eq3A_360 = arith.constant 0 : i32
      %eq3A_361 = arith.cmpi eq, %shift_right_logical3A_305, %eq3A_360 : i32
      %and3A_362 = vector.broadcast %eq3A_361 : i1 to vector<16xi1>
      %and3A_363 = arith.andi %and3A_362, %eq3A_304 : vector<16xi1>
      %select_n3A = arith.select %and3A_363, %max3A_331, %scan3A_154 : vector<16xi1>, vector<16xf32>
      %eq3A_364 = arith.constant 1 : i32
      %eq3A_365 = arith.cmpi eq, %shift_right_logical3A_305, %eq3A_364 : i32
      %and3A_366 = vector.broadcast %eq3A_365 : i1 to vector<16xi1>
      %and3A_367 = arith.andi %and3A_366, %eq3A_304 : vector<16xi1>
      %select_n3A_368 = arith.select %and3A_367, %max3A_331, %scan3A_155 : vector<16xi1>, vector<16xf32>
      %eq3A_369 = arith.constant 2 : i32
      %eq3A_370 = arith.cmpi eq, %shift_right_logical3A_305, %eq3A_369 : i32
      %and3A_371 = vector.broadcast %eq3A_370 : i1 to vector<16xi1>
      %and3A_372 = arith.andi %and3A_371, %eq3A_304 : vector<16xi1>
      %select_n3A_373 = arith.select %and3A_372, %max3A_331, %scan3A_156 : vector<16xi1>, vector<16xf32>
      %eq3A_374 = arith.constant 3 : i32
      %eq3A_375 = arith.cmpi eq, %shift_right_logical3A_305, %eq3A_374 : i32
      %and3A_376 = vector.broadcast %eq3A_375 : i1 to vector<16xi1>
      %and3A_377 = arith.andi %and3A_376, %eq3A_304 : vector<16xi1>
      %select_n3A_378 = arith.select %and3A_377, %max3A_331, %scan3A_157 : vector<16xi1>, vector<16xf32>
      %eq3A_379 = arith.constant 4 : i32
      %eq3A_380 = arith.cmpi eq, %shift_right_logical3A_305, %eq3A_379 : i32
      %and3A_381 = vector.broadcast %eq3A_380 : i1 to vector<16xi1>
      %and3A_382 = arith.andi %and3A_381, %eq3A_304 : vector<16xi1>
      %select_n3A_383 = arith.select %and3A_382, %max3A_331, %scan3A_158 : vector<16xi1>, vector<16xf32>
      %eq3A_384 = arith.constant 5 : i32
      %eq3A_385 = arith.cmpi eq, %shift_right_logical3A_305, %eq3A_384 : i32
      %and3A_386 = vector.broadcast %eq3A_385 : i1 to vector<16xi1>
      %and3A_387 = arith.andi %and3A_386, %eq3A_304 : vector<16xi1>
      %select_n3A_388 = arith.select %and3A_387, %max3A_331, %scan3A_159 : vector<16xi1>, vector<16xf32>
      %eq3A_389 = arith.constant 6 : i32
      %eq3A_390 = arith.cmpi eq, %shift_right_logical3A_305, %eq3A_389 : i32
      %and3A_391 = vector.broadcast %eq3A_390 : i1 to vector<16xi1>
      %and3A_392 = arith.andi %and3A_391, %eq3A_304 : vector<16xi1>
      %select_n3A_393 = arith.select %and3A_392, %max3A_331, %scan3A_160 : vector<16xi1>, vector<16xf32>
      %eq3A_394 = arith.constant 7 : i32
      %eq3A_395 = arith.cmpi eq, %shift_right_logical3A_305, %eq3A_394 : i32
      %and3A_396 = vector.broadcast %eq3A_395 : i1 to vector<16xi1>
      %and3A_397 = arith.andi %and3A_396, %eq3A_304 : vector<16xi1>
      %select_n3A_398 = arith.select %and3A_397, %max3A_331, %scan3A_161 : vector<16xi1>, vector<16xf32>
      %eq3A_399 = arith.constant 0 : i32
      %eq3A_400 = arith.cmpi eq, %shift_right_logical3A_305, %eq3A_399 : i32
      %and3A_401 = vector.broadcast %eq3A_400 : i1 to vector<16xi1>
      %and3A_402 = arith.andi %and3A_401, %eq3A_304 : vector<16xi1>
      %select_n3A_403 = arith.select %and3A_402, %max3A_359, %scan3A_162 : vector<16xi1>, vector<16xf32>
      %eq3A_404 = arith.constant 1 : i32
      %eq3A_405 = arith.cmpi eq, %shift_right_logical3A_305, %eq3A_404 : i32
      %and3A_406 = vector.broadcast %eq3A_405 : i1 to vector<16xi1>
      %and3A_407 = arith.andi %and3A_406, %eq3A_304 : vector<16xi1>
      %select_n3A_408 = arith.select %and3A_407, %max3A_359, %scan3A_163 : vector<16xi1>, vector<16xf32>
      %eq3A_409 = arith.constant 2 : i32
      %eq3A_410 = arith.cmpi eq, %shift_right_logical3A_305, %eq3A_409 : i32
      %and3A_411 = vector.broadcast %eq3A_410 : i1 to vector<16xi1>
      %and3A_412 = arith.andi %and3A_411, %eq3A_304 : vector<16xi1>
      %select_n3A_413 = arith.select %and3A_412, %max3A_359, %scan3A_164 : vector<16xi1>, vector<16xf32>
      %eq3A_414 = arith.constant 3 : i32
      %eq3A_415 = arith.cmpi eq, %shift_right_logical3A_305, %eq3A_414 : i32
      %and3A_416 = vector.broadcast %eq3A_415 : i1 to vector<16xi1>
      %and3A_417 = arith.andi %and3A_416, %eq3A_304 : vector<16xi1>
      %select_n3A_418 = arith.select %and3A_417, %max3A_359, %scan3A_165 : vector<16xi1>, vector<16xf32>
      %eq3A_419 = arith.constant 4 : i32
      %eq3A_420 = arith.cmpi eq, %shift_right_logical3A_305, %eq3A_419 : i32
      %and3A_421 = vector.broadcast %eq3A_420 : i1 to vector<16xi1>
      %and3A_422 = arith.andi %and3A_421, %eq3A_304 : vector<16xi1>
      %select_n3A_423 = arith.select %and3A_422, %max3A_359, %scan3A_166 : vector<16xi1>, vector<16xf32>
      %eq3A_424 = arith.constant 5 : i32
      %eq3A_425 = arith.cmpi eq, %shift_right_logical3A_305, %eq3A_424 : i32
      %and3A_426 = vector.broadcast %eq3A_425 : i1 to vector<16xi1>
      %and3A_427 = arith.andi %and3A_426, %eq3A_304 : vector<16xi1>
      %select_n3A_428 = arith.select %and3A_427, %max3A_359, %scan3A_167 : vector<16xi1>, vector<16xf32>
      %eq3A_429 = arith.constant 6 : i32
      %eq3A_430 = arith.cmpi eq, %shift_right_logical3A_305, %eq3A_429 : i32
      %and3A_431 = vector.broadcast %eq3A_430 : i1 to vector<16xi1>
      %and3A_432 = arith.andi %and3A_431, %eq3A_304 : vector<16xi1>
      %select_n3A_433 = arith.select %and3A_432, %max3A_359, %scan3A_168 : vector<16xi1>, vector<16xf32>
      %eq3A_434 = arith.constant 7 : i32
      %eq3A_435 = arith.cmpi eq, %shift_right_logical3A_305, %eq3A_434 : i32
      %and3A_436 = vector.broadcast %eq3A_435 : i1 to vector<16xi1>
      %and3A_437 = arith.andi %and3A_436, %eq3A_304 : vector<16xi1>
      %select_n3A_438 = arith.select %and3A_437, %max3A_359, %scan3A_169 : vector<16xi1>, vector<16xf32>
      scf.yield %select_n3A, %select_n3A_368, %select_n3A_373, %select_n3A_378, %select_n3A_383, %select_n3A_388, %select_n3A_393, %select_n3A_398, %select_n3A_403, %select_n3A_408, %select_n3A_413, %select_n3A_418, %select_n3A_423, %select_n3A_428, %select_n3A_433, %select_n3A_438 : vector<16xf32>, vector<16xf32>, vector<16xf32>, vector<16xf32>, vector<16xf32>, vector<16xf32>, vector<16xf32>, vector<16xf32>, vector<16xf32>, vector<16xf32>, vector<16xf32>, vector<16xf32>, vector<16xf32>, vector<16xf32>, vector<16xf32>, vector<16xf32>
    }
    %scan3A_78 = arith.constant 128 : i32
    %scan3A_79 = arith.constant 0 : i32
    %scan3A_80 = arith.constant 64 : i32
    %scan3A_81 = arith.addi %scan3A_79, %scan3A_80 : i32
    %scan3A_82 = arith.constant 1 : i32
    %scan3A_83:16 = scf.for %scan3A_153 = %scan3A_79 to %scan3A_81 step %scan3A_82 iter_args(%scan3A_154 = %scan3A_77#0, %scan3A_155 = %scan3A_77#1, %scan3A_156 = %scan3A_77#2, %scan3A_157 = %scan3A_77#3, %scan3A_158 = %scan3A_77#4, %scan3A_159 = %scan3A_77#5, %scan3A_160 = %scan3A_77#6, %scan3A_161 = %scan3A_77#7, %scan3A_162 = %scan3A_77#8, %scan3A_163 = %scan3A_77#9, %scan3A_164 = %scan3A_77#10, %scan3A_165 = %scan3A_77#11, %scan3A_166 = %scan3A_77#12, %scan3A_167 = %scan3A_77#13, %scan3A_168 = %scan3A_77#14, %scan3A_169 = %scan3A_77#15) -> (vector<16xf32>, vector<16xf32>, vector<16xf32>, vector<16xf32>, vector<16xf32>, vector<16xf32>, vector<16xf32>, vector<16xf32>, vector<16xf32>, vector<16xf32>, vector<16xf32>, vector<16xf32>, vector<16xf32>, vector<16xf32>, vector<16xf32>, vector<16xf32>)  : i32 {
      %gt3A = arith.cmpf ogt, %scan3A_155, %scan3A_154 : vector<16xf32>
      %select_n3A = arith.select %gt3A, %scan3A_155, %scan3A_154 : vector<16xi1>, vector<16xf32>
      %add3A_170 = arith.constant 16 : i32
      %add3A_171 = vector.broadcast %add3A_170 : i32 to vector<16xi32>
      %add3A_172 = arith.addi %iota3A, %add3A_171 : vector<16xi32>
      %select_n3A_173 = arith.select %gt3A, %add3A_172, %iota3A : vector<16xi1>, vector<16xi32>
      %gt3A_174 = arith.cmpf ogt, %scan3A_156, %select_n3A : vector<16xf32>
      %select_n3A_175 = arith.select %gt3A_174, %scan3A_156, %select_n3A : vector<16xi1>, vector<16xf32>
      %add3A_176 = arith.constant 32 : i32
      %add3A_177 = vector.broadcast %add3A_176 : i32 to vector<16xi32>
      %add3A_178 = arith.addi %iota3A, %add3A_177 : vector<16xi32>
      %select_n3A_179 = arith.select %gt3A_174, %add3A_178, %select_n3A_173 : vector<16xi1>, vector<16xi32>
      %gt3A_180 = arith.cmpf ogt, %scan3A_157, %select_n3A_175 : vector<16xf32>
      %select_n3A_181 = arith.select %gt3A_180, %scan3A_157, %select_n3A_175 : vector<16xi1>, vector<16xf32>
      %add3A_182 = arith.constant 48 : i32
      %add3A_183 = vector.broadcast %add3A_182 : i32 to vector<16xi32>
      %add3A_184 = arith.addi %iota3A, %add3A_183 : vector<16xi32>
      %select_n3A_185 = arith.select %gt3A_180, %add3A_184, %select_n3A_179 : vector<16xi1>, vector<16xi32>
      %gt3A_186 = arith.cmpf ogt, %scan3A_158, %select_n3A_181 : vector<16xf32>
      %select_n3A_187 = arith.select %gt3A_186, %scan3A_158, %select_n3A_181 : vector<16xi1>, vector<16xf32>
      %add3A_188 = arith.constant 64 : i32
      %add3A_189 = vector.broadcast %add3A_188 : i32 to vector<16xi32>
      %add3A_190 = arith.addi %iota3A, %add3A_189 : vector<16xi32>
      %select_n3A_191 = arith.select %gt3A_186, %add3A_190, %select_n3A_185 : vector<16xi1>, vector<16xi32>
      %gt3A_192 = arith.cmpf ogt, %scan3A_159, %select_n3A_187 : vector<16xf32>
      %select_n3A_193 = arith.select %gt3A_192, %scan3A_159, %select_n3A_187 : vector<16xi1>, vector<16xf32>
      %add3A_194 = arith.constant 80 : i32
      %add3A_195 = vector.broadcast %add3A_194 : i32 to vector<16xi32>
      %add3A_196 = arith.addi %iota3A, %add3A_195 : vector<16xi32>
      %select_n3A_197 = arith.select %gt3A_192, %add3A_196, %select_n3A_191 : vector<16xi1>, vector<16xi32>
      %gt3A_198 = arith.cmpf ogt, %scan3A_160, %select_n3A_193 : vector<16xf32>
      %select_n3A_199 = arith.select %gt3A_198, %scan3A_160, %select_n3A_193 : vector<16xi1>, vector<16xf32>
      %add3A_200 = arith.constant 96 : i32
      %add3A_201 = vector.broadcast %add3A_200 : i32 to vector<16xi32>
      %add3A_202 = arith.addi %iota3A, %add3A_201 : vector<16xi32>
      %select_n3A_203 = arith.select %gt3A_198, %add3A_202, %select_n3A_197 : vector<16xi1>, vector<16xi32>
      %gt3A_204 = arith.cmpf ogt, %scan3A_161, %select_n3A_199 : vector<16xf32>
      %select_n3A_205 = arith.select %gt3A_204, %scan3A_161, %select_n3A_199 : vector<16xi1>, vector<16xf32>
      %add3A_206 = arith.constant 112 : i32
      %add3A_207 = vector.broadcast %add3A_206 : i32 to vector<16xi32>
      %add3A_208 = arith.addi %iota3A, %add3A_207 : vector<16xi32>
      %select_n3A_209 = arith.select %gt3A_204, %add3A_208, %select_n3A_203 : vector<16xi1>, vector<16xi32>
      %xor3A = arith.constant 8 : i32
      %xor3A_210 = vector.broadcast %xor3A : i32 to vector<16xi32>
      %xor3A_211 = arith.xori %iota3A, %xor3A_210 : vector<16xi32>
      %broadcast_in_dim3A_212 = vector.shape_cast %xor3A_211 : vector<16xi32> to vector<16x1xi32>
      %gather3A = vector.shape_cast %broadcast_in_dim3A_212 : vector<16x1xi32> to vector<16xi32>
      %gather3A_213 = tpu.dynamic_gather %select_n3A_205[%gather3A] in [0] : vector<16xf32>, vector<16xi32> -> vector<16xf32>
      %max3A = arith.maximumf %select_n3A_205, %gather3A_213 : vector<16xf32>
      %xor3A_214 = arith.constant 4 : i32
      %xor3A_215 = vector.broadcast %xor3A_214 : i32 to vector<16xi32>
      %xor3A_216 = arith.xori %iota3A, %xor3A_215 : vector<16xi32>
      %broadcast_in_dim3A_217 = vector.shape_cast %xor3A_216 : vector<16xi32> to vector<16x1xi32>
      %gather3A_218 = vector.shape_cast %broadcast_in_dim3A_217 : vector<16x1xi32> to vector<16xi32>
      %gather3A_219 = tpu.dynamic_gather %max3A[%gather3A_218] in [0] : vector<16xf32>, vector<16xi32> -> vector<16xf32>
      %max3A_220 = arith.maximumf %max3A, %gather3A_219 : vector<16xf32>
      %xor3A_221 = arith.constant 2 : i32
      %xor3A_222 = vector.broadcast %xor3A_221 : i32 to vector<16xi32>
      %xor3A_223 = arith.xori %iota3A, %xor3A_222 : vector<16xi32>
      %broadcast_in_dim3A_224 = vector.shape_cast %xor3A_223 : vector<16xi32> to vector<16x1xi32>
      %gather3A_225 = vector.shape_cast %broadcast_in_dim3A_224 : vector<16x1xi32> to vector<16xi32>
      %gather3A_226 = tpu.dynamic_gather %max3A_220[%gather3A_225] in [0] : vector<16xf32>, vector<16xi32> -> vector<16xf32>
      %max3A_227 = arith.maximumf %max3A_220, %gather3A_226 : vector<16xf32>
      %xor3A_228 = arith.constant 1 : i32
      %xor3A_229 = vector.broadcast %xor3A_228 : i32 to vector<16xi32>
      %xor3A_230 = arith.xori %iota3A, %xor3A_229 : vector<16xi32>
      %broadcast_in_dim3A_231 = vector.shape_cast %xor3A_230 : vector<16xi32> to vector<16x1xi32>
      %gather3A_232 = vector.shape_cast %broadcast_in_dim3A_231 : vector<16x1xi32> to vector<16xi32>
      %gather3A_233 = tpu.dynamic_gather %max3A_227[%gather3A_232] in [0] : vector<16xf32>, vector<16xi32> -> vector<16xf32>
      %max3A_234 = arith.maximumf %max3A_227, %gather3A_233 : vector<16xf32>
      %eq3A_235 = arith.cmpf oeq, %select_n3A_205, %max3A_234 : vector<16xf32>
      %jit3A = arith.constant 1073741824 : i32
      %broadcast_in_dim3A_236 = vector.broadcast %jit3A : i32 to vector<16xi32>
      %select_n3A_237 = arith.select %eq3A_235, %select_n3A_209, %broadcast_in_dim3A_236 : vector<16xi1>, vector<16xi32>
      %xor3A_238 = arith.constant 8 : i32
      %xor3A_239 = vector.broadcast %xor3A_238 : i32 to vector<16xi32>
      %xor3A_240 = arith.xori %iota3A, %xor3A_239 : vector<16xi32>
      %broadcast_in_dim3A_241 = vector.shape_cast %xor3A_240 : vector<16xi32> to vector<16x1xi32>
      %gather3A_242 = vector.shape_cast %broadcast_in_dim3A_241 : vector<16x1xi32> to vector<16xi32>
      %gather3A_243 = tpu.dynamic_gather %select_n3A_237[%gather3A_242] in [0] : vector<16xi32>, vector<16xi32> -> vector<16xi32>
      %min3A = arith.minsi %select_n3A_237, %gather3A_243 : vector<16xi32>
      %xor3A_244 = arith.constant 4 : i32
      %xor3A_245 = vector.broadcast %xor3A_244 : i32 to vector<16xi32>
      %xor3A_246 = arith.xori %iota3A, %xor3A_245 : vector<16xi32>
      %broadcast_in_dim3A_247 = vector.shape_cast %xor3A_246 : vector<16xi32> to vector<16x1xi32>
      %gather3A_248 = vector.shape_cast %broadcast_in_dim3A_247 : vector<16x1xi32> to vector<16xi32>
      %gather3A_249 = tpu.dynamic_gather %min3A[%gather3A_248] in [0] : vector<16xi32>, vector<16xi32> -> vector<16xi32>
      %min3A_250 = arith.minsi %min3A, %gather3A_249 : vector<16xi32>
      %xor3A_251 = arith.constant 2 : i32
      %xor3A_252 = vector.broadcast %xor3A_251 : i32 to vector<16xi32>
      %xor3A_253 = arith.xori %iota3A, %xor3A_252 : vector<16xi32>
      %broadcast_in_dim3A_254 = vector.shape_cast %xor3A_253 : vector<16xi32> to vector<16x1xi32>
      %gather3A_255 = vector.shape_cast %broadcast_in_dim3A_254 : vector<16x1xi32> to vector<16xi32>
      %gather3A_256 = tpu.dynamic_gather %min3A_250[%gather3A_255] in [0] : vector<16xi32>, vector<16xi32> -> vector<16xi32>
      %min3A_257 = arith.minsi %min3A_250, %gather3A_256 : vector<16xi32>
      %xor3A_258 = arith.constant 1 : i32
      %xor3A_259 = vector.broadcast %xor3A_258 : i32 to vector<16xi32>
      %xor3A_260 = arith.xori %iota3A, %xor3A_259 : vector<16xi32>
      %broadcast_in_dim3A_261 = vector.shape_cast %xor3A_260 : vector<16xi32> to vector<16x1xi32>
      %gather3A_262 = vector.shape_cast %broadcast_in_dim3A_261 : vector<16x1xi32> to vector<16xi32>
      %gather3A_263 = tpu.dynamic_gather %min3A_257[%gather3A_262] in [0] : vector<16xi32>, vector<16xi32> -> vector<16xi32>
      %min3A_264 = arith.minsi %min3A_257, %gather3A_263 : vector<16xi32>
      %mul3A_265 = arith.constant 256 : i32
      %mul3A_266 = vector.broadcast %mul3A_265 : i32 to vector<16xi32>
      %mul3A_267 = arith.muli %min3A_264, %mul3A_266 : vector<16xi32>
      %broadcast_in_dim3A_268 = arith.constant 1073741824 : i32
      %broadcast_in_dim3A_269 = vector.broadcast %broadcast_in_dim3A_268 : i32 to vector<16xi32>
      %broadcast_in_dim3A_270 = arith.constant 0xFF800000 : f32
      %broadcast_in_dim3A_271 = vector.broadcast %broadcast_in_dim3A_270 : f32 to vector<16xf32>
      %broadcast_in_dim3A_272 = arith.constant 0 : i32
      %broadcast_in_dim3A_273 = vector.broadcast %broadcast_in_dim3A_272 : i32 to vector<16xi32>
      %add3A_274 = arith.constant 0 : i32
      %add3A_275 = vector.broadcast %add3A_274 : i32 to vector<16xi32>
      %add3A_276 = arith.addi %mul3A_267, %add3A_275 : vector<16xi32>
      %add3A_277 = arith.addi %add3A_276, %iota3A : vector<16xi32>
      %gather3A_278 = tpu.vector_load_idx %arg5[%add3A_277] : memref<32768xf32, #tpu.memory_space<vmem>>[vector<16xi32>], vector<16xf32>,
      %eq3A_279 = arith.cmpf oeq, %gather3A_278, %max3A_234 : vector<16xf32>
      %jit3A_280 = arith.constant 1073741824 : i32
      %broadcast_in_dim3A_281 = vector.broadcast %jit3A_280 : i32 to vector<16xi32>
      %select_n3A_282 = arith.select %eq3A_279, %add3A_277, %broadcast_in_dim3A_281 : vector<16xi1>, vector<16xi32>
      %min3A_283 = arith.minsi %broadcast_in_dim3A_269, %select_n3A_282 : vector<16xi32>
      %jit3A_284 = arith.constant 0xFF800000 : f32
      %broadcast_in_dim3A_285 = vector.broadcast %jit3A_284 : f32 to vector<16xf32>
      %select_n3A_286 = arith.select %eq3A_279, %broadcast_in_dim3A_285, %gather3A_278 : vector<16xi1>, vector<16xf32>
      %max3A_287 = arith.maximumf %broadcast_in_dim3A_271, %select_n3A_286 : vector<16xf32>
      %jit3A_288 = arith.constant 1 : i32
      %jit3A_289 = arith.constant 0 : i32
      %broadcast_in_dim3A_290 = vector.broadcast %jit3A_288 : i32 to vector<16xi32>
      %broadcast_in_dim3A_291 = vector.broadcast %jit3A_289 : i32 to vector<16xi32>
      %select_n3A_292 = arith.select %eq3A_279, %broadcast_in_dim3A_290, %broadcast_in_dim3A_291 : vector<16xi1>, vector<16xi32>
      %add3A_293 = arith.addi %broadcast_in_dim3A_273, %select_n3A_292 : vector<16xi32>
      %add3A_294 = arith.constant 16 : i32
      %add3A_295 = vector.broadcast %add3A_294 : i32 to vector<16xi32>
      %add3A_296 = arith.addi %mul3A_267, %add3A_295 : vector<16xi32>
      %add3A_297 = arith.addi %add3A_296, %iota3A : vector<16xi32>
      %gather3A_298 = tpu.vector_load_idx %arg5[%add3A_297] : memref<32768xf32, #tpu.memory_space<vmem>>[vector<16xi32>], vector<16xf32>,
      %eq3A_299 = arith.cmpf oeq, %gather3A_298, %max3A_234 : vector<16xf32>
      %jit3A_300 = arith.constant 1073741824 : i32
      %broadcast_in_dim3A_301 = vector.broadcast %jit3A_300 : i32 to vector<16xi32>
      %select_n3A_302 = arith.select %eq3A_299, %add3A_297, %broadcast_in_dim3A_301 : vector<16xi1>, vector<16xi32>
      %min3A_303 = arith.minsi %min3A_283, %select_n3A_302 : vector<16xi32>
      %jit3A_304 = arith.constant 0xFF800000 : f32
      %broadcast_in_dim3A_305 = vector.broadcast %jit3A_304 : f32 to vector<16xf32>
      %select_n3A_306 = arith.select %eq3A_299, %broadcast_in_dim3A_305, %gather3A_298 : vector<16xi1>, vector<16xf32>
      %max3A_307 = arith.maximumf %max3A_287, %select_n3A_306 : vector<16xf32>
      %jit3A_308 = arith.constant 1 : i32
      %jit3A_309 = arith.constant 0 : i32
      %broadcast_in_dim3A_310 = vector.broadcast %jit3A_308 : i32 to vector<16xi32>
      %broadcast_in_dim3A_311 = vector.broadcast %jit3A_309 : i32 to vector<16xi32>
      %select_n3A_312 = arith.select %eq3A_299, %broadcast_in_dim3A_310, %broadcast_in_dim3A_311 : vector<16xi1>, vector<16xi32>
      %add3A_313 = arith.addi %add3A_293, %select_n3A_312 : vector<16xi32>
      %add3A_314 = arith.constant 32 : i32
      %add3A_315 = vector.broadcast %add3A_314 : i32 to vector<16xi32>
      %add3A_316 = arith.addi %mul3A_267, %add3A_315 : vector<16xi32>
      %add3A_317 = arith.addi %add3A_316, %iota3A : vector<16xi32>
      %gather3A_318 = tpu.vector_load_idx %arg5[%add3A_317] : memref<32768xf32, #tpu.memory_space<vmem>>[vector<16xi32>], vector<16xf32>,
      %eq3A_319 = arith.cmpf oeq, %gather3A_318, %max3A_234 : vector<16xf32>
      %jit3A_320 = arith.constant 1073741824 : i32
      %broadcast_in_dim3A_321 = vector.broadcast %jit3A_320 : i32 to vector<16xi32>
      %select_n3A_322 = arith.select %eq3A_319, %add3A_317, %broadcast_in_dim3A_321 : vector<16xi1>, vector<16xi32>
      %min3A_323 = arith.minsi %min3A_303, %select_n3A_322 : vector<16xi32>
      %jit3A_324 = arith.constant 0xFF800000 : f32
      %broadcast_in_dim3A_325 = vector.broadcast %jit3A_324 : f32 to vector<16xf32>
      %select_n3A_326 = arith.select %eq3A_319, %broadcast_in_dim3A_325, %gather3A_318 : vector<16xi1>, vector<16xf32>
      %max3A_327 = arith.maximumf %max3A_307, %select_n3A_326 : vector<16xf32>
      %jit3A_328 = arith.constant 1 : i32
      %jit3A_329 = arith.constant 0 : i32
      %broadcast_in_dim3A_330 = vector.broadcast %jit3A_328 : i32 to vector<16xi32>
      %broadcast_in_dim3A_331 = vector.broadcast %jit3A_329 : i32 to vector<16xi32>
      %select_n3A_332 = arith.select %eq3A_319, %broadcast_in_dim3A_330, %broadcast_in_dim3A_331 : vector<16xi1>, vector<16xi32>
      %add3A_333 = arith.addi %add3A_313, %select_n3A_332 : vector<16xi32>
      %add3A_334 = arith.constant 48 : i32
      %add3A_335 = vector.broadcast %add3A_334 : i32 to vector<16xi32>
      %add3A_336 = arith.addi %mul3A_267, %add3A_335 : vector<16xi32>
      %add3A_337 = arith.addi %add3A_336, %iota3A : vector<16xi32>
      %gather3A_338 = tpu.vector_load_idx %arg5[%add3A_337] : memref<32768xf32, #tpu.memory_space<vmem>>[vector<16xi32>], vector<16xf32>,
      %eq3A_339 = arith.cmpf oeq, %gather3A_338, %max3A_234 : vector<16xf32>
      %jit3A_340 = arith.constant 1073741824 : i32
      %broadcast_in_dim3A_341 = vector.broadcast %jit3A_340 : i32 to vector<16xi32>
      %select_n3A_342 = arith.select %eq3A_339, %add3A_337, %broadcast_in_dim3A_341 : vector<16xi1>, vector<16xi32>
      %min3A_343 = arith.minsi %min3A_323, %select_n3A_342 : vector<16xi32>
      %jit3A_344 = arith.constant 0xFF800000 : f32
      %broadcast_in_dim3A_345 = vector.broadcast %jit3A_344 : f32 to vector<16xf32>
      %select_n3A_346 = arith.select %eq3A_339, %broadcast_in_dim3A_345, %gather3A_338 : vector<16xi1>, vector<16xf32>
      %max3A_347 = arith.maximumf %max3A_327, %select_n3A_346 : vector<16xf32>
      %jit3A_348 = arith.constant 1 : i32
      %jit3A_349 = arith.constant 0 : i32
      %broadcast_in_dim3A_350 = vector.broadcast %jit3A_348 : i32 to vector<16xi32>
      %broadcast_in_dim3A_351 = vector.broadcast %jit3A_349 : i32 to vector<16xi32>
      %select_n3A_352 = arith.select %eq3A_339, %broadcast_in_dim3A_350, %broadcast_in_dim3A_351 : vector<16xi1>, vector<16xi32>
      %add3A_353 = arith.addi %add3A_333, %select_n3A_352 : vector<16xi32>
      %add3A_354 = arith.constant 64 : i32
      %add3A_355 = vector.broadcast %add3A_354 : i32 to vector<16xi32>
      %add3A_356 = arith.addi %mul3A_267, %add3A_355 : vector<16xi32>
      %add3A_357 = arith.addi %add3A_356, %iota3A : vector<16xi32>
      %gather3A_358 = tpu.vector_load_idx %arg5[%add3A_357] : memref<32768xf32, #tpu.memory_space<vmem>>[vector<16xi32>], vector<16xf32>,
      %eq3A_359 = arith.cmpf oeq, %gather3A_358, %max3A_234 : vector<16xf32>
      %jit3A_360 = arith.constant 1073741824 : i32
      %broadcast_in_dim3A_361 = vector.broadcast %jit3A_360 : i32 to vector<16xi32>
      %select_n3A_362 = arith.select %eq3A_359, %add3A_357, %broadcast_in_dim3A_361 : vector<16xi1>, vector<16xi32>
      %min3A_363 = arith.minsi %min3A_343, %select_n3A_362 : vector<16xi32>
      %jit3A_364 = arith.constant 0xFF800000 : f32
      %broadcast_in_dim3A_365 = vector.broadcast %jit3A_364 : f32 to vector<16xf32>
      %select_n3A_366 = arith.select %eq3A_359, %broadcast_in_dim3A_365, %gather3A_358 : vector<16xi1>, vector<16xf32>
      %max3A_367 = arith.maximumf %max3A_347, %select_n3A_366 : vector<16xf32>
      %jit3A_368 = arith.constant 1 : i32
      %jit3A_369 = arith.constant 0 : i32
      %broadcast_in_dim3A_370 = vector.broadcast %jit3A_368 : i32 to vector<16xi32>
      %broadcast_in_dim3A_371 = vector.broadcast %jit3A_369 : i32 to vector<16xi32>
      %select_n3A_372 = arith.select %eq3A_359, %broadcast_in_dim3A_370, %broadcast_in_dim3A_371 : vector<16xi1>, vector<16xi32>
      %add3A_373 = arith.addi %add3A_353, %select_n3A_372 : vector<16xi32>
      %add3A_374 = arith.constant 80 : i32
      %add3A_375 = vector.broadcast %add3A_374 : i32 to vector<16xi32>
      %add3A_376 = arith.addi %mul3A_267, %add3A_375 : vector<16xi32>
      %add3A_377 = arith.addi %add3A_376, %iota3A : vector<16xi32>
      %gather3A_378 = tpu.vector_load_idx %arg5[%add3A_377] : memref<32768xf32, #tpu.memory_space<vmem>>[vector<16xi32>], vector<16xf32>,
      %eq3A_379 = arith.cmpf oeq, %gather3A_378, %max3A_234 : vector<16xf32>
      %jit3A_380 = arith.constant 1073741824 : i32
      %broadcast_in_dim3A_381 = vector.broadcast %jit3A_380 : i32 to vector<16xi32>
      %select_n3A_382 = arith.select %eq3A_379, %add3A_377, %broadcast_in_dim3A_381 : vector<16xi1>, vector<16xi32>
      %min3A_383 = arith.minsi %min3A_363, %select_n3A_382 : vector<16xi32>
      %jit3A_384 = arith.constant 0xFF800000 : f32
      %broadcast_in_dim3A_385 = vector.broadcast %jit3A_384 : f32 to vector<16xf32>
      %select_n3A_386 = arith.select %eq3A_379, %broadcast_in_dim3A_385, %gather3A_378 : vector<16xi1>, vector<16xf32>
      %max3A_387 = arith.maximumf %max3A_367, %select_n3A_386 : vector<16xf32>
      %jit3A_388 = arith.constant 1 : i32
      %jit3A_389 = arith.constant 0 : i32
      %broadcast_in_dim3A_390 = vector.broadcast %jit3A_388 : i32 to vector<16xi32>
      %broadcast_in_dim3A_391 = vector.broadcast %jit3A_389 : i32 to vector<16xi32>
      %select_n3A_392 = arith.select %eq3A_379, %broadcast_in_dim3A_390, %broadcast_in_dim3A_391 : vector<16xi1>, vector<16xi32>
      %add3A_393 = arith.addi %add3A_373, %select_n3A_392 : vector<16xi32>
      %add3A_394 = arith.constant 96 : i32
      %add3A_395 = vector.broadcast %add3A_394 : i32 to vector<16xi32>
      %add3A_396 = arith.addi %mul3A_267, %add3A_395 : vector<16xi32>
      %add3A_397 = arith.addi %add3A_396, %iota3A : vector<16xi32>
      %gather3A_398 = tpu.vector_load_idx %arg5[%add3A_397] : memref<32768xf32, #tpu.memory_space<vmem>>[vector<16xi32>], vector<16xf32>,
      %eq3A_399 = arith.cmpf oeq, %gather3A_398, %max3A_234 : vector<16xf32>
      %jit3A_400 = arith.constant 1073741824 : i32
      %broadcast_in_dim3A_401 = vector.broadcast %jit3A_400 : i32 to vector<16xi32>
      %select_n3A_402 = arith.select %eq3A_399, %add3A_397, %broadcast_in_dim3A_401 : vector<16xi1>, vector<16xi32>
      %min3A_403 = arith.minsi %min3A_383, %select_n3A_402 : vector<16xi32>
      %jit3A_404 = arith.constant 0xFF800000 : f32
      %broadcast_in_dim3A_405 = vector.broadcast %jit3A_404 : f32 to vector<16xf32>
      %select_n3A_406 = arith.select %eq3A_399, %broadcast_in_dim3A_405, %gather3A_398 : vector<16xi1>, vector<16xf32>
      %max3A_407 = arith.maximumf %max3A_387, %select_n3A_406 : vector<16xf32>
      %jit3A_408 = arith.constant 1 : i32
      %jit3A_409 = arith.constant 0 : i32
      %broadcast_in_dim3A_410 = vector.broadcast %jit3A_408 : i32 to vector<16xi32>
      %broadcast_in_dim3A_411 = vector.broadcast %jit3A_409 : i32 to vector<16xi32>
      %select_n3A_412 = arith.select %eq3A_399, %broadcast_in_dim3A_410, %broadcast_in_dim3A_411 : vector<16xi1>, vector<16xi32>
      %add3A_413 = arith.addi %add3A_393, %select_n3A_412 : vector<16xi32>
      %add3A_414 = arith.constant 112 : i32
      %add3A_415 = vector.broadcast %add3A_414 : i32 to vector<16xi32>
      %add3A_416 = arith.addi %mul3A_267, %add3A_415 : vector<16xi32>
      %add3A_417 = arith.addi %add3A_416, %iota3A : vector<16xi32>
      %gather3A_418 = tpu.vector_load_idx %arg5[%add3A_417] : memref<32768xf32, #tpu.memory_space<vmem>>[vector<16xi32>], vector<16xf32>,
      %eq3A_419 = arith.cmpf oeq, %gather3A_418, %max3A_234 : vector<16xf32>
      %jit3A_420 = arith.constant 1073741824 : i32
      %broadcast_in_dim3A_421 = vector.broadcast %jit3A_420 : i32 to vector<16xi32>
      %select_n3A_422 = arith.select %eq3A_419, %add3A_417, %broadcast_in_dim3A_421 : vector<16xi1>, vector<16xi32>
      %min3A_423 = arith.minsi %min3A_403, %select_n3A_422 : vector<16xi32>
      %jit3A_424 = arith.constant 0xFF800000 : f32
      %broadcast_in_dim3A_425 = vector.broadcast %jit3A_424 : f32 to vector<16xf32>
      %select_n3A_426 = arith.select %eq3A_419, %broadcast_in_dim3A_425, %gather3A_418 : vector<16xi1>, vector<16xf32>
      %max3A_427 = arith.maximumf %max3A_407, %select_n3A_426 : vector<16xf32>
      %jit3A_428 = arith.constant 1 : i32
      %jit3A_429 = arith.constant 0 : i32
      %broadcast_in_dim3A_430 = vector.broadcast %jit3A_428 : i32 to vector<16xi32>
      %broadcast_in_dim3A_431 = vector.broadcast %jit3A_429 : i32 to vector<16xi32>
      %select_n3A_432 = arith.select %eq3A_419, %broadcast_in_dim3A_430, %broadcast_in_dim3A_431 : vector<16xi1>, vector<16xi32>
      %add3A_433 = arith.addi %add3A_413, %select_n3A_432 : vector<16xi32>
      %add3A_434 = arith.constant 128 : i32
      %add3A_435 = vector.broadcast %add3A_434 : i32 to vector<16xi32>
      %add3A_436 = arith.addi %mul3A_267, %add3A_435 : vector<16xi32>
      %add3A_437 = arith.addi %add3A_436, %iota3A : vector<16xi32>
      %gather3A_438 = tpu.vector_load_idx %arg5[%add3A_437] : memref<32768xf32, #tpu.memory_space<vmem>>[vector<16xi32>], vector<16xf32>,
      %eq3A_439 = arith.cmpf oeq, %gather3A_438, %max3A_234 : vector<16xf32>
      %jit3A_440 = arith.constant 1073741824 : i32
      %broadcast_in_dim3A_441 = vector.broadcast %jit3A_440 : i32 to vector<16xi32>
      %select_n3A_442 = arith.select %eq3A_439, %add3A_437, %broadcast_in_dim3A_441 : vector<16xi1>, vector<16xi32>
      %min3A_443 = arith.minsi %min3A_423, %select_n3A_442 : vector<16xi32>
      %jit3A_444 = arith.constant 0xFF800000 : f32
      %broadcast_in_dim3A_445 = vector.broadcast %jit3A_444 : f32 to vector<16xf32>
      %select_n3A_446 = arith.select %eq3A_439, %broadcast_in_dim3A_445, %gather3A_438 : vector<16xi1>, vector<16xf32>
      %max3A_447 = arith.maximumf %max3A_427, %select_n3A_446 : vector<16xf32>
      %jit3A_448 = arith.constant 1 : i32
      %jit3A_449 = arith.constant 0 : i32
      %broadcast_in_dim3A_450 = vector.broadcast %jit3A_448 : i32 to vector<16xi32>
      %broadcast_in_dim3A_451 = vector.broadcast %jit3A_449 : i32 to vector<16xi32>
      %select_n3A_452 = arith.select %eq3A_439, %broadcast_in_dim3A_450, %broadcast_in_dim3A_451 : vector<16xi1>, vector<16xi32>
      %add3A_453 = arith.addi %add3A_433, %select_n3A_452 : vector<16xi32>
      %add3A_454 = arith.constant 144 : i32
      %add3A_455 = vector.broadcast %add3A_454 : i32 to vector<16xi32>
      %add3A_456 = arith.addi %mul3A_267, %add3A_455 : vector<16xi32>
      %add3A_457 = arith.addi %add3A_456, %iota3A : vector<16xi32>
      %gather3A_458 = tpu.vector_load_idx %arg5[%add3A_457] : memref<32768xf32, #tpu.memory_space<vmem>>[vector<16xi32>], vector<16xf32>,
      %eq3A_459 = arith.cmpf oeq, %gather3A_458, %max3A_234 : vector<16xf32>
      %jit3A_460 = arith.constant 1073741824 : i32
      %broadcast_in_dim3A_461 = vector.broadcast %jit3A_460 : i32 to vector<16xi32>
      %select_n3A_462 = arith.select %eq3A_459, %add3A_457, %broadcast_in_dim3A_461 : vector<16xi1>, vector<16xi32>
      %min3A_463 = arith.minsi %min3A_443, %select_n3A_462 : vector<16xi32>
      %jit3A_464 = arith.constant 0xFF800000 : f32
      %broadcast_in_dim3A_465 = vector.broadcast %jit3A_464 : f32 to vector<16xf32>
      %select_n3A_466 = arith.select %eq3A_459, %broadcast_in_dim3A_465, %gather3A_458 : vector<16xi1>, vector<16xf32>
      %max3A_467 = arith.maximumf %max3A_447, %select_n3A_466 : vector<16xf32>
      %jit3A_468 = arith.constant 1 : i32
      %jit3A_469 = arith.constant 0 : i32
      %broadcast_in_dim3A_470 = vector.broadcast %jit3A_468 : i32 to vector<16xi32>
      %broadcast_in_dim3A_471 = vector.broadcast %jit3A_469 : i32 to vector<16xi32>
      %select_n3A_472 = arith.select %eq3A_459, %broadcast_in_dim3A_470, %broadcast_in_dim3A_471 : vector<16xi1>, vector<16xi32>
      %add3A_473 = arith.addi %add3A_453, %select_n3A_472 : vector<16xi32>
      %add3A_474 = arith.constant 160 : i32
      %add3A_475 = vector.broadcast %add3A_474 : i32 to vector<16xi32>
      %add3A_476 = arith.addi %mul3A_267, %add3A_475 : vector<16xi32>
      %add3A_477 = arith.addi %add3A_476, %iota3A : vector<16xi32>
      %gather3A_478 = tpu.vector_load_idx %arg5[%add3A_477] : memref<32768xf32, #tpu.memory_space<vmem>>[vector<16xi32>], vector<16xf32>,
      %eq3A_479 = arith.cmpf oeq, %gather3A_478, %max3A_234 : vector<16xf32>
      %jit3A_480 = arith.constant 1073741824 : i32
      %broadcast_in_dim3A_481 = vector.broadcast %jit3A_480 : i32 to vector<16xi32>
      %select_n3A_482 = arith.select %eq3A_479, %add3A_477, %broadcast_in_dim3A_481 : vector<16xi1>, vector<16xi32>
      %min3A_483 = arith.minsi %min3A_463, %select_n3A_482 : vector<16xi32>
      %jit3A_484 = arith.constant 0xFF800000 : f32
      %broadcast_in_dim3A_485 = vector.broadcast %jit3A_484 : f32 to vector<16xf32>
      %select_n3A_486 = arith.select %eq3A_479, %broadcast_in_dim3A_485, %gather3A_478 : vector<16xi1>, vector<16xf32>
      %max3A_487 = arith.maximumf %max3A_467, %select_n3A_486 : vector<16xf32>
      %jit3A_488 = arith.constant 1 : i32
      %jit3A_489 = arith.constant 0 : i32
      %broadcast_in_dim3A_490 = vector.broadcast %jit3A_488 : i32 to vector<16xi32>
      %broadcast_in_dim3A_491 = vector.broadcast %jit3A_489 : i32 to vector<16xi32>
      %select_n3A_492 = arith.select %eq3A_479, %broadcast_in_dim3A_490, %broadcast_in_dim3A_491 : vector<16xi1>, vector<16xi32>
      %add3A_493 = arith.addi %add3A_473, %select_n3A_492 : vector<16xi32>
      %add3A_494 = arith.constant 176 : i32
      %add3A_495 = vector.broadcast %add3A_494 : i32 to vector<16xi32>
      %add3A_496 = arith.addi %mul3A_267, %add3A_495 : vector<16xi32>
      %add3A_497 = arith.addi %add3A_496, %iota3A : vector<16xi32>
      %gather3A_498 = tpu.vector_load_idx %arg5[%add3A_497] : memref<32768xf32, #tpu.memory_space<vmem>>[vector<16xi32>], vector<16xf32>,
      %eq3A_499 = arith.cmpf oeq, %gather3A_498, %max3A_234 : vector<16xf32>
      %jit3A_500 = arith.constant 1073741824 : i32
      %broadcast_in_dim3A_501 = vector.broadcast %jit3A_500 : i32 to vector<16xi32>
      %select_n3A_502 = arith.select %eq3A_499, %add3A_497, %broadcast_in_dim3A_501 : vector<16xi1>, vector<16xi32>
      %min3A_503 = arith.minsi %min3A_483, %select_n3A_502 : vector<16xi32>
      %jit3A_504 = arith.constant 0xFF800000 : f32
      %broadcast_in_dim3A_505 = vector.broadcast %jit3A_504 : f32 to vector<16xf32>
      %select_n3A_506 = arith.select %eq3A_499, %broadcast_in_dim3A_505, %gather3A_498 : vector<16xi1>, vector<16xf32>
      %max3A_507 = arith.maximumf %max3A_487, %select_n3A_506 : vector<16xf32>
      %jit3A_508 = arith.constant 1 : i32
      %jit3A_509 = arith.constant 0 : i32
      %broadcast_in_dim3A_510 = vector.broadcast %jit3A_508 : i32 to vector<16xi32>
      %broadcast_in_dim3A_511 = vector.broadcast %jit3A_509 : i32 to vector<16xi32>
      %select_n3A_512 = arith.select %eq3A_499, %broadcast_in_dim3A_510, %broadcast_in_dim3A_511 : vector<16xi1>, vector<16xi32>
      %add3A_513 = arith.addi %add3A_493, %select_n3A_512 : vector<16xi32>
      %add3A_514 = arith.constant 192 : i32
      %add3A_515 = vector.broadcast %add3A_514 : i32 to vector<16xi32>
      %add3A_516 = arith.addi %mul3A_267, %add3A_515 : vector<16xi32>
      %add3A_517 = arith.addi %add3A_516, %iota3A : vector<16xi32>
      %gather3A_518 = tpu.vector_load_idx %arg5[%add3A_517] : memref<32768xf32, #tpu.memory_space<vmem>>[vector<16xi32>], vector<16xf32>,
      %eq3A_519 = arith.cmpf oeq, %gather3A_518, %max3A_234 : vector<16xf32>
      %jit3A_520 = arith.constant 1073741824 : i32
      %broadcast_in_dim3A_521 = vector.broadcast %jit3A_520 : i32 to vector<16xi32>
      %select_n3A_522 = arith.select %eq3A_519, %add3A_517, %broadcast_in_dim3A_521 : vector<16xi1>, vector<16xi32>
      %min3A_523 = arith.minsi %min3A_503, %select_n3A_522 : vector<16xi32>
      %jit3A_524 = arith.constant 0xFF800000 : f32
      %broadcast_in_dim3A_525 = vector.broadcast %jit3A_524 : f32 to vector<16xf32>
      %select_n3A_526 = arith.select %eq3A_519, %broadcast_in_dim3A_525, %gather3A_518 : vector<16xi1>, vector<16xf32>
      %max3A_527 = arith.maximumf %max3A_507, %select_n3A_526 : vector<16xf32>
      %jit3A_528 = arith.constant 1 : i32
      %jit3A_529 = arith.constant 0 : i32
      %broadcast_in_dim3A_530 = vector.broadcast %jit3A_528 : i32 to vector<16xi32>
      %broadcast_in_dim3A_531 = vector.broadcast %jit3A_529 : i32 to vector<16xi32>
      %select_n3A_532 = arith.select %eq3A_519, %broadcast_in_dim3A_530, %broadcast_in_dim3A_531 : vector<16xi1>, vector<16xi32>
      %add3A_533 = arith.addi %add3A_513, %select_n3A_532 : vector<16xi32>
      %add3A_534 = arith.constant 208 : i32
      %add3A_535 = vector.broadcast %add3A_534 : i32 to vector<16xi32>
      %add3A_536 = arith.addi %mul3A_267, %add3A_535 : vector<16xi32>
      %add3A_537 = arith.addi %add3A_536, %iota3A : vector<16xi32>
      %gather3A_538 = tpu.vector_load_idx %arg5[%add3A_537] : memref<32768xf32, #tpu.memory_space<vmem>>[vector<16xi32>], vector<16xf32>,
      %eq3A_539 = arith.cmpf oeq, %gather3A_538, %max3A_234 : vector<16xf32>
      %jit3A_540 = arith.constant 1073741824 : i32
      %broadcast_in_dim3A_541 = vector.broadcast %jit3A_540 : i32 to vector<16xi32>
      %select_n3A_542 = arith.select %eq3A_539, %add3A_537, %broadcast_in_dim3A_541 : vector<16xi1>, vector<16xi32>
      %min3A_543 = arith.minsi %min3A_523, %select_n3A_542 : vector<16xi32>
      %jit3A_544 = arith.constant 0xFF800000 : f32
      %broadcast_in_dim3A_545 = vector.broadcast %jit3A_544 : f32 to vector<16xf32>
      %select_n3A_546 = arith.select %eq3A_539, %broadcast_in_dim3A_545, %gather3A_538 : vector<16xi1>, vector<16xf32>
      %max3A_547 = arith.maximumf %max3A_527, %select_n3A_546 : vector<16xf32>
      %jit3A_548 = arith.constant 1 : i32
      %jit3A_549 = arith.constant 0 : i32
      %broadcast_in_dim3A_550 = vector.broadcast %jit3A_548 : i32 to vector<16xi32>
      %broadcast_in_dim3A_551 = vector.broadcast %jit3A_549 : i32 to vector<16xi32>
      %select_n3A_552 = arith.select %eq3A_539, %broadcast_in_dim3A_550, %broadcast_in_dim3A_551 : vector<16xi1>, vector<16xi32>
      %add3A_553 = arith.addi %add3A_533, %select_n3A_552 : vector<16xi32>
      %add3A_554 = arith.constant 224 : i32
      %add3A_555 = vector.broadcast %add3A_554 : i32 to vector<16xi32>
      %add3A_556 = arith.addi %mul3A_267, %add3A_555 : vector<16xi32>
      %add3A_557 = arith.addi %add3A_556, %iota3A : vector<16xi32>
      %gather3A_558 = tpu.vector_load_idx %arg5[%add3A_557] : memref<32768xf32, #tpu.memory_space<vmem>>[vector<16xi32>], vector<16xf32>,
      %eq3A_559 = arith.cmpf oeq, %gather3A_558, %max3A_234 : vector<16xf32>
      %jit3A_560 = arith.constant 1073741824 : i32
      %broadcast_in_dim3A_561 = vector.broadcast %jit3A_560 : i32 to vector<16xi32>
      %select_n3A_562 = arith.select %eq3A_559, %add3A_557, %broadcast_in_dim3A_561 : vector<16xi1>, vector<16xi32>
      %min3A_563 = arith.minsi %min3A_543, %select_n3A_562 : vector<16xi32>
      %jit3A_564 = arith.constant 0xFF800000 : f32
      %broadcast_in_dim3A_565 = vector.broadcast %jit3A_564 : f32 to vector<16xf32>
      %select_n3A_566 = arith.select %eq3A_559, %broadcast_in_dim3A_565, %gather3A_558 : vector<16xi1>, vector<16xf32>
      %max3A_567 = arith.maximumf %max3A_547, %select_n3A_566 : vector<16xf32>
      %jit3A_568 = arith.constant 1 : i32
      %jit3A_569 = arith.constant 0 : i32
      %broadcast_in_dim3A_570 = vector.broadcast %jit3A_568 : i32 to vector<16xi32>
      %broadcast_in_dim3A_571 = vector.broadcast %jit3A_569 : i32 to vector<16xi32>
      %select_n3A_572 = arith.select %eq3A_559, %broadcast_in_dim3A_570, %broadcast_in_dim3A_571 : vector<16xi1>, vector<16xi32>
      %add3A_573 = arith.addi %add3A_553, %select_n3A_572 : vector<16xi32>
      %add3A_574 = arith.constant 240 : i32
      %add3A_575 = vector.broadcast %add3A_574 : i32 to vector<16xi32>
      %add3A_576 = arith.addi %mul3A_267, %add3A_575 : vector<16xi32>
      %add3A_577 = arith.addi %add3A_576, %iota3A : vector<16xi32>
      %gather3A_578 = tpu.vector_load_idx %arg5[%add3A_577] : memref<32768xf32, #tpu.memory_space<vmem>>[vector<16xi32>], vector<16xf32>,
      %eq3A_579 = arith.cmpf oeq, %gather3A_578, %max3A_234 : vector<16xf32>
      %jit3A_580 = arith.constant 1073741824 : i32
      %broadcast_in_dim3A_581 = vector.broadcast %jit3A_580 : i32 to vector<16xi32>
      %select_n3A_582 = arith.select %eq3A_579, %add3A_577, %broadcast_in_dim3A_581 : vector<16xi1>, vector<16xi32>
      %min3A_583 = arith.minsi %min3A_563, %select_n3A_582 : vector<16xi32>
      %jit3A_584 = arith.constant 0xFF800000 : f32
      %broadcast_in_dim3A_585 = vector.broadcast %jit3A_584 : f32 to vector<16xf32>
      %select_n3A_586 = arith.select %eq3A_579, %broadcast_in_dim3A_585, %gather3A_578 : vector<16xi1>, vector<16xf32>
      %max3A_587 = arith.maximumf %max3A_567, %select_n3A_586 : vector<16xf32>
      %jit3A_588 = arith.constant 1 : i32
      %jit3A_589 = arith.constant 0 : i32
      %broadcast_in_dim3A_590 = vector.broadcast %jit3A_588 : i32 to vector<16xi32>
      %broadcast_in_dim3A_591 = vector.broadcast %jit3A_589 : i32 to vector<16xi32>
      %select_n3A_592 = arith.select %eq3A_579, %broadcast_in_dim3A_590, %broadcast_in_dim3A_591 : vector<16xi1>, vector<16xi32>
      %add3A_593 = arith.addi %add3A_573, %select_n3A_592 : vector<16xi32>
      %xor3A_594 = arith.constant 8 : i32
      %xor3A_595 = vector.broadcast %xor3A_594 : i32 to vector<16xi32>
      %xor3A_596 = arith.xori %iota3A, %xor3A_595 : vector<16xi32>
      %broadcast_in_dim3A_597 = vector.shape_cast %xor3A_596 : vector<16xi32> to vector<16x1xi32>
      %gather3A_598 = vector.shape_cast %broadcast_in_dim3A_597 : vector<16x1xi32> to vector<16xi32>
      %gather3A_599 = tpu.dynamic_gather %min3A_583[%gather3A_598] in [0] : vector<16xi32>, vector<16xi32> -> vector<16xi32>
      %min3A_600 = arith.minsi %min3A_583, %gather3A_599 : vector<16xi32>
      %xor3A_601 = arith.constant 4 : i32
      %xor3A_602 = vector.broadcast %xor3A_601 : i32 to vector<16xi32>
      %xor3A_603 = arith.xori %iota3A, %xor3A_602 : vector<16xi32>
      %broadcast_in_dim3A_604 = vector.shape_cast %xor3A_603 : vector<16xi32> to vector<16x1xi32>
      %gather3A_605 = vector.shape_cast %broadcast_in_dim3A_604 : vector<16x1xi32> to vector<16xi32>
      %gather3A_606 = tpu.dynamic_gather %min3A_600[%gather3A_605] in [0] : vector<16xi32>, vector<16xi32> -> vector<16xi32>
      %min3A_607 = arith.minsi %min3A_600, %gather3A_606 : vector<16xi32>
      %xor3A_608 = arith.constant 2 : i32
      %xor3A_609 = vector.broadcast %xor3A_608 : i32 to vector<16xi32>
      %xor3A_610 = arith.xori %iota3A, %xor3A_609 : vector<16xi32>
      %broadcast_in_dim3A_611 = vector.shape_cast %xor3A_610 : vector<16xi32> to vector<16x1xi32>
      %gather3A_612 = vector.shape_cast %broadcast_in_dim3A_611 : vector<16x1xi32> to vector<16xi32>
      %gather3A_613 = tpu.dynamic_gather %min3A_607[%gather3A_612] in [0] : vector<16xi32>, vector<16xi32> -> vector<16xi32>
      %min3A_614 = arith.minsi %min3A_607, %gather3A_613 : vector<16xi32>
      %xor3A_615 = arith.constant 1 : i32
      %xor3A_616 = vector.broadcast %xor3A_615 : i32 to vector<16xi32>
      %xor3A_617 = arith.xori %iota3A, %xor3A_616 : vector<16xi32>
      %broadcast_in_dim3A_618 = vector.shape_cast %xor3A_617 : vector<16xi32> to vector<16x1xi32>
      %gather3A_619 = vector.shape_cast %broadcast_in_dim3A_618 : vector<16x1xi32> to vector<16xi32>
      %gather3A_620 = tpu.dynamic_gather %min3A_614[%gather3A_619] in [0] : vector<16xi32>, vector<16xi32> -> vector<16xi32>
      %min3A_621 = arith.minsi %min3A_614, %gather3A_620 : vector<16xi32>
      %broadcast_in_dim3A_622 = vector.broadcast %scan3A_153 : i32 to vector<16xi32>
      tpu.vector_store_idx %arg8[%broadcast_in_dim3A_622], %max3A_234 masked %eq3A_2 : memref<64xf32, #tpu.memory_space<vmem>>[vector<16xi32>], vector<16xf32>, vector<16xi1>
      tpu.vector_store_idx %arg10[%broadcast_in_dim3A_622], %min3A_621 masked %eq3A_2 : memref<64xi32, #tpu.memory_space<vmem>>[vector<16xi32>], vector<16xi32>, vector<16xi1>
      %broadcast_in_dim3A_623 = arith.constant 0xFF800000 : f32
      %broadcast_in_dim3A_624 = vector.broadcast %broadcast_in_dim3A_623 : f32 to vector<16xf32>
      tpu.vector_store_idx %arg5[%min3A_621], %broadcast_in_dim3A_624 masked %eq3A_2 : memref<32768xf32, #tpu.memory_space<vmem>>[vector<16xi32>], vector<16xf32>, vector<16xi1>
      %xor3A_625 = arith.constant 8 : i32
      %xor3A_626 = vector.broadcast %xor3A_625 : i32 to vector<16xi32>
      %xor3A_627 = arith.xori %iota3A, %xor3A_626 : vector<16xi32>
      %broadcast_in_dim3A_628 = vector.shape_cast %xor3A_627 : vector<16xi32> to vector<16x1xi32>
      %gather3A_629 = vector.shape_cast %broadcast_in_dim3A_628 : vector<16x1xi32> to vector<16xi32>
      %gather3A_630 = tpu.dynamic_gather %add3A_593[%gather3A_629] in [0] : vector<16xi32>, vector<16xi32> -> vector<16xi32>
      %add3A_631 = arith.addi %add3A_593, %gather3A_630 : vector<16xi32>
      %xor3A_632 = arith.constant 4 : i32
      %xor3A_633 = vector.broadcast %xor3A_632 : i32 to vector<16xi32>
      %xor3A_634 = arith.xori %iota3A, %xor3A_633 : vector<16xi32>
      %broadcast_in_dim3A_635 = vector.shape_cast %xor3A_634 : vector<16xi32> to vector<16x1xi32>
      %gather3A_636 = vector.shape_cast %broadcast_in_dim3A_635 : vector<16x1xi32> to vector<16xi32>
      %gather3A_637 = tpu.dynamic_gather %add3A_631[%gather3A_636] in [0] : vector<16xi32>, vector<16xi32> -> vector<16xi32>
      %add3A_638 = arith.addi %add3A_631, %gather3A_637 : vector<16xi32>
      %xor3A_639 = arith.constant 2 : i32
      %xor3A_640 = vector.broadcast %xor3A_639 : i32 to vector<16xi32>
      %xor3A_641 = arith.xori %iota3A, %xor3A_640 : vector<16xi32>
      %broadcast_in_dim3A_642 = vector.shape_cast %xor3A_641 : vector<16xi32> to vector<16x1xi32>
      %gather3A_643 = vector.shape_cast %broadcast_in_dim3A_642 : vector<16x1xi32> to vector<16xi32>
      %gather3A_644 = tpu.dynamic_gather %add3A_638[%gather3A_643] in [0] : vector<16xi32>, vector<16xi32> -> vector<16xi32>
      %add3A_645 = arith.addi %add3A_638, %gather3A_644 : vector<16xi32>
      %xor3A_646 = arith.constant 1 : i32
      %xor3A_647 = vector.broadcast %xor3A_646 : i32 to vector<16xi32>
      %xor3A_648 = arith.xori %iota3A, %xor3A_647 : vector<16xi32>
      %broadcast_in_dim3A_649 = vector.shape_cast %xor3A_648 : vector<16xi32> to vector<16x1xi32>
      %gather3A_650 = vector.shape_cast %broadcast_in_dim3A_649 : vector<16x1xi32> to vector<16xi32>
      %gather3A_651 = tpu.dynamic_gather %add3A_645[%gather3A_650] in [0] : vector<16xi32>, vector<16xi32> -> vector<16xi32>
      %add3A_652 = arith.addi %add3A_645, %gather3A_651 : vector<16xi32>
      %gt3A_653 = arith.constant 1 : i32
      %gt3A_654 = vector.broadcast %gt3A_653 : i32 to vector<16xi32>
      %gt3A_655 = arith.cmpi sgt, %add3A_652, %gt3A_654 : vector<16xi32>
      %xor3A_656 = arith.constant 8 : i32
      %xor3A_657 = vector.broadcast %xor3A_656 : i32 to vector<16xi32>
      %xor3A_658 = arith.xori %iota3A, %xor3A_657 : vector<16xi32>
      %broadcast_in_dim3A_659 = vector.shape_cast %xor3A_658 : vector<16xi32> to vector<16x1xi32>
      %gather3A_660 = vector.shape_cast %broadcast_in_dim3A_659 : vector<16x1xi32> to vector<16xi32>
      %gather3A_661 = tpu.dynamic_gather %max3A_587[%gather3A_660] in [0] : vector<16xf32>, vector<16xi32> -> vector<16xf32>
      %max3A_662 = arith.maximumf %max3A_587, %gather3A_661 : vector<16xf32>
      %xor3A_663 = arith.constant 4 : i32
      %xor3A_664 = vector.broadcast %xor3A_663 : i32 to vector<16xi32>
      %xor3A_665 = arith.xori %iota3A, %xor3A_664 : vector<16xi32>
      %broadcast_in_dim3A_666 = vector.shape_cast %xor3A_665 : vector<16xi32> to vector<16x1xi32>
      %gather3A_667 = vector.shape_cast %broadcast_in_dim3A_666 : vector<16x1xi32> to vector<16xi32>
      %gather3A_668 = tpu.dynamic_gather %max3A_662[%gather3A_667] in [0] : vector<16xf32>, vector<16xi32> -> vector<16xf32>
      %max3A_669 = arith.maximumf %max3A_662, %gather3A_668 : vector<16xf32>
      %xor3A_670 = arith.constant 2 : i32
      %xor3A_671 = vector.broadcast %xor3A_670 : i32 to vector<16xi32>
      %xor3A_672 = arith.xori %iota3A, %xor3A_671 : vector<16xi32>
      %broadcast_in_dim3A_673 = vector.shape_cast %xor3A_672 : vector<16xi32> to vector<16x1xi32>
      %gather3A_674 = vector.shape_cast %broadcast_in_dim3A_673 : vector<16x1xi32> to vector<16xi32>
      %gather3A_675 = tpu.dynamic_gather %max3A_669[%gather3A_674] in [0] : vector<16xf32>, vector<16xi32> -> vector<16xf32>
      %max3A_676 = arith.maximumf %max3A_669, %gather3A_675 : vector<16xf32>
      %xor3A_677 = arith.constant 1 : i32
      %xor3A_678 = vector.broadcast %xor3A_677 : i32 to vector<16xi32>
      %xor3A_679 = arith.xori %iota3A, %xor3A_678 : vector<16xi32>
      %broadcast_in_dim3A_680 = vector.shape_cast %xor3A_679 : vector<16xi32> to vector<16x1xi32>
      %gather3A_681 = vector.shape_cast %broadcast_in_dim3A_680 : vector<16x1xi32> to vector<16xi32>
      %gather3A_682 = tpu.dynamic_gather %max3A_676[%gather3A_681] in [0] : vector<16xf32>, vector<16xi32> -> vector<16xf32>
      %max3A_683 = arith.maximumf %max3A_676, %gather3A_682 : vector<16xf32>
      %select_n3A_684 = arith.select %gt3A_655, %max3A_234, %max3A_683 : vector<16xi1>, vector<16xf32>
      %and3A = arith.constant 15 : i32
      %and3A_685 = vector.broadcast %and3A : i32 to vector<16xi32>
      %and3A_686 = arith.andi %min3A_264, %and3A_685 : vector<16xi32>
      %shift_right_logical3A = arith.constant 4 : i32
      %shift_right_logical3A_687 = vector.broadcast %shift_right_logical3A : i32 to vector<16xi32>
      %shift_right_logical3A_688 = arith.shrui %min3A_264, %shift_right_logical3A_687 : vector<16xi32>
      %eq3A_689 = arith.cmpi eq, %iota3A, %and3A_686 : vector<16xi32>
      %eq3A_690 = arith.constant 0 : i32
      %eq3A_691 = vector.broadcast %eq3A_690 : i32 to vector<16xi32>
      %eq3A_692 = arith.cmpi eq, %shift_right_logical3A_688, %eq3A_691 : vector<16xi32>
      %and3A_693 = arith.andi %eq3A_692, %eq3A_689 : vector<16xi1>
      %select_n3A_694 = arith.select %and3A_693, %select_n3A_684, %scan3A_154 : vector<16xi1>, vector<16xf32>
      %eq3A_695 = arith.constant 1 : i32
      %eq3A_696 = vector.broadcast %eq3A_695 : i32 to vector<16xi32>
      %eq3A_697 = arith.cmpi eq, %shift_right_logical3A_688, %eq3A_696 : vector<16xi32>
      %and3A_698 = arith.andi %eq3A_697, %eq3A_689 : vector<16xi1>
      %select_n3A_699 = arith.select %and3A_698, %select_n3A_684, %scan3A_155 : vector<16xi1>, vector<16xf32>
      %eq3A_700 = arith.constant 2 : i32
      %eq3A_701 = vector.broadcast %eq3A_700 : i32 to vector<16xi32>
      %eq3A_702 = arith.cmpi eq, %shift_right_logical3A_688, %eq3A_701 : vector<16xi32>
      %and3A_703 = arith.andi %eq3A_702, %eq3A_689 : vector<16xi1>
      %select_n3A_704 = arith.select %and3A_703, %select_n3A_684, %scan3A_156 : vector<16xi1>, vector<16xf32>
      %eq3A_705 = arith.constant 3 : i32
      %eq3A_706 = vector.broadcast %eq3A_705 : i32 to vector<16xi32>
      %eq3A_707 = arith.cmpi eq, %shift_right_logical3A_688, %eq3A_706 : vector<16xi32>
      %and3A_708 = arith.andi %eq3A_707, %eq3A_689 : vector<16xi1>
      %select_n3A_709 = arith.select %and3A_708, %select_n3A_684, %scan3A_157 : vector<16xi1>, vector<16xf32>
      %eq3A_710 = arith.constant 4 : i32
      %eq3A_711 = vector.broadcast %eq3A_710 : i32 to vector<16xi32>
      %eq3A_712 = arith.cmpi eq, %shift_right_logical3A_688, %eq3A_711 : vector<16xi32>
      %and3A_713 = arith.andi %eq3A_712, %eq3A_689 : vector<16xi1>
      %select_n3A_714 = arith.select %and3A_713, %select_n3A_684, %scan3A_158 : vector<16xi1>, vector<16xf32>
      %eq3A_715 = arith.constant 5 : i32
      %eq3A_716 = vector.broadcast %eq3A_715 : i32 to vector<16xi32>
      %eq3A_717 = arith.cmpi eq, %shift_right_logical3A_688, %eq3A_716 : vector<16xi32>
      %and3A_718 = arith.andi %eq3A_717, %eq3A_689 : vector<16xi1>
      %select_n3A_719 = arith.select %and3A_718, %select_n3A_684, %scan3A_159 : vector<16xi1>, vector<16xf32>
      %eq3A_720 = arith.constant 6 : i32
      %eq3A_721 = vector.broadcast %eq3A_720 : i32 to vector<16xi32>
      %eq3A_722 = arith.cmpi eq, %shift_right_logical3A_688, %eq3A_721 : vector<16xi32>
      %and3A_723 = arith.andi %eq3A_722, %eq3A_689 : vector<16xi1>
      %select_n3A_724 = arith.select %and3A_723, %select_n3A_684, %scan3A_160 : vector<16xi1>, vector<16xf32>
      %eq3A_725 = arith.constant 7 : i32
      %eq3A_726 = vector.broadcast %eq3A_725 : i32 to vector<16xi32>
      %eq3A_727 = arith.cmpi eq, %shift_right_logical3A_688, %eq3A_726 : vector<16xi32>
      %and3A_728 = arith.andi %eq3A_727, %eq3A_689 : vector<16xi1>
      %select_n3A_729 = arith.select %and3A_728, %select_n3A_684, %scan3A_161 : vector<16xi1>, vector<16xf32>
      %gt3A_730 = arith.cmpf ogt, %scan3A_163, %scan3A_162 : vector<16xf32>
      %select_n3A_731 = arith.select %gt3A_730, %scan3A_163, %scan3A_162 : vector<16xi1>, vector<16xf32>
      %add3A_732 = arith.constant 16 : i32
      %add3A_733 = vector.broadcast %add3A_732 : i32 to vector<16xi32>
      %add3A_734 = arith.addi %iota3A, %add3A_733 : vector<16xi32>
      %select_n3A_735 = arith.select %gt3A_730, %add3A_734, %iota3A : vector<16xi1>, vector<16xi32>
      %gt3A_736 = arith.cmpf ogt, %scan3A_164, %select_n3A_731 : vector<16xf32>
      %select_n3A_737 = arith.select %gt3A_736, %scan3A_164, %select_n3A_731 : vector<16xi1>, vector<16xf32>
      %add3A_738 = arith.constant 32 : i32
      %add3A_739 = vector.broadcast %add3A_738 : i32 to vector<16xi32>
      %add3A_740 = arith.addi %iota3A, %add3A_739 : vector<16xi32>
      %select_n3A_741 = arith.select %gt3A_736, %add3A_740, %select_n3A_735 : vector<16xi1>, vector<16xi32>
      %gt3A_742 = arith.cmpf ogt, %scan3A_165, %select_n3A_737 : vector<16xf32>
      %select_n3A_743 = arith.select %gt3A_742, %scan3A_165, %select_n3A_737 : vector<16xi1>, vector<16xf32>
      %add3A_744 = arith.constant 48 : i32
      %add3A_745 = vector.broadcast %add3A_744 : i32 to vector<16xi32>
      %add3A_746 = arith.addi %iota3A, %add3A_745 : vector<16xi32>
      %select_n3A_747 = arith.select %gt3A_742, %add3A_746, %select_n3A_741 : vector<16xi1>, vector<16xi32>
      %gt3A_748 = arith.cmpf ogt, %scan3A_166, %select_n3A_743 : vector<16xf32>
      %select_n3A_749 = arith.select %gt3A_748, %scan3A_166, %select_n3A_743 : vector<16xi1>, vector<16xf32>
      %add3A_750 = arith.constant 64 : i32
      %add3A_751 = vector.broadcast %add3A_750 : i32 to vector<16xi32>
      %add3A_752 = arith.addi %iota3A, %add3A_751 : vector<16xi32>
      %select_n3A_753 = arith.select %gt3A_748, %add3A_752, %select_n3A_747 : vector<16xi1>, vector<16xi32>
      %gt3A_754 = arith.cmpf ogt, %scan3A_167, %select_n3A_749 : vector<16xf32>
      %select_n3A_755 = arith.select %gt3A_754, %scan3A_167, %select_n3A_749 : vector<16xi1>, vector<16xf32>
      %add3A_756 = arith.constant 80 : i32
      %add3A_757 = vector.broadcast %add3A_756 : i32 to vector<16xi32>
      %add3A_758 = arith.addi %iota3A, %add3A_757 : vector<16xi32>
      %select_n3A_759 = arith.select %gt3A_754, %add3A_758, %select_n3A_753 : vector<16xi1>, vector<16xi32>
      %gt3A_760 = arith.cmpf ogt, %scan3A_168, %select_n3A_755 : vector<16xf32>
      %select_n3A_761 = arith.select %gt3A_760, %scan3A_168, %select_n3A_755 : vector<16xi1>, vector<16xf32>
      %add3A_762 = arith.constant 96 : i32
      %add3A_763 = vector.broadcast %add3A_762 : i32 to vector<16xi32>
      %add3A_764 = arith.addi %iota3A, %add3A_763 : vector<16xi32>
      %select_n3A_765 = arith.select %gt3A_760, %add3A_764, %select_n3A_759 : vector<16xi1>, vector<16xi32>
      %gt3A_766 = arith.cmpf ogt, %scan3A_169, %select_n3A_761 : vector<16xf32>
      %select_n3A_767 = arith.select %gt3A_766, %scan3A_169, %select_n3A_761 : vector<16xi1>, vector<16xf32>
      %add3A_768 = arith.constant 112 : i32
      %add3A_769 = vector.broadcast %add3A_768 : i32 to vector<16xi32>
      %add3A_770 = arith.addi %iota3A, %add3A_769 : vector<16xi32>
      %select_n3A_771 = arith.select %gt3A_766, %add3A_770, %select_n3A_765 : vector<16xi1>, vector<16xi32>
      %xor3A_772 = arith.constant 8 : i32
      %xor3A_773 = vector.broadcast %xor3A_772 : i32 to vector<16xi32>
      %xor3A_774 = arith.xori %iota3A, %xor3A_773 : vector<16xi32>
      %broadcast_in_dim3A_775 = vector.shape_cast %xor3A_774 : vector<16xi32> to vector<16x1xi32>
      %gather3A_776 = vector.shape_cast %broadcast_in_dim3A_775 : vector<16x1xi32> to vector<16xi32>
      %gather3A_777 = tpu.dynamic_gather %select_n3A_767[%gather3A_776] in [0] : vector<16xf32>, vector<16xi32> -> vector<16xf32>
      %max3A_778 = arith.maximumf %select_n3A_767, %gather3A_777 : vector<16xf32>
      %xor3A_779 = arith.constant 4 : i32
      %xor3A_780 = vector.broadcast %xor3A_779 : i32 to vector<16xi32>
      %xor3A_781 = arith.xori %iota3A, %xor3A_780 : vector<16xi32>
      %broadcast_in_dim3A_782 = vector.shape_cast %xor3A_781 : vector<16xi32> to vector<16x1xi32>
      %gather3A_783 = vector.shape_cast %broadcast_in_dim3A_782 : vector<16x1xi32> to vector<16xi32>
      %gather3A_784 = tpu.dynamic_gather %max3A_778[%gather3A_783] in [0] : vector<16xf32>, vector<16xi32> -> vector<16xf32>
      %max3A_785 = arith.maximumf %max3A_778, %gather3A_784 : vector<16xf32>
      %xor3A_786 = arith.constant 2 : i32
      %xor3A_787 = vector.broadcast %xor3A_786 : i32 to vector<16xi32>
      %xor3A_788 = arith.xori %iota3A, %xor3A_787 : vector<16xi32>
      %broadcast_in_dim3A_789 = vector.shape_cast %xor3A_788 : vector<16xi32> to vector<16x1xi32>
      %gather3A_790 = vector.shape_cast %broadcast_in_dim3A_789 : vector<16x1xi32> to vector<16xi32>
      %gather3A_791 = tpu.dynamic_gather %max3A_785[%gather3A_790] in [0] : vector<16xf32>, vector<16xi32> -> vector<16xf32>
      %max3A_792 = arith.maximumf %max3A_785, %gather3A_791 : vector<16xf32>
      %xor3A_793 = arith.constant 1 : i32
      %xor3A_794 = vector.broadcast %xor3A_793 : i32 to vector<16xi32>
      %xor3A_795 = arith.xori %iota3A, %xor3A_794 : vector<16xi32>
      %broadcast_in_dim3A_796 = vector.shape_cast %xor3A_795 : vector<16xi32> to vector<16x1xi32>
      %gather3A_797 = vector.shape_cast %broadcast_in_dim3A_796 : vector<16x1xi32> to vector<16xi32>
      %gather3A_798 = tpu.dynamic_gather %max3A_792[%gather3A_797] in [0] : vector<16xf32>, vector<16xi32> -> vector<16xf32>
      %max3A_799 = arith.maximumf %max3A_792, %gather3A_798 : vector<16xf32>
      %eq3A_800 = arith.cmpf oeq, %select_n3A_767, %max3A_799 : vector<16xf32>
      %jit3A_801 = arith.constant 1073741824 : i32
      %broadcast_in_dim3A_802 = vector.broadcast %jit3A_801 : i32 to vector<16xi32>
      %select_n3A_803 = arith.select %eq3A_800, %select_n3A_771, %broadcast_in_dim3A_802 : vector<16xi1>, vector<16xi32>
      %xor3A_804 = arith.constant 8 : i32
      %xor3A_805 = vector.broadcast %xor3A_804 : i32 to vector<16xi32>
      %xor3A_806 = arith.xori %iota3A, %xor3A_805 : vector<16xi32>
      %broadcast_in_dim3A_807 = vector.shape_cast %xor3A_806 : vector<16xi32> to vector<16x1xi32>
      %gather3A_808 = vector.shape_cast %broadcast_in_dim3A_807 : vector<16x1xi32> to vector<16xi32>
      %gather3A_809 = tpu.dynamic_gather %select_n3A_803[%gather3A_808] in [0] : vector<16xi32>, vector<16xi32> -> vector<16xi32>
      %min3A_810 = arith.minsi %select_n3A_803, %gather3A_809 : vector<16xi32>
      %xor3A_811 = arith.constant 4 : i32
      %xor3A_812 = vector.broadcast %xor3A_811 : i32 to vector<16xi32>
      %xor3A_813 = arith.xori %iota3A, %xor3A_812 : vector<16xi32>
      %broadcast_in_dim3A_814 = vector.shape_cast %xor3A_813 : vector<16xi32> to vector<16x1xi32>
      %gather3A_815 = vector.shape_cast %broadcast_in_dim3A_814 : vector<16x1xi32> to vector<16xi32>
      %gather3A_816 = tpu.dynamic_gather %min3A_810[%gather3A_815] in [0] : vector<16xi32>, vector<16xi32> -> vector<16xi32>
      %min3A_817 = arith.minsi %min3A_810, %gather3A_816 : vector<16xi32>
      %xor3A_818 = arith.constant 2 : i32
      %xor3A_819 = vector.broadcast %xor3A_818 : i32 to vector<16xi32>
      %xor3A_820 = arith.xori %iota3A, %xor3A_819 : vector<16xi32>
      %broadcast_in_dim3A_821 = vector.shape_cast %xor3A_820 : vector<16xi32> to vector<16x1xi32>
      %gather3A_822 = vector.shape_cast %broadcast_in_dim3A_821 : vector<16x1xi32> to vector<16xi32>
      %gather3A_823 = tpu.dynamic_gather %min3A_817[%gather3A_822] in [0] : vector<16xi32>, vector<16xi32> -> vector<16xi32>
      %min3A_824 = arith.minsi %min3A_817, %gather3A_823 : vector<16xi32>
      %xor3A_825 = arith.constant 1 : i32
      %xor3A_826 = vector.broadcast %xor3A_825 : i32 to vector<16xi32>
      %xor3A_827 = arith.xori %iota3A, %xor3A_826 : vector<16xi32>
      %broadcast_in_dim3A_828 = vector.shape_cast %xor3A_827 : vector<16xi32> to vector<16x1xi32>
      %gather3A_829 = vector.shape_cast %broadcast_in_dim3A_828 : vector<16x1xi32> to vector<16xi32>
      %gather3A_830 = tpu.dynamic_gather %min3A_824[%gather3A_829] in [0] : vector<16xi32>, vector<16xi32> -> vector<16xi32>
      %min3A_831 = arith.minsi %min3A_824, %gather3A_830 : vector<16xi32>
      %mul3A_832 = arith.constant 256 : i32
      %mul3A_833 = vector.broadcast %mul3A_832 : i32 to vector<16xi32>
      %mul3A_834 = arith.muli %min3A_831, %mul3A_833 : vector<16xi32>
      %broadcast_in_dim3A_835 = arith.constant 1073741824 : i32
      %broadcast_in_dim3A_836 = vector.broadcast %broadcast_in_dim3A_835 : i32 to vector<16xi32>
      %broadcast_in_dim3A_837 = arith.constant 0xFF800000 : f32
      %broadcast_in_dim3A_838 = vector.broadcast %broadcast_in_dim3A_837 : f32 to vector<16xf32>
      %broadcast_in_dim3A_839 = arith.constant 0 : i32
      %broadcast_in_dim3A_840 = vector.broadcast %broadcast_in_dim3A_839 : i32 to vector<16xi32>
      %add3A_841 = arith.constant 0 : i32
      %add3A_842 = vector.broadcast %add3A_841 : i32 to vector<16xi32>
      %add3A_843 = arith.addi %mul3A_834, %add3A_842 : vector<16xi32>
      %add3A_844 = arith.addi %add3A_843, %iota3A : vector<16xi32>
      %gather3A_845 = tpu.vector_load_idx %arg6[%add3A_844] : memref<32768xf32, #tpu.memory_space<vmem>>[vector<16xi32>], vector<16xf32>,
      %eq3A_846 = arith.cmpf oeq, %gather3A_845, %max3A_799 : vector<16xf32>
      %jit3A_847 = arith.constant 1073741824 : i32
      %broadcast_in_dim3A_848 = vector.broadcast %jit3A_847 : i32 to vector<16xi32>
      %select_n3A_849 = arith.select %eq3A_846, %add3A_844, %broadcast_in_dim3A_848 : vector<16xi1>, vector<16xi32>
      %min3A_850 = arith.minsi %broadcast_in_dim3A_836, %select_n3A_849 : vector<16xi32>
      %jit3A_851 = arith.constant 0xFF800000 : f32
      %broadcast_in_dim3A_852 = vector.broadcast %jit3A_851 : f32 to vector<16xf32>
      %select_n3A_853 = arith.select %eq3A_846, %broadcast_in_dim3A_852, %gather3A_845 : vector<16xi1>, vector<16xf32>
      %max3A_854 = arith.maximumf %broadcast_in_dim3A_838, %select_n3A_853 : vector<16xf32>
      %jit3A_855 = arith.constant 1 : i32
      %jit3A_856 = arith.constant 0 : i32
      %broadcast_in_dim3A_857 = vector.broadcast %jit3A_855 : i32 to vector<16xi32>
      %broadcast_in_dim3A_858 = vector.broadcast %jit3A_856 : i32 to vector<16xi32>
      %select_n3A_859 = arith.select %eq3A_846, %broadcast_in_dim3A_857, %broadcast_in_dim3A_858 : vector<16xi1>, vector<16xi32>
      %add3A_860 = arith.addi %broadcast_in_dim3A_840, %select_n3A_859 : vector<16xi32>
      %add3A_861 = arith.constant 16 : i32
      %add3A_862 = vector.broadcast %add3A_861 : i32 to vector<16xi32>
      %add3A_863 = arith.addi %mul3A_834, %add3A_862 : vector<16xi32>
      %add3A_864 = arith.addi %add3A_863, %iota3A : vector<16xi32>
      %gather3A_865 = tpu.vector_load_idx %arg6[%add3A_864] : memref<32768xf32, #tpu.memory_space<vmem>>[vector<16xi32>], vector<16xf32>,
      %eq3A_866 = arith.cmpf oeq, %gather3A_865, %max3A_799 : vector<16xf32>
      %jit3A_867 = arith.constant 1073741824 : i32
      %broadcast_in_dim3A_868 = vector.broadcast %jit3A_867 : i32 to vector<16xi32>
      %select_n3A_869 = arith.select %eq3A_866, %add3A_864, %broadcast_in_dim3A_868 : vector<16xi1>, vector<16xi32>
      %min3A_870 = arith.minsi %min3A_850, %select_n3A_869 : vector<16xi32>
      %jit3A_871 = arith.constant 0xFF800000 : f32
      %broadcast_in_dim3A_872 = vector.broadcast %jit3A_871 : f32 to vector<16xf32>
      %select_n3A_873 = arith.select %eq3A_866, %broadcast_in_dim3A_872, %gather3A_865 : vector<16xi1>, vector<16xf32>
      %max3A_874 = arith.maximumf %max3A_854, %select_n3A_873 : vector<16xf32>
      %jit3A_875 = arith.constant 1 : i32
      %jit3A_876 = arith.constant 0 : i32
      %broadcast_in_dim3A_877 = vector.broadcast %jit3A_875 : i32 to vector<16xi32>
      %broadcast_in_dim3A_878 = vector.broadcast %jit3A_876 : i32 to vector<16xi32>
      %select_n3A_879 = arith.select %eq3A_866, %broadcast_in_dim3A_877, %broadcast_in_dim3A_878 : vector<16xi1>, vector<16xi32>
      %add3A_880 = arith.addi %add3A_860, %select_n3A_879 : vector<16xi32>
      %add3A_881 = arith.constant 32 : i32
      %add3A_882 = vector.broadcast %add3A_881 : i32 to vector<16xi32>
      %add3A_883 = arith.addi %mul3A_834, %add3A_882 : vector<16xi32>
      %add3A_884 = arith.addi %add3A_883, %iota3A : vector<16xi32>
      %gather3A_885 = tpu.vector_load_idx %arg6[%add3A_884] : memref<32768xf32, #tpu.memory_space<vmem>>[vector<16xi32>], vector<16xf32>,
      %eq3A_886 = arith.cmpf oeq, %gather3A_885, %max3A_799 : vector<16xf32>
      %jit3A_887 = arith.constant 1073741824 : i32
      %broadcast_in_dim3A_888 = vector.broadcast %jit3A_887 : i32 to vector<16xi32>
      %select_n3A_889 = arith.select %eq3A_886, %add3A_884, %broadcast_in_dim3A_888 : vector<16xi1>, vector<16xi32>
      %min3A_890 = arith.minsi %min3A_870, %select_n3A_889 : vector<16xi32>
      %jit3A_891 = arith.constant 0xFF800000 : f32
      %broadcast_in_dim3A_892 = vector.broadcast %jit3A_891 : f32 to vector<16xf32>
      %select_n3A_893 = arith.select %eq3A_886, %broadcast_in_dim3A_892, %gather3A_885 : vector<16xi1>, vector<16xf32>
      %max3A_894 = arith.maximumf %max3A_874, %select_n3A_893 : vector<16xf32>
      %jit3A_895 = arith.constant 1 : i32
      %jit3A_896 = arith.constant 0 : i32
      %broadcast_in_dim3A_897 = vector.broadcast %jit3A_895 : i32 to vector<16xi32>
      %broadcast_in_dim3A_898 = vector.broadcast %jit3A_896 : i32 to vector<16xi32>
      %select_n3A_899 = arith.select %eq3A_886, %broadcast_in_dim3A_897, %broadcast_in_dim3A_898 : vector<16xi1>, vector<16xi32>
      %add3A_900 = arith.addi %add3A_880, %select_n3A_899 : vector<16xi32>
      %add3A_901 = arith.constant 48 : i32
      %add3A_902 = vector.broadcast %add3A_901 : i32 to vector<16xi32>
      %add3A_903 = arith.addi %mul3A_834, %add3A_902 : vector<16xi32>
      %add3A_904 = arith.addi %add3A_903, %iota3A : vector<16xi32>
      %gather3A_905 = tpu.vector_load_idx %arg6[%add3A_904] : memref<32768xf32, #tpu.memory_space<vmem>>[vector<16xi32>], vector<16xf32>,
      %eq3A_906 = arith.cmpf oeq, %gather3A_905, %max3A_799 : vector<16xf32>
      %jit3A_907 = arith.constant 1073741824 : i32
      %broadcast_in_dim3A_908 = vector.broadcast %jit3A_907 : i32 to vector<16xi32>
      %select_n3A_909 = arith.select %eq3A_906, %add3A_904, %broadcast_in_dim3A_908 : vector<16xi1>, vector<16xi32>
      %min3A_910 = arith.minsi %min3A_890, %select_n3A_909 : vector<16xi32>
      %jit3A_911 = arith.constant 0xFF800000 : f32
      %broadcast_in_dim3A_912 = vector.broadcast %jit3A_911 : f32 to vector<16xf32>
      %select_n3A_913 = arith.select %eq3A_906, %broadcast_in_dim3A_912, %gather3A_905 : vector<16xi1>, vector<16xf32>
      %max3A_914 = arith.maximumf %max3A_894, %select_n3A_913 : vector<16xf32>
      %jit3A_915 = arith.constant 1 : i32
      %jit3A_916 = arith.constant 0 : i32
      %broadcast_in_dim3A_917 = vector.broadcast %jit3A_915 : i32 to vector<16xi32>
      %broadcast_in_dim3A_918 = vector.broadcast %jit3A_916 : i32 to vector<16xi32>
      %select_n3A_919 = arith.select %eq3A_906, %broadcast_in_dim3A_917, %broadcast_in_dim3A_918 : vector<16xi1>, vector<16xi32>
      %add3A_920 = arith.addi %add3A_900, %select_n3A_919 : vector<16xi32>
      %add3A_921 = arith.constant 64 : i32
      %add3A_922 = vector.broadcast %add3A_921 : i32 to vector<16xi32>
      %add3A_923 = arith.addi %mul3A_834, %add3A_922 : vector<16xi32>
      %add3A_924 = arith.addi %add3A_923, %iota3A : vector<16xi32>
      %gather3A_925 = tpu.vector_load_idx %arg6[%add3A_924] : memref<32768xf32, #tpu.memory_space<vmem>>[vector<16xi32>], vector<16xf32>,
      %eq3A_926 = arith.cmpf oeq, %gather3A_925, %max3A_799 : vector<16xf32>
      %jit3A_927 = arith.constant 1073741824 : i32
      %broadcast_in_dim3A_928 = vector.broadcast %jit3A_927 : i32 to vector<16xi32>
      %select_n3A_929 = arith.select %eq3A_926, %add3A_924, %broadcast_in_dim3A_928 : vector<16xi1>, vector<16xi32>
      %min3A_930 = arith.minsi %min3A_910, %select_n3A_929 : vector<16xi32>
      %jit3A_931 = arith.constant 0xFF800000 : f32
      %broadcast_in_dim3A_932 = vector.broadcast %jit3A_931 : f32 to vector<16xf32>
      %select_n3A_933 = arith.select %eq3A_926, %broadcast_in_dim3A_932, %gather3A_925 : vector<16xi1>, vector<16xf32>
      %max3A_934 = arith.maximumf %max3A_914, %select_n3A_933 : vector<16xf32>
      %jit3A_935 = arith.constant 1 : i32
      %jit3A_936 = arith.constant 0 : i32
      %broadcast_in_dim3A_937 = vector.broadcast %jit3A_935 : i32 to vector<16xi32>
      %broadcast_in_dim3A_938 = vector.broadcast %jit3A_936 : i32 to vector<16xi32>
      %select_n3A_939 = arith.select %eq3A_926, %broadcast_in_dim3A_937, %broadcast_in_dim3A_938 : vector<16xi1>, vector<16xi32>
      %add3A_940 = arith.addi %add3A_920, %select_n3A_939 : vector<16xi32>
      %add3A_941 = arith.constant 80 : i32
      %add3A_942 = vector.broadcast %add3A_941 : i32 to vector<16xi32>
      %add3A_943 = arith.addi %mul3A_834, %add3A_942 : vector<16xi32>
      %add3A_944 = arith.addi %add3A_943, %iota3A : vector<16xi32>
      %gather3A_945 = tpu.vector_load_idx %arg6[%add3A_944] : memref<32768xf32, #tpu.memory_space<vmem>>[vector<16xi32>], vector<16xf32>,
      %eq3A_946 = arith.cmpf oeq, %gather3A_945, %max3A_799 : vector<16xf32>
      %jit3A_947 = arith.constant 1073741824 : i32
      %broadcast_in_dim3A_948 = vector.broadcast %jit3A_947 : i32 to vector<16xi32>
      %select_n3A_949 = arith.select %eq3A_946, %add3A_944, %broadcast_in_dim3A_948 : vector<16xi1>, vector<16xi32>
      %min3A_950 = arith.minsi %min3A_930, %select_n3A_949 : vector<16xi32>
      %jit3A_951 = arith.constant 0xFF800000 : f32
      %broadcast_in_dim3A_952 = vector.broadcast %jit3A_951 : f32 to vector<16xf32>
      %select_n3A_953 = arith.select %eq3A_946, %broadcast_in_dim3A_952, %gather3A_945 : vector<16xi1>, vector<16xf32>
      %max3A_954 = arith.maximumf %max3A_934, %select_n3A_953 : vector<16xf32>
      %jit3A_955 = arith.constant 1 : i32
      %jit3A_956 = arith.constant 0 : i32
      %broadcast_in_dim3A_957 = vector.broadcast %jit3A_955 : i32 to vector<16xi32>
      %broadcast_in_dim3A_958 = vector.broadcast %jit3A_956 : i32 to vector<16xi32>
      %select_n3A_959 = arith.select %eq3A_946, %broadcast_in_dim3A_957, %broadcast_in_dim3A_958 : vector<16xi1>, vector<16xi32>
      %add3A_960 = arith.addi %add3A_940, %select_n3A_959 : vector<16xi32>
      %add3A_961 = arith.constant 96 : i32
      %add3A_962 = vector.broadcast %add3A_961 : i32 to vector<16xi32>
      %add3A_963 = arith.addi %mul3A_834, %add3A_962 : vector<16xi32>
      %add3A_964 = arith.addi %add3A_963, %iota3A : vector<16xi32>
      %gather3A_965 = tpu.vector_load_idx %arg6[%add3A_964] : memref<32768xf32, #tpu.memory_space<vmem>>[vector<16xi32>], vector<16xf32>,
      %eq3A_966 = arith.cmpf oeq, %gather3A_965, %max3A_799 : vector<16xf32>
      %jit3A_967 = arith.constant 1073741824 : i32
      %broadcast_in_dim3A_968 = vector.broadcast %jit3A_967 : i32 to vector<16xi32>
      %select_n3A_969 = arith.select %eq3A_966, %add3A_964, %broadcast_in_dim3A_968 : vector<16xi1>, vector<16xi32>
      %min3A_970 = arith.minsi %min3A_950, %select_n3A_969 : vector<16xi32>
      %jit3A_971 = arith.constant 0xFF800000 : f32
      %broadcast_in_dim3A_972 = vector.broadcast %jit3A_971 : f32 to vector<16xf32>
      %select_n3A_973 = arith.select %eq3A_966, %broadcast_in_dim3A_972, %gather3A_965 : vector<16xi1>, vector<16xf32>
      %max3A_974 = arith.maximumf %max3A_954, %select_n3A_973 : vector<16xf32>
      %jit3A_975 = arith.constant 1 : i32
      %jit3A_976 = arith.constant 0 : i32
      %broadcast_in_dim3A_977 = vector.broadcast %jit3A_975 : i32 to vector<16xi32>
      %broadcast_in_dim3A_978 = vector.broadcast %jit3A_976 : i32 to vector<16xi32>
      %select_n3A_979 = arith.select %eq3A_966, %broadcast_in_dim3A_977, %broadcast_in_dim3A_978 : vector<16xi1>, vector<16xi32>
      %add3A_980 = arith.addi %add3A_960, %select_n3A_979 : vector<16xi32>
      %add3A_981 = arith.constant 112 : i32
      %add3A_982 = vector.broadcast %add3A_981 : i32 to vector<16xi32>
      %add3A_983 = arith.addi %mul3A_834, %add3A_982 : vector<16xi32>
      %add3A_984 = arith.addi %add3A_983, %iota3A : vector<16xi32>
      %gather3A_985 = tpu.vector_load_idx %arg6[%add3A_984] : memref<32768xf32, #tpu.memory_space<vmem>>[vector<16xi32>], vector<16xf32>,
      %eq3A_986 = arith.cmpf oeq, %gather3A_985, %max3A_799 : vector<16xf32>
      %jit3A_987 = arith.constant 1073741824 : i32
      %broadcast_in_dim3A_988 = vector.broadcast %jit3A_987 : i32 to vector<16xi32>
      %select_n3A_989 = arith.select %eq3A_986, %add3A_984, %broadcast_in_dim3A_988 : vector<16xi1>, vector<16xi32>
      %min3A_990 = arith.minsi %min3A_970, %select_n3A_989 : vector<16xi32>
      %jit3A_991 = arith.constant 0xFF800000 : f32
      %broadcast_in_dim3A_992 = vector.broadcast %jit3A_991 : f32 to vector<16xf32>
      %select_n3A_993 = arith.select %eq3A_986, %broadcast_in_dim3A_992, %gather3A_985 : vector<16xi1>, vector<16xf32>
      %max3A_994 = arith.maximumf %max3A_974, %select_n3A_993 : vector<16xf32>
      %jit3A_995 = arith.constant 1 : i32
      %jit3A_996 = arith.constant 0 : i32
      %broadcast_in_dim3A_997 = vector.broadcast %jit3A_995 : i32 to vector<16xi32>
      %broadcast_in_dim3A_998 = vector.broadcast %jit3A_996 : i32 to vector<16xi32>
      %select_n3A_999 = arith.select %eq3A_986, %broadcast_in_dim3A_997, %broadcast_in_dim3A_998 : vector<16xi1>, vector<16xi32>
      %add3A_1000 = arith.addi %add3A_980, %select_n3A_999 : vector<16xi32>
      %add3A_1001 = arith.constant 128 : i32
      %add3A_1002 = vector.broadcast %add3A_1001 : i32 to vector<16xi32>
      %add3A_1003 = arith.addi %mul3A_834, %add3A_1002 : vector<16xi32>
      %add3A_1004 = arith.addi %add3A_1003, %iota3A : vector<16xi32>
      %gather3A_1005 = tpu.vector_load_idx %arg6[%add3A_1004] : memref<32768xf32, #tpu.memory_space<vmem>>[vector<16xi32>], vector<16xf32>,
      %eq3A_1006 = arith.cmpf oeq, %gather3A_1005, %max3A_799 : vector<16xf32>
      %jit3A_1007 = arith.constant 1073741824 : i32
      %broadcast_in_dim3A_1008 = vector.broadcast %jit3A_1007 : i32 to vector<16xi32>
      %select_n3A_1009 = arith.select %eq3A_1006, %add3A_1004, %broadcast_in_dim3A_1008 : vector<16xi1>, vector<16xi32>
      %min3A_1010 = arith.minsi %min3A_990, %select_n3A_1009 : vector<16xi32>
      %jit3A_1011 = arith.constant 0xFF800000 : f32
      %broadcast_in_dim3A_1012 = vector.broadcast %jit3A_1011 : f32 to vector<16xf32>
      %select_n3A_1013 = arith.select %eq3A_1006, %broadcast_in_dim3A_1012, %gather3A_1005 : vector<16xi1>, vector<16xf32>
      %max3A_1014 = arith.maximumf %max3A_994, %select_n3A_1013 : vector<16xf32>
      %jit3A_1015 = arith.constant 1 : i32
      %jit3A_1016 = arith.constant 0 : i32
      %broadcast_in_dim3A_1017 = vector.broadcast %jit3A_1015 : i32 to vector<16xi32>
      %broadcast_in_dim3A_1018 = vector.broadcast %jit3A_1016 : i32 to vector<16xi32>
      %select_n3A_1019 = arith.select %eq3A_1006, %broadcast_in_dim3A_1017, %broadcast_in_dim3A_1018 : vector<16xi1>, vector<16xi32>
      %add3A_1020 = arith.addi %add3A_1000, %select_n3A_1019 : vector<16xi32>
      %add3A_1021 = arith.constant 144 : i32
      %add3A_1022 = vector.broadcast %add3A_1021 : i32 to vector<16xi32>
      %add3A_1023 = arith.addi %mul3A_834, %add3A_1022 : vector<16xi32>
      %add3A_1024 = arith.addi %add3A_1023, %iota3A : vector<16xi32>
      %gather3A_1025 = tpu.vector_load_idx %arg6[%add3A_1024] : memref<32768xf32, #tpu.memory_space<vmem>>[vector<16xi32>], vector<16xf32>,
      %eq3A_1026 = arith.cmpf oeq, %gather3A_1025, %max3A_799 : vector<16xf32>
      %jit3A_1027 = arith.constant 1073741824 : i32
      %broadcast_in_dim3A_1028 = vector.broadcast %jit3A_1027 : i32 to vector<16xi32>
      %select_n3A_1029 = arith.select %eq3A_1026, %add3A_1024, %broadcast_in_dim3A_1028 : vector<16xi1>, vector<16xi32>
      %min3A_1030 = arith.minsi %min3A_1010, %select_n3A_1029 : vector<16xi32>
      %jit3A_1031 = arith.constant 0xFF800000 : f32
      %broadcast_in_dim3A_1032 = vector.broadcast %jit3A_1031 : f32 to vector<16xf32>
      %select_n3A_1033 = arith.select %eq3A_1026, %broadcast_in_dim3A_1032, %gather3A_1025 : vector<16xi1>, vector<16xf32>
      %max3A_1034 = arith.maximumf %max3A_1014, %select_n3A_1033 : vector<16xf32>
      %jit3A_1035 = arith.constant 1 : i32
      %jit3A_1036 = arith.constant 0 : i32
      %broadcast_in_dim3A_1037 = vector.broadcast %jit3A_1035 : i32 to vector<16xi32>
      %broadcast_in_dim3A_1038 = vector.broadcast %jit3A_1036 : i32 to vector<16xi32>
      %select_n3A_1039 = arith.select %eq3A_1026, %broadcast_in_dim3A_1037, %broadcast_in_dim3A_1038 : vector<16xi1>, vector<16xi32>
      %add3A_1040 = arith.addi %add3A_1020, %select_n3A_1039 : vector<16xi32>
      %add3A_1041 = arith.constant 160 : i32
      %add3A_1042 = vector.broadcast %add3A_1041 : i32 to vector<16xi32>
      %add3A_1043 = arith.addi %mul3A_834, %add3A_1042 : vector<16xi32>
      %add3A_1044 = arith.addi %add3A_1043, %iota3A : vector<16xi32>
      %gather3A_1045 = tpu.vector_load_idx %arg6[%add3A_1044] : memref<32768xf32, #tpu.memory_space<vmem>>[vector<16xi32>], vector<16xf32>,
      %eq3A_1046 = arith.cmpf oeq, %gather3A_1045, %max3A_799 : vector<16xf32>
      %jit3A_1047 = arith.constant 1073741824 : i32
      %broadcast_in_dim3A_1048 = vector.broadcast %jit3A_1047 : i32 to vector<16xi32>
      %select_n3A_1049 = arith.select %eq3A_1046, %add3A_1044, %broadcast_in_dim3A_1048 : vector<16xi1>, vector<16xi32>
      %min3A_1050 = arith.minsi %min3A_1030, %select_n3A_1049 : vector<16xi32>
      %jit3A_1051 = arith.constant 0xFF800000 : f32
      %broadcast_in_dim3A_1052 = vector.broadcast %jit3A_1051 : f32 to vector<16xf32>
      %select_n3A_1053 = arith.select %eq3A_1046, %broadcast_in_dim3A_1052, %gather3A_1045 : vector<16xi1>, vector<16xf32>
      %max3A_1054 = arith.maximumf %max3A_1034, %select_n3A_1053 : vector<16xf32>
      %jit3A_1055 = arith.constant 1 : i32
      %jit3A_1056 = arith.constant 0 : i32
      %broadcast_in_dim3A_1057 = vector.broadcast %jit3A_1055 : i32 to vector<16xi32>
      %broadcast_in_dim3A_1058 = vector.broadcast %jit3A_1056 : i32 to vector<16xi32>
      %select_n3A_1059 = arith.select %eq3A_1046, %broadcast_in_dim3A_1057, %broadcast_in_dim3A_1058 : vector<16xi1>, vector<16xi32>
      %add3A_1060 = arith.addi %add3A_1040, %select_n3A_1059 : vector<16xi32>
      %add3A_1061 = arith.constant 176 : i32
      %add3A_1062 = vector.broadcast %add3A_1061 : i32 to vector<16xi32>
      %add3A_1063 = arith.addi %mul3A_834, %add3A_1062 : vector<16xi32>
      %add3A_1064 = arith.addi %add3A_1063, %iota3A : vector<16xi32>
      %gather3A_1065 = tpu.vector_load_idx %arg6[%add3A_1064] : memref<32768xf32, #tpu.memory_space<vmem>>[vector<16xi32>], vector<16xf32>,
      %eq3A_1066 = arith.cmpf oeq, %gather3A_1065, %max3A_799 : vector<16xf32>
      %jit3A_1067 = arith.constant 1073741824 : i32
      %broadcast_in_dim3A_1068 = vector.broadcast %jit3A_1067 : i32 to vector<16xi32>
      %select_n3A_1069 = arith.select %eq3A_1066, %add3A_1064, %broadcast_in_dim3A_1068 : vector<16xi1>, vector<16xi32>
      %min3A_1070 = arith.minsi %min3A_1050, %select_n3A_1069 : vector<16xi32>
      %jit3A_1071 = arith.constant 0xFF800000 : f32
      %broadcast_in_dim3A_1072 = vector.broadcast %jit3A_1071 : f32 to vector<16xf32>
      %select_n3A_1073 = arith.select %eq3A_1066, %broadcast_in_dim3A_1072, %gather3A_1065 : vector<16xi1>, vector<16xf32>
      %max3A_1074 = arith.maximumf %max3A_1054, %select_n3A_1073 : vector<16xf32>
      %jit3A_1075 = arith.constant 1 : i32
      %jit3A_1076 = arith.constant 0 : i32
      %broadcast_in_dim3A_1077 = vector.broadcast %jit3A_1075 : i32 to vector<16xi32>
      %broadcast_in_dim3A_1078 = vector.broadcast %jit3A_1076 : i32 to vector<16xi32>
      %select_n3A_1079 = arith.select %eq3A_1066, %broadcast_in_dim3A_1077, %broadcast_in_dim3A_1078 : vector<16xi1>, vector<16xi32>
      %add3A_1080 = arith.addi %add3A_1060, %select_n3A_1079 : vector<16xi32>
      %add3A_1081 = arith.constant 192 : i32
      %add3A_1082 = vector.broadcast %add3A_1081 : i32 to vector<16xi32>
      %add3A_1083 = arith.addi %mul3A_834, %add3A_1082 : vector<16xi32>
      %add3A_1084 = arith.addi %add3A_1083, %iota3A : vector<16xi32>
      %gather3A_1085 = tpu.vector_load_idx %arg6[%add3A_1084] : memref<32768xf32, #tpu.memory_space<vmem>>[vector<16xi32>], vector<16xf32>,
      %eq3A_1086 = arith.cmpf oeq, %gather3A_1085, %max3A_799 : vector<16xf32>
      %jit3A_1087 = arith.constant 1073741824 : i32
      %broadcast_in_dim3A_1088 = vector.broadcast %jit3A_1087 : i32 to vector<16xi32>
      %select_n3A_1089 = arith.select %eq3A_1086, %add3A_1084, %broadcast_in_dim3A_1088 : vector<16xi1>, vector<16xi32>
      %min3A_1090 = arith.minsi %min3A_1070, %select_n3A_1089 : vector<16xi32>
      %jit3A_1091 = arith.constant 0xFF800000 : f32
      %broadcast_in_dim3A_1092 = vector.broadcast %jit3A_1091 : f32 to vector<16xf32>
      %select_n3A_1093 = arith.select %eq3A_1086, %broadcast_in_dim3A_1092, %gather3A_1085 : vector<16xi1>, vector<16xf32>
      %max3A_1094 = arith.maximumf %max3A_1074, %select_n3A_1093 : vector<16xf32>
      %jit3A_1095 = arith.constant 1 : i32
      %jit3A_1096 = arith.constant 0 : i32
      %broadcast_in_dim3A_1097 = vector.broadcast %jit3A_1095 : i32 to vector<16xi32>
      %broadcast_in_dim3A_1098 = vector.broadcast %jit3A_1096 : i32 to vector<16xi32>
      %select_n3A_1099 = arith.select %eq3A_1086, %broadcast_in_dim3A_1097, %broadcast_in_dim3A_1098 : vector<16xi1>, vector<16xi32>
      %add3A_1100 = arith.addi %add3A_1080, %select_n3A_1099 : vector<16xi32>
      %add3A_1101 = arith.constant 208 : i32
      %add3A_1102 = vector.broadcast %add3A_1101 : i32 to vector<16xi32>
      %add3A_1103 = arith.addi %mul3A_834, %add3A_1102 : vector<16xi32>
      %add3A_1104 = arith.addi %add3A_1103, %iota3A : vector<16xi32>
      %gather3A_1105 = tpu.vector_load_idx %arg6[%add3A_1104] : memref<32768xf32, #tpu.memory_space<vmem>>[vector<16xi32>], vector<16xf32>,
      %eq3A_1106 = arith.cmpf oeq, %gather3A_1105, %max3A_799 : vector<16xf32>
      %jit3A_1107 = arith.constant 1073741824 : i32
      %broadcast_in_dim3A_1108 = vector.broadcast %jit3A_1107 : i32 to vector<16xi32>
      %select_n3A_1109 = arith.select %eq3A_1106, %add3A_1104, %broadcast_in_dim3A_1108 : vector<16xi1>, vector<16xi32>
      %min3A_1110 = arith.minsi %min3A_1090, %select_n3A_1109 : vector<16xi32>
      %jit3A_1111 = arith.constant 0xFF800000 : f32
      %broadcast_in_dim3A_1112 = vector.broadcast %jit3A_1111 : f32 to vector<16xf32>
      %select_n3A_1113 = arith.select %eq3A_1106, %broadcast_in_dim3A_1112, %gather3A_1105 : vector<16xi1>, vector<16xf32>
      %max3A_1114 = arith.maximumf %max3A_1094, %select_n3A_1113 : vector<16xf32>
      %jit3A_1115 = arith.constant 1 : i32
      %jit3A_1116 = arith.constant 0 : i32
      %broadcast_in_dim3A_1117 = vector.broadcast %jit3A_1115 : i32 to vector<16xi32>
      %broadcast_in_dim3A_1118 = vector.broadcast %jit3A_1116 : i32 to vector<16xi32>
      %select_n3A_1119 = arith.select %eq3A_1106, %broadcast_in_dim3A_1117, %broadcast_in_dim3A_1118 : vector<16xi1>, vector<16xi32>
      %add3A_1120 = arith.addi %add3A_1100, %select_n3A_1119 : vector<16xi32>
      %add3A_1121 = arith.constant 224 : i32
      %add3A_1122 = vector.broadcast %add3A_1121 : i32 to vector<16xi32>
      %add3A_1123 = arith.addi %mul3A_834, %add3A_1122 : vector<16xi32>
      %add3A_1124 = arith.addi %add3A_1123, %iota3A : vector<16xi32>
      %gather3A_1125 = tpu.vector_load_idx %arg6[%add3A_1124] : memref<32768xf32, #tpu.memory_space<vmem>>[vector<16xi32>], vector<16xf32>,
      %eq3A_1126 = arith.cmpf oeq, %gather3A_1125, %max3A_799 : vector<16xf32>
      %jit3A_1127 = arith.constant 1073741824 : i32
      %broadcast_in_dim3A_1128 = vector.broadcast %jit3A_1127 : i32 to vector<16xi32>
      %select_n3A_1129 = arith.select %eq3A_1126, %add3A_1124, %broadcast_in_dim3A_1128 : vector<16xi1>, vector<16xi32>
      %min3A_1130 = arith.minsi %min3A_1110, %select_n3A_1129 : vector<16xi32>
      %jit3A_1131 = arith.constant 0xFF800000 : f32
      %broadcast_in_dim3A_1132 = vector.broadcast %jit3A_1131 : f32 to vector<16xf32>
      %select_n3A_1133 = arith.select %eq3A_1126, %broadcast_in_dim3A_1132, %gather3A_1125 : vector<16xi1>, vector<16xf32>
      %max3A_1134 = arith.maximumf %max3A_1114, %select_n3A_1133 : vector<16xf32>
      %jit3A_1135 = arith.constant 1 : i32
      %jit3A_1136 = arith.constant 0 : i32
      %broadcast_in_dim3A_1137 = vector.broadcast %jit3A_1135 : i32 to vector<16xi32>
      %broadcast_in_dim3A_1138 = vector.broadcast %jit3A_1136 : i32 to vector<16xi32>
      %select_n3A_1139 = arith.select %eq3A_1126, %broadcast_in_dim3A_1137, %broadcast_in_dim3A_1138 : vector<16xi1>, vector<16xi32>
      %add3A_1140 = arith.addi %add3A_1120, %select_n3A_1139 : vector<16xi32>
      %add3A_1141 = arith.constant 240 : i32
      %add3A_1142 = vector.broadcast %add3A_1141 : i32 to vector<16xi32>
      %add3A_1143 = arith.addi %mul3A_834, %add3A_1142 : vector<16xi32>
      %add3A_1144 = arith.addi %add3A_1143, %iota3A : vector<16xi32>
      %gather3A_1145 = tpu.vector_load_idx %arg6[%add3A_1144] : memref<32768xf32, #tpu.memory_space<vmem>>[vector<16xi32>], vector<16xf32>,
      %eq3A_1146 = arith.cmpf oeq, %gather3A_1145, %max3A_799 : vector<16xf32>
      %jit3A_1147 = arith.constant 1073741824 : i32
      %broadcast_in_dim3A_1148 = vector.broadcast %jit3A_1147 : i32 to vector<16xi32>
      %select_n3A_1149 = arith.select %eq3A_1146, %add3A_1144, %broadcast_in_dim3A_1148 : vector<16xi1>, vector<16xi32>
      %min3A_1150 = arith.minsi %min3A_1130, %select_n3A_1149 : vector<16xi32>
      %jit3A_1151 = arith.constant 0xFF800000 : f32
      %broadcast_in_dim3A_1152 = vector.broadcast %jit3A_1151 : f32 to vector<16xf32>
      %select_n3A_1153 = arith.select %eq3A_1146, %broadcast_in_dim3A_1152, %gather3A_1145 : vector<16xi1>, vector<16xf32>
      %max3A_1154 = arith.maximumf %max3A_1134, %select_n3A_1153 : vector<16xf32>
      %jit3A_1155 = arith.constant 1 : i32
      %jit3A_1156 = arith.constant 0 : i32
      %broadcast_in_dim3A_1157 = vector.broadcast %jit3A_1155 : i32 to vector<16xi32>
      %broadcast_in_dim3A_1158 = vector.broadcast %jit3A_1156 : i32 to vector<16xi32>
      %select_n3A_1159 = arith.select %eq3A_1146, %broadcast_in_dim3A_1157, %broadcast_in_dim3A_1158 : vector<16xi1>, vector<16xi32>
      %add3A_1160 = arith.addi %add3A_1140, %select_n3A_1159 : vector<16xi32>
      %xor3A_1161 = arith.constant 8 : i32
      %xor3A_1162 = vector.broadcast %xor3A_1161 : i32 to vector<16xi32>
      %xor3A_1163 = arith.xori %iota3A, %xor3A_1162 : vector<16xi32>
      %broadcast_in_dim3A_1164 = vector.shape_cast %xor3A_1163 : vector<16xi32> to vector<16x1xi32>
      %gather3A_1165 = vector.shape_cast %broadcast_in_dim3A_1164 : vector<16x1xi32> to vector<16xi32>
      %gather3A_1166 = tpu.dynamic_gather %min3A_1150[%gather3A_1165] in [0] : vector<16xi32>, vector<16xi32> -> vector<16xi32>
      %min3A_1167 = arith.minsi %min3A_1150, %gather3A_1166 : vector<16xi32>
      %xor3A_1168 = arith.constant 4 : i32
      %xor3A_1169 = vector.broadcast %xor3A_1168 : i32 to vector<16xi32>
      %xor3A_1170 = arith.xori %iota3A, %xor3A_1169 : vector<16xi32>
      %broadcast_in_dim3A_1171 = vector.shape_cast %xor3A_1170 : vector<16xi32> to vector<16x1xi32>
      %gather3A_1172 = vector.shape_cast %broadcast_in_dim3A_1171 : vector<16x1xi32> to vector<16xi32>
      %gather3A_1173 = tpu.dynamic_gather %min3A_1167[%gather3A_1172] in [0] : vector<16xi32>, vector<16xi32> -> vector<16xi32>
      %min3A_1174 = arith.minsi %min3A_1167, %gather3A_1173 : vector<16xi32>
      %xor3A_1175 = arith.constant 2 : i32
      %xor3A_1176 = vector.broadcast %xor3A_1175 : i32 to vector<16xi32>
      %xor3A_1177 = arith.xori %iota3A, %xor3A_1176 : vector<16xi32>
      %broadcast_in_dim3A_1178 = vector.shape_cast %xor3A_1177 : vector<16xi32> to vector<16x1xi32>
      %gather3A_1179 = vector.shape_cast %broadcast_in_dim3A_1178 : vector<16x1xi32> to vector<16xi32>
      %gather3A_1180 = tpu.dynamic_gather %min3A_1174[%gather3A_1179] in [0] : vector<16xi32>, vector<16xi32> -> vector<16xi32>
      %min3A_1181 = arith.minsi %min3A_1174, %gather3A_1180 : vector<16xi32>
      %xor3A_1182 = arith.constant 1 : i32
      %xor3A_1183 = vector.broadcast %xor3A_1182 : i32 to vector<16xi32>
      %xor3A_1184 = arith.xori %iota3A, %xor3A_1183 : vector<16xi32>
      %broadcast_in_dim3A_1185 = vector.shape_cast %xor3A_1184 : vector<16xi32> to vector<16x1xi32>
      %gather3A_1186 = vector.shape_cast %broadcast_in_dim3A_1185 : vector<16x1xi32> to vector<16xi32>
      %gather3A_1187 = tpu.dynamic_gather %min3A_1181[%gather3A_1186] in [0] : vector<16xi32>, vector<16xi32> -> vector<16xi32>
      %min3A_1188 = arith.minsi %min3A_1181, %gather3A_1187 : vector<16xi32>
      %broadcast_in_dim3A_1189 = vector.broadcast %scan3A_153 : i32 to vector<16xi32>
      tpu.vector_store_idx %arg9[%broadcast_in_dim3A_1189], %max3A_799 masked %eq3A_2 : memref<64xf32, #tpu.memory_space<vmem>>[vector<16xi32>], vector<16xf32>, vector<16xi1>
      tpu.vector_store_idx %arg11[%broadcast_in_dim3A_1189], %min3A_1188 masked %eq3A_2 : memref<64xi32, #tpu.memory_space<vmem>>[vector<16xi32>], vector<16xi32>, vector<16xi1>
      %broadcast_in_dim3A_1190 = arith.constant 0xFF800000 : f32
      %broadcast_in_dim3A_1191 = vector.broadcast %broadcast_in_dim3A_1190 : f32 to vector<16xf32>
      tpu.vector_store_idx %arg6[%min3A_1188], %broadcast_in_dim3A_1191 masked %eq3A_2 : memref<32768xf32, #tpu.memory_space<vmem>>[vector<16xi32>], vector<16xf32>, vector<16xi1>
      %xor3A_1192 = arith.constant 8 : i32
      %xor3A_1193 = vector.broadcast %xor3A_1192 : i32 to vector<16xi32>
      %xor3A_1194 = arith.xori %iota3A, %xor3A_1193 : vector<16xi32>
      %broadcast_in_dim3A_1195 = vector.shape_cast %xor3A_1194 : vector<16xi32> to vector<16x1xi32>
      %gather3A_1196 = vector.shape_cast %broadcast_in_dim3A_1195 : vector<16x1xi32> to vector<16xi32>
      %gather3A_1197 = tpu.dynamic_gather %add3A_1160[%gather3A_1196] in [0] : vector<16xi32>, vector<16xi32> -> vector<16xi32>
      %add3A_1198 = arith.addi %add3A_1160, %gather3A_1197 : vector<16xi32>
      %xor3A_1199 = arith.constant 4 : i32
      %xor3A_1200 = vector.broadcast %xor3A_1199 : i32 to vector<16xi32>
      %xor3A_1201 = arith.xori %iota3A, %xor3A_1200 : vector<16xi32>
      %broadcast_in_dim3A_1202 = vector.shape_cast %xor3A_1201 : vector<16xi32> to vector<16x1xi32>
      %gather3A_1203 = vector.shape_cast %broadcast_in_dim3A_1202 : vector<16x1xi32> to vector<16xi32>
      %gather3A_1204 = tpu.dynamic_gather %add3A_1198[%gather3A_1203] in [0] : vector<16xi32>, vector<16xi32> -> vector<16xi32>
      %add3A_1205 = arith.addi %add3A_1198, %gather3A_1204 : vector<16xi32>
      %xor3A_1206 = arith.constant 2 : i32
      %xor3A_1207 = vector.broadcast %xor3A_1206 : i32 to vector<16xi32>
      %xor3A_1208 = arith.xori %iota3A, %xor3A_1207 : vector<16xi32>
      %broadcast_in_dim3A_1209 = vector.shape_cast %xor3A_1208 : vector<16xi32> to vector<16x1xi32>
      %gather3A_1210 = vector.shape_cast %broadcast_in_dim3A_1209 : vector<16x1xi32> to vector<16xi32>
      %gather3A_1211 = tpu.dynamic_gather %add3A_1205[%gather3A_1210] in [0] : vector<16xi32>, vector<16xi32> -> vector<16xi32>
      %add3A_1212 = arith.addi %add3A_1205, %gather3A_1211 : vector<16xi32>
      %xor3A_1213 = arith.constant 1 : i32
      %xor3A_1214 = vector.broadcast %xor3A_1213 : i32 to vector<16xi32>
      %xor3A_1215 = arith.xori %iota3A, %xor3A_1214 : vector<16xi32>
      %broadcast_in_dim3A_1216 = vector.shape_cast %xor3A_1215 : vector<16xi32> to vector<16x1xi32>
      %gather3A_1217 = vector.shape_cast %broadcast_in_dim3A_1216 : vector<16x1xi32> to vector<16xi32>
      %gather3A_1218 = tpu.dynamic_gather %add3A_1212[%gather3A_1217] in [0] : vector<16xi32>, vector<16xi32> -> vector<16xi32>
      %add3A_1219 = arith.addi %add3A_1212, %gather3A_1218 : vector<16xi32>
      %gt3A_1220 = arith.constant 1 : i32
      %gt3A_1221 = vector.broadcast %gt3A_1220 : i32 to vector<16xi32>
      %gt3A_1222 = arith.cmpi sgt, %add3A_1219, %gt3A_1221 : vector<16xi32>
      %xor3A_1223 = arith.constant 8 : i32
      %xor3A_1224 = vector.broadcast %xor3A_1223 : i32 to vector<16xi32>
      %xor3A_1225 = arith.xori %iota3A, %xor3A_1224 : vector<16xi32>
      %broadcast_in_dim3A_1226 = vector.shape_cast %xor3A_1225 : vector<16xi32> to vector<16x1xi32>
      %gather3A_1227 = vector.shape_cast %broadcast_in_dim3A_1226 : vector<16x1xi32> to vector<16xi32>
      %gather3A_1228 = tpu.dynamic_gather %max3A_1154[%gather3A_1227] in [0] : vector<16xf32>, vector<16xi32> -> vector<16xf32>
      %max3A_1229 = arith.maximumf %max3A_1154, %gather3A_1228 : vector<16xf32>
      %xor3A_1230 = arith.constant 4 : i32
      %xor3A_1231 = vector.broadcast %xor3A_1230 : i32 to vector<16xi32>
      %xor3A_1232 = arith.xori %iota3A, %xor3A_1231 : vector<16xi32>
      %broadcast_in_dim3A_1233 = vector.shape_cast %xor3A_1232 : vector<16xi32> to vector<16x1xi32>
      %gather3A_1234 = vector.shape_cast %broadcast_in_dim3A_1233 : vector<16x1xi32> to vector<16xi32>
      %gather3A_1235 = tpu.dynamic_gather %max3A_1229[%gather3A_1234] in [0] : vector<16xf32>, vector<16xi32> -> vector<16xf32>
      %max3A_1236 = arith.maximumf %max3A_1229, %gather3A_1235 : vector<16xf32>
      %xor3A_1237 = arith.constant 2 : i32
      %xor3A_1238 = vector.broadcast %xor3A_1237 : i32 to vector<16xi32>
      %xor3A_1239 = arith.xori %iota3A, %xor3A_1238 : vector<16xi32>
      %broadcast_in_dim3A_1240 = vector.shape_cast %xor3A_1239 : vector<16xi32> to vector<16x1xi32>
      %gather3A_1241 = vector.shape_cast %broadcast_in_dim3A_1240 : vector<16x1xi32> to vector<16xi32>
      %gather3A_1242 = tpu.dynamic_gather %max3A_1236[%gather3A_1241] in [0] : vector<16xf32>, vector<16xi32> -> vector<16xf32>
      %max3A_1243 = arith.maximumf %max3A_1236, %gather3A_1242 : vector<16xf32>
      %xor3A_1244 = arith.constant 1 : i32
      %xor3A_1245 = vector.broadcast %xor3A_1244 : i32 to vector<16xi32>
      %xor3A_1246 = arith.xori %iota3A, %xor3A_1245 : vector<16xi32>
      %broadcast_in_dim3A_1247 = vector.shape_cast %xor3A_1246 : vector<16xi32> to vector<16x1xi32>
      %gather3A_1248 = vector.shape_cast %broadcast_in_dim3A_1247 : vector<16x1xi32> to vector<16xi32>
      %gather3A_1249 = tpu.dynamic_gather %max3A_1243[%gather3A_1248] in [0] : vector<16xf32>, vector<16xi32> -> vector<16xf32>
      %max3A_1250 = arith.maximumf %max3A_1243, %gather3A_1249 : vector<16xf32>
      %select_n3A_1251 = arith.select %gt3A_1222, %max3A_799, %max3A_1250 : vector<16xi1>, vector<16xf32>
      %and3A_1252 = arith.constant 15 : i32
      %and3A_1253 = vector.broadcast %and3A_1252 : i32 to vector<16xi32>
      %and3A_1254 = arith.andi %min3A_831, %and3A_1253 : vector<16xi32>
      %shift_right_logical3A_1255 = arith.constant 4 : i32
      %shift_right_logical3A_1256 = vector.broadcast %shift_right_logical3A_1255 : i32 to vector<16xi32>
      %shift_right_logical3A_1257 = arith.shrui %min3A_831, %shift_right_logical3A_1256 : vector<16xi32>
      %eq3A_1258 = arith.cmpi eq, %iota3A, %and3A_1254 : vector<16xi32>
      %eq3A_1259 = arith.constant 0 : i32
      %eq3A_1260 = vector.broadcast %eq3A_1259 : i32 to vector<16xi32>
      %eq3A_1261 = arith.cmpi eq, %shift_right_logical3A_1257, %eq3A_1260 : vector<16xi32>
      %and3A_1262 = arith.andi %eq3A_1261, %eq3A_1258 : vector<16xi1>
      %select_n3A_1263 = arith.select %and3A_1262, %select_n3A_1251, %scan3A_162 : vector<16xi1>, vector<16xf32>
      %eq3A_1264 = arith.constant 1 : i32
      %eq3A_1265 = vector.broadcast %eq3A_1264 : i32 to vector<16xi32>
      %eq3A_1266 = arith.cmpi eq, %shift_right_logical3A_1257, %eq3A_1265 : vector<16xi32>
      %and3A_1267 = arith.andi %eq3A_1266, %eq3A_1258 : vector<16xi1>
      %select_n3A_1268 = arith.select %and3A_1267, %select_n3A_1251, %scan3A_163 : vector<16xi1>, vector<16xf32>
      %eq3A_1269 = arith.constant 2 : i32
      %eq3A_1270 = vector.broadcast %eq3A_1269 : i32 to vector<16xi32>
      %eq3A_1271 = arith.cmpi eq, %shift_right_logical3A_1257, %eq3A_1270 : vector<16xi32>
      %and3A_1272 = arith.andi %eq3A_1271, %eq3A_1258 : vector<16xi1>
      %select_n3A_1273 = arith.select %and3A_1272, %select_n3A_1251, %scan3A_164 : vector<16xi1>, vector<16xf32>
      %eq3A_1274 = arith.constant 3 : i32
      %eq3A_1275 = vector.broadcast %eq3A_1274 : i32 to vector<16xi32>
      %eq3A_1276 = arith.cmpi eq, %shift_right_logical3A_1257, %eq3A_1275 : vector<16xi32>
      %and3A_1277 = arith.andi %eq3A_1276, %eq3A_1258 : vector<16xi1>
      %select_n3A_1278 = arith.select %and3A_1277, %select_n3A_1251, %scan3A_165 : vector<16xi1>, vector<16xf32>
      %eq3A_1279 = arith.constant 4 : i32
      %eq3A_1280 = vector.broadcast %eq3A_1279 : i32 to vector<16xi32>
      %eq3A_1281 = arith.cmpi eq, %shift_right_logical3A_1257, %eq3A_1280 : vector<16xi32>
      %and3A_1282 = arith.andi %eq3A_1281, %eq3A_1258 : vector<16xi1>
      %select_n3A_1283 = arith.select %and3A_1282, %select_n3A_1251, %scan3A_166 : vector<16xi1>, vector<16xf32>
      %eq3A_1284 = arith.constant 5 : i32
      %eq3A_1285 = vector.broadcast %eq3A_1284 : i32 to vector<16xi32>
      %eq3A_1286 = arith.cmpi eq, %shift_right_logical3A_1257, %eq3A_1285 : vector<16xi32>
      %and3A_1287 = arith.andi %eq3A_1286, %eq3A_1258 : vector<16xi1>
      %select_n3A_1288 = arith.select %and3A_1287, %select_n3A_1251, %scan3A_167 : vector<16xi1>, vector<16xf32>
      %eq3A_1289 = arith.constant 6 : i32
      %eq3A_1290 = vector.broadcast %eq3A_1289 : i32 to vector<16xi32>
      %eq3A_1291 = arith.cmpi eq, %shift_right_logical3A_1257, %eq3A_1290 : vector<16xi32>
      %and3A_1292 = arith.andi %eq3A_1291, %eq3A_1258 : vector<16xi1>
      %select_n3A_1293 = arith.select %and3A_1292, %select_n3A_1251, %scan3A_168 : vector<16xi1>, vector<16xf32>
      %eq3A_1294 = arith.constant 7 : i32
      %eq3A_1295 = vector.broadcast %eq3A_1294 : i32 to vector<16xi32>
      %eq3A_1296 = arith.cmpi eq, %shift_right_logical3A_1257, %eq3A_1295 : vector<16xi32>
      %and3A_1297 = arith.andi %eq3A_1296, %eq3A_1258 : vector<16xi1>
      %select_n3A_1298 = arith.select %and3A_1297, %select_n3A_1251, %scan3A_169 : vector<16xi1>, vector<16xf32>
      scf.yield %select_n3A_694, %select_n3A_699, %select_n3A_704, %select_n3A_709, %select_n3A_714, %select_n3A_719, %select_n3A_724, %select_n3A_729, %select_n3A_1263, %select_n3A_1268, %select_n3A_1273, %select_n3A_1278, %select_n3A_1283, %select_n3A_1288, %select_n3A_1293, %select_n3A_1298 : vector<16xf32>, vector<16xf32>, vector<16xf32>, vector<16xf32>, vector<16xf32>, vector<16xf32>, vector<16xf32>, vector<16xf32>, vector<16xf32>, vector<16xf32>, vector<16xf32>, vector<16xf32>, vector<16xf32>, vector<16xf32>, vector<16xf32>, vector<16xf32>
    }
    %scan3A_84 = arith.constant 64 : i32
    "tpu.region"() ({
      %run_scoped3A = tpu.sem_alloc : memref<!tpu.dma_semaphore, #tpu.memory_space<semaphore_mem>>
      %dma_start3A_153 = arith.constant 0 : i32
      %dma_start3A_154 = tpu.memref_slice %arg3[%add3A_40, %dma_start3A_153] : memref<128x64xf32, #tpu.memory_space<hbm>> -> memref<1x64xf32, #tpu.memory_space<hbm>>
      %dma_start3A_155 = tpu.memref_squeeze %dma_start3A_154 : memref<1x64xf32, #tpu.memory_space<hbm>> -> memref<64xf32, #tpu.memory_space<hbm>>
      %dma_start3A_156 = arith.constant 0 : i32
      %dma_start3A_157 = tpu.memref_slice %arg3[%add3A_40, %dma_start3A_156] : memref<128x64xf32, #tpu.memory_space<hbm>> -> memref<1x64xf32, #tpu.memory_space<hbm>>
      %dma_start3A_158 = tpu.memref_squeeze %dma_start3A_157 : memref<1x64xf32, #tpu.memory_space<hbm>> -> memref<64xf32, #tpu.memory_space<hbm>>
      tpu.enqueue_dma source(%arg8 : memref<64xf32, #tpu.memory_space<vmem>>) target(%dma_start3A_158 : memref<64xf32, #tpu.memory_space<hbm>>) target_semaphore(%run_scoped3A : memref<!tpu.dma_semaphore, #tpu.memory_space<semaphore_mem>>)
      %dma_wait3A_159 = arith.constant 0 : i32
      %dma_wait3A_160 = tpu.memref_slice %arg3[%add3A_40, %dma_wait3A_159] : memref<128x64xf32, #tpu.memory_space<hbm>> -> memref<1x64xf32, #tpu.memory_space<hbm>>
      %dma_wait3A_161 = tpu.memref_squeeze %dma_wait3A_160 : memref<1x64xf32, #tpu.memory_space<hbm>> -> memref<64xf32, #tpu.memory_space<hbm>>
      %dma_wait3A_162 = arith.constant 0 : i32
      %dma_wait3A_163 = tpu.memref_slice %arg3[%add3A_40, %dma_wait3A_162] : memref<128x64xf32, #tpu.memory_space<hbm>> -> memref<1x64xf32, #tpu.memory_space<hbm>>
      %dma_wait3A_164 = tpu.memref_squeeze %dma_wait3A_163 : memref<1x64xf32, #tpu.memory_space<hbm>> -> memref<64xf32, #tpu.memory_space<hbm>>
      tpu.wait_dma2 semaphore(%run_scoped3A : memref<!tpu.dma_semaphore, #tpu.memory_space<semaphore_mem>>) src(%arg8 : memref<64xf32, #tpu.memory_space<vmem>>) dst(%dma_wait3A_164 : memref<64xf32, #tpu.memory_space<hbm>>)
      tpu.yield
    }) : () -> ()
    "tpu.region"() ({
      %run_scoped3A = tpu.sem_alloc : memref<!tpu.dma_semaphore, #tpu.memory_space<semaphore_mem>>
      %dma_start3A_153 = arith.constant 0 : i32
      %dma_start3A_154 = tpu.memref_slice %arg4[%add3A_40, %dma_start3A_153] : memref<128x64xi32, #tpu.memory_space<hbm>> -> memref<1x64xi32, #tpu.memory_space<hbm>>
      %dma_start3A_155 = tpu.memref_squeeze %dma_start3A_154 : memref<1x64xi32, #tpu.memory_space<hbm>> -> memref<64xi32, #tpu.memory_space<hbm>>
      %dma_start3A_156 = arith.constant 0 : i32
      %dma_start3A_157 = tpu.memref_slice %arg4[%add3A_40, %dma_start3A_156] : memref<128x64xi32, #tpu.memory_space<hbm>> -> memref<1x64xi32, #tpu.memory_space<hbm>>
      %dma_start3A_158 = tpu.memref_squeeze %dma_start3A_157 : memref<1x64xi32, #tpu.memory_space<hbm>> -> memref<64xi32, #tpu.memory_space<hbm>>
      tpu.enqueue_dma source(%arg10 : memref<64xi32, #tpu.memory_space<vmem>>) target(%dma_start3A_158 : memref<64xi32, #tpu.memory_space<hbm>>) target_semaphore(%run_scoped3A : memref<!tpu.dma_semaphore, #tpu.memory_space<semaphore_mem>>)
      %dma_wait3A_159 = arith.constant 0 : i32
      %dma_wait3A_160 = tpu.memref_slice %arg4[%add3A_40, %dma_wait3A_159] : memref<128x64xi32, #tpu.memory_space<hbm>> -> memref<1x64xi32, #tpu.memory_space<hbm>>
      %dma_wait3A_161 = tpu.memref_squeeze %dma_wait3A_160 : memref<1x64xi32, #tpu.memory_space<hbm>> -> memref<64xi32, #tpu.memory_space<hbm>>
      %dma_wait3A_162 = arith.constant 0 : i32
      %dma_wait3A_163 = tpu.memref_slice %arg4[%add3A_40, %dma_wait3A_162] : memref<128x64xi32, #tpu.memory_space<hbm>> -> memref<1x64xi32, #tpu.memory_space<hbm>>
      %dma_wait3A_164 = tpu.memref_squeeze %dma_wait3A_163 : memref<1x64xi32, #tpu.memory_space<hbm>> -> memref<64xi32, #tpu.memory_space<hbm>>
      tpu.wait_dma2 semaphore(%run_scoped3A : memref<!tpu.dma_semaphore, #tpu.memory_space<semaphore_mem>>) src(%arg10 : memref<64xi32, #tpu.memory_space<vmem>>) dst(%dma_wait3A_164 : memref<64xi32, #tpu.memory_space<hbm>>)
      tpu.yield
    }) : () -> ()
    "tpu.region"() ({
      %run_scoped3A = tpu.sem_alloc : memref<!tpu.dma_semaphore, #tpu.memory_space<semaphore_mem>>
      %dma_start3A_153 = arith.constant 0 : i32
      %dma_start3A_154 = tpu.memref_slice %arg3[%add3A_42, %dma_start3A_153] : memref<128x64xf32, #tpu.memory_space<hbm>> -> memref<1x64xf32, #tpu.memory_space<hbm>>
      %dma_start3A_155 = tpu.memref_squeeze %dma_start3A_154 : memref<1x64xf32, #tpu.memory_space<hbm>> -> memref<64xf32, #tpu.memory_space<hbm>>
      %dma_start3A_156 = arith.constant 0 : i32
      %dma_start3A_157 = tpu.memref_slice %arg3[%add3A_42, %dma_start3A_156] : memref<128x64xf32, #tpu.memory_space<hbm>> -> memref<1x64xf32, #tpu.memory_space<hbm>>
      %dma_start3A_158 = tpu.memref_squeeze %dma_start3A_157 : memref<1x64xf32, #tpu.memory_space<hbm>> -> memref<64xf32, #tpu.memory_space<hbm>>
      tpu.enqueue_dma source(%arg9 : memref<64xf32, #tpu.memory_space<vmem>>) target(%dma_start3A_158 : memref<64xf32, #tpu.memory_space<hbm>>) target_semaphore(%run_scoped3A : memref<!tpu.dma_semaphore, #tpu.memory_space<semaphore_mem>>)
      %dma_wait3A_159 = arith.constant 0 : i32
      %dma_wait3A_160 = tpu.memref_slice %arg3[%add3A_42, %dma_wait3A_159] : memref<128x64xf32, #tpu.memory_space<hbm>> -> memref<1x64xf32, #tpu.memory_space<hbm>>
      %dma_wait3A_161 = tpu.memref_squeeze %dma_wait3A_160 : memref<1x64xf32, #tpu.memory_space<hbm>> -> memref<64xf32, #tpu.memory_space<hbm>>
      %dma_wait3A_162 = arith.constant 0 : i32
      %dma_wait3A_163 = tpu.memref_slice %arg3[%add3A_42, %dma_wait3A_162] : memref<128x64xf32, #tpu.memory_space<hbm>> -> memref<1x64xf32, #tpu.memory_space<hbm>>
      %dma_wait3A_164 = tpu.memref_squeeze %dma_wait3A_163 : memref<1x64xf32, #tpu.memory_space<hbm>> -> memref<64xf32, #tpu.memory_space<hbm>>
      tpu.wait_dma2 semaphore(%run_scoped3A : memref<!tpu.dma_semaphore, #tpu.memory_space<semaphore_mem>>) src(%arg9 : memref<64xf32, #tpu.memory_space<vmem>>) dst(%dma_wait3A_164 : memref<64xf32, #tpu.memory_space<hbm>>)
      tpu.yield
    }) : () -> ()
    "tpu.region"() ({
      %run_scoped3A = tpu.sem_alloc : memref<!tpu.dma_semaphore, #tpu.memory_space<semaphore_mem>>
      %dma_start3A_153 = arith.constant 0 : i32
      %dma_start3A_154 = tpu.memref_slice %arg4[%add3A_42, %dma_start3A_153] : memref<128x64xi32, #tpu.memory_space<hbm>> -> memref<1x64xi32, #tpu.memory_space<hbm>>
      %dma_start3A_155 = tpu.memref_squeeze %dma_start3A_154 : memref<1x64xi32, #tpu.memory_space<hbm>> -> memref<64xi32, #tpu.memory_space<hbm>>
      %dma_start3A_156 = arith.constant 0 : i32
      %dma_start3A_157 = tpu.memref_slice %arg4[%add3A_42, %dma_start3A_156] : memref<128x64xi32, #tpu.memory_space<hbm>> -> memref<1x64xi32, #tpu.memory_space<hbm>>
      %dma_start3A_158 = tpu.memref_squeeze %dma_start3A_157 : memref<1x64xi32, #tpu.memory_space<hbm>> -> memref<64xi32, #tpu.memory_space<hbm>>
      tpu.enqueue_dma source(%arg11 : memref<64xi32, #tpu.memory_space<vmem>>) target(%dma_start3A_158 : memref<64xi32, #tpu.memory_space<hbm>>) target_semaphore(%run_scoped3A : memref<!tpu.dma_semaphore, #tpu.memory_space<semaphore_mem>>)
      %dma_wait3A_159 = arith.constant 0 : i32
      %dma_wait3A_160 = tpu.memref_slice %arg4[%add3A_42, %dma_wait3A_159] : memref<128x64xi32, #tpu.memory_space<hbm>> -> memref<1x64xi32, #tpu.memory_space<hbm>>
      %dma_wait3A_161 = tpu.memref_squeeze %dma_wait3A_160 : memref<1x64xi32, #tpu.memory_space<hbm>> -> memref<64xi32, #tpu.memory_space<hbm>>
      %dma_wait3A_162 = arith.constant 0 : i32
      %dma_wait3A_163 = tpu.memref_slice %arg4[%add3A_42, %dma_wait3A_162] : memref<128x64xi32, #tpu.memory_space<hbm>> -> memref<1x64xi32, #tpu.memory_space<hbm>>
      %dma_wait3A_164 = tpu.memref_squeeze %dma_wait3A_163 : memref<1x64xi32, #tpu.memory_space<hbm>> -> memref<64xi32, #tpu.memory_space<hbm>>
      tpu.wait_dma2 semaphore(%run_scoped3A : memref<!tpu.dma_semaphore, #tpu.memory_space<semaphore_mem>>) src(%arg11 : memref<64xi32, #tpu.memory_space<vmem>>) dst(%dma_wait3A_164 : memref<64xi32, #tpu.memory_space<hbm>>)
      tpu.yield
    }) : () -> ()
    %add3A_85 = arith.constant 3 : i32
    %add3A_86 = arith.addi %mul3A_4, %add3A_85 : i32
    %dma_start3A_87 = arith.constant 0 : i32
    %dma_start3A_88 = tpu.memref_slice %arg2[%add3A_86, %dma_start3A_87] : memref<128x32768xf32, #tpu.memory_space<hbm>> -> memref<1x32768xf32, #tpu.memory_space<hbm>>
    %dma_start3A_89 = tpu.memref_squeeze %dma_start3A_88 : memref<1x32768xf32, #tpu.memory_space<hbm>> -> memref<32768xf32, #tpu.memory_space<hbm>>
    %dma_start3A_90 = arith.constant 0 : i32
    %dma_start3A_91 = tpu.memref_slice %arg2[%add3A_86, %dma_start3A_90] : memref<128x32768xf32, #tpu.memory_space<hbm>> -> memref<1x32768xf32, #tpu.memory_space<hbm>>
    %dma_start3A_92 = tpu.memref_squeeze %dma_start3A_91 : memref<1x32768xf32, #tpu.memory_space<hbm>> -> memref<32768xf32, #tpu.memory_space<hbm>>
    tpu.enqueue_dma source(%dma_start3A_92 : memref<32768xf32, #tpu.memory_space<hbm>>) target(%arg6 : memref<32768xf32, #tpu.memory_space<vmem>>) target_semaphore(%arg13 : memref<!tpu.dma_semaphore, #tpu.memory_space<semaphore_mem>>)
    %dma_wait3A_93 = arith.constant 0 : i32
    %dma_wait3A_94 = tpu.memref_slice %arg2[%add3A_21, %dma_wait3A_93] : memref<128x32768xf32, #tpu.memory_space<hbm>> -> memref<1x32768xf32, #tpu.memory_space<hbm>>
    %dma_wait3A_95 = tpu.memref_squeeze %dma_wait3A_94 : memref<1x32768xf32, #tpu.memory_space<hbm>> -> memref<32768xf32, #tpu.memory_space<hbm>>
    %dma_wait3A_96 = arith.constant 0 : i32
    %dma_wait3A_97 = tpu.memref_slice %arg2[%add3A_21, %dma_wait3A_96] : memref<128x32768xf32, #tpu.memory_space<hbm>> -> memref<1x32768xf32, #tpu.memory_space<hbm>>
    %dma_wait3A_98 = tpu.memref_squeeze %dma_wait3A_97 : memref<1x32768xf32, #tpu.memory_space<hbm>> -> memref<32768xf32, #tpu.memory_space<hbm>>
    tpu.wait_dma2 semaphore(%arg13 : memref<!tpu.dma_semaphore, #tpu.memory_space<semaphore_mem>>) src(%dma_wait3A_98 : memref<32768xf32, #tpu.memory_space<hbm>>) dst(%arg7 : memref<32768xf32, #tpu.memory_space<vmem>>)
    %dma_wait3A_99 = arith.constant 0 : i32
    %dma_wait3A_100 = tpu.memref_slice %arg2[%add3A_86, %dma_wait3A_99] : memref<128x32768xf32, #tpu.memory_space<hbm>> -> memref<1x32768xf32, #tpu.memory_space<hbm>>
    %dma_wait3A_101 = tpu.memref_squeeze %dma_wait3A_100 : memref<1x32768xf32, #tpu.memory_space<hbm>> -> memref<32768xf32, #tpu.memory_space<hbm>>
    %dma_wait3A_102 = arith.constant 0 : i32
    %dma_wait3A_103 = tpu.memref_slice %arg2[%add3A_86, %dma_wait3A_102] : memref<128x32768xf32, #tpu.memory_space<hbm>> -> memref<1x32768xf32, #tpu.memory_space<hbm>>
    %dma_wait3A_104 = tpu.memref_squeeze %dma_wait3A_103 : memref<1x32768xf32, #tpu.memory_space<hbm>> -> memref<32768xf32, #tpu.memory_space<hbm>>
    tpu.wait_dma2 semaphore(%arg13 : memref<!tpu.dma_semaphore, #tpu.memory_space<semaphore_mem>>) src(%dma_wait3A_104 : memref<32768xf32, #tpu.memory_space<hbm>>) dst(%arg6 : memref<32768xf32, #tpu.memory_space<vmem>>)
    %add3A_105 = arith.constant 2 : i32
    %add3A_106 = arith.addi %mul3A_4, %add3A_105 : i32
    %add3A_107 = arith.constant 3 : i32
    %add3A_108 = arith.addi %mul3A_4, %add3A_107 : i32
    %broadcast_in_dim3A_109 = arith.constant 0xFF800000 : f32
    %broadcast_in_dim3A_110 = vector.broadcast %broadcast_in_dim3A_109 : f32 to vector<16xf32>
    %broadcast_in_dim3A_111 = arith.constant 0xFF800000 : f32
    %broadcast_in_dim3A_112 = vector.broadcast %broadcast_in_dim3A_111 : f32 to vector<16xf32>
    %broadcast_in_dim3A_113 = arith.constant 0xFF800000 : f32
    %broadcast_in_dim3A_114 = vector.broadcast %broadcast_in_dim3A_113 : f32 to vector<16xf32>
    %broadcast_in_dim3A_115 = arith.constant 0xFF800000 : f32
    %broadcast_in_dim3A_116 = vector.broadcast %broadcast_in_dim3A_115 : f32 to vector<16xf32>
    %broadcast_in_dim3A_117 = arith.constant 0xFF800000 : f32
    %broadcast_in_dim3A_118 = vector.broadcast %broadcast_in_dim3A_117 : f32 to vector<16xf32>
    %broadcast_in_dim3A_119 = arith.constant 0xFF800000 : f32
    %broadcast_in_dim3A_120 = vector.broadcast %broadcast_in_dim3A_119 : f32 to vector<16xf32>
    %broadcast_in_dim3A_121 = arith.constant 0xFF800000 : f32
    %broadcast_in_dim3A_122 = vector.broadcast %broadcast_in_dim3A_121 : f32 to vector<16xf32>
    %broadcast_in_dim3A_123 = arith.constant 0xFF800000 : f32
    %broadcast_in_dim3A_124 = vector.broadcast %broadcast_in_dim3A_123 : f32 to vector<16xf32>
    %broadcast_in_dim3A_125 = arith.constant 0xFF800000 : f32
    %broadcast_in_dim3A_126 = vector.broadcast %broadcast_in_dim3A_125 : f32 to vector<16xf32>
    %broadcast_in_dim3A_127 = arith.constant 0xFF800000 : f32
    %broadcast_in_dim3A_128 = vector.broadcast %broadcast_in_dim3A_127 : f32 to vector<16xf32>
    %broadcast_in_dim3A_129 = arith.constant 0xFF800000 : f32
    %broadcast_in_dim3A_130 = vector.broadcast %broadcast_in_dim3A_129 : f32 to vector<16xf32>
    %broadcast_in_dim3A_131 = arith.constant 0xFF800000 : f32
    %broadcast_in_dim3A_132 = vector.broadcast %broadcast_in_dim3A_131 : f32 to vector<16xf32>
    %broadcast_in_dim3A_133 = arith.constant 0xFF800000 : f32
    %broadcast_in_dim3A_134 = vector.broadcast %broadcast_in_dim3A_133 : f32 to vector<16xf32>
    %broadcast_in_dim3A_135 = arith.constant 0xFF800000 : f32
    %broadcast_in_dim3A_136 = vector.broadcast %broadcast_in_dim3A_135 : f32 to vector<16xf32>
    %broadcast_in_dim3A_137 = arith.constant 0xFF800000 : f32
    %broadcast_in_dim3A_138 = vector.broadcast %broadcast_in_dim3A_137 : f32 to vector<16xf32>
    %broadcast_in_dim3A_139 = arith.constant 0xFF800000 : f32
    %broadcast_in_dim3A_140 = vector.broadcast %broadcast_in_dim3A_139 : f32 to vector<16xf32>
    %scan3A_141 = arith.constant 0 : i32
    %scan3A_142 = arith.constant 128 : i32
    %scan3A_143 = arith.addi %scan3A_141, %scan3A_142 : i32
    %scan3A_144 = arith.constant 1 : i32
    %scan3A_145:16 = scf.for %scan3A_153 = %scan3A_141 to %scan3A_143 step %scan3A_144 iter_args(%scan3A_154 = %broadcast_in_dim3A_110, %scan3A_155 = %broadcast_in_dim3A_112, %scan3A_156 = %broadcast_in_dim3A_114, %scan3A_157 = %broadcast_in_dim3A_116, %scan3A_158 = %broadcast_in_dim3A_118, %scan3A_159 = %broadcast_in_dim3A_120, %scan3A_160 = %broadcast_in_dim3A_122, %scan3A_161 = %broadcast_in_dim3A_124, %scan3A_162 = %broadcast_in_dim3A_126, %scan3A_163 = %broadcast_in_dim3A_128, %scan3A_164 = %broadcast_in_dim3A_130, %scan3A_165 = %broadcast_in_dim3A_132, %scan3A_166 = %broadcast_in_dim3A_134, %scan3A_167 = %broadcast_in_dim3A_136, %scan3A_168 = %broadcast_in_dim3A_138, %scan3A_169 = %broadcast_in_dim3A_140) -> (vector<16xf32>, vector<16xf32>, vector<16xf32>, vector<16xf32>, vector<16xf32>, vector<16xf32>, vector<16xf32>, vector<16xf32>, vector<16xf32>, vector<16xf32>, vector<16xf32>, vector<16xf32>, vector<16xf32>, vector<16xf32>, vector<16xf32>, vector<16xf32>)  : i32 {
      %mul3A_170 = arith.constant 256 : i32
      %mul3A_171 = arith.muli %scan3A_153, %mul3A_170 : i32
      %broadcast_in_dim3A_172 = arith.constant 0xFF800000 : f32
      %broadcast_in_dim3A_173 = vector.broadcast %broadcast_in_dim3A_172 : f32 to vector<16xf32>
      %broadcast_in_dim3A_174 = arith.constant 0xFF800000 : f32
      %broadcast_in_dim3A_175 = vector.broadcast %broadcast_in_dim3A_174 : f32 to vector<16xf32>
      %add3A_176 = arith.constant 0 : i32
      %add3A_177 = arith.addi %mul3A_171, %add3A_176 : i32
      %get3A = arith.index_cast %add3A_177 : i32 to index
      %get3A_178 = tpu.vector_load %arg7[%get3A] {strides = array<i32>} : memref<32768xf32, #tpu.memory_space<vmem>>, vector<16xf32>,
      %max3A = arith.maximumf %broadcast_in_dim3A_173, %get3A_178 : vector<16xf32>
      %get3A_179 = arith.index_cast %add3A_177 : i32 to index
      %get3A_180 = tpu.vector_load %arg6[%get3A_179] {strides = array<i32>} : memref<32768xf32, #tpu.memory_space<vmem>>, vector<16xf32>,
      %max3A_181 = arith.maximumf %broadcast_in_dim3A_175, %get3A_180 : vector<16xf32>
      %add3A_182 = arith.constant 16 : i32
      %add3A_183 = arith.addi %mul3A_171, %add3A_182 : i32
      %get3A_184 = arith.index_cast %add3A_183 : i32 to index
      %get3A_185 = tpu.vector_load %arg7[%get3A_184] {strides = array<i32>} : memref<32768xf32, #tpu.memory_space<vmem>>, vector<16xf32>,
      %max3A_186 = arith.maximumf %max3A, %get3A_185 : vector<16xf32>
      %get3A_187 = arith.index_cast %add3A_183 : i32 to index
      %get3A_188 = tpu.vector_load %arg6[%get3A_187] {strides = array<i32>} : memref<32768xf32, #tpu.memory_space<vmem>>, vector<16xf32>,
      %max3A_189 = arith.maximumf %max3A_181, %get3A_188 : vector<16xf32>
      %add3A_190 = arith.constant 32 : i32
      %add3A_191 = arith.addi %mul3A_171, %add3A_190 : i32
      %get3A_192 = arith.index_cast %add3A_191 : i32 to index
      %get3A_193 = tpu.vector_load %arg7[%get3A_192] {strides = array<i32>} : memref<32768xf32, #tpu.memory_space<vmem>>, vector<16xf32>,
      %max3A_194 = arith.maximumf %max3A_186, %get3A_193 : vector<16xf32>
      %get3A_195 = arith.index_cast %add3A_191 : i32 to index
      %get3A_196 = tpu.vector_load %arg6[%get3A_195] {strides = array<i32>} : memref<32768xf32, #tpu.memory_space<vmem>>, vector<16xf32>,
      %max3A_197 = arith.maximumf %max3A_189, %get3A_196 : vector<16xf32>
      %add3A_198 = arith.constant 48 : i32
      %add3A_199 = arith.addi %mul3A_171, %add3A_198 : i32
      %get3A_200 = arith.index_cast %add3A_199 : i32 to index
      %get3A_201 = tpu.vector_load %arg7[%get3A_200] {strides = array<i32>} : memref<32768xf32, #tpu.memory_space<vmem>>, vector<16xf32>,
      %max3A_202 = arith.maximumf %max3A_194, %get3A_201 : vector<16xf32>
      %get3A_203 = arith.index_cast %add3A_199 : i32 to index
      %get3A_204 = tpu.vector_load %arg6[%get3A_203] {strides = array<i32>} : memref<32768xf32, #tpu.memory_space<vmem>>, vector<16xf32>,
      %max3A_205 = arith.maximumf %max3A_197, %get3A_204 : vector<16xf32>
      %add3A_206 = arith.constant 64 : i32
      %add3A_207 = arith.addi %mul3A_171, %add3A_206 : i32
      %get3A_208 = arith.index_cast %add3A_207 : i32 to index
      %get3A_209 = tpu.vector_load %arg7[%get3A_208] {strides = array<i32>} : memref<32768xf32, #tpu.memory_space<vmem>>, vector<16xf32>,
      %max3A_210 = arith.maximumf %max3A_202, %get3A_209 : vector<16xf32>
      %get3A_211 = arith.index_cast %add3A_207 : i32 to index
      %get3A_212 = tpu.vector_load %arg6[%get3A_211] {strides = array<i32>} : memref<32768xf32, #tpu.memory_space<vmem>>, vector<16xf32>,
      %max3A_213 = arith.maximumf %max3A_205, %get3A_212 : vector<16xf32>
      %add3A_214 = arith.constant 80 : i32
      %add3A_215 = arith.addi %mul3A_171, %add3A_214 : i32
      %get3A_216 = arith.index_cast %add3A_215 : i32 to index
      %get3A_217 = tpu.vector_load %arg7[%get3A_216] {strides = array<i32>} : memref<32768xf32, #tpu.memory_space<vmem>>, vector<16xf32>,
      %max3A_218 = arith.maximumf %max3A_210, %get3A_217 : vector<16xf32>
      %get3A_219 = arith.index_cast %add3A_215 : i32 to index
      %get3A_220 = tpu.vector_load %arg6[%get3A_219] {strides = array<i32>} : memref<32768xf32, #tpu.memory_space<vmem>>, vector<16xf32>,
      %max3A_221 = arith.maximumf %max3A_213, %get3A_220 : vector<16xf32>
      %add3A_222 = arith.constant 96 : i32
      %add3A_223 = arith.addi %mul3A_171, %add3A_222 : i32
      %get3A_224 = arith.index_cast %add3A_223 : i32 to index
      %get3A_225 = tpu.vector_load %arg7[%get3A_224] {strides = array<i32>} : memref<32768xf32, #tpu.memory_space<vmem>>, vector<16xf32>,
      %max3A_226 = arith.maximumf %max3A_218, %get3A_225 : vector<16xf32>
      %get3A_227 = arith.index_cast %add3A_223 : i32 to index
      %get3A_228 = tpu.vector_load %arg6[%get3A_227] {strides = array<i32>} : memref<32768xf32, #tpu.memory_space<vmem>>, vector<16xf32>,
      %max3A_229 = arith.maximumf %max3A_221, %get3A_228 : vector<16xf32>
      %add3A_230 = arith.constant 112 : i32
      %add3A_231 = arith.addi %mul3A_171, %add3A_230 : i32
      %get3A_232 = arith.index_cast %add3A_231 : i32 to index
      %get3A_233 = tpu.vector_load %arg7[%get3A_232] {strides = array<i32>} : memref<32768xf32, #tpu.memory_space<vmem>>, vector<16xf32>,
      %max3A_234 = arith.maximumf %max3A_226, %get3A_233 : vector<16xf32>
      %get3A_235 = arith.index_cast %add3A_231 : i32 to index
      %get3A_236 = tpu.vector_load %arg6[%get3A_235] {strides = array<i32>} : memref<32768xf32, #tpu.memory_space<vmem>>, vector<16xf32>,
      %max3A_237 = arith.maximumf %max3A_229, %get3A_236 : vector<16xf32>
      %add3A_238 = arith.constant 128 : i32
      %add3A_239 = arith.addi %mul3A_171, %add3A_238 : i32
      %get3A_240 = arith.index_cast %add3A_239 : i32 to index
      %get3A_241 = tpu.vector_load %arg7[%get3A_240] {strides = array<i32>} : memref<32768xf32, #tpu.memory_space<vmem>>, vector<16xf32>,
      %max3A_242 = arith.maximumf %max3A_234, %get3A_241 : vector<16xf32>
      %get3A_243 = arith.index_cast %add3A_239 : i32 to index
      %get3A_244 = tpu.vector_load %arg6[%get3A_243] {strides = array<i32>} : memref<32768xf32, #tpu.memory_space<vmem>>, vector<16xf32>,
      %max3A_245 = arith.maximumf %max3A_237, %get3A_244 : vector<16xf32>
      %add3A_246 = arith.constant 144 : i32
      %add3A_247 = arith.addi %mul3A_171, %add3A_246 : i32
      %get3A_248 = arith.index_cast %add3A_247 : i32 to index
      %get3A_249 = tpu.vector_load %arg7[%get3A_248] {strides = array<i32>} : memref<32768xf32, #tpu.memory_space<vmem>>, vector<16xf32>,
      %max3A_250 = arith.maximumf %max3A_242, %get3A_249 : vector<16xf32>
      %get3A_251 = arith.index_cast %add3A_247 : i32 to index
      %get3A_252 = tpu.vector_load %arg6[%get3A_251] {strides = array<i32>} : memref<32768xf32, #tpu.memory_space<vmem>>, vector<16xf32>,
      %max3A_253 = arith.maximumf %max3A_245, %get3A_252 : vector<16xf32>
      %add3A_254 = arith.constant 160 : i32
      %add3A_255 = arith.addi %mul3A_171, %add3A_254 : i32
      %get3A_256 = arith.index_cast %add3A_255 : i32 to index
      %get3A_257 = tpu.vector_load %arg7[%get3A_256] {strides = array<i32>} : memref<32768xf32, #tpu.memory_space<vmem>>, vector<16xf32>,
      %max3A_258 = arith.maximumf %max3A_250, %get3A_257 : vector<16xf32>
      %get3A_259 = arith.index_cast %add3A_255 : i32 to index
      %get3A_260 = tpu.vector_load %arg6[%get3A_259] {strides = array<i32>} : memref<32768xf32, #tpu.memory_space<vmem>>, vector<16xf32>,
      %max3A_261 = arith.maximumf %max3A_253, %get3A_260 : vector<16xf32>
      %add3A_262 = arith.constant 176 : i32
      %add3A_263 = arith.addi %mul3A_171, %add3A_262 : i32
      %get3A_264 = arith.index_cast %add3A_263 : i32 to index
      %get3A_265 = tpu.vector_load %arg7[%get3A_264] {strides = array<i32>} : memref<32768xf32, #tpu.memory_space<vmem>>, vector<16xf32>,
      %max3A_266 = arith.maximumf %max3A_258, %get3A_265 : vector<16xf32>
      %get3A_267 = arith.index_cast %add3A_263 : i32 to index
      %get3A_268 = tpu.vector_load %arg6[%get3A_267] {strides = array<i32>} : memref<32768xf32, #tpu.memory_space<vmem>>, vector<16xf32>,
      %max3A_269 = arith.maximumf %max3A_261, %get3A_268 : vector<16xf32>
      %add3A_270 = arith.constant 192 : i32
      %add3A_271 = arith.addi %mul3A_171, %add3A_270 : i32
      %get3A_272 = arith.index_cast %add3A_271 : i32 to index
      %get3A_273 = tpu.vector_load %arg7[%get3A_272] {strides = array<i32>} : memref<32768xf32, #tpu.memory_space<vmem>>, vector<16xf32>,
      %max3A_274 = arith.maximumf %max3A_266, %get3A_273 : vector<16xf32>
      %get3A_275 = arith.index_cast %add3A_271 : i32 to index
      %get3A_276 = tpu.vector_load %arg6[%get3A_275] {strides = array<i32>} : memref<32768xf32, #tpu.memory_space<vmem>>, vector<16xf32>,
      %max3A_277 = arith.maximumf %max3A_269, %get3A_276 : vector<16xf32>
      %add3A_278 = arith.constant 208 : i32
      %add3A_279 = arith.addi %mul3A_171, %add3A_278 : i32
      %get3A_280 = arith.index_cast %add3A_279 : i32 to index
      %get3A_281 = tpu.vector_load %arg7[%get3A_280] {strides = array<i32>} : memref<32768xf32, #tpu.memory_space<vmem>>, vector<16xf32>,
      %max3A_282 = arith.maximumf %max3A_274, %get3A_281 : vector<16xf32>
      %get3A_283 = arith.index_cast %add3A_279 : i32 to index
      %get3A_284 = tpu.vector_load %arg6[%get3A_283] {strides = array<i32>} : memref<32768xf32, #tpu.memory_space<vmem>>, vector<16xf32>,
      %max3A_285 = arith.maximumf %max3A_277, %get3A_284 : vector<16xf32>
      %add3A_286 = arith.constant 224 : i32
      %add3A_287 = arith.addi %mul3A_171, %add3A_286 : i32
      %get3A_288 = arith.index_cast %add3A_287 : i32 to index
      %get3A_289 = tpu.vector_load %arg7[%get3A_288] {strides = array<i32>} : memref<32768xf32, #tpu.memory_space<vmem>>, vector<16xf32>,
      %max3A_290 = arith.maximumf %max3A_282, %get3A_289 : vector<16xf32>
      %get3A_291 = arith.index_cast %add3A_287 : i32 to index
      %get3A_292 = tpu.vector_load %arg6[%get3A_291] {strides = array<i32>} : memref<32768xf32, #tpu.memory_space<vmem>>, vector<16xf32>,
      %max3A_293 = arith.maximumf %max3A_285, %get3A_292 : vector<16xf32>
      %add3A_294 = arith.constant 240 : i32
      %add3A_295 = arith.addi %mul3A_171, %add3A_294 : i32
      %get3A_296 = arith.index_cast %add3A_295 : i32 to index
      %get3A_297 = tpu.vector_load %arg7[%get3A_296] {strides = array<i32>} : memref<32768xf32, #tpu.memory_space<vmem>>, vector<16xf32>,
      %max3A_298 = arith.maximumf %max3A_290, %get3A_297 : vector<16xf32>
      %get3A_299 = arith.index_cast %add3A_295 : i32 to index
      %get3A_300 = tpu.vector_load %arg6[%get3A_299] {strides = array<i32>} : memref<32768xf32, #tpu.memory_space<vmem>>, vector<16xf32>,
      %max3A_301 = arith.maximumf %max3A_293, %get3A_300 : vector<16xf32>
      %and3A = arith.constant 15 : i32
      %and3A_302 = arith.andi %scan3A_153, %and3A : i32
      %eq3A_303 = vector.broadcast %and3A_302 : i32 to vector<16xi32>
      %eq3A_304 = arith.cmpi eq, %iota3A, %eq3A_303 : vector<16xi32>
      %shift_right_logical3A = arith.constant 4 : i32
      %shift_right_logical3A_305 = arith.shrui %scan3A_153, %shift_right_logical3A : i32
      %xor3A = arith.constant 8 : i32
      %xor3A_306 = vector.broadcast %xor3A : i32 to vector<16xi32>
      %xor3A_307 = arith.xori %iota3A, %xor3A_306 : vector<16xi32>
      %broadcast_in_dim3A_308 = vector.shape_cast %xor3A_307 : vector<16xi32> to vector<16x1xi32>
      %gather3A = vector.shape_cast %broadcast_in_dim3A_308 : vector<16x1xi32> to vector<16xi32>
      %gather3A_309 = tpu.dynamic_gather %max3A_298[%gather3A] in [0] : vector<16xf32>, vector<16xi32> -> vector<16xf32>
      %max3A_310 = arith.maximumf %max3A_298, %gather3A_309 : vector<16xf32>
      %xor3A_311 = arith.constant 4 : i32
      %xor3A_312 = vector.broadcast %xor3A_311 : i32 to vector<16xi32>
      %xor3A_313 = arith.xori %iota3A, %xor3A_312 : vector<16xi32>
      %broadcast_in_dim3A_314 = vector.shape_cast %xor3A_313 : vector<16xi32> to vector<16x1xi32>
      %gather3A_315 = vector.shape_cast %broadcast_in_dim3A_314 : vector<16x1xi32> to vector<16xi32>
      %gather3A_316 = tpu.dynamic_gather %max3A_310[%gather3A_315] in [0] : vector<16xf32>, vector<16xi32> -> vector<16xf32>
      %max3A_317 = arith.maximumf %max3A_310, %gather3A_316 : vector<16xf32>
      %xor3A_318 = arith.constant 2 : i32
      %xor3A_319 = vector.broadcast %xor3A_318 : i32 to vector<16xi32>
      %xor3A_320 = arith.xori %iota3A, %xor3A_319 : vector<16xi32>
      %broadcast_in_dim3A_321 = vector.shape_cast %xor3A_320 : vector<16xi32> to vector<16x1xi32>
      %gather3A_322 = vector.shape_cast %broadcast_in_dim3A_321 : vector<16x1xi32> to vector<16xi32>
      %gather3A_323 = tpu.dynamic_gather %max3A_317[%gather3A_322] in [0] : vector<16xf32>, vector<16xi32> -> vector<16xf32>
      %max3A_324 = arith.maximumf %max3A_317, %gather3A_323 : vector<16xf32>
      %xor3A_325 = arith.constant 1 : i32
      %xor3A_326 = vector.broadcast %xor3A_325 : i32 to vector<16xi32>
      %xor3A_327 = arith.xori %iota3A, %xor3A_326 : vector<16xi32>
      %broadcast_in_dim3A_328 = vector.shape_cast %xor3A_327 : vector<16xi32> to vector<16x1xi32>
      %gather3A_329 = vector.shape_cast %broadcast_in_dim3A_328 : vector<16x1xi32> to vector<16xi32>
      %gather3A_330 = tpu.dynamic_gather %max3A_324[%gather3A_329] in [0] : vector<16xf32>, vector<16xi32> -> vector<16xf32>
      %max3A_331 = arith.maximumf %max3A_324, %gather3A_330 : vector<16xf32>
      %xor3A_332 = arith.constant 8 : i32
      %xor3A_333 = vector.broadcast %xor3A_332 : i32 to vector<16xi32>
      %xor3A_334 = arith.xori %iota3A, %xor3A_333 : vector<16xi32>
      %broadcast_in_dim3A_335 = vector.shape_cast %xor3A_334 : vector<16xi32> to vector<16x1xi32>
      %gather3A_336 = vector.shape_cast %broadcast_in_dim3A_335 : vector<16x1xi32> to vector<16xi32>
      %gather3A_337 = tpu.dynamic_gather %max3A_301[%gather3A_336] in [0] : vector<16xf32>, vector<16xi32> -> vector<16xf32>
      %max3A_338 = arith.maximumf %max3A_301, %gather3A_337 : vector<16xf32>
      %xor3A_339 = arith.constant 4 : i32
      %xor3A_340 = vector.broadcast %xor3A_339 : i32 to vector<16xi32>
      %xor3A_341 = arith.xori %iota3A, %xor3A_340 : vector<16xi32>
      %broadcast_in_dim3A_342 = vector.shape_cast %xor3A_341 : vector<16xi32> to vector<16x1xi32>
      %gather3A_343 = vector.shape_cast %broadcast_in_dim3A_342 : vector<16x1xi32> to vector<16xi32>
      %gather3A_344 = tpu.dynamic_gather %max3A_338[%gather3A_343] in [0] : vector<16xf32>, vector<16xi32> -> vector<16xf32>
      %max3A_345 = arith.maximumf %max3A_338, %gather3A_344 : vector<16xf32>
      %xor3A_346 = arith.constant 2 : i32
      %xor3A_347 = vector.broadcast %xor3A_346 : i32 to vector<16xi32>
      %xor3A_348 = arith.xori %iota3A, %xor3A_347 : vector<16xi32>
      %broadcast_in_dim3A_349 = vector.shape_cast %xor3A_348 : vector<16xi32> to vector<16x1xi32>
      %gather3A_350 = vector.shape_cast %broadcast_in_dim3A_349 : vector<16x1xi32> to vector<16xi32>
      %gather3A_351 = tpu.dynamic_gather %max3A_345[%gather3A_350] in [0] : vector<16xf32>, vector<16xi32> -> vector<16xf32>
      %max3A_352 = arith.maximumf %max3A_345, %gather3A_351 : vector<16xf32>
      %xor3A_353 = arith.constant 1 : i32
      %xor3A_354 = vector.broadcast %xor3A_353 : i32 to vector<16xi32>
      %xor3A_355 = arith.xori %iota3A, %xor3A_354 : vector<16xi32>
      %broadcast_in_dim3A_356 = vector.shape_cast %xor3A_355 : vector<16xi32> to vector<16x1xi32>
      %gather3A_357 = vector.shape_cast %broadcast_in_dim3A_356 : vector<16x1xi32> to vector<16xi32>
      %gather3A_358 = tpu.dynamic_gather %max3A_352[%gather3A_357] in [0] : vector<16xf32>, vector<16xi32> -> vector<16xf32>
      %max3A_359 = arith.maximumf %max3A_352, %gather3A_358 : vector<16xf32>
      %eq3A_360 = arith.constant 0 : i32
      %eq3A_361 = arith.cmpi eq, %shift_right_logical3A_305, %eq3A_360 : i32
      %and3A_362 = vector.broadcast %eq3A_361 : i1 to vector<16xi1>
      %and3A_363 = arith.andi %and3A_362, %eq3A_304 : vector<16xi1>
      %select_n3A = arith.select %and3A_363, %max3A_331, %scan3A_154 : vector<16xi1>, vector<16xf32>
      %eq3A_364 = arith.constant 1 : i32
      %eq3A_365 = arith.cmpi eq, %shift_right_logical3A_305, %eq3A_364 : i32
      %and3A_366 = vector.broadcast %eq3A_365 : i1 to vector<16xi1>
      %and3A_367 = arith.andi %and3A_366, %eq3A_304 : vector<16xi1>
      %select_n3A_368 = arith.select %and3A_367, %max3A_331, %scan3A_155 : vector<16xi1>, vector<16xf32>
      %eq3A_369 = arith.constant 2 : i32
      %eq3A_370 = arith.cmpi eq, %shift_right_logical3A_305, %eq3A_369 : i32
      %and3A_371 = vector.broadcast %eq3A_370 : i1 to vector<16xi1>
      %and3A_372 = arith.andi %and3A_371, %eq3A_304 : vector<16xi1>
      %select_n3A_373 = arith.select %and3A_372, %max3A_331, %scan3A_156 : vector<16xi1>, vector<16xf32>
      %eq3A_374 = arith.constant 3 : i32
      %eq3A_375 = arith.cmpi eq, %shift_right_logical3A_305, %eq3A_374 : i32
      %and3A_376 = vector.broadcast %eq3A_375 : i1 to vector<16xi1>
      %and3A_377 = arith.andi %and3A_376, %eq3A_304 : vector<16xi1>
      %select_n3A_378 = arith.select %and3A_377, %max3A_331, %scan3A_157 : vector<16xi1>, vector<16xf32>
      %eq3A_379 = arith.constant 4 : i32
      %eq3A_380 = arith.cmpi eq, %shift_right_logical3A_305, %eq3A_379 : i32
      %and3A_381 = vector.broadcast %eq3A_380 : i1 to vector<16xi1>
      %and3A_382 = arith.andi %and3A_381, %eq3A_304 : vector<16xi1>
      %select_n3A_383 = arith.select %and3A_382, %max3A_331, %scan3A_158 : vector<16xi1>, vector<16xf32>
      %eq3A_384 = arith.constant 5 : i32
      %eq3A_385 = arith.cmpi eq, %shift_right_logical3A_305, %eq3A_384 : i32
      %and3A_386 = vector.broadcast %eq3A_385 : i1 to vector<16xi1>
      %and3A_387 = arith.andi %and3A_386, %eq3A_304 : vector<16xi1>
      %select_n3A_388 = arith.select %and3A_387, %max3A_331, %scan3A_159 : vector<16xi1>, vector<16xf32>
      %eq3A_389 = arith.constant 6 : i32
      %eq3A_390 = arith.cmpi eq, %shift_right_logical3A_305, %eq3A_389 : i32
      %and3A_391 = vector.broadcast %eq3A_390 : i1 to vector<16xi1>
      %and3A_392 = arith.andi %and3A_391, %eq3A_304 : vector<16xi1>
      %select_n3A_393 = arith.select %and3A_392, %max3A_331, %scan3A_160 : vector<16xi1>, vector<16xf32>
      %eq3A_394 = arith.constant 7 : i32
      %eq3A_395 = arith.cmpi eq, %shift_right_logical3A_305, %eq3A_394 : i32
      %and3A_396 = vector.broadcast %eq3A_395 : i1 to vector<16xi1>
      %and3A_397 = arith.andi %and3A_396, %eq3A_304 : vector<16xi1>
      %select_n3A_398 = arith.select %and3A_397, %max3A_331, %scan3A_161 : vector<16xi1>, vector<16xf32>
      %eq3A_399 = arith.constant 0 : i32
      %eq3A_400 = arith.cmpi eq, %shift_right_logical3A_305, %eq3A_399 : i32
      %and3A_401 = vector.broadcast %eq3A_400 : i1 to vector<16xi1>
      %and3A_402 = arith.andi %and3A_401, %eq3A_304 : vector<16xi1>
      %select_n3A_403 = arith.select %and3A_402, %max3A_359, %scan3A_162 : vector<16xi1>, vector<16xf32>
      %eq3A_404 = arith.constant 1 : i32
      %eq3A_405 = arith.cmpi eq, %shift_right_logical3A_305, %eq3A_404 : i32
      %and3A_406 = vector.broadcast %eq3A_405 : i1 to vector<16xi1>
      %and3A_407 = arith.andi %and3A_406, %eq3A_304 : vector<16xi1>
      %select_n3A_408 = arith.select %and3A_407, %max3A_359, %scan3A_163 : vector<16xi1>, vector<16xf32>
      %eq3A_409 = arith.constant 2 : i32
      %eq3A_410 = arith.cmpi eq, %shift_right_logical3A_305, %eq3A_409 : i32
      %and3A_411 = vector.broadcast %eq3A_410 : i1 to vector<16xi1>
      %and3A_412 = arith.andi %and3A_411, %eq3A_304 : vector<16xi1>
      %select_n3A_413 = arith.select %and3A_412, %max3A_359, %scan3A_164 : vector<16xi1>, vector<16xf32>
      %eq3A_414 = arith.constant 3 : i32
      %eq3A_415 = arith.cmpi eq, %shift_right_logical3A_305, %eq3A_414 : i32
      %and3A_416 = vector.broadcast %eq3A_415 : i1 to vector<16xi1>
      %and3A_417 = arith.andi %and3A_416, %eq3A_304 : vector<16xi1>
      %select_n3A_418 = arith.select %and3A_417, %max3A_359, %scan3A_165 : vector<16xi1>, vector<16xf32>
      %eq3A_419 = arith.constant 4 : i32
      %eq3A_420 = arith.cmpi eq, %shift_right_logical3A_305, %eq3A_419 : i32
      %and3A_421 = vector.broadcast %eq3A_420 : i1 to vector<16xi1>
      %and3A_422 = arith.andi %and3A_421, %eq3A_304 : vector<16xi1>
      %select_n3A_423 = arith.select %and3A_422, %max3A_359, %scan3A_166 : vector<16xi1>, vector<16xf32>
      %eq3A_424 = arith.constant 5 : i32
      %eq3A_425 = arith.cmpi eq, %shift_right_logical3A_305, %eq3A_424 : i32
      %and3A_426 = vector.broadcast %eq3A_425 : i1 to vector<16xi1>
      %and3A_427 = arith.andi %and3A_426, %eq3A_304 : vector<16xi1>
      %select_n3A_428 = arith.select %and3A_427, %max3A_359, %scan3A_167 : vector<16xi1>, vector<16xf32>
      %eq3A_429 = arith.constant 6 : i32
      %eq3A_430 = arith.cmpi eq, %shift_right_logical3A_305, %eq3A_429 : i32
      %and3A_431 = vector.broadcast %eq3A_430 : i1 to vector<16xi1>
      %and3A_432 = arith.andi %and3A_431, %eq3A_304 : vector<16xi1>
      %select_n3A_433 = arith.select %and3A_432, %max3A_359, %scan3A_168 : vector<16xi1>, vector<16xf32>
      %eq3A_434 = arith.constant 7 : i32
      %eq3A_435 = arith.cmpi eq, %shift_right_logical3A_305, %eq3A_434 : i32
      %and3A_436 = vector.broadcast %eq3A_435 : i1 to vector<16xi1>
      %and3A_437 = arith.andi %and3A_436, %eq3A_304 : vector<16xi1>
      %select_n3A_438 = arith.select %and3A_437, %max3A_359, %scan3A_169 : vector<16xi1>, vector<16xf32>
      scf.yield %select_n3A, %select_n3A_368, %select_n3A_373, %select_n3A_378, %select_n3A_383, %select_n3A_388, %select_n3A_393, %select_n3A_398, %select_n3A_403, %select_n3A_408, %select_n3A_413, %select_n3A_418, %select_n3A_423, %select_n3A_428, %select_n3A_433, %select_n3A_438 : vector<16xf32>, vector<16xf32>, vector<16xf32>, vector<16xf32>, vector<16xf32>, vector<16xf32>, vector<16xf32>, vector<16xf32>, vector<16xf32>, vector<16xf32>, vector<16xf32>, vector<16xf32>, vector<16xf32>, vector<16xf32>, vector<16xf32>, vector<16xf32>
    }
    %scan3A_146 = arith.constant 128 : i32
    %scan3A_147 = arith.constant 0 : i32
    %scan3A_148 = arith.constant 64 : i32
    %scan3A_149 = arith.addi %scan3A_147, %scan3A_148 : i32
    %scan3A_150 = arith.constant 1 : i32
    %scan3A_151:16 = scf.for %scan3A_153 = %scan3A_147 to %scan3A_149 step %scan3A_150 iter_args(%scan3A_154 = %scan3A_145#0, %scan3A_155 = %scan3A_145#1, %scan3A_156 = %scan3A_145#2, %scan3A_157 = %scan3A_145#3, %scan3A_158 = %scan3A_145#4, %scan3A_159 = %scan3A_145#5, %scan3A_160 = %scan3A_145#6, %scan3A_161 = %scan3A_145#7, %scan3A_162 = %scan3A_145#8, %scan3A_163 = %scan3A_145#9, %scan3A_164 = %scan3A_145#10, %scan3A_165 = %scan3A_145#11, %scan3A_166 = %scan3A_145#12, %scan3A_167 = %scan3A_145#13, %scan3A_168 = %scan3A_145#14, %scan3A_169 = %scan3A_145#15) -> (vector<16xf32>, vector<16xf32>, vector<16xf32>, vector<16xf32>, vector<16xf32>, vector<16xf32>, vector<16xf32>, vector<16xf32>, vector<16xf32>, vector<16xf32>, vector<16xf32>, vector<16xf32>, vector<16xf32>, vector<16xf32>, vector<16xf32>, vector<16xf32>)  : i32 {
      %gt3A = arith.cmpf ogt, %scan3A_155, %scan3A_154 : vector<16xf32>
      %select_n3A = arith.select %gt3A, %scan3A_155, %scan3A_154 : vector<16xi1>, vector<16xf32>
      %add3A_170 = arith.constant 16 : i32
      %add3A_171 = vector.broadcast %add3A_170 : i32 to vector<16xi32>
      %add3A_172 = arith.addi %iota3A, %add3A_171 : vector<16xi32>
      %select_n3A_173 = arith.select %gt3A, %add3A_172, %iota3A : vector<16xi1>, vector<16xi32>
      %gt3A_174 = arith.cmpf ogt, %scan3A_156, %select_n3A : vector<16xf32>
      %select_n3A_175 = arith.select %gt3A_174, %scan3A_156, %select_n3A : vector<16xi1>, vector<16xf32>
      %add3A_176 = arith.constant 32 : i32
      %add3A_177 = vector.broadcast %add3A_176 : i32 to vector<16xi32>
      %add3A_178 = arith.addi %iota3A, %add3A_177 : vector<16xi32>
      %select_n3A_179 = arith.select %gt3A_174, %add3A_178, %select_n3A_173 : vector<16xi1>, vector<16xi32>
      %gt3A_180 = arith.cmpf ogt, %scan3A_157, %select_n3A_175 : vector<16xf32>
      %select_n3A_181 = arith.select %gt3A_180, %scan3A_157, %select_n3A_175 : vector<16xi1>, vector<16xf32>
      %add3A_182 = arith.constant 48 : i32
      %add3A_183 = vector.broadcast %add3A_182 : i32 to vector<16xi32>
      %add3A_184 = arith.addi %iota3A, %add3A_183 : vector<16xi32>
      %select_n3A_185 = arith.select %gt3A_180, %add3A_184, %select_n3A_179 : vector<16xi1>, vector<16xi32>
      %gt3A_186 = arith.cmpf ogt, %scan3A_158, %select_n3A_181 : vector<16xf32>
      %select_n3A_187 = arith.select %gt3A_186, %scan3A_158, %select_n3A_181 : vector<16xi1>, vector<16xf32>
      %add3A_188 = arith.constant 64 : i32
      %add3A_189 = vector.broadcast %add3A_188 : i32 to vector<16xi32>
      %add3A_190 = arith.addi %iota3A, %add3A_189 : vector<16xi32>
      %select_n3A_191 = arith.select %gt3A_186, %add3A_190, %select_n3A_185 : vector<16xi1>, vector<16xi32>
      %gt3A_192 = arith.cmpf ogt, %scan3A_159, %select_n3A_187 : vector<16xf32>
      %select_n3A_193 = arith.select %gt3A_192, %scan3A_159, %select_n3A_187 : vector<16xi1>, vector<16xf32>
      %add3A_194 = arith.constant 80 : i32
      %add3A_195 = vector.broadcast %add3A_194 : i32 to vector<16xi32>
      %add3A_196 = arith.addi %iota3A, %add3A_195 : vector<16xi32>
      %select_n3A_197 = arith.select %gt3A_192, %add3A_196, %select_n3A_191 : vector<16xi1>, vector<16xi32>
      %gt3A_198 = arith.cmpf ogt, %scan3A_160, %select_n3A_193 : vector<16xf32>
      %select_n3A_199 = arith.select %gt3A_198, %scan3A_160, %select_n3A_193 : vector<16xi1>, vector<16xf32>
      %add3A_200 = arith.constant 96 : i32
      %add3A_201 = vector.broadcast %add3A_200 : i32 to vector<16xi32>
      %add3A_202 = arith.addi %iota3A, %add3A_201 : vector<16xi32>
      %select_n3A_203 = arith.select %gt3A_198, %add3A_202, %select_n3A_197 : vector<16xi1>, vector<16xi32>
      %gt3A_204 = arith.cmpf ogt, %scan3A_161, %select_n3A_199 : vector<16xf32>
      %select_n3A_205 = arith.select %gt3A_204, %scan3A_161, %select_n3A_199 : vector<16xi1>, vector<16xf32>
      %add3A_206 = arith.constant 112 : i32
      %add3A_207 = vector.broadcast %add3A_206 : i32 to vector<16xi32>
      %add3A_208 = arith.addi %iota3A, %add3A_207 : vector<16xi32>
      %select_n3A_209 = arith.select %gt3A_204, %add3A_208, %select_n3A_203 : vector<16xi1>, vector<16xi32>
      %xor3A = arith.constant 8 : i32
      %xor3A_210 = vector.broadcast %xor3A : i32 to vector<16xi32>
      %xor3A_211 = arith.xori %iota3A, %xor3A_210 : vector<16xi32>
      %broadcast_in_dim3A_212 = vector.shape_cast %xor3A_211 : vector<16xi32> to vector<16x1xi32>
      %gather3A = vector.shape_cast %broadcast_in_dim3A_212 : vector<16x1xi32> to vector<16xi32>
      %gather3A_213 = tpu.dynamic_gather %select_n3A_205[%gather3A] in [0] : vector<16xf32>, vector<16xi32> -> vector<16xf32>
      %max3A = arith.maximumf %select_n3A_205, %gather3A_213 : vector<16xf32>
      %xor3A_214 = arith.constant 4 : i32
      %xor3A_215 = vector.broadcast %xor3A_214 : i32 to vector<16xi32>
      %xor3A_216 = arith.xori %iota3A, %xor3A_215 : vector<16xi32>
      %broadcast_in_dim3A_217 = vector.shape_cast %xor3A_216 : vector<16xi32> to vector<16x1xi32>
      %gather3A_218 = vector.shape_cast %broadcast_in_dim3A_217 : vector<16x1xi32> to vector<16xi32>
      %gather3A_219 = tpu.dynamic_gather %max3A[%gather3A_218] in [0] : vector<16xf32>, vector<16xi32> -> vector<16xf32>
      %max3A_220 = arith.maximumf %max3A, %gather3A_219 : vector<16xf32>
      %xor3A_221 = arith.constant 2 : i32
      %xor3A_222 = vector.broadcast %xor3A_221 : i32 to vector<16xi32>
      %xor3A_223 = arith.xori %iota3A, %xor3A_222 : vector<16xi32>
      %broadcast_in_dim3A_224 = vector.shape_cast %xor3A_223 : vector<16xi32> to vector<16x1xi32>
      %gather3A_225 = vector.shape_cast %broadcast_in_dim3A_224 : vector<16x1xi32> to vector<16xi32>
      %gather3A_226 = tpu.dynamic_gather %max3A_220[%gather3A_225] in [0] : vector<16xf32>, vector<16xi32> -> vector<16xf32>
      %max3A_227 = arith.maximumf %max3A_220, %gather3A_226 : vector<16xf32>
      %xor3A_228 = arith.constant 1 : i32
      %xor3A_229 = vector.broadcast %xor3A_228 : i32 to vector<16xi32>
      %xor3A_230 = arith.xori %iota3A, %xor3A_229 : vector<16xi32>
      %broadcast_in_dim3A_231 = vector.shape_cast %xor3A_230 : vector<16xi32> to vector<16x1xi32>
      %gather3A_232 = vector.shape_cast %broadcast_in_dim3A_231 : vector<16x1xi32> to vector<16xi32>
      %gather3A_233 = tpu.dynamic_gather %max3A_227[%gather3A_232] in [0] : vector<16xf32>, vector<16xi32> -> vector<16xf32>
      %max3A_234 = arith.maximumf %max3A_227, %gather3A_233 : vector<16xf32>
      %eq3A_235 = arith.cmpf oeq, %select_n3A_205, %max3A_234 : vector<16xf32>
      %jit3A = arith.constant 1073741824 : i32
      %broadcast_in_dim3A_236 = vector.broadcast %jit3A : i32 to vector<16xi32>
      %select_n3A_237 = arith.select %eq3A_235, %select_n3A_209, %broadcast_in_dim3A_236 : vector<16xi1>, vector<16xi32>
      %xor3A_238 = arith.constant 8 : i32
      %xor3A_239 = vector.broadcast %xor3A_238 : i32 to vector<16xi32>
      %xor3A_240 = arith.xori %iota3A, %xor3A_239 : vector<16xi32>
      %broadcast_in_dim3A_241 = vector.shape_cast %xor3A_240 : vector<16xi32> to vector<16x1xi32>
      %gather3A_242 = vector.shape_cast %broadcast_in_dim3A_241 : vector<16x1xi32> to vector<16xi32>
      %gather3A_243 = tpu.dynamic_gather %select_n3A_237[%gather3A_242] in [0] : vector<16xi32>, vector<16xi32> -> vector<16xi32>
      %min3A = arith.minsi %select_n3A_237, %gather3A_243 : vector<16xi32>
      %xor3A_244 = arith.constant 4 : i32
      %xor3A_245 = vector.broadcast %xor3A_244 : i32 to vector<16xi32>
      %xor3A_246 = arith.xori %iota3A, %xor3A_245 : vector<16xi32>
      %broadcast_in_dim3A_247 = vector.shape_cast %xor3A_246 : vector<16xi32> to vector<16x1xi32>
      %gather3A_248 = vector.shape_cast %broadcast_in_dim3A_247 : vector<16x1xi32> to vector<16xi32>
      %gather3A_249 = tpu.dynamic_gather %min3A[%gather3A_248] in [0] : vector<16xi32>, vector<16xi32> -> vector<16xi32>
      %min3A_250 = arith.minsi %min3A, %gather3A_249 : vector<16xi32>
      %xor3A_251 = arith.constant 2 : i32
      %xor3A_252 = vector.broadcast %xor3A_251 : i32 to vector<16xi32>
      %xor3A_253 = arith.xori %iota3A, %xor3A_252 : vector<16xi32>
      %broadcast_in_dim3A_254 = vector.shape_cast %xor3A_253 : vector<16xi32> to vector<16x1xi32>
      %gather3A_255 = vector.shape_cast %broadcast_in_dim3A_254 : vector<16x1xi32> to vector<16xi32>
      %gather3A_256 = tpu.dynamic_gather %min3A_250[%gather3A_255] in [0] : vector<16xi32>, vector<16xi32> -> vector<16xi32>
      %min3A_257 = arith.minsi %min3A_250, %gather3A_256 : vector<16xi32>
      %xor3A_258 = arith.constant 1 : i32
      %xor3A_259 = vector.broadcast %xor3A_258 : i32 to vector<16xi32>
      %xor3A_260 = arith.xori %iota3A, %xor3A_259 : vector<16xi32>
      %broadcast_in_dim3A_261 = vector.shape_cast %xor3A_260 : vector<16xi32> to vector<16x1xi32>
      %gather3A_262 = vector.shape_cast %broadcast_in_dim3A_261 : vector<16x1xi32> to vector<16xi32>
      %gather3A_263 = tpu.dynamic_gather %min3A_257[%gather3A_262] in [0] : vector<16xi32>, vector<16xi32> -> vector<16xi32>
      %min3A_264 = arith.minsi %min3A_257, %gather3A_263 : vector<16xi32>
      %mul3A_265 = arith.constant 256 : i32
      %mul3A_266 = vector.broadcast %mul3A_265 : i32 to vector<16xi32>
      %mul3A_267 = arith.muli %min3A_264, %mul3A_266 : vector<16xi32>
      %broadcast_in_dim3A_268 = arith.constant 1073741824 : i32
      %broadcast_in_dim3A_269 = vector.broadcast %broadcast_in_dim3A_268 : i32 to vector<16xi32>
      %broadcast_in_dim3A_270 = arith.constant 0xFF800000 : f32
      %broadcast_in_dim3A_271 = vector.broadcast %broadcast_in_dim3A_270 : f32 to vector<16xf32>
      %broadcast_in_dim3A_272 = arith.constant 0 : i32
      %broadcast_in_dim3A_273 = vector.broadcast %broadcast_in_dim3A_272 : i32 to vector<16xi32>
      %add3A_274 = arith.constant 0 : i32
      %add3A_275 = vector.broadcast %add3A_274 : i32 to vector<16xi32>
      %add3A_276 = arith.addi %mul3A_267, %add3A_275 : vector<16xi32>
      %add3A_277 = arith.addi %add3A_276, %iota3A : vector<16xi32>
      %gather3A_278 = tpu.vector_load_idx %arg7[%add3A_277] : memref<32768xf32, #tpu.memory_space<vmem>>[vector<16xi32>], vector<16xf32>,
      %eq3A_279 = arith.cmpf oeq, %gather3A_278, %max3A_234 : vector<16xf32>
      %jit3A_280 = arith.constant 1073741824 : i32
      %broadcast_in_dim3A_281 = vector.broadcast %jit3A_280 : i32 to vector<16xi32>
      %select_n3A_282 = arith.select %eq3A_279, %add3A_277, %broadcast_in_dim3A_281 : vector<16xi1>, vector<16xi32>
      %min3A_283 = arith.minsi %broadcast_in_dim3A_269, %select_n3A_282 : vector<16xi32>
      %jit3A_284 = arith.constant 0xFF800000 : f32
      %broadcast_in_dim3A_285 = vector.broadcast %jit3A_284 : f32 to vector<16xf32>
      %select_n3A_286 = arith.select %eq3A_279, %broadcast_in_dim3A_285, %gather3A_278 : vector<16xi1>, vector<16xf32>
      %max3A_287 = arith.maximumf %broadcast_in_dim3A_271, %select_n3A_286 : vector<16xf32>
      %jit3A_288 = arith.constant 1 : i32
      %jit3A_289 = arith.constant 0 : i32
      %broadcast_in_dim3A_290 = vector.broadcast %jit3A_288 : i32 to vector<16xi32>
      %broadcast_in_dim3A_291 = vector.broadcast %jit3A_289 : i32 to vector<16xi32>
      %select_n3A_292 = arith.select %eq3A_279, %broadcast_in_dim3A_290, %broadcast_in_dim3A_291 : vector<16xi1>, vector<16xi32>
      %add3A_293 = arith.addi %broadcast_in_dim3A_273, %select_n3A_292 : vector<16xi32>
      %add3A_294 = arith.constant 16 : i32
      %add3A_295 = vector.broadcast %add3A_294 : i32 to vector<16xi32>
      %add3A_296 = arith.addi %mul3A_267, %add3A_295 : vector<16xi32>
      %add3A_297 = arith.addi %add3A_296, %iota3A : vector<16xi32>
      %gather3A_298 = tpu.vector_load_idx %arg7[%add3A_297] : memref<32768xf32, #tpu.memory_space<vmem>>[vector<16xi32>], vector<16xf32>,
      %eq3A_299 = arith.cmpf oeq, %gather3A_298, %max3A_234 : vector<16xf32>
      %jit3A_300 = arith.constant 1073741824 : i32
      %broadcast_in_dim3A_301 = vector.broadcast %jit3A_300 : i32 to vector<16xi32>
      %select_n3A_302 = arith.select %eq3A_299, %add3A_297, %broadcast_in_dim3A_301 : vector<16xi1>, vector<16xi32>
      %min3A_303 = arith.minsi %min3A_283, %select_n3A_302 : vector<16xi32>
      %jit3A_304 = arith.constant 0xFF800000 : f32
      %broadcast_in_dim3A_305 = vector.broadcast %jit3A_304 : f32 to vector<16xf32>
      %select_n3A_306 = arith.select %eq3A_299, %broadcast_in_dim3A_305, %gather3A_298 : vector<16xi1>, vector<16xf32>
      %max3A_307 = arith.maximumf %max3A_287, %select_n3A_306 : vector<16xf32>
      %jit3A_308 = arith.constant 1 : i32
      %jit3A_309 = arith.constant 0 : i32
      %broadcast_in_dim3A_310 = vector.broadcast %jit3A_308 : i32 to vector<16xi32>
      %broadcast_in_dim3A_311 = vector.broadcast %jit3A_309 : i32 to vector<16xi32>
      %select_n3A_312 = arith.select %eq3A_299, %broadcast_in_dim3A_310, %broadcast_in_dim3A_311 : vector<16xi1>, vector<16xi32>
      %add3A_313 = arith.addi %add3A_293, %select_n3A_312 : vector<16xi32>
      %add3A_314 = arith.constant 32 : i32
      %add3A_315 = vector.broadcast %add3A_314 : i32 to vector<16xi32>
      %add3A_316 = arith.addi %mul3A_267, %add3A_315 : vector<16xi32>
      %add3A_317 = arith.addi %add3A_316, %iota3A : vector<16xi32>
      %gather3A_318 = tpu.vector_load_idx %arg7[%add3A_317] : memref<32768xf32, #tpu.memory_space<vmem>>[vector<16xi32>], vector<16xf32>,
      %eq3A_319 = arith.cmpf oeq, %gather3A_318, %max3A_234 : vector<16xf32>
      %jit3A_320 = arith.constant 1073741824 : i32
      %broadcast_in_dim3A_321 = vector.broadcast %jit3A_320 : i32 to vector<16xi32>
      %select_n3A_322 = arith.select %eq3A_319, %add3A_317, %broadcast_in_dim3A_321 : vector<16xi1>, vector<16xi32>
      %min3A_323 = arith.minsi %min3A_303, %select_n3A_322 : vector<16xi32>
      %jit3A_324 = arith.constant 0xFF800000 : f32
      %broadcast_in_dim3A_325 = vector.broadcast %jit3A_324 : f32 to vector<16xf32>
      %select_n3A_326 = arith.select %eq3A_319, %broadcast_in_dim3A_325, %gather3A_318 : vector<16xi1>, vector<16xf32>
      %max3A_327 = arith.maximumf %max3A_307, %select_n3A_326 : vector<16xf32>
      %jit3A_328 = arith.constant 1 : i32
      %jit3A_329 = arith.constant 0 : i32
      %broadcast_in_dim3A_330 = vector.broadcast %jit3A_328 : i32 to vector<16xi32>
      %broadcast_in_dim3A_331 = vector.broadcast %jit3A_329 : i32 to vector<16xi32>
      %select_n3A_332 = arith.select %eq3A_319, %broadcast_in_dim3A_330, %broadcast_in_dim3A_331 : vector<16xi1>, vector<16xi32>
      %add3A_333 = arith.addi %add3A_313, %select_n3A_332 : vector<16xi32>
      %add3A_334 = arith.constant 48 : i32
      %add3A_335 = vector.broadcast %add3A_334 : i32 to vector<16xi32>
      %add3A_336 = arith.addi %mul3A_267, %add3A_335 : vector<16xi32>
      %add3A_337 = arith.addi %add3A_336, %iota3A : vector<16xi32>
      %gather3A_338 = tpu.vector_load_idx %arg7[%add3A_337] : memref<32768xf32, #tpu.memory_space<vmem>>[vector<16xi32>], vector<16xf32>,
      %eq3A_339 = arith.cmpf oeq, %gather3A_338, %max3A_234 : vector<16xf32>
      %jit3A_340 = arith.constant 1073741824 : i32
      %broadcast_in_dim3A_341 = vector.broadcast %jit3A_340 : i32 to vector<16xi32>
      %select_n3A_342 = arith.select %eq3A_339, %add3A_337, %broadcast_in_dim3A_341 : vector<16xi1>, vector<16xi32>
      %min3A_343 = arith.minsi %min3A_323, %select_n3A_342 : vector<16xi32>
      %jit3A_344 = arith.constant 0xFF800000 : f32
      %broadcast_in_dim3A_345 = vector.broadcast %jit3A_344 : f32 to vector<16xf32>
      %select_n3A_346 = arith.select %eq3A_339, %broadcast_in_dim3A_345, %gather3A_338 : vector<16xi1>, vector<16xf32>
      %max3A_347 = arith.maximumf %max3A_327, %select_n3A_346 : vector<16xf32>
      %jit3A_348 = arith.constant 1 : i32
      %jit3A_349 = arith.constant 0 : i32
      %broadcast_in_dim3A_350 = vector.broadcast %jit3A_348 : i32 to vector<16xi32>
      %broadcast_in_dim3A_351 = vector.broadcast %jit3A_349 : i32 to vector<16xi32>
      %select_n3A_352 = arith.select %eq3A_339, %broadcast_in_dim3A_350, %broadcast_in_dim3A_351 : vector<16xi1>, vector<16xi32>
      %add3A_353 = arith.addi %add3A_333, %select_n3A_352 : vector<16xi32>
      %add3A_354 = arith.constant 64 : i32
      %add3A_355 = vector.broadcast %add3A_354 : i32 to vector<16xi32>
      %add3A_356 = arith.addi %mul3A_267, %add3A_355 : vector<16xi32>
      %add3A_357 = arith.addi %add3A_356, %iota3A : vector<16xi32>
      %gather3A_358 = tpu.vector_load_idx %arg7[%add3A_357] : memref<32768xf32, #tpu.memory_space<vmem>>[vector<16xi32>], vector<16xf32>,
      %eq3A_359 = arith.cmpf oeq, %gather3A_358, %max3A_234 : vector<16xf32>
      %jit3A_360 = arith.constant 1073741824 : i32
      %broadcast_in_dim3A_361 = vector.broadcast %jit3A_360 : i32 to vector<16xi32>
      %select_n3A_362 = arith.select %eq3A_359, %add3A_357, %broadcast_in_dim3A_361 : vector<16xi1>, vector<16xi32>
      %min3A_363 = arith.minsi %min3A_343, %select_n3A_362 : vector<16xi32>
      %jit3A_364 = arith.constant 0xFF800000 : f32
      %broadcast_in_dim3A_365 = vector.broadcast %jit3A_364 : f32 to vector<16xf32>
      %select_n3A_366 = arith.select %eq3A_359, %broadcast_in_dim3A_365, %gather3A_358 : vector<16xi1>, vector<16xf32>
      %max3A_367 = arith.maximumf %max3A_347, %select_n3A_366 : vector<16xf32>
      %jit3A_368 = arith.constant 1 : i32
      %jit3A_369 = arith.constant 0 : i32
      %broadcast_in_dim3A_370 = vector.broadcast %jit3A_368 : i32 to vector<16xi32>
      %broadcast_in_dim3A_371 = vector.broadcast %jit3A_369 : i32 to vector<16xi32>
      %select_n3A_372 = arith.select %eq3A_359, %broadcast_in_dim3A_370, %broadcast_in_dim3A_371 : vector<16xi1>, vector<16xi32>
      %add3A_373 = arith.addi %add3A_353, %select_n3A_372 : vector<16xi32>
      %add3A_374 = arith.constant 80 : i32
      %add3A_375 = vector.broadcast %add3A_374 : i32 to vector<16xi32>
      %add3A_376 = arith.addi %mul3A_267, %add3A_375 : vector<16xi32>
      %add3A_377 = arith.addi %add3A_376, %iota3A : vector<16xi32>
      %gather3A_378 = tpu.vector_load_idx %arg7[%add3A_377] : memref<32768xf32, #tpu.memory_space<vmem>>[vector<16xi32>], vector<16xf32>,
      %eq3A_379 = arith.cmpf oeq, %gather3A_378, %max3A_234 : vector<16xf32>
      %jit3A_380 = arith.constant 1073741824 : i32
      %broadcast_in_dim3A_381 = vector.broadcast %jit3A_380 : i32 to vector<16xi32>
      %select_n3A_382 = arith.select %eq3A_379, %add3A_377, %broadcast_in_dim3A_381 : vector<16xi1>, vector<16xi32>
      %min3A_383 = arith.minsi %min3A_363, %select_n3A_382 : vector<16xi32>
      %jit3A_384 = arith.constant 0xFF800000 : f32
      %broadcast_in_dim3A_385 = vector.broadcast %jit3A_384 : f32 to vector<16xf32>
      %select_n3A_386 = arith.select %eq3A_379, %broadcast_in_dim3A_385, %gather3A_378 : vector<16xi1>, vector<16xf32>
      %max3A_387 = arith.maximumf %max3A_367, %select_n3A_386 : vector<16xf32>
      %jit3A_388 = arith.constant 1 : i32
      %jit3A_389 = arith.constant 0 : i32
      %broadcast_in_dim3A_390 = vector.broadcast %jit3A_388 : i32 to vector<16xi32>
      %broadcast_in_dim3A_391 = vector.broadcast %jit3A_389 : i32 to vector<16xi32>
      %select_n3A_392 = arith.select %eq3A_379, %broadcast_in_dim3A_390, %broadcast_in_dim3A_391 : vector<16xi1>, vector<16xi32>
      %add3A_393 = arith.addi %add3A_373, %select_n3A_392 : vector<16xi32>
      %add3A_394 = arith.constant 96 : i32
      %add3A_395 = vector.broadcast %add3A_394 : i32 to vector<16xi32>
      %add3A_396 = arith.addi %mul3A_267, %add3A_395 : vector<16xi32>
      %add3A_397 = arith.addi %add3A_396, %iota3A : vector<16xi32>
      %gather3A_398 = tpu.vector_load_idx %arg7[%add3A_397] : memref<32768xf32, #tpu.memory_space<vmem>>[vector<16xi32>], vector<16xf32>,
      %eq3A_399 = arith.cmpf oeq, %gather3A_398, %max3A_234 : vector<16xf32>
      %jit3A_400 = arith.constant 1073741824 : i32
      %broadcast_in_dim3A_401 = vector.broadcast %jit3A_400 : i32 to vector<16xi32>
      %select_n3A_402 = arith.select %eq3A_399, %add3A_397, %broadcast_in_dim3A_401 : vector<16xi1>, vector<16xi32>
      %min3A_403 = arith.minsi %min3A_383, %select_n3A_402 : vector<16xi32>
      %jit3A_404 = arith.constant 0xFF800000 : f32
      %broadcast_in_dim3A_405 = vector.broadcast %jit3A_404 : f32 to vector<16xf32>
      %select_n3A_406 = arith.select %eq3A_399, %broadcast_in_dim3A_405, %gather3A_398 : vector<16xi1>, vector<16xf32>
      %max3A_407 = arith.maximumf %max3A_387, %select_n3A_406 : vector<16xf32>
      %jit3A_408 = arith.constant 1 : i32
      %jit3A_409 = arith.constant 0 : i32
      %broadcast_in_dim3A_410 = vector.broadcast %jit3A_408 : i32 to vector<16xi32>
      %broadcast_in_dim3A_411 = vector.broadcast %jit3A_409 : i32 to vector<16xi32>
      %select_n3A_412 = arith.select %eq3A_399, %broadcast_in_dim3A_410, %broadcast_in_dim3A_411 : vector<16xi1>, vector<16xi32>
      %add3A_413 = arith.addi %add3A_393, %select_n3A_412 : vector<16xi32>
      %add3A_414 = arith.constant 112 : i32
      %add3A_415 = vector.broadcast %add3A_414 : i32 to vector<16xi32>
      %add3A_416 = arith.addi %mul3A_267, %add3A_415 : vector<16xi32>
      %add3A_417 = arith.addi %add3A_416, %iota3A : vector<16xi32>
      %gather3A_418 = tpu.vector_load_idx %arg7[%add3A_417] : memref<32768xf32, #tpu.memory_space<vmem>>[vector<16xi32>], vector<16xf32>,
      %eq3A_419 = arith.cmpf oeq, %gather3A_418, %max3A_234 : vector<16xf32>
      %jit3A_420 = arith.constant 1073741824 : i32
      %broadcast_in_dim3A_421 = vector.broadcast %jit3A_420 : i32 to vector<16xi32>
      %select_n3A_422 = arith.select %eq3A_419, %add3A_417, %broadcast_in_dim3A_421 : vector<16xi1>, vector<16xi32>
      %min3A_423 = arith.minsi %min3A_403, %select_n3A_422 : vector<16xi32>
      %jit3A_424 = arith.constant 0xFF800000 : f32
      %broadcast_in_dim3A_425 = vector.broadcast %jit3A_424 : f32 to vector<16xf32>
      %select_n3A_426 = arith.select %eq3A_419, %broadcast_in_dim3A_425, %gather3A_418 : vector<16xi1>, vector<16xf32>
      %max3A_427 = arith.maximumf %max3A_407, %select_n3A_426 : vector<16xf32>
      %jit3A_428 = arith.constant 1 : i32
      %jit3A_429 = arith.constant 0 : i32
      %broadcast_in_dim3A_430 = vector.broadcast %jit3A_428 : i32 to vector<16xi32>
      %broadcast_in_dim3A_431 = vector.broadcast %jit3A_429 : i32 to vector<16xi32>
      %select_n3A_432 = arith.select %eq3A_419, %broadcast_in_dim3A_430, %broadcast_in_dim3A_431 : vector<16xi1>, vector<16xi32>
      %add3A_433 = arith.addi %add3A_413, %select_n3A_432 : vector<16xi32>
      %add3A_434 = arith.constant 128 : i32
      %add3A_435 = vector.broadcast %add3A_434 : i32 to vector<16xi32>
      %add3A_436 = arith.addi %mul3A_267, %add3A_435 : vector<16xi32>
      %add3A_437 = arith.addi %add3A_436, %iota3A : vector<16xi32>
      %gather3A_438 = tpu.vector_load_idx %arg7[%add3A_437] : memref<32768xf32, #tpu.memory_space<vmem>>[vector<16xi32>], vector<16xf32>,
      %eq3A_439 = arith.cmpf oeq, %gather3A_438, %max3A_234 : vector<16xf32>
      %jit3A_440 = arith.constant 1073741824 : i32
      %broadcast_in_dim3A_441 = vector.broadcast %jit3A_440 : i32 to vector<16xi32>
      %select_n3A_442 = arith.select %eq3A_439, %add3A_437, %broadcast_in_dim3A_441 : vector<16xi1>, vector<16xi32>
      %min3A_443 = arith.minsi %min3A_423, %select_n3A_442 : vector<16xi32>
      %jit3A_444 = arith.constant 0xFF800000 : f32
      %broadcast_in_dim3A_445 = vector.broadcast %jit3A_444 : f32 to vector<16xf32>
      %select_n3A_446 = arith.select %eq3A_439, %broadcast_in_dim3A_445, %gather3A_438 : vector<16xi1>, vector<16xf32>
      %max3A_447 = arith.maximumf %max3A_427, %select_n3A_446 : vector<16xf32>
      %jit3A_448 = arith.constant 1 : i32
      %jit3A_449 = arith.constant 0 : i32
      %broadcast_in_dim3A_450 = vector.broadcast %jit3A_448 : i32 to vector<16xi32>
      %broadcast_in_dim3A_451 = vector.broadcast %jit3A_449 : i32 to vector<16xi32>
      %select_n3A_452 = arith.select %eq3A_439, %broadcast_in_dim3A_450, %broadcast_in_dim3A_451 : vector<16xi1>, vector<16xi32>
      %add3A_453 = arith.addi %add3A_433, %select_n3A_452 : vector<16xi32>
      %add3A_454 = arith.constant 144 : i32
      %add3A_455 = vector.broadcast %add3A_454 : i32 to vector<16xi32>
      %add3A_456 = arith.addi %mul3A_267, %add3A_455 : vector<16xi32>
      %add3A_457 = arith.addi %add3A_456, %iota3A : vector<16xi32>
      %gather3A_458 = tpu.vector_load_idx %arg7[%add3A_457] : memref<32768xf32, #tpu.memory_space<vmem>>[vector<16xi32>], vector<16xf32>,
      %eq3A_459 = arith.cmpf oeq, %gather3A_458, %max3A_234 : vector<16xf32>
      %jit3A_460 = arith.constant 1073741824 : i32
      %broadcast_in_dim3A_461 = vector.broadcast %jit3A_460 : i32 to vector<16xi32>
      %select_n3A_462 = arith.select %eq3A_459, %add3A_457, %broadcast_in_dim3A_461 : vector<16xi1>, vector<16xi32>
      %min3A_463 = arith.minsi %min3A_443, %select_n3A_462 : vector<16xi32>
      %jit3A_464 = arith.constant 0xFF800000 : f32
      %broadcast_in_dim3A_465 = vector.broadcast %jit3A_464 : f32 to vector<16xf32>
      %select_n3A_466 = arith.select %eq3A_459, %broadcast_in_dim3A_465, %gather3A_458 : vector<16xi1>, vector<16xf32>
      %max3A_467 = arith.maximumf %max3A_447, %select_n3A_466 : vector<16xf32>
      %jit3A_468 = arith.constant 1 : i32
      %jit3A_469 = arith.constant 0 : i32
      %broadcast_in_dim3A_470 = vector.broadcast %jit3A_468 : i32 to vector<16xi32>
      %broadcast_in_dim3A_471 = vector.broadcast %jit3A_469 : i32 to vector<16xi32>
      %select_n3A_472 = arith.select %eq3A_459, %broadcast_in_dim3A_470, %broadcast_in_dim3A_471 : vector<16xi1>, vector<16xi32>
      %add3A_473 = arith.addi %add3A_453, %select_n3A_472 : vector<16xi32>
      %add3A_474 = arith.constant 160 : i32
      %add3A_475 = vector.broadcast %add3A_474 : i32 to vector<16xi32>
      %add3A_476 = arith.addi %mul3A_267, %add3A_475 : vector<16xi32>
      %add3A_477 = arith.addi %add3A_476, %iota3A : vector<16xi32>
      %gather3A_478 = tpu.vector_load_idx %arg7[%add3A_477] : memref<32768xf32, #tpu.memory_space<vmem>>[vector<16xi32>], vector<16xf32>,
      %eq3A_479 = arith.cmpf oeq, %gather3A_478, %max3A_234 : vector<16xf32>
      %jit3A_480 = arith.constant 1073741824 : i32
      %broadcast_in_dim3A_481 = vector.broadcast %jit3A_480 : i32 to vector<16xi32>
      %select_n3A_482 = arith.select %eq3A_479, %add3A_477, %broadcast_in_dim3A_481 : vector<16xi1>, vector<16xi32>
      %min3A_483 = arith.minsi %min3A_463, %select_n3A_482 : vector<16xi32>
      %jit3A_484 = arith.constant 0xFF800000 : f32
      %broadcast_in_dim3A_485 = vector.broadcast %jit3A_484 : f32 to vector<16xf32>
      %select_n3A_486 = arith.select %eq3A_479, %broadcast_in_dim3A_485, %gather3A_478 : vector<16xi1>, vector<16xf32>
      %max3A_487 = arith.maximumf %max3A_467, %select_n3A_486 : vector<16xf32>
      %jit3A_488 = arith.constant 1 : i32
      %jit3A_489 = arith.constant 0 : i32
      %broadcast_in_dim3A_490 = vector.broadcast %jit3A_488 : i32 to vector<16xi32>
      %broadcast_in_dim3A_491 = vector.broadcast %jit3A_489 : i32 to vector<16xi32>
      %select_n3A_492 = arith.select %eq3A_479, %broadcast_in_dim3A_490, %broadcast_in_dim3A_491 : vector<16xi1>, vector<16xi32>
      %add3A_493 = arith.addi %add3A_473, %select_n3A_492 : vector<16xi32>
      %add3A_494 = arith.constant 176 : i32
      %add3A_495 = vector.broadcast %add3A_494 : i32 to vector<16xi32>
      %add3A_496 = arith.addi %mul3A_267, %add3A_495 : vector<16xi32>
      %add3A_497 = arith.addi %add3A_496, %iota3A : vector<16xi32>
      %gather3A_498 = tpu.vector_load_idx %arg7[%add3A_497] : memref<32768xf32, #tpu.memory_space<vmem>>[vector<16xi32>], vector<16xf32>,
      %eq3A_499 = arith.cmpf oeq, %gather3A_498, %max3A_234 : vector<16xf32>
      %jit3A_500 = arith.constant 1073741824 : i32
      %broadcast_in_dim3A_501 = vector.broadcast %jit3A_500 : i32 to vector<16xi32>
      %select_n3A_502 = arith.select %eq3A_499, %add3A_497, %broadcast_in_dim3A_501 : vector<16xi1>, vector<16xi32>
      %min3A_503 = arith.minsi %min3A_483, %select_n3A_502 : vector<16xi32>
      %jit3A_504 = arith.constant 0xFF800000 : f32
      %broadcast_in_dim3A_505 = vector.broadcast %jit3A_504 : f32 to vector<16xf32>
      %select_n3A_506 = arith.select %eq3A_499, %broadcast_in_dim3A_505, %gather3A_498 : vector<16xi1>, vector<16xf32>
      %max3A_507 = arith.maximumf %max3A_487, %select_n3A_506 : vector<16xf32>
      %jit3A_508 = arith.constant 1 : i32
      %jit3A_509 = arith.constant 0 : i32
      %broadcast_in_dim3A_510 = vector.broadcast %jit3A_508 : i32 to vector<16xi32>
      %broadcast_in_dim3A_511 = vector.broadcast %jit3A_509 : i32 to vector<16xi32>
      %select_n3A_512 = arith.select %eq3A_499, %broadcast_in_dim3A_510, %broadcast_in_dim3A_511 : vector<16xi1>, vector<16xi32>
      %add3A_513 = arith.addi %add3A_493, %select_n3A_512 : vector<16xi32>
      %add3A_514 = arith.constant 192 : i32
      %add3A_515 = vector.broadcast %add3A_514 : i32 to vector<16xi32>
      %add3A_516 = arith.addi %mul3A_267, %add3A_515 : vector<16xi32>
      %add3A_517 = arith.addi %add3A_516, %iota3A : vector<16xi32>
      %gather3A_518 = tpu.vector_load_idx %arg7[%add3A_517] : memref<32768xf32, #tpu.memory_space<vmem>>[vector<16xi32>], vector<16xf32>,
      %eq3A_519 = arith.cmpf oeq, %gather3A_518, %max3A_234 : vector<16xf32>
      %jit3A_520 = arith.constant 1073741824 : i32
      %broadcast_in_dim3A_521 = vector.broadcast %jit3A_520 : i32 to vector<16xi32>
      %select_n3A_522 = arith.select %eq3A_519, %add3A_517, %broadcast_in_dim3A_521 : vector<16xi1>, vector<16xi32>
      %min3A_523 = arith.minsi %min3A_503, %select_n3A_522 : vector<16xi32>
      %jit3A_524 = arith.constant 0xFF800000 : f32
      %broadcast_in_dim3A_525 = vector.broadcast %jit3A_524 : f32 to vector<16xf32>
      %select_n3A_526 = arith.select %eq3A_519, %broadcast_in_dim3A_525, %gather3A_518 : vector<16xi1>, vector<16xf32>
      %max3A_527 = arith.maximumf %max3A_507, %select_n3A_526 : vector<16xf32>
      %jit3A_528 = arith.constant 1 : i32
      %jit3A_529 = arith.constant 0 : i32
      %broadcast_in_dim3A_530 = vector.broadcast %jit3A_528 : i32 to vector<16xi32>
      %broadcast_in_dim3A_531 = vector.broadcast %jit3A_529 : i32 to vector<16xi32>
      %select_n3A_532 = arith.select %eq3A_519, %broadcast_in_dim3A_530, %broadcast_in_dim3A_531 : vector<16xi1>, vector<16xi32>
      %add3A_533 = arith.addi %add3A_513, %select_n3A_532 : vector<16xi32>
      %add3A_534 = arith.constant 208 : i32
      %add3A_535 = vector.broadcast %add3A_534 : i32 to vector<16xi32>
      %add3A_536 = arith.addi %mul3A_267, %add3A_535 : vector<16xi32>
      %add3A_537 = arith.addi %add3A_536, %iota3A : vector<16xi32>
      %gather3A_538 = tpu.vector_load_idx %arg7[%add3A_537] : memref<32768xf32, #tpu.memory_space<vmem>>[vector<16xi32>], vector<16xf32>,
      %eq3A_539 = arith.cmpf oeq, %gather3A_538, %max3A_234 : vector<16xf32>
      %jit3A_540 = arith.constant 1073741824 : i32
      %broadcast_in_dim3A_541 = vector.broadcast %jit3A_540 : i32 to vector<16xi32>
      %select_n3A_542 = arith.select %eq3A_539, %add3A_537, %broadcast_in_dim3A_541 : vector<16xi1>, vector<16xi32>
      %min3A_543 = arith.minsi %min3A_523, %select_n3A_542 : vector<16xi32>
      %jit3A_544 = arith.constant 0xFF800000 : f32
      %broadcast_in_dim3A_545 = vector.broadcast %jit3A_544 : f32 to vector<16xf32>
      %select_n3A_546 = arith.select %eq3A_539, %broadcast_in_dim3A_545, %gather3A_538 : vector<16xi1>, vector<16xf32>
      %max3A_547 = arith.maximumf %max3A_527, %select_n3A_546 : vector<16xf32>
      %jit3A_548 = arith.constant 1 : i32
      %jit3A_549 = arith.constant 0 : i32
      %broadcast_in_dim3A_550 = vector.broadcast %jit3A_548 : i32 to vector<16xi32>
      %broadcast_in_dim3A_551 = vector.broadcast %jit3A_549 : i32 to vector<16xi32>
      %select_n3A_552 = arith.select %eq3A_539, %broadcast_in_dim3A_550, %broadcast_in_dim3A_551 : vector<16xi1>, vector<16xi32>
      %add3A_553 = arith.addi %add3A_533, %select_n3A_552 : vector<16xi32>
      %add3A_554 = arith.constant 224 : i32
      %add3A_555 = vector.broadcast %add3A_554 : i32 to vector<16xi32>
      %add3A_556 = arith.addi %mul3A_267, %add3A_555 : vector<16xi32>
      %add3A_557 = arith.addi %add3A_556, %iota3A : vector<16xi32>
      %gather3A_558 = tpu.vector_load_idx %arg7[%add3A_557] : memref<32768xf32, #tpu.memory_space<vmem>>[vector<16xi32>], vector<16xf32>,
      %eq3A_559 = arith.cmpf oeq, %gather3A_558, %max3A_234 : vector<16xf32>
      %jit3A_560 = arith.constant 1073741824 : i32
      %broadcast_in_dim3A_561 = vector.broadcast %jit3A_560 : i32 to vector<16xi32>
      %select_n3A_562 = arith.select %eq3A_559, %add3A_557, %broadcast_in_dim3A_561 : vector<16xi1>, vector<16xi32>
      %min3A_563 = arith.minsi %min3A_543, %select_n3A_562 : vector<16xi32>
      %jit3A_564 = arith.constant 0xFF800000 : f32
      %broadcast_in_dim3A_565 = vector.broadcast %jit3A_564 : f32 to vector<16xf32>
      %select_n3A_566 = arith.select %eq3A_559, %broadcast_in_dim3A_565, %gather3A_558 : vector<16xi1>, vector<16xf32>
      %max3A_567 = arith.maximumf %max3A_547, %select_n3A_566 : vector<16xf32>
      %jit3A_568 = arith.constant 1 : i32
      %jit3A_569 = arith.constant 0 : i32
      %broadcast_in_dim3A_570 = vector.broadcast %jit3A_568 : i32 to vector<16xi32>
      %broadcast_in_dim3A_571 = vector.broadcast %jit3A_569 : i32 to vector<16xi32>
      %select_n3A_572 = arith.select %eq3A_559, %broadcast_in_dim3A_570, %broadcast_in_dim3A_571 : vector<16xi1>, vector<16xi32>
      %add3A_573 = arith.addi %add3A_553, %select_n3A_572 : vector<16xi32>
      %add3A_574 = arith.constant 240 : i32
      %add3A_575 = vector.broadcast %add3A_574 : i32 to vector<16xi32>
      %add3A_576 = arith.addi %mul3A_267, %add3A_575 : vector<16xi32>
      %add3A_577 = arith.addi %add3A_576, %iota3A : vector<16xi32>
      %gather3A_578 = tpu.vector_load_idx %arg7[%add3A_577] : memref<32768xf32, #tpu.memory_space<vmem>>[vector<16xi32>], vector<16xf32>,
      %eq3A_579 = arith.cmpf oeq, %gather3A_578, %max3A_234 : vector<16xf32>
      %jit3A_580 = arith.constant 1073741824 : i32
      %broadcast_in_dim3A_581 = vector.broadcast %jit3A_580 : i32 to vector<16xi32>
      %select_n3A_582 = arith.select %eq3A_579, %add3A_577, %broadcast_in_dim3A_581 : vector<16xi1>, vector<16xi32>
      %min3A_583 = arith.minsi %min3A_563, %select_n3A_582 : vector<16xi32>
      %jit3A_584 = arith.constant 0xFF800000 : f32
      %broadcast_in_dim3A_585 = vector.broadcast %jit3A_584 : f32 to vector<16xf32>
      %select_n3A_586 = arith.select %eq3A_579, %broadcast_in_dim3A_585, %gather3A_578 : vector<16xi1>, vector<16xf32>
      %max3A_587 = arith.maximumf %max3A_567, %select_n3A_586 : vector<16xf32>
      %jit3A_588 = arith.constant 1 : i32
      %jit3A_589 = arith.constant 0 : i32
      %broadcast_in_dim3A_590 = vector.broadcast %jit3A_588 : i32 to vector<16xi32>
      %broadcast_in_dim3A_591 = vector.broadcast %jit3A_589 : i32 to vector<16xi32>
      %select_n3A_592 = arith.select %eq3A_579, %broadcast_in_dim3A_590, %broadcast_in_dim3A_591 : vector<16xi1>, vector<16xi32>
      %add3A_593 = arith.addi %add3A_573, %select_n3A_592 : vector<16xi32>
      %xor3A_594 = arith.constant 8 : i32
      %xor3A_595 = vector.broadcast %xor3A_594 : i32 to vector<16xi32>
      %xor3A_596 = arith.xori %iota3A, %xor3A_595 : vector<16xi32>
      %broadcast_in_dim3A_597 = vector.shape_cast %xor3A_596 : vector<16xi32> to vector<16x1xi32>
      %gather3A_598 = vector.shape_cast %broadcast_in_dim3A_597 : vector<16x1xi32> to vector<16xi32>
      %gather3A_599 = tpu.dynamic_gather %min3A_583[%gather3A_598] in [0] : vector<16xi32>, vector<16xi32> -> vector<16xi32>
      %min3A_600 = arith.minsi %min3A_583, %gather3A_599 : vector<16xi32>
      %xor3A_601 = arith.constant 4 : i32
      %xor3A_602 = vector.broadcast %xor3A_601 : i32 to vector<16xi32>
      %xor3A_603 = arith.xori %iota3A, %xor3A_602 : vector<16xi32>
      %broadcast_in_dim3A_604 = vector.shape_cast %xor3A_603 : vector<16xi32> to vector<16x1xi32>
      %gather3A_605 = vector.shape_cast %broadcast_in_dim3A_604 : vector<16x1xi32> to vector<16xi32>
      %gather3A_606 = tpu.dynamic_gather %min3A_600[%gather3A_605] in [0] : vector<16xi32>, vector<16xi32> -> vector<16xi32>
      %min3A_607 = arith.minsi %min3A_600, %gather3A_606 : vector<16xi32>
      %xor3A_608 = arith.constant 2 : i32
      %xor3A_609 = vector.broadcast %xor3A_608 : i32 to vector<16xi32>
      %xor3A_610 = arith.xori %iota3A, %xor3A_609 : vector<16xi32>
      %broadcast_in_dim3A_611 = vector.shape_cast %xor3A_610 : vector<16xi32> to vector<16x1xi32>
      %gather3A_612 = vector.shape_cast %broadcast_in_dim3A_611 : vector<16x1xi32> to vector<16xi32>
      %gather3A_613 = tpu.dynamic_gather %min3A_607[%gather3A_612] in [0] : vector<16xi32>, vector<16xi32> -> vector<16xi32>
      %min3A_614 = arith.minsi %min3A_607, %gather3A_613 : vector<16xi32>
      %xor3A_615 = arith.constant 1 : i32
      %xor3A_616 = vector.broadcast %xor3A_615 : i32 to vector<16xi32>
      %xor3A_617 = arith.xori %iota3A, %xor3A_616 : vector<16xi32>
      %broadcast_in_dim3A_618 = vector.shape_cast %xor3A_617 : vector<16xi32> to vector<16x1xi32>
      %gather3A_619 = vector.shape_cast %broadcast_in_dim3A_618 : vector<16x1xi32> to vector<16xi32>
      %gather3A_620 = tpu.dynamic_gather %min3A_614[%gather3A_619] in [0] : vector<16xi32>, vector<16xi32> -> vector<16xi32>
      %min3A_621 = arith.minsi %min3A_614, %gather3A_620 : vector<16xi32>
      %broadcast_in_dim3A_622 = vector.broadcast %scan3A_153 : i32 to vector<16xi32>
      tpu.vector_store_idx %arg8[%broadcast_in_dim3A_622], %max3A_234 masked %eq3A_2 : memref<64xf32, #tpu.memory_space<vmem>>[vector<16xi32>], vector<16xf32>, vector<16xi1>
      tpu.vector_store_idx %arg10[%broadcast_in_dim3A_622], %min3A_621 masked %eq3A_2 : memref<64xi32, #tpu.memory_space<vmem>>[vector<16xi32>], vector<16xi32>, vector<16xi1>
      %broadcast_in_dim3A_623 = arith.constant 0xFF800000 : f32
      %broadcast_in_dim3A_624 = vector.broadcast %broadcast_in_dim3A_623 : f32 to vector<16xf32>
      tpu.vector_store_idx %arg7[%min3A_621], %broadcast_in_dim3A_624 masked %eq3A_2 : memref<32768xf32, #tpu.memory_space<vmem>>[vector<16xi32>], vector<16xf32>, vector<16xi1>
      %xor3A_625 = arith.constant 8 : i32
      %xor3A_626 = vector.broadcast %xor3A_625 : i32 to vector<16xi32>
      %xor3A_627 = arith.xori %iota3A, %xor3A_626 : vector<16xi32>
      %broadcast_in_dim3A_628 = vector.shape_cast %xor3A_627 : vector<16xi32> to vector<16x1xi32>
      %gather3A_629 = vector.shape_cast %broadcast_in_dim3A_628 : vector<16x1xi32> to vector<16xi32>
      %gather3A_630 = tpu.dynamic_gather %add3A_593[%gather3A_629] in [0] : vector<16xi32>, vector<16xi32> -> vector<16xi32>
      %add3A_631 = arith.addi %add3A_593, %gather3A_630 : vector<16xi32>
      %xor3A_632 = arith.constant 4 : i32
      %xor3A_633 = vector.broadcast %xor3A_632 : i32 to vector<16xi32>
      %xor3A_634 = arith.xori %iota3A, %xor3A_633 : vector<16xi32>
      %broadcast_in_dim3A_635 = vector.shape_cast %xor3A_634 : vector<16xi32> to vector<16x1xi32>
      %gather3A_636 = vector.shape_cast %broadcast_in_dim3A_635 : vector<16x1xi32> to vector<16xi32>
      %gather3A_637 = tpu.dynamic_gather %add3A_631[%gather3A_636] in [0] : vector<16xi32>, vector<16xi32> -> vector<16xi32>
      %add3A_638 = arith.addi %add3A_631, %gather3A_637 : vector<16xi32>
      %xor3A_639 = arith.constant 2 : i32
      %xor3A_640 = vector.broadcast %xor3A_639 : i32 to vector<16xi32>
      %xor3A_641 = arith.xori %iota3A, %xor3A_640 : vector<16xi32>
      %broadcast_in_dim3A_642 = vector.shape_cast %xor3A_641 : vector<16xi32> to vector<16x1xi32>
      %gather3A_643 = vector.shape_cast %broadcast_in_dim3A_642 : vector<16x1xi32> to vector<16xi32>
      %gather3A_644 = tpu.dynamic_gather %add3A_638[%gather3A_643] in [0] : vector<16xi32>, vector<16xi32> -> vector<16xi32>
      %add3A_645 = arith.addi %add3A_638, %gather3A_644 : vector<16xi32>
      %xor3A_646 = arith.constant 1 : i32
      %xor3A_647 = vector.broadcast %xor3A_646 : i32 to vector<16xi32>
      %xor3A_648 = arith.xori %iota3A, %xor3A_647 : vector<16xi32>
      %broadcast_in_dim3A_649 = vector.shape_cast %xor3A_648 : vector<16xi32> to vector<16x1xi32>
      %gather3A_650 = vector.shape_cast %broadcast_in_dim3A_649 : vector<16x1xi32> to vector<16xi32>
      %gather3A_651 = tpu.dynamic_gather %add3A_645[%gather3A_650] in [0] : vector<16xi32>, vector<16xi32> -> vector<16xi32>
      %add3A_652 = arith.addi %add3A_645, %gather3A_651 : vector<16xi32>
      %gt3A_653 = arith.constant 1 : i32
      %gt3A_654 = vector.broadcast %gt3A_653 : i32 to vector<16xi32>
      %gt3A_655 = arith.cmpi sgt, %add3A_652, %gt3A_654 : vector<16xi32>
      %xor3A_656 = arith.constant 8 : i32
      %xor3A_657 = vector.broadcast %xor3A_656 : i32 to vector<16xi32>
      %xor3A_658 = arith.xori %iota3A, %xor3A_657 : vector<16xi32>
      %broadcast_in_dim3A_659 = vector.shape_cast %xor3A_658 : vector<16xi32> to vector<16x1xi32>
      %gather3A_660 = vector.shape_cast %broadcast_in_dim3A_659 : vector<16x1xi32> to vector<16xi32>
      %gather3A_661 = tpu.dynamic_gather %max3A_587[%gather3A_660] in [0] : vector<16xf32>, vector<16xi32> -> vector<16xf32>
      %max3A_662 = arith.maximumf %max3A_587, %gather3A_661 : vector<16xf32>
      %xor3A_663 = arith.constant 4 : i32
      %xor3A_664 = vector.broadcast %xor3A_663 : i32 to vector<16xi32>
      %xor3A_665 = arith.xori %iota3A, %xor3A_664 : vector<16xi32>
      %broadcast_in_dim3A_666 = vector.shape_cast %xor3A_665 : vector<16xi32> to vector<16x1xi32>
      %gather3A_667 = vector.shape_cast %broadcast_in_dim3A_666 : vector<16x1xi32> to vector<16xi32>
      %gather3A_668 = tpu.dynamic_gather %max3A_662[%gather3A_667] in [0] : vector<16xf32>, vector<16xi32> -> vector<16xf32>
      %max3A_669 = arith.maximumf %max3A_662, %gather3A_668 : vector<16xf32>
      %xor3A_670 = arith.constant 2 : i32
      %xor3A_671 = vector.broadcast %xor3A_670 : i32 to vector<16xi32>
      %xor3A_672 = arith.xori %iota3A, %xor3A_671 : vector<16xi32>
      %broadcast_in_dim3A_673 = vector.shape_cast %xor3A_672 : vector<16xi32> to vector<16x1xi32>
      %gather3A_674 = vector.shape_cast %broadcast_in_dim3A_673 : vector<16x1xi32> to vector<16xi32>
      %gather3A_675 = tpu.dynamic_gather %max3A_669[%gather3A_674] in [0] : vector<16xf32>, vector<16xi32> -> vector<16xf32>
      %max3A_676 = arith.maximumf %max3A_669, %gather3A_675 : vector<16xf32>
      %xor3A_677 = arith.constant 1 : i32
      %xor3A_678 = vector.broadcast %xor3A_677 : i32 to vector<16xi32>
      %xor3A_679 = arith.xori %iota3A, %xor3A_678 : vector<16xi32>
      %broadcast_in_dim3A_680 = vector.shape_cast %xor3A_679 : vector<16xi32> to vector<16x1xi32>
      %gather3A_681 = vector.shape_cast %broadcast_in_dim3A_680 : vector<16x1xi32> to vector<16xi32>
      %gather3A_682 = tpu.dynamic_gather %max3A_676[%gather3A_681] in [0] : vector<16xf32>, vector<16xi32> -> vector<16xf32>
      %max3A_683 = arith.maximumf %max3A_676, %gather3A_682 : vector<16xf32>
      %select_n3A_684 = arith.select %gt3A_655, %max3A_234, %max3A_683 : vector<16xi1>, vector<16xf32>
      %and3A = arith.constant 15 : i32
      %and3A_685 = vector.broadcast %and3A : i32 to vector<16xi32>
      %and3A_686 = arith.andi %min3A_264, %and3A_685 : vector<16xi32>
      %shift_right_logical3A = arith.constant 4 : i32
      %shift_right_logical3A_687 = vector.broadcast %shift_right_logical3A : i32 to vector<16xi32>
      %shift_right_logical3A_688 = arith.shrui %min3A_264, %shift_right_logical3A_687 : vector<16xi32>
      %eq3A_689 = arith.cmpi eq, %iota3A, %and3A_686 : vector<16xi32>
      %eq3A_690 = arith.constant 0 : i32
      %eq3A_691 = vector.broadcast %eq3A_690 : i32 to vector<16xi32>
      %eq3A_692 = arith.cmpi eq, %shift_right_logical3A_688, %eq3A_691 : vector<16xi32>
      %and3A_693 = arith.andi %eq3A_692, %eq3A_689 : vector<16xi1>
      %select_n3A_694 = arith.select %and3A_693, %select_n3A_684, %scan3A_154 : vector<16xi1>, vector<16xf32>
      %eq3A_695 = arith.constant 1 : i32
      %eq3A_696 = vector.broadcast %eq3A_695 : i32 to vector<16xi32>
      %eq3A_697 = arith.cmpi eq, %shift_right_logical3A_688, %eq3A_696 : vector<16xi32>
      %and3A_698 = arith.andi %eq3A_697, %eq3A_689 : vector<16xi1>
      %select_n3A_699 = arith.select %and3A_698, %select_n3A_684, %scan3A_155 : vector<16xi1>, vector<16xf32>
      %eq3A_700 = arith.constant 2 : i32
      %eq3A_701 = vector.broadcast %eq3A_700 : i32 to vector<16xi32>
      %eq3A_702 = arith.cmpi eq, %shift_right_logical3A_688, %eq3A_701 : vector<16xi32>
      %and3A_703 = arith.andi %eq3A_702, %eq3A_689 : vector<16xi1>
      %select_n3A_704 = arith.select %and3A_703, %select_n3A_684, %scan3A_156 : vector<16xi1>, vector<16xf32>
      %eq3A_705 = arith.constant 3 : i32
      %eq3A_706 = vector.broadcast %eq3A_705 : i32 to vector<16xi32>
      %eq3A_707 = arith.cmpi eq, %shift_right_logical3A_688, %eq3A_706 : vector<16xi32>
      %and3A_708 = arith.andi %eq3A_707, %eq3A_689 : vector<16xi1>
      %select_n3A_709 = arith.select %and3A_708, %select_n3A_684, %scan3A_157 : vector<16xi1>, vector<16xf32>
      %eq3A_710 = arith.constant 4 : i32
      %eq3A_711 = vector.broadcast %eq3A_710 : i32 to vector<16xi32>
      %eq3A_712 = arith.cmpi eq, %shift_right_logical3A_688, %eq3A_711 : vector<16xi32>
      %and3A_713 = arith.andi %eq3A_712, %eq3A_689 : vector<16xi1>
      %select_n3A_714 = arith.select %and3A_713, %select_n3A_684, %scan3A_158 : vector<16xi1>, vector<16xf32>
      %eq3A_715 = arith.constant 5 : i32
      %eq3A_716 = vector.broadcast %eq3A_715 : i32 to vector<16xi32>
      %eq3A_717 = arith.cmpi eq, %shift_right_logical3A_688, %eq3A_716 : vector<16xi32>
      %and3A_718 = arith.andi %eq3A_717, %eq3A_689 : vector<16xi1>
      %select_n3A_719 = arith.select %and3A_718, %select_n3A_684, %scan3A_159 : vector<16xi1>, vector<16xf32>
      %eq3A_720 = arith.constant 6 : i32
      %eq3A_721 = vector.broadcast %eq3A_720 : i32 to vector<16xi32>
      %eq3A_722 = arith.cmpi eq, %shift_right_logical3A_688, %eq3A_721 : vector<16xi32>
      %and3A_723 = arith.andi %eq3A_722, %eq3A_689 : vector<16xi1>
      %select_n3A_724 = arith.select %and3A_723, %select_n3A_684, %scan3A_160 : vector<16xi1>, vector<16xf32>
      %eq3A_725 = arith.constant 7 : i32
      %eq3A_726 = vector.broadcast %eq3A_725 : i32 to vector<16xi32>
      %eq3A_727 = arith.cmpi eq, %shift_right_logical3A_688, %eq3A_726 : vector<16xi32>
      %and3A_728 = arith.andi %eq3A_727, %eq3A_689 : vector<16xi1>
      %select_n3A_729 = arith.select %and3A_728, %select_n3A_684, %scan3A_161 : vector<16xi1>, vector<16xf32>
      %gt3A_730 = arith.cmpf ogt, %scan3A_163, %scan3A_162 : vector<16xf32>
      %select_n3A_731 = arith.select %gt3A_730, %scan3A_163, %scan3A_162 : vector<16xi1>, vector<16xf32>
      %add3A_732 = arith.constant 16 : i32
      %add3A_733 = vector.broadcast %add3A_732 : i32 to vector<16xi32>
      %add3A_734 = arith.addi %iota3A, %add3A_733 : vector<16xi32>
      %select_n3A_735 = arith.select %gt3A_730, %add3A_734, %iota3A : vector<16xi1>, vector<16xi32>
      %gt3A_736 = arith.cmpf ogt, %scan3A_164, %select_n3A_731 : vector<16xf32>
      %select_n3A_737 = arith.select %gt3A_736, %scan3A_164, %select_n3A_731 : vector<16xi1>, vector<16xf32>
      %add3A_738 = arith.constant 32 : i32
      %add3A_739 = vector.broadcast %add3A_738 : i32 to vector<16xi32>
      %add3A_740 = arith.addi %iota3A, %add3A_739 : vector<16xi32>
      %select_n3A_741 = arith.select %gt3A_736, %add3A_740, %select_n3A_735 : vector<16xi1>, vector<16xi32>
      %gt3A_742 = arith.cmpf ogt, %scan3A_165, %select_n3A_737 : vector<16xf32>
      %select_n3A_743 = arith.select %gt3A_742, %scan3A_165, %select_n3A_737 : vector<16xi1>, vector<16xf32>
      %add3A_744 = arith.constant 48 : i32
      %add3A_745 = vector.broadcast %add3A_744 : i32 to vector<16xi32>
      %add3A_746 = arith.addi %iota3A, %add3A_745 : vector<16xi32>
      %select_n3A_747 = arith.select %gt3A_742, %add3A_746, %select_n3A_741 : vector<16xi1>, vector<16xi32>
      %gt3A_748 = arith.cmpf ogt, %scan3A_166, %select_n3A_743 : vector<16xf32>
      %select_n3A_749 = arith.select %gt3A_748, %scan3A_166, %select_n3A_743 : vector<16xi1>, vector<16xf32>
      %add3A_750 = arith.constant 64 : i32
      %add3A_751 = vector.broadcast %add3A_750 : i32 to vector<16xi32>
      %add3A_752 = arith.addi %iota3A, %add3A_751 : vector<16xi32>
      %select_n3A_753 = arith.select %gt3A_748, %add3A_752, %select_n3A_747 : vector<16xi1>, vector<16xi32>
      %gt3A_754 = arith.cmpf ogt, %scan3A_167, %select_n3A_749 : vector<16xf32>
      %select_n3A_755 = arith.select %gt3A_754, %scan3A_167, %select_n3A_749 : vector<16xi1>, vector<16xf32>
      %add3A_756 = arith.constant 80 : i32
      %add3A_757 = vector.broadcast %add3A_756 : i32 to vector<16xi32>
      %add3A_758 = arith.addi %iota3A, %add3A_757 : vector<16xi32>
      %select_n3A_759 = arith.select %gt3A_754, %add3A_758, %select_n3A_753 : vector<16xi1>, vector<16xi32>
      %gt3A_760 = arith.cmpf ogt, %scan3A_168, %select_n3A_755 : vector<16xf32>
      %select_n3A_761 = arith.select %gt3A_760, %scan3A_168, %select_n3A_755 : vector<16xi1>, vector<16xf32>
      %add3A_762 = arith.constant 96 : i32
      %add3A_763 = vector.broadcast %add3A_762 : i32 to vector<16xi32>
      %add3A_764 = arith.addi %iota3A, %add3A_763 : vector<16xi32>
      %select_n3A_765 = arith.select %gt3A_760, %add3A_764, %select_n3A_759 : vector<16xi1>, vector<16xi32>
      %gt3A_766 = arith.cmpf ogt, %scan3A_169, %select_n3A_761 : vector<16xf32>
      %select_n3A_767 = arith.select %gt3A_766, %scan3A_169, %select_n3A_761 : vector<16xi1>, vector<16xf32>
      %add3A_768 = arith.constant 112 : i32
      %add3A_769 = vector.broadcast %add3A_768 : i32 to vector<16xi32>
      %add3A_770 = arith.addi %iota3A, %add3A_769 : vector<16xi32>
      %select_n3A_771 = arith.select %gt3A_766, %add3A_770, %select_n3A_765 : vector<16xi1>, vector<16xi32>
      %xor3A_772 = arith.constant 8 : i32
      %xor3A_773 = vector.broadcast %xor3A_772 : i32 to vector<16xi32>
      %xor3A_774 = arith.xori %iota3A, %xor3A_773 : vector<16xi32>
      %broadcast_in_dim3A_775 = vector.shape_cast %xor3A_774 : vector<16xi32> to vector<16x1xi32>
      %gather3A_776 = vector.shape_cast %broadcast_in_dim3A_775 : vector<16x1xi32> to vector<16xi32>
      %gather3A_777 = tpu.dynamic_gather %select_n3A_767[%gather3A_776] in [0] : vector<16xf32>, vector<16xi32> -> vector<16xf32>
      %max3A_778 = arith.maximumf %select_n3A_767, %gather3A_777 : vector<16xf32>
      %xor3A_779 = arith.constant 4 : i32
      %xor3A_780 = vector.broadcast %xor3A_779 : i32 to vector<16xi32>
      %xor3A_781 = arith.xori %iota3A, %xor3A_780 : vector<16xi32>
      %broadcast_in_dim3A_782 = vector.shape_cast %xor3A_781 : vector<16xi32> to vector<16x1xi32>
      %gather3A_783 = vector.shape_cast %broadcast_in_dim3A_782 : vector<16x1xi32> to vector<16xi32>
      %gather3A_784 = tpu.dynamic_gather %max3A_778[%gather3A_783] in [0] : vector<16xf32>, vector<16xi32> -> vector<16xf32>
      %max3A_785 = arith.maximumf %max3A_778, %gather3A_784 : vector<16xf32>
      %xor3A_786 = arith.constant 2 : i32
      %xor3A_787 = vector.broadcast %xor3A_786 : i32 to vector<16xi32>
      %xor3A_788 = arith.xori %iota3A, %xor3A_787 : vector<16xi32>
      %broadcast_in_dim3A_789 = vector.shape_cast %xor3A_788 : vector<16xi32> to vector<16x1xi32>
      %gather3A_790 = vector.shape_cast %broadcast_in_dim3A_789 : vector<16x1xi32> to vector<16xi32>
      %gather3A_791 = tpu.dynamic_gather %max3A_785[%gather3A_790] in [0] : vector<16xf32>, vector<16xi32> -> vector<16xf32>
      %max3A_792 = arith.maximumf %max3A_785, %gather3A_791 : vector<16xf32>
      %xor3A_793 = arith.constant 1 : i32
      %xor3A_794 = vector.broadcast %xor3A_793 : i32 to vector<16xi32>
      %xor3A_795 = arith.xori %iota3A, %xor3A_794 : vector<16xi32>
      %broadcast_in_dim3A_796 = vector.shape_cast %xor3A_795 : vector<16xi32> to vector<16x1xi32>
      %gather3A_797 = vector.shape_cast %broadcast_in_dim3A_796 : vector<16x1xi32> to vector<16xi32>
      %gather3A_798 = tpu.dynamic_gather %max3A_792[%gather3A_797] in [0] : vector<16xf32>, vector<16xi32> -> vector<16xf32>
      %max3A_799 = arith.maximumf %max3A_792, %gather3A_798 : vector<16xf32>
      %eq3A_800 = arith.cmpf oeq, %select_n3A_767, %max3A_799 : vector<16xf32>
      %jit3A_801 = arith.constant 1073741824 : i32
      %broadcast_in_dim3A_802 = vector.broadcast %jit3A_801 : i32 to vector<16xi32>
      %select_n3A_803 = arith.select %eq3A_800, %select_n3A_771, %broadcast_in_dim3A_802 : vector<16xi1>, vector<16xi32>
      %xor3A_804 = arith.constant 8 : i32
      %xor3A_805 = vector.broadcast %xor3A_804 : i32 to vector<16xi32>
      %xor3A_806 = arith.xori %iota3A, %xor3A_805 : vector<16xi32>
      %broadcast_in_dim3A_807 = vector.shape_cast %xor3A_806 : vector<16xi32> to vector<16x1xi32>
      %gather3A_808 = vector.shape_cast %broadcast_in_dim3A_807 : vector<16x1xi32> to vector<16xi32>
      %gather3A_809 = tpu.dynamic_gather %select_n3A_803[%gather3A_808] in [0] : vector<16xi32>, vector<16xi32> -> vector<16xi32>
      %min3A_810 = arith.minsi %select_n3A_803, %gather3A_809 : vector<16xi32>
      %xor3A_811 = arith.constant 4 : i32
      %xor3A_812 = vector.broadcast %xor3A_811 : i32 to vector<16xi32>
      %xor3A_813 = arith.xori %iota3A, %xor3A_812 : vector<16xi32>
      %broadcast_in_dim3A_814 = vector.shape_cast %xor3A_813 : vector<16xi32> to vector<16x1xi32>
      %gather3A_815 = vector.shape_cast %broadcast_in_dim3A_814 : vector<16x1xi32> to vector<16xi32>
      %gather3A_816 = tpu.dynamic_gather %min3A_810[%gather3A_815] in [0] : vector<16xi32>, vector<16xi32> -> vector<16xi32>
      %min3A_817 = arith.minsi %min3A_810, %gather3A_816 : vector<16xi32>
      %xor3A_818 = arith.constant 2 : i32
      %xor3A_819 = vector.broadcast %xor3A_818 : i32 to vector<16xi32>
      %xor3A_820 = arith.xori %iota3A, %xor3A_819 : vector<16xi32>
      %broadcast_in_dim3A_821 = vector.shape_cast %xor3A_820 : vector<16xi32> to vector<16x1xi32>
      %gather3A_822 = vector.shape_cast %broadcast_in_dim3A_821 : vector<16x1xi32> to vector<16xi32>
      %gather3A_823 = tpu.dynamic_gather %min3A_817[%gather3A_822] in [0] : vector<16xi32>, vector<16xi32> -> vector<16xi32>
      %min3A_824 = arith.minsi %min3A_817, %gather3A_823 : vector<16xi32>
      %xor3A_825 = arith.constant 1 : i32
      %xor3A_826 = vector.broadcast %xor3A_825 : i32 to vector<16xi32>
      %xor3A_827 = arith.xori %iota3A, %xor3A_826 : vector<16xi32>
      %broadcast_in_dim3A_828 = vector.shape_cast %xor3A_827 : vector<16xi32> to vector<16x1xi32>
      %gather3A_829 = vector.shape_cast %broadcast_in_dim3A_828 : vector<16x1xi32> to vector<16xi32>
      %gather3A_830 = tpu.dynamic_gather %min3A_824[%gather3A_829] in [0] : vector<16xi32>, vector<16xi32> -> vector<16xi32>
      %min3A_831 = arith.minsi %min3A_824, %gather3A_830 : vector<16xi32>
      %mul3A_832 = arith.constant 256 : i32
      %mul3A_833 = vector.broadcast %mul3A_832 : i32 to vector<16xi32>
      %mul3A_834 = arith.muli %min3A_831, %mul3A_833 : vector<16xi32>
      %broadcast_in_dim3A_835 = arith.constant 1073741824 : i32
      %broadcast_in_dim3A_836 = vector.broadcast %broadcast_in_dim3A_835 : i32 to vector<16xi32>
      %broadcast_in_dim3A_837 = arith.constant 0xFF800000 : f32
      %broadcast_in_dim3A_838 = vector.broadcast %broadcast_in_dim3A_837 : f32 to vector<16xf32>
      %broadcast_in_dim3A_839 = arith.constant 0 : i32
      %broadcast_in_dim3A_840 = vector.broadcast %broadcast_in_dim3A_839 : i32 to vector<16xi32>
      %add3A_841 = arith.constant 0 : i32
      %add3A_842 = vector.broadcast %add3A_841 : i32 to vector<16xi32>
      %add3A_843 = arith.addi %mul3A_834, %add3A_842 : vector<16xi32>
      %add3A_844 = arith.addi %add3A_843, %iota3A : vector<16xi32>
      %gather3A_845 = tpu.vector_load_idx %arg6[%add3A_844] : memref<32768xf32, #tpu.memory_space<vmem>>[vector<16xi32>], vector<16xf32>,
      %eq3A_846 = arith.cmpf oeq, %gather3A_845, %max3A_799 : vector<16xf32>
      %jit3A_847 = arith.constant 1073741824 : i32
      %broadcast_in_dim3A_848 = vector.broadcast %jit3A_847 : i32 to vector<16xi32>
      %select_n3A_849 = arith.select %eq3A_846, %add3A_844, %broadcast_in_dim3A_848 : vector<16xi1>, vector<16xi32>
      %min3A_850 = arith.minsi %broadcast_in_dim3A_836, %select_n3A_849 : vector<16xi32>
      %jit3A_851 = arith.constant 0xFF800000 : f32
      %broadcast_in_dim3A_852 = vector.broadcast %jit3A_851 : f32 to vector<16xf32>
      %select_n3A_853 = arith.select %eq3A_846, %broadcast_in_dim3A_852, %gather3A_845 : vector<16xi1>, vector<16xf32>
      %max3A_854 = arith.maximumf %broadcast_in_dim3A_838, %select_n3A_853 : vector<16xf32>
      %jit3A_855 = arith.constant 1 : i32
      %jit3A_856 = arith.constant 0 : i32
      %broadcast_in_dim3A_857 = vector.broadcast %jit3A_855 : i32 to vector<16xi32>
      %broadcast_in_dim3A_858 = vector.broadcast %jit3A_856 : i32 to vector<16xi32>
      %select_n3A_859 = arith.select %eq3A_846, %broadcast_in_dim3A_857, %broadcast_in_dim3A_858 : vector<16xi1>, vector<16xi32>
      %add3A_860 = arith.addi %broadcast_in_dim3A_840, %select_n3A_859 : vector<16xi32>
      %add3A_861 = arith.constant 16 : i32
      %add3A_862 = vector.broadcast %add3A_861 : i32 to vector<16xi32>
      %add3A_863 = arith.addi %mul3A_834, %add3A_862 : vector<16xi32>
      %add3A_864 = arith.addi %add3A_863, %iota3A : vector<16xi32>
      %gather3A_865 = tpu.vector_load_idx %arg6[%add3A_864] : memref<32768xf32, #tpu.memory_space<vmem>>[vector<16xi32>], vector<16xf32>,
      %eq3A_866 = arith.cmpf oeq, %gather3A_865, %max3A_799 : vector<16xf32>
      %jit3A_867 = arith.constant 1073741824 : i32
      %broadcast_in_dim3A_868 = vector.broadcast %jit3A_867 : i32 to vector<16xi32>
      %select_n3A_869 = arith.select %eq3A_866, %add3A_864, %broadcast_in_dim3A_868 : vector<16xi1>, vector<16xi32>
      %min3A_870 = arith.minsi %min3A_850, %select_n3A_869 : vector<16xi32>
      %jit3A_871 = arith.constant 0xFF800000 : f32
      %broadcast_in_dim3A_872 = vector.broadcast %jit3A_871 : f32 to vector<16xf32>
      %select_n3A_873 = arith.select %eq3A_866, %broadcast_in_dim3A_872, %gather3A_865 : vector<16xi1>, vector<16xf32>
      %max3A_874 = arith.maximumf %max3A_854, %select_n3A_873 : vector<16xf32>
      %jit3A_875 = arith.constant 1 : i32
      %jit3A_876 = arith.constant 0 : i32
      %broadcast_in_dim3A_877 = vector.broadcast %jit3A_875 : i32 to vector<16xi32>
      %broadcast_in_dim3A_878 = vector.broadcast %jit3A_876 : i32 to vector<16xi32>
      %select_n3A_879 = arith.select %eq3A_866, %broadcast_in_dim3A_877, %broadcast_in_dim3A_878 : vector<16xi1>, vector<16xi32>
      %add3A_880 = arith.addi %add3A_860, %select_n3A_879 : vector<16xi32>
      %add3A_881 = arith.constant 32 : i32
      %add3A_882 = vector.broadcast %add3A_881 : i32 to vector<16xi32>
      %add3A_883 = arith.addi %mul3A_834, %add3A_882 : vector<16xi32>
      %add3A_884 = arith.addi %add3A_883, %iota3A : vector<16xi32>
      %gather3A_885 = tpu.vector_load_idx %arg6[%add3A_884] : memref<32768xf32, #tpu.memory_space<vmem>>[vector<16xi32>], vector<16xf32>,
      %eq3A_886 = arith.cmpf oeq, %gather3A_885, %max3A_799 : vector<16xf32>
      %jit3A_887 = arith.constant 1073741824 : i32
      %broadcast_in_dim3A_888 = vector.broadcast %jit3A_887 : i32 to vector<16xi32>
      %select_n3A_889 = arith.select %eq3A_886, %add3A_884, %broadcast_in_dim3A_888 : vector<16xi1>, vector<16xi32>
      %min3A_890 = arith.minsi %min3A_870, %select_n3A_889 : vector<16xi32>
      %jit3A_891 = arith.constant 0xFF800000 : f32
      %broadcast_in_dim3A_892 = vector.broadcast %jit3A_891 : f32 to vector<16xf32>
      %select_n3A_893 = arith.select %eq3A_886, %broadcast_in_dim3A_892, %gather3A_885 : vector<16xi1>, vector<16xf32>
      %max3A_894 = arith.maximumf %max3A_874, %select_n3A_893 : vector<16xf32>
      %jit3A_895 = arith.constant 1 : i32
      %jit3A_896 = arith.constant 0 : i32
      %broadcast_in_dim3A_897 = vector.broadcast %jit3A_895 : i32 to vector<16xi32>
      %broadcast_in_dim3A_898 = vector.broadcast %jit3A_896 : i32 to vector<16xi32>
      %select_n3A_899 = arith.select %eq3A_886, %broadcast_in_dim3A_897, %broadcast_in_dim3A_898 : vector<16xi1>, vector<16xi32>
      %add3A_900 = arith.addi %add3A_880, %select_n3A_899 : vector<16xi32>
      %add3A_901 = arith.constant 48 : i32
      %add3A_902 = vector.broadcast %add3A_901 : i32 to vector<16xi32>
      %add3A_903 = arith.addi %mul3A_834, %add3A_902 : vector<16xi32>
      %add3A_904 = arith.addi %add3A_903, %iota3A : vector<16xi32>
      %gather3A_905 = tpu.vector_load_idx %arg6[%add3A_904] : memref<32768xf32, #tpu.memory_space<vmem>>[vector<16xi32>], vector<16xf32>,
      %eq3A_906 = arith.cmpf oeq, %gather3A_905, %max3A_799 : vector<16xf32>
      %jit3A_907 = arith.constant 1073741824 : i32
      %broadcast_in_dim3A_908 = vector.broadcast %jit3A_907 : i32 to vector<16xi32>
      %select_n3A_909 = arith.select %eq3A_906, %add3A_904, %broadcast_in_dim3A_908 : vector<16xi1>, vector<16xi32>
      %min3A_910 = arith.minsi %min3A_890, %select_n3A_909 : vector<16xi32>
      %jit3A_911 = arith.constant 0xFF800000 : f32
      %broadcast_in_dim3A_912 = vector.broadcast %jit3A_911 : f32 to vector<16xf32>
      %select_n3A_913 = arith.select %eq3A_906, %broadcast_in_dim3A_912, %gather3A_905 : vector<16xi1>, vector<16xf32>
      %max3A_914 = arith.maximumf %max3A_894, %select_n3A_913 : vector<16xf32>
      %jit3A_915 = arith.constant 1 : i32
      %jit3A_916 = arith.constant 0 : i32
      %broadcast_in_dim3A_917 = vector.broadcast %jit3A_915 : i32 to vector<16xi32>
      %broadcast_in_dim3A_918 = vector.broadcast %jit3A_916 : i32 to vector<16xi32>
      %select_n3A_919 = arith.select %eq3A_906, %broadcast_in_dim3A_917, %broadcast_in_dim3A_918 : vector<16xi1>, vector<16xi32>
      %add3A_920 = arith.addi %add3A_900, %select_n3A_919 : vector<16xi32>
      %add3A_921 = arith.constant 64 : i32
      %add3A_922 = vector.broadcast %add3A_921 : i32 to vector<16xi32>
      %add3A_923 = arith.addi %mul3A_834, %add3A_922 : vector<16xi32>
      %add3A_924 = arith.addi %add3A_923, %iota3A : vector<16xi32>
      %gather3A_925 = tpu.vector_load_idx %arg6[%add3A_924] : memref<32768xf32, #tpu.memory_space<vmem>>[vector<16xi32>], vector<16xf32>,
      %eq3A_926 = arith.cmpf oeq, %gather3A_925, %max3A_799 : vector<16xf32>
      %jit3A_927 = arith.constant 1073741824 : i32
      %broadcast_in_dim3A_928 = vector.broadcast %jit3A_927 : i32 to vector<16xi32>
      %select_n3A_929 = arith.select %eq3A_926, %add3A_924, %broadcast_in_dim3A_928 : vector<16xi1>, vector<16xi32>
      %min3A_930 = arith.minsi %min3A_910, %select_n3A_929 : vector<16xi32>
      %jit3A_931 = arith.constant 0xFF800000 : f32
      %broadcast_in_dim3A_932 = vector.broadcast %jit3A_931 : f32 to vector<16xf32>
      %select_n3A_933 = arith.select %eq3A_926, %broadcast_in_dim3A_932, %gather3A_925 : vector<16xi1>, vector<16xf32>
      %max3A_934 = arith.maximumf %max3A_914, %select_n3A_933 : vector<16xf32>
      %jit3A_935 = arith.constant 1 : i32
      %jit3A_936 = arith.constant 0 : i32
      %broadcast_in_dim3A_937 = vector.broadcast %jit3A_935 : i32 to vector<16xi32>
      %broadcast_in_dim3A_938 = vector.broadcast %jit3A_936 : i32 to vector<16xi32>
      %select_n3A_939 = arith.select %eq3A_926, %broadcast_in_dim3A_937, %broadcast_in_dim3A_938 : vector<16xi1>, vector<16xi32>
      %add3A_940 = arith.addi %add3A_920, %select_n3A_939 : vector<16xi32>
      %add3A_941 = arith.constant 80 : i32
      %add3A_942 = vector.broadcast %add3A_941 : i32 to vector<16xi32>
      %add3A_943 = arith.addi %mul3A_834, %add3A_942 : vector<16xi32>
      %add3A_944 = arith.addi %add3A_943, %iota3A : vector<16xi32>
      %gather3A_945 = tpu.vector_load_idx %arg6[%add3A_944] : memref<32768xf32, #tpu.memory_space<vmem>>[vector<16xi32>], vector<16xf32>,
      %eq3A_946 = arith.cmpf oeq, %gather3A_945, %max3A_799 : vector<16xf32>
      %jit3A_947 = arith.constant 1073741824 : i32
      %broadcast_in_dim3A_948 = vector.broadcast %jit3A_947 : i32 to vector<16xi32>
      %select_n3A_949 = arith.select %eq3A_946, %add3A_944, %broadcast_in_dim3A_948 : vector<16xi1>, vector<16xi32>
      %min3A_950 = arith.minsi %min3A_930, %select_n3A_949 : vector<16xi32>
      %jit3A_951 = arith.constant 0xFF800000 : f32
      %broadcast_in_dim3A_952 = vector.broadcast %jit3A_951 : f32 to vector<16xf32>
      %select_n3A_953 = arith.select %eq3A_946, %broadcast_in_dim3A_952, %gather3A_945 : vector<16xi1>, vector<16xf32>
      %max3A_954 = arith.maximumf %max3A_934, %select_n3A_953 : vector<16xf32>
      %jit3A_955 = arith.constant 1 : i32
      %jit3A_956 = arith.constant 0 : i32
      %broadcast_in_dim3A_957 = vector.broadcast %jit3A_955 : i32 to vector<16xi32>
      %broadcast_in_dim3A_958 = vector.broadcast %jit3A_956 : i32 to vector<16xi32>
      %select_n3A_959 = arith.select %eq3A_946, %broadcast_in_dim3A_957, %broadcast_in_dim3A_958 : vector<16xi1>, vector<16xi32>
      %add3A_960 = arith.addi %add3A_940, %select_n3A_959 : vector<16xi32>
      %add3A_961 = arith.constant 96 : i32
      %add3A_962 = vector.broadcast %add3A_961 : i32 to vector<16xi32>
      %add3A_963 = arith.addi %mul3A_834, %add3A_962 : vector<16xi32>
      %add3A_964 = arith.addi %add3A_963, %iota3A : vector<16xi32>
      %gather3A_965 = tpu.vector_load_idx %arg6[%add3A_964] : memref<32768xf32, #tpu.memory_space<vmem>>[vector<16xi32>], vector<16xf32>,
      %eq3A_966 = arith.cmpf oeq, %gather3A_965, %max3A_799 : vector<16xf32>
      %jit3A_967 = arith.constant 1073741824 : i32
      %broadcast_in_dim3A_968 = vector.broadcast %jit3A_967 : i32 to vector<16xi32>
      %select_n3A_969 = arith.select %eq3A_966, %add3A_964, %broadcast_in_dim3A_968 : vector<16xi1>, vector<16xi32>
      %min3A_970 = arith.minsi %min3A_950, %select_n3A_969 : vector<16xi32>
      %jit3A_971 = arith.constant 0xFF800000 : f32
      %broadcast_in_dim3A_972 = vector.broadcast %jit3A_971 : f32 to vector<16xf32>
      %select_n3A_973 = arith.select %eq3A_966, %broadcast_in_dim3A_972, %gather3A_965 : vector<16xi1>, vector<16xf32>
      %max3A_974 = arith.maximumf %max3A_954, %select_n3A_973 : vector<16xf32>
      %jit3A_975 = arith.constant 1 : i32
      %jit3A_976 = arith.constant 0 : i32
      %broadcast_in_dim3A_977 = vector.broadcast %jit3A_975 : i32 to vector<16xi32>
      %broadcast_in_dim3A_978 = vector.broadcast %jit3A_976 : i32 to vector<16xi32>
      %select_n3A_979 = arith.select %eq3A_966, %broadcast_in_dim3A_977, %broadcast_in_dim3A_978 : vector<16xi1>, vector<16xi32>
      %add3A_980 = arith.addi %add3A_960, %select_n3A_979 : vector<16xi32>
      %add3A_981 = arith.constant 112 : i32
      %add3A_982 = vector.broadcast %add3A_981 : i32 to vector<16xi32>
      %add3A_983 = arith.addi %mul3A_834, %add3A_982 : vector<16xi32>
      %add3A_984 = arith.addi %add3A_983, %iota3A : vector<16xi32>
      %gather3A_985 = tpu.vector_load_idx %arg6[%add3A_984] : memref<32768xf32, #tpu.memory_space<vmem>>[vector<16xi32>], vector<16xf32>,
      %eq3A_986 = arith.cmpf oeq, %gather3A_985, %max3A_799 : vector<16xf32>
      %jit3A_987 = arith.constant 1073741824 : i32
      %broadcast_in_dim3A_988 = vector.broadcast %jit3A_987 : i32 to vector<16xi32>
      %select_n3A_989 = arith.select %eq3A_986, %add3A_984, %broadcast_in_dim3A_988 : vector<16xi1>, vector<16xi32>
      %min3A_990 = arith.minsi %min3A_970, %select_n3A_989 : vector<16xi32>
      %jit3A_991 = arith.constant 0xFF800000 : f32
      %broadcast_in_dim3A_992 = vector.broadcast %jit3A_991 : f32 to vector<16xf32>
      %select_n3A_993 = arith.select %eq3A_986, %broadcast_in_dim3A_992, %gather3A_985 : vector<16xi1>, vector<16xf32>
      %max3A_994 = arith.maximumf %max3A_974, %select_n3A_993 : vector<16xf32>
      %jit3A_995 = arith.constant 1 : i32
      %jit3A_996 = arith.constant 0 : i32
      %broadcast_in_dim3A_997 = vector.broadcast %jit3A_995 : i32 to vector<16xi32>
      %broadcast_in_dim3A_998 = vector.broadcast %jit3A_996 : i32 to vector<16xi32>
      %select_n3A_999 = arith.select %eq3A_986, %broadcast_in_dim3A_997, %broadcast_in_dim3A_998 : vector<16xi1>, vector<16xi32>
      %add3A_1000 = arith.addi %add3A_980, %select_n3A_999 : vector<16xi32>
      %add3A_1001 = arith.constant 128 : i32
      %add3A_1002 = vector.broadcast %add3A_1001 : i32 to vector<16xi32>
      %add3A_1003 = arith.addi %mul3A_834, %add3A_1002 : vector<16xi32>
      %add3A_1004 = arith.addi %add3A_1003, %iota3A : vector<16xi32>
      %gather3A_1005 = tpu.vector_load_idx %arg6[%add3A_1004] : memref<32768xf32, #tpu.memory_space<vmem>>[vector<16xi32>], vector<16xf32>,
      %eq3A_1006 = arith.cmpf oeq, %gather3A_1005, %max3A_799 : vector<16xf32>
      %jit3A_1007 = arith.constant 1073741824 : i32
      %broadcast_in_dim3A_1008 = vector.broadcast %jit3A_1007 : i32 to vector<16xi32>
      %select_n3A_1009 = arith.select %eq3A_1006, %add3A_1004, %broadcast_in_dim3A_1008 : vector<16xi1>, vector<16xi32>
      %min3A_1010 = arith.minsi %min3A_990, %select_n3A_1009 : vector<16xi32>
      %jit3A_1011 = arith.constant 0xFF800000 : f32
      %broadcast_in_dim3A_1012 = vector.broadcast %jit3A_1011 : f32 to vector<16xf32>
      %select_n3A_1013 = arith.select %eq3A_1006, %broadcast_in_dim3A_1012, %gather3A_1005 : vector<16xi1>, vector<16xf32>
      %max3A_1014 = arith.maximumf %max3A_994, %select_n3A_1013 : vector<16xf32>
      %jit3A_1015 = arith.constant 1 : i32
      %jit3A_1016 = arith.constant 0 : i32
      %broadcast_in_dim3A_1017 = vector.broadcast %jit3A_1015 : i32 to vector<16xi32>
      %broadcast_in_dim3A_1018 = vector.broadcast %jit3A_1016 : i32 to vector<16xi32>
      %select_n3A_1019 = arith.select %eq3A_1006, %broadcast_in_dim3A_1017, %broadcast_in_dim3A_1018 : vector<16xi1>, vector<16xi32>
      %add3A_1020 = arith.addi %add3A_1000, %select_n3A_1019 : vector<16xi32>
      %add3A_1021 = arith.constant 144 : i32
      %add3A_1022 = vector.broadcast %add3A_1021 : i32 to vector<16xi32>
      %add3A_1023 = arith.addi %mul3A_834, %add3A_1022 : vector<16xi32>
      %add3A_1024 = arith.addi %add3A_1023, %iota3A : vector<16xi32>
      %gather3A_1025 = tpu.vector_load_idx %arg6[%add3A_1024] : memref<32768xf32, #tpu.memory_space<vmem>>[vector<16xi32>], vector<16xf32>,
      %eq3A_1026 = arith.cmpf oeq, %gather3A_1025, %max3A_799 : vector<16xf32>
      %jit3A_1027 = arith.constant 1073741824 : i32
      %broadcast_in_dim3A_1028 = vector.broadcast %jit3A_1027 : i32 to vector<16xi32>
      %select_n3A_1029 = arith.select %eq3A_1026, %add3A_1024, %broadcast_in_dim3A_1028 : vector<16xi1>, vector<16xi32>
      %min3A_1030 = arith.minsi %min3A_1010, %select_n3A_1029 : vector<16xi32>
      %jit3A_1031 = arith.constant 0xFF800000 : f32
      %broadcast_in_dim3A_1032 = vector.broadcast %jit3A_1031 : f32 to vector<16xf32>
      %select_n3A_1033 = arith.select %eq3A_1026, %broadcast_in_dim3A_1032, %gather3A_1025 : vector<16xi1>, vector<16xf32>
      %max3A_1034 = arith.maximumf %max3A_1014, %select_n3A_1033 : vector<16xf32>
      %jit3A_1035 = arith.constant 1 : i32
      %jit3A_1036 = arith.constant 0 : i32
      %broadcast_in_dim3A_1037 = vector.broadcast %jit3A_1035 : i32 to vector<16xi32>
      %broadcast_in_dim3A_1038 = vector.broadcast %jit3A_1036 : i32 to vector<16xi32>
      %select_n3A_1039 = arith.select %eq3A_1026, %broadcast_in_dim3A_1037, %broadcast_in_dim3A_1038 : vector<16xi1>, vector<16xi32>
      %add3A_1040 = arith.addi %add3A_1020, %select_n3A_1039 : vector<16xi32>
      %add3A_1041 = arith.constant 160 : i32
      %add3A_1042 = vector.broadcast %add3A_1041 : i32 to vector<16xi32>
      %add3A_1043 = arith.addi %mul3A_834, %add3A_1042 : vector<16xi32>
      %add3A_1044 = arith.addi %add3A_1043, %iota3A : vector<16xi32>
      %gather3A_1045 = tpu.vector_load_idx %arg6[%add3A_1044] : memref<32768xf32, #tpu.memory_space<vmem>>[vector<16xi32>], vector<16xf32>,
      %eq3A_1046 = arith.cmpf oeq, %gather3A_1045, %max3A_799 : vector<16xf32>
      %jit3A_1047 = arith.constant 1073741824 : i32
      %broadcast_in_dim3A_1048 = vector.broadcast %jit3A_1047 : i32 to vector<16xi32>
      %select_n3A_1049 = arith.select %eq3A_1046, %add3A_1044, %broadcast_in_dim3A_1048 : vector<16xi1>, vector<16xi32>
      %min3A_1050 = arith.minsi %min3A_1030, %select_n3A_1049 : vector<16xi32>
      %jit3A_1051 = arith.constant 0xFF800000 : f32
      %broadcast_in_dim3A_1052 = vector.broadcast %jit3A_1051 : f32 to vector<16xf32>
      %select_n3A_1053 = arith.select %eq3A_1046, %broadcast_in_dim3A_1052, %gather3A_1045 : vector<16xi1>, vector<16xf32>
      %max3A_1054 = arith.maximumf %max3A_1034, %select_n3A_1053 : vector<16xf32>
      %jit3A_1055 = arith.constant 1 : i32
      %jit3A_1056 = arith.constant 0 : i32
      %broadcast_in_dim3A_1057 = vector.broadcast %jit3A_1055 : i32 to vector<16xi32>
      %broadcast_in_dim3A_1058 = vector.broadcast %jit3A_1056 : i32 to vector<16xi32>
      %select_n3A_1059 = arith.select %eq3A_1046, %broadcast_in_dim3A_1057, %broadcast_in_dim3A_1058 : vector<16xi1>, vector<16xi32>
      %add3A_1060 = arith.addi %add3A_1040, %select_n3A_1059 : vector<16xi32>
      %add3A_1061 = arith.constant 176 : i32
      %add3A_1062 = vector.broadcast %add3A_1061 : i32 to vector<16xi32>
      %add3A_1063 = arith.addi %mul3A_834, %add3A_1062 : vector<16xi32>
      %add3A_1064 = arith.addi %add3A_1063, %iota3A : vector<16xi32>
      %gather3A_1065 = tpu.vector_load_idx %arg6[%add3A_1064] : memref<32768xf32, #tpu.memory_space<vmem>>[vector<16xi32>], vector<16xf32>,
      %eq3A_1066 = arith.cmpf oeq, %gather3A_1065, %max3A_799 : vector<16xf32>
      %jit3A_1067 = arith.constant 1073741824 : i32
      %broadcast_in_dim3A_1068 = vector.broadcast %jit3A_1067 : i32 to vector<16xi32>
      %select_n3A_1069 = arith.select %eq3A_1066, %add3A_1064, %broadcast_in_dim3A_1068 : vector<16xi1>, vector<16xi32>
      %min3A_1070 = arith.minsi %min3A_1050, %select_n3A_1069 : vector<16xi32>
      %jit3A_1071 = arith.constant 0xFF800000 : f32
      %broadcast_in_dim3A_1072 = vector.broadcast %jit3A_1071 : f32 to vector<16xf32>
      %select_n3A_1073 = arith.select %eq3A_1066, %broadcast_in_dim3A_1072, %gather3A_1065 : vector<16xi1>, vector<16xf32>
      %max3A_1074 = arith.maximumf %max3A_1054, %select_n3A_1073 : vector<16xf32>
      %jit3A_1075 = arith.constant 1 : i32
      %jit3A_1076 = arith.constant 0 : i32
      %broadcast_in_dim3A_1077 = vector.broadcast %jit3A_1075 : i32 to vector<16xi32>
      %broadcast_in_dim3A_1078 = vector.broadcast %jit3A_1076 : i32 to vector<16xi32>
      %select_n3A_1079 = arith.select %eq3A_1066, %broadcast_in_dim3A_1077, %broadcast_in_dim3A_1078 : vector<16xi1>, vector<16xi32>
      %add3A_1080 = arith.addi %add3A_1060, %select_n3A_1079 : vector<16xi32>
      %add3A_1081 = arith.constant 192 : i32
      %add3A_1082 = vector.broadcast %add3A_1081 : i32 to vector<16xi32>
      %add3A_1083 = arith.addi %mul3A_834, %add3A_1082 : vector<16xi32>
      %add3A_1084 = arith.addi %add3A_1083, %iota3A : vector<16xi32>
      %gather3A_1085 = tpu.vector_load_idx %arg6[%add3A_1084] : memref<32768xf32, #tpu.memory_space<vmem>>[vector<16xi32>], vector<16xf32>,
      %eq3A_1086 = arith.cmpf oeq, %gather3A_1085, %max3A_799 : vector<16xf32>
      %jit3A_1087 = arith.constant 1073741824 : i32
      %broadcast_in_dim3A_1088 = vector.broadcast %jit3A_1087 : i32 to vector<16xi32>
      %select_n3A_1089 = arith.select %eq3A_1086, %add3A_1084, %broadcast_in_dim3A_1088 : vector<16xi1>, vector<16xi32>
      %min3A_1090 = arith.minsi %min3A_1070, %select_n3A_1089 : vector<16xi32>
      %jit3A_1091 = arith.constant 0xFF800000 : f32
      %broadcast_in_dim3A_1092 = vector.broadcast %jit3A_1091 : f32 to vector<16xf32>
      %select_n3A_1093 = arith.select %eq3A_1086, %broadcast_in_dim3A_1092, %gather3A_1085 : vector<16xi1>, vector<16xf32>
      %max3A_1094 = arith.maximumf %max3A_1074, %select_n3A_1093 : vector<16xf32>
      %jit3A_1095 = arith.constant 1 : i32
      %jit3A_1096 = arith.constant 0 : i32
      %broadcast_in_dim3A_1097 = vector.broadcast %jit3A_1095 : i32 to vector<16xi32>
      %broadcast_in_dim3A_1098 = vector.broadcast %jit3A_1096 : i32 to vector<16xi32>
      %select_n3A_1099 = arith.select %eq3A_1086, %broadcast_in_dim3A_1097, %broadcast_in_dim3A_1098 : vector<16xi1>, vector<16xi32>
      %add3A_1100 = arith.addi %add3A_1080, %select_n3A_1099 : vector<16xi32>
      %add3A_1101 = arith.constant 208 : i32
      %add3A_1102 = vector.broadcast %add3A_1101 : i32 to vector<16xi32>
      %add3A_1103 = arith.addi %mul3A_834, %add3A_1102 : vector<16xi32>
      %add3A_1104 = arith.addi %add3A_1103, %iota3A : vector<16xi32>
      %gather3A_1105 = tpu.vector_load_idx %arg6[%add3A_1104] : memref<32768xf32, #tpu.memory_space<vmem>>[vector<16xi32>], vector<16xf32>,
      %eq3A_1106 = arith.cmpf oeq, %gather3A_1105, %max3A_799 : vector<16xf32>
      %jit3A_1107 = arith.constant 1073741824 : i32
      %broadcast_in_dim3A_1108 = vector.broadcast %jit3A_1107 : i32 to vector<16xi32>
      %select_n3A_1109 = arith.select %eq3A_1106, %add3A_1104, %broadcast_in_dim3A_1108 : vector<16xi1>, vector<16xi32>
      %min3A_1110 = arith.minsi %min3A_1090, %select_n3A_1109 : vector<16xi32>
      %jit3A_1111 = arith.constant 0xFF800000 : f32
      %broadcast_in_dim3A_1112 = vector.broadcast %jit3A_1111 : f32 to vector<16xf32>
      %select_n3A_1113 = arith.select %eq3A_1106, %broadcast_in_dim3A_1112, %gather3A_1105 : vector<16xi1>, vector<16xf32>
      %max3A_1114 = arith.maximumf %max3A_1094, %select_n3A_1113 : vector<16xf32>
      %jit3A_1115 = arith.constant 1 : i32
      %jit3A_1116 = arith.constant 0 : i32
      %broadcast_in_dim3A_1117 = vector.broadcast %jit3A_1115 : i32 to vector<16xi32>
      %broadcast_in_dim3A_1118 = vector.broadcast %jit3A_1116 : i32 to vector<16xi32>
      %select_n3A_1119 = arith.select %eq3A_1106, %broadcast_in_dim3A_1117, %broadcast_in_dim3A_1118 : vector<16xi1>, vector<16xi32>
      %add3A_1120 = arith.addi %add3A_1100, %select_n3A_1119 : vector<16xi32>
      %add3A_1121 = arith.constant 224 : i32
      %add3A_1122 = vector.broadcast %add3A_1121 : i32 to vector<16xi32>
      %add3A_1123 = arith.addi %mul3A_834, %add3A_1122 : vector<16xi32>
      %add3A_1124 = arith.addi %add3A_1123, %iota3A : vector<16xi32>
      %gather3A_1125 = tpu.vector_load_idx %arg6[%add3A_1124] : memref<32768xf32, #tpu.memory_space<vmem>>[vector<16xi32>], vector<16xf32>,
      %eq3A_1126 = arith.cmpf oeq, %gather3A_1125, %max3A_799 : vector<16xf32>
      %jit3A_1127 = arith.constant 1073741824 : i32
      %broadcast_in_dim3A_1128 = vector.broadcast %jit3A_1127 : i32 to vector<16xi32>
      %select_n3A_1129 = arith.select %eq3A_1126, %add3A_1124, %broadcast_in_dim3A_1128 : vector<16xi1>, vector<16xi32>
      %min3A_1130 = arith.minsi %min3A_1110, %select_n3A_1129 : vector<16xi32>
      %jit3A_1131 = arith.constant 0xFF800000 : f32
      %broadcast_in_dim3A_1132 = vector.broadcast %jit3A_1131 : f32 to vector<16xf32>
      %select_n3A_1133 = arith.select %eq3A_1126, %broadcast_in_dim3A_1132, %gather3A_1125 : vector<16xi1>, vector<16xf32>
      %max3A_1134 = arith.maximumf %max3A_1114, %select_n3A_1133 : vector<16xf32>
      %jit3A_1135 = arith.constant 1 : i32
      %jit3A_1136 = arith.constant 0 : i32
      %broadcast_in_dim3A_1137 = vector.broadcast %jit3A_1135 : i32 to vector<16xi32>
      %broadcast_in_dim3A_1138 = vector.broadcast %jit3A_1136 : i32 to vector<16xi32>
      %select_n3A_1139 = arith.select %eq3A_1126, %broadcast_in_dim3A_1137, %broadcast_in_dim3A_1138 : vector<16xi1>, vector<16xi32>
      %add3A_1140 = arith.addi %add3A_1120, %select_n3A_1139 : vector<16xi32>
      %add3A_1141 = arith.constant 240 : i32
      %add3A_1142 = vector.broadcast %add3A_1141 : i32 to vector<16xi32>
      %add3A_1143 = arith.addi %mul3A_834, %add3A_1142 : vector<16xi32>
      %add3A_1144 = arith.addi %add3A_1143, %iota3A : vector<16xi32>
      %gather3A_1145 = tpu.vector_load_idx %arg6[%add3A_1144] : memref<32768xf32, #tpu.memory_space<vmem>>[vector<16xi32>], vector<16xf32>,
      %eq3A_1146 = arith.cmpf oeq, %gather3A_1145, %max3A_799 : vector<16xf32>
      %jit3A_1147 = arith.constant 1073741824 : i32
      %broadcast_in_dim3A_1148 = vector.broadcast %jit3A_1147 : i32 to vector<16xi32>
      %select_n3A_1149 = arith.select %eq3A_1146, %add3A_1144, %broadcast_in_dim3A_1148 : vector<16xi1>, vector<16xi32>
      %min3A_1150 = arith.minsi %min3A_1130, %select_n3A_1149 : vector<16xi32>
      %jit3A_1151 = arith.constant 0xFF800000 : f32
      %broadcast_in_dim3A_1152 = vector.broadcast %jit3A_1151 : f32 to vector<16xf32>
      %select_n3A_1153 = arith.select %eq3A_1146, %broadcast_in_dim3A_1152, %gather3A_1145 : vector<16xi1>, vector<16xf32>
      %max3A_1154 = arith.maximumf %max3A_1134, %select_n3A_1153 : vector<16xf32>
      %jit3A_1155 = arith.constant 1 : i32
      %jit3A_1156 = arith.constant 0 : i32
      %broadcast_in_dim3A_1157 = vector.broadcast %jit3A_1155 : i32 to vector<16xi32>
      %broadcast_in_dim3A_1158 = vector.broadcast %jit3A_1156 : i32 to vector<16xi32>
      %select_n3A_1159 = arith.select %eq3A_1146, %broadcast_in_dim3A_1157, %broadcast_in_dim3A_1158 : vector<16xi1>, vector<16xi32>
      %add3A_1160 = arith.addi %add3A_1140, %select_n3A_1159 : vector<16xi32>
      %xor3A_1161 = arith.constant 8 : i32
      %xor3A_1162 = vector.broadcast %xor3A_1161 : i32 to vector<16xi32>
      %xor3A_1163 = arith.xori %iota3A, %xor3A_1162 : vector<16xi32>
      %broadcast_in_dim3A_1164 = vector.shape_cast %xor3A_1163 : vector<16xi32> to vector<16x1xi32>
      %gather3A_1165 = vector.shape_cast %broadcast_in_dim3A_1164 : vector<16x1xi32> to vector<16xi32>
      %gather3A_1166 = tpu.dynamic_gather %min3A_1150[%gather3A_1165] in [0] : vector<16xi32>, vector<16xi32> -> vector<16xi32>
      %min3A_1167 = arith.minsi %min3A_1150, %gather3A_1166 : vector<16xi32>
      %xor3A_1168 = arith.constant 4 : i32
      %xor3A_1169 = vector.broadcast %xor3A_1168 : i32 to vector<16xi32>
      %xor3A_1170 = arith.xori %iota3A, %xor3A_1169 : vector<16xi32>
      %broadcast_in_dim3A_1171 = vector.shape_cast %xor3A_1170 : vector<16xi32> to vector<16x1xi32>
      %gather3A_1172 = vector.shape_cast %broadcast_in_dim3A_1171 : vector<16x1xi32> to vector<16xi32>
      %gather3A_1173 = tpu.dynamic_gather %min3A_1167[%gather3A_1172] in [0] : vector<16xi32>, vector<16xi32> -> vector<16xi32>
      %min3A_1174 = arith.minsi %min3A_1167, %gather3A_1173 : vector<16xi32>
      %xor3A_1175 = arith.constant 2 : i32
      %xor3A_1176 = vector.broadcast %xor3A_1175 : i32 to vector<16xi32>
      %xor3A_1177 = arith.xori %iota3A, %xor3A_1176 : vector<16xi32>
      %broadcast_in_dim3A_1178 = vector.shape_cast %xor3A_1177 : vector<16xi32> to vector<16x1xi32>
      %gather3A_1179 = vector.shape_cast %broadcast_in_dim3A_1178 : vector<16x1xi32> to vector<16xi32>
      %gather3A_1180 = tpu.dynamic_gather %min3A_1174[%gather3A_1179] in [0] : vector<16xi32>, vector<16xi32> -> vector<16xi32>
      %min3A_1181 = arith.minsi %min3A_1174, %gather3A_1180 : vector<16xi32>
      %xor3A_1182 = arith.constant 1 : i32
      %xor3A_1183 = vector.broadcast %xor3A_1182 : i32 to vector<16xi32>
      %xor3A_1184 = arith.xori %iota3A, %xor3A_1183 : vector<16xi32>
      %broadcast_in_dim3A_1185 = vector.shape_cast %xor3A_1184 : vector<16xi32> to vector<16x1xi32>
      %gather3A_1186 = vector.shape_cast %broadcast_in_dim3A_1185 : vector<16x1xi32> to vector<16xi32>
      %gather3A_1187 = tpu.dynamic_gather %min3A_1181[%gather3A_1186] in [0] : vector<16xi32>, vector<16xi32> -> vector<16xi32>
      %min3A_1188 = arith.minsi %min3A_1181, %gather3A_1187 : vector<16xi32>
      %broadcast_in_dim3A_1189 = vector.broadcast %scan3A_153 : i32 to vector<16xi32>
      tpu.vector_store_idx %arg9[%broadcast_in_dim3A_1189], %max3A_799 masked %eq3A_2 : memref<64xf32, #tpu.memory_space<vmem>>[vector<16xi32>], vector<16xf32>, vector<16xi1>
      tpu.vector_store_idx %arg11[%broadcast_in_dim3A_1189], %min3A_1188 masked %eq3A_2 : memref<64xi32, #tpu.memory_space<vmem>>[vector<16xi32>], vector<16xi32>, vector<16xi1>
      %broadcast_in_dim3A_1190 = arith.constant 0xFF800000 : f32
      %broadcast_in_dim3A_1191 = vector.broadcast %broadcast_in_dim3A_1190 : f32 to vector<16xf32>
      tpu.vector_store_idx %arg6[%min3A_1188], %broadcast_in_dim3A_1191 masked %eq3A_2 : memref<32768xf32, #tpu.memory_space<vmem>>[vector<16xi32>], vector<16xf32>, vector<16xi1>
      %xor3A_1192 = arith.constant 8 : i32
      %xor3A_1193 = vector.broadcast %xor3A_1192 : i32 to vector<16xi32>
      %xor3A_1194 = arith.xori %iota3A, %xor3A_1193 : vector<16xi32>
      %broadcast_in_dim3A_1195 = vector.shape_cast %xor3A_1194 : vector<16xi32> to vector<16x1xi32>
      %gather3A_1196 = vector.shape_cast %broadcast_in_dim3A_1195 : vector<16x1xi32> to vector<16xi32>
      %gather3A_1197 = tpu.dynamic_gather %add3A_1160[%gather3A_1196] in [0] : vector<16xi32>, vector<16xi32> -> vector<16xi32>
      %add3A_1198 = arith.addi %add3A_1160, %gather3A_1197 : vector<16xi32>
      %xor3A_1199 = arith.constant 4 : i32
      %xor3A_1200 = vector.broadcast %xor3A_1199 : i32 to vector<16xi32>
      %xor3A_1201 = arith.xori %iota3A, %xor3A_1200 : vector<16xi32>
      %broadcast_in_dim3A_1202 = vector.shape_cast %xor3A_1201 : vector<16xi32> to vector<16x1xi32>
      %gather3A_1203 = vector.shape_cast %broadcast_in_dim3A_1202 : vector<16x1xi32> to vector<16xi32>
      %gather3A_1204 = tpu.dynamic_gather %add3A_1198[%gather3A_1203] in [0] : vector<16xi32>, vector<16xi32> -> vector<16xi32>
      %add3A_1205 = arith.addi %add3A_1198, %gather3A_1204 : vector<16xi32>
      %xor3A_1206 = arith.constant 2 : i32
      %xor3A_1207 = vector.broadcast %xor3A_1206 : i32 to vector<16xi32>
      %xor3A_1208 = arith.xori %iota3A, %xor3A_1207 : vector<16xi32>
      %broadcast_in_dim3A_1209 = vector.shape_cast %xor3A_1208 : vector<16xi32> to vector<16x1xi32>
      %gather3A_1210 = vector.shape_cast %broadcast_in_dim3A_1209 : vector<16x1xi32> to vector<16xi32>
      %gather3A_1211 = tpu.dynamic_gather %add3A_1205[%gather3A_1210] in [0] : vector<16xi32>, vector<16xi32> -> vector<16xi32>
      %add3A_1212 = arith.addi %add3A_1205, %gather3A_1211 : vector<16xi32>
      %xor3A_1213 = arith.constant 1 : i32
      %xor3A_1214 = vector.broadcast %xor3A_1213 : i32 to vector<16xi32>
      %xor3A_1215 = arith.xori %iota3A, %xor3A_1214 : vector<16xi32>
      %broadcast_in_dim3A_1216 = vector.shape_cast %xor3A_1215 : vector<16xi32> to vector<16x1xi32>
      %gather3A_1217 = vector.shape_cast %broadcast_in_dim3A_1216 : vector<16x1xi32> to vector<16xi32>
      %gather3A_1218 = tpu.dynamic_gather %add3A_1212[%gather3A_1217] in [0] : vector<16xi32>, vector<16xi32> -> vector<16xi32>
      %add3A_1219 = arith.addi %add3A_1212, %gather3A_1218 : vector<16xi32>
      %gt3A_1220 = arith.constant 1 : i32
      %gt3A_1221 = vector.broadcast %gt3A_1220 : i32 to vector<16xi32>
      %gt3A_1222 = arith.cmpi sgt, %add3A_1219, %gt3A_1221 : vector<16xi32>
      %xor3A_1223 = arith.constant 8 : i32
      %xor3A_1224 = vector.broadcast %xor3A_1223 : i32 to vector<16xi32>
      %xor3A_1225 = arith.xori %iota3A, %xor3A_1224 : vector<16xi32>
      %broadcast_in_dim3A_1226 = vector.shape_cast %xor3A_1225 : vector<16xi32> to vector<16x1xi32>
      %gather3A_1227 = vector.shape_cast %broadcast_in_dim3A_1226 : vector<16x1xi32> to vector<16xi32>
      %gather3A_1228 = tpu.dynamic_gather %max3A_1154[%gather3A_1227] in [0] : vector<16xf32>, vector<16xi32> -> vector<16xf32>
      %max3A_1229 = arith.maximumf %max3A_1154, %gather3A_1228 : vector<16xf32>
      %xor3A_1230 = arith.constant 4 : i32
      %xor3A_1231 = vector.broadcast %xor3A_1230 : i32 to vector<16xi32>
      %xor3A_1232 = arith.xori %iota3A, %xor3A_1231 : vector<16xi32>
      %broadcast_in_dim3A_1233 = vector.shape_cast %xor3A_1232 : vector<16xi32> to vector<16x1xi32>
      %gather3A_1234 = vector.shape_cast %broadcast_in_dim3A_1233 : vector<16x1xi32> to vector<16xi32>
      %gather3A_1235 = tpu.dynamic_gather %max3A_1229[%gather3A_1234] in [0] : vector<16xf32>, vector<16xi32> -> vector<16xf32>
      %max3A_1236 = arith.maximumf %max3A_1229, %gather3A_1235 : vector<16xf32>
      %xor3A_1237 = arith.constant 2 : i32
      %xor3A_1238 = vector.broadcast %xor3A_1237 : i32 to vector<16xi32>
      %xor3A_1239 = arith.xori %iota3A, %xor3A_1238 : vector<16xi32>
      %broadcast_in_dim3A_1240 = vector.shape_cast %xor3A_1239 : vector<16xi32> to vector<16x1xi32>
      %gather3A_1241 = vector.shape_cast %broadcast_in_dim3A_1240 : vector<16x1xi32> to vector<16xi32>
      %gather3A_1242 = tpu.dynamic_gather %max3A_1236[%gather3A_1241] in [0] : vector<16xf32>, vector<16xi32> -> vector<16xf32>
      %max3A_1243 = arith.maximumf %max3A_1236, %gather3A_1242 : vector<16xf32>
      %xor3A_1244 = arith.constant 1 : i32
      %xor3A_1245 = vector.broadcast %xor3A_1244 : i32 to vector<16xi32>
      %xor3A_1246 = arith.xori %iota3A, %xor3A_1245 : vector<16xi32>
      %broadcast_in_dim3A_1247 = vector.shape_cast %xor3A_1246 : vector<16xi32> to vector<16x1xi32>
      %gather3A_1248 = vector.shape_cast %broadcast_in_dim3A_1247 : vector<16x1xi32> to vector<16xi32>
      %gather3A_1249 = tpu.dynamic_gather %max3A_1243[%gather3A_1248] in [0] : vector<16xf32>, vector<16xi32> -> vector<16xf32>
      %max3A_1250 = arith.maximumf %max3A_1243, %gather3A_1249 : vector<16xf32>
      %select_n3A_1251 = arith.select %gt3A_1222, %max3A_799, %max3A_1250 : vector<16xi1>, vector<16xf32>
      %and3A_1252 = arith.constant 15 : i32
      %and3A_1253 = vector.broadcast %and3A_1252 : i32 to vector<16xi32>
      %and3A_1254 = arith.andi %min3A_831, %and3A_1253 : vector<16xi32>
      %shift_right_logical3A_1255 = arith.constant 4 : i32
      %shift_right_logical3A_1256 = vector.broadcast %shift_right_logical3A_1255 : i32 to vector<16xi32>
      %shift_right_logical3A_1257 = arith.shrui %min3A_831, %shift_right_logical3A_1256 : vector<16xi32>
      %eq3A_1258 = arith.cmpi eq, %iota3A, %and3A_1254 : vector<16xi32>
      %eq3A_1259 = arith.constant 0 : i32
      %eq3A_1260 = vector.broadcast %eq3A_1259 : i32 to vector<16xi32>
      %eq3A_1261 = arith.cmpi eq, %shift_right_logical3A_1257, %eq3A_1260 : vector<16xi32>
      %and3A_1262 = arith.andi %eq3A_1261, %eq3A_1258 : vector<16xi1>
      %select_n3A_1263 = arith.select %and3A_1262, %select_n3A_1251, %scan3A_162 : vector<16xi1>, vector<16xf32>
      %eq3A_1264 = arith.constant 1 : i32
      %eq3A_1265 = vector.broadcast %eq3A_1264 : i32 to vector<16xi32>
      %eq3A_1266 = arith.cmpi eq, %shift_right_logical3A_1257, %eq3A_1265 : vector<16xi32>
      %and3A_1267 = arith.andi %eq3A_1266, %eq3A_1258 : vector<16xi1>
      %select_n3A_1268 = arith.select %and3A_1267, %select_n3A_1251, %scan3A_163 : vector<16xi1>, vector<16xf32>
      %eq3A_1269 = arith.constant 2 : i32
      %eq3A_1270 = vector.broadcast %eq3A_1269 : i32 to vector<16xi32>
      %eq3A_1271 = arith.cmpi eq, %shift_right_logical3A_1257, %eq3A_1270 : vector<16xi32>
      %and3A_1272 = arith.andi %eq3A_1271, %eq3A_1258 : vector<16xi1>
      %select_n3A_1273 = arith.select %and3A_1272, %select_n3A_1251, %scan3A_164 : vector<16xi1>, vector<16xf32>
      %eq3A_1274 = arith.constant 3 : i32
      %eq3A_1275 = vector.broadcast %eq3A_1274 : i32 to vector<16xi32>
      %eq3A_1276 = arith.cmpi eq, %shift_right_logical3A_1257, %eq3A_1275 : vector<16xi32>
      %and3A_1277 = arith.andi %eq3A_1276, %eq3A_1258 : vector<16xi1>
      %select_n3A_1278 = arith.select %and3A_1277, %select_n3A_1251, %scan3A_165 : vector<16xi1>, vector<16xf32>
      %eq3A_1279 = arith.constant 4 : i32
      %eq3A_1280 = vector.broadcast %eq3A_1279 : i32 to vector<16xi32>
      %eq3A_1281 = arith.cmpi eq, %shift_right_logical3A_1257, %eq3A_1280 : vector<16xi32>
      %and3A_1282 = arith.andi %eq3A_1281, %eq3A_1258 : vector<16xi1>
      %select_n3A_1283 = arith.select %and3A_1282, %select_n3A_1251, %scan3A_166 : vector<16xi1>, vector<16xf32>
      %eq3A_1284 = arith.constant 5 : i32
      %eq3A_1285 = vector.broadcast %eq3A_1284 : i32 to vector<16xi32>
      %eq3A_1286 = arith.cmpi eq, %shift_right_logical3A_1257, %eq3A_1285 : vector<16xi32>
      %and3A_1287 = arith.andi %eq3A_1286, %eq3A_1258 : vector<16xi1>
      %select_n3A_1288 = arith.select %and3A_1287, %select_n3A_1251, %scan3A_167 : vector<16xi1>, vector<16xf32>
      %eq3A_1289 = arith.constant 6 : i32
      %eq3A_1290 = vector.broadcast %eq3A_1289 : i32 to vector<16xi32>
      %eq3A_1291 = arith.cmpi eq, %shift_right_logical3A_1257, %eq3A_1290 : vector<16xi32>
      %and3A_1292 = arith.andi %eq3A_1291, %eq3A_1258 : vector<16xi1>
      %select_n3A_1293 = arith.select %and3A_1292, %select_n3A_1251, %scan3A_168 : vector<16xi1>, vector<16xf32>
      %eq3A_1294 = arith.constant 7 : i32
      %eq3A_1295 = vector.broadcast %eq3A_1294 : i32 to vector<16xi32>
      %eq3A_1296 = arith.cmpi eq, %shift_right_logical3A_1257, %eq3A_1295 : vector<16xi32>
      %and3A_1297 = arith.andi %eq3A_1296, %eq3A_1258 : vector<16xi1>
      %select_n3A_1298 = arith.select %and3A_1297, %select_n3A_1251, %scan3A_169 : vector<16xi1>, vector<16xf32>
      scf.yield %select_n3A_694, %select_n3A_699, %select_n3A_704, %select_n3A_709, %select_n3A_714, %select_n3A_719, %select_n3A_724, %select_n3A_729, %select_n3A_1263, %select_n3A_1268, %select_n3A_1273, %select_n3A_1278, %select_n3A_1283, %select_n3A_1288, %select_n3A_1293, %select_n3A_1298 : vector<16xf32>, vector<16xf32>, vector<16xf32>, vector<16xf32>, vector<16xf32>, vector<16xf32>, vector<16xf32>, vector<16xf32>, vector<16xf32>, vector<16xf32>, vector<16xf32>, vector<16xf32>, vector<16xf32>, vector<16xf32>, vector<16xf32>, vector<16xf32>
    }
    %scan3A_152 = arith.constant 64 : i32
    "tpu.region"() ({
      %run_scoped3A = tpu.sem_alloc : memref<!tpu.dma_semaphore, #tpu.memory_space<semaphore_mem>>
      %dma_start3A_153 = arith.constant 0 : i32
      %dma_start3A_154 = tpu.memref_slice %arg3[%add3A_106, %dma_start3A_153] : memref<128x64xf32, #tpu.memory_space<hbm>> -> memref<1x64xf32, #tpu.memory_space<hbm>>
      %dma_start3A_155 = tpu.memref_squeeze %dma_start3A_154 : memref<1x64xf32, #tpu.memory_space<hbm>> -> memref<64xf32, #tpu.memory_space<hbm>>
      %dma_start3A_156 = arith.constant 0 : i32
      %dma_start3A_157 = tpu.memref_slice %arg3[%add3A_106, %dma_start3A_156] : memref<128x64xf32, #tpu.memory_space<hbm>> -> memref<1x64xf32, #tpu.memory_space<hbm>>
      %dma_start3A_158 = tpu.memref_squeeze %dma_start3A_157 : memref<1x64xf32, #tpu.memory_space<hbm>> -> memref<64xf32, #tpu.memory_space<hbm>>
      tpu.enqueue_dma source(%arg8 : memref<64xf32, #tpu.memory_space<vmem>>) target(%dma_start3A_158 : memref<64xf32, #tpu.memory_space<hbm>>) target_semaphore(%run_scoped3A : memref<!tpu.dma_semaphore, #tpu.memory_space<semaphore_mem>>)
      %dma_wait3A_159 = arith.constant 0 : i32
      %dma_wait3A_160 = tpu.memref_slice %arg3[%add3A_106, %dma_wait3A_159] : memref<128x64xf32, #tpu.memory_space<hbm>> -> memref<1x64xf32, #tpu.memory_space<hbm>>
      %dma_wait3A_161 = tpu.memref_squeeze %dma_wait3A_160 : memref<1x64xf32, #tpu.memory_space<hbm>> -> memref<64xf32, #tpu.memory_space<hbm>>
      %dma_wait3A_162 = arith.constant 0 : i32
      %dma_wait3A_163 = tpu.memref_slice %arg3[%add3A_106, %dma_wait3A_162] : memref<128x64xf32, #tpu.memory_space<hbm>> -> memref<1x64xf32, #tpu.memory_space<hbm>>
      %dma_wait3A_164 = tpu.memref_squeeze %dma_wait3A_163 : memref<1x64xf32, #tpu.memory_space<hbm>> -> memref<64xf32, #tpu.memory_space<hbm>>
      tpu.wait_dma2 semaphore(%run_scoped3A : memref<!tpu.dma_semaphore, #tpu.memory_space<semaphore_mem>>) src(%arg8 : memref<64xf32, #tpu.memory_space<vmem>>) dst(%dma_wait3A_164 : memref<64xf32, #tpu.memory_space<hbm>>)
      tpu.yield
    }) : () -> ()
    "tpu.region"() ({
      %run_scoped3A = tpu.sem_alloc : memref<!tpu.dma_semaphore, #tpu.memory_space<semaphore_mem>>
      %dma_start3A_153 = arith.constant 0 : i32
      %dma_start3A_154 = tpu.memref_slice %arg4[%add3A_106, %dma_start3A_153] : memref<128x64xi32, #tpu.memory_space<hbm>> -> memref<1x64xi32, #tpu.memory_space<hbm>>
      %dma_start3A_155 = tpu.memref_squeeze %dma_start3A_154 : memref<1x64xi32, #tpu.memory_space<hbm>> -> memref<64xi32, #tpu.memory_space<hbm>>
      %dma_start3A_156 = arith.constant 0 : i32
      %dma_start3A_157 = tpu.memref_slice %arg4[%add3A_106, %dma_start3A_156] : memref<128x64xi32, #tpu.memory_space<hbm>> -> memref<1x64xi32, #tpu.memory_space<hbm>>
      %dma_start3A_158 = tpu.memref_squeeze %dma_start3A_157 : memref<1x64xi32, #tpu.memory_space<hbm>> -> memref<64xi32, #tpu.memory_space<hbm>>
      tpu.enqueue_dma source(%arg10 : memref<64xi32, #tpu.memory_space<vmem>>) target(%dma_start3A_158 : memref<64xi32, #tpu.memory_space<hbm>>) target_semaphore(%run_scoped3A : memref<!tpu.dma_semaphore, #tpu.memory_space<semaphore_mem>>)
      %dma_wait3A_159 = arith.constant 0 : i32
      %dma_wait3A_160 = tpu.memref_slice %arg4[%add3A_106, %dma_wait3A_159] : memref<128x64xi32, #tpu.memory_space<hbm>> -> memref<1x64xi32, #tpu.memory_space<hbm>>
      %dma_wait3A_161 = tpu.memref_squeeze %dma_wait3A_160 : memref<1x64xi32, #tpu.memory_space<hbm>> -> memref<64xi32, #tpu.memory_space<hbm>>
      %dma_wait3A_162 = arith.constant 0 : i32
      %dma_wait3A_163 = tpu.memref_slice %arg4[%add3A_106, %dma_wait3A_162] : memref<128x64xi32, #tpu.memory_space<hbm>> -> memref<1x64xi32, #tpu.memory_space<hbm>>
      %dma_wait3A_164 = tpu.memref_squeeze %dma_wait3A_163 : memref<1x64xi32, #tpu.memory_space<hbm>> -> memref<64xi32, #tpu.memory_space<hbm>>
      tpu.wait_dma2 semaphore(%run_scoped3A : memref<!tpu.dma_semaphore, #tpu.memory_space<semaphore_mem>>) src(%arg10 : memref<64xi32, #tpu.memory_space<vmem>>) dst(%dma_wait3A_164 : memref<64xi32, #tpu.memory_space<hbm>>)
      tpu.yield
    }) : () -> ()
    "tpu.region"() ({
      %run_scoped3A = tpu.sem_alloc : memref<!tpu.dma_semaphore, #tpu.memory_space<semaphore_mem>>
      %dma_start3A_153 = arith.constant 0 : i32
      %dma_start3A_154 = tpu.memref_slice %arg3[%add3A_108, %dma_start3A_153] : memref<128x64xf32, #tpu.memory_space<hbm>> -> memref<1x64xf32, #tpu.memory_space<hbm>>
      %dma_start3A_155 = tpu.memref_squeeze %dma_start3A_154 : memref<1x64xf32, #tpu.memory_space<hbm>> -> memref<64xf32, #tpu.memory_space<hbm>>
      %dma_start3A_156 = arith.constant 0 : i32
      %dma_start3A_157 = tpu.memref_slice %arg3[%add3A_108, %dma_start3A_156] : memref<128x64xf32, #tpu.memory_space<hbm>> -> memref<1x64xf32, #tpu.memory_space<hbm>>
      %dma_start3A_158 = tpu.memref_squeeze %dma_start3A_157 : memref<1x64xf32, #tpu.memory_space<hbm>> -> memref<64xf32, #tpu.memory_space<hbm>>
      tpu.enqueue_dma source(%arg9 : memref<64xf32, #tpu.memory_space<vmem>>) target(%dma_start3A_158 : memref<64xf32, #tpu.memory_space<hbm>>) target_semaphore(%run_scoped3A : memref<!tpu.dma_semaphore, #tpu.memory_space<semaphore_mem>>)
      %dma_wait3A_159 = arith.constant 0 : i32
      %dma_wait3A_160 = tpu.memref_slice %arg3[%add3A_108, %dma_wait3A_159] : memref<128x64xf32, #tpu.memory_space<hbm>> -> memref<1x64xf32, #tpu.memory_space<hbm>>
      %dma_wait3A_161 = tpu.memref_squeeze %dma_wait3A_160 : memref<1x64xf32, #tpu.memory_space<hbm>> -> memref<64xf32, #tpu.memory_space<hbm>>
      %dma_wait3A_162 = arith.constant 0 : i32
      %dma_wait3A_163 = tpu.memref_slice %arg3[%add3A_108, %dma_wait3A_162] : memref<128x64xf32, #tpu.memory_space<hbm>> -> memref<1x64xf32, #tpu.memory_space<hbm>>
      %dma_wait3A_164 = tpu.memref_squeeze %dma_wait3A_163 : memref<1x64xf32, #tpu.memory_space<hbm>> -> memref<64xf32, #tpu.memory_space<hbm>>
      tpu.wait_dma2 semaphore(%run_scoped3A : memref<!tpu.dma_semaphore, #tpu.memory_space<semaphore_mem>>) src(%arg9 : memref<64xf32, #tpu.memory_space<vmem>>) dst(%dma_wait3A_164 : memref<64xf32, #tpu.memory_space<hbm>>)
      tpu.yield
    }) : () -> ()
    "tpu.region"() ({
      %run_scoped3A = tpu.sem_alloc : memref<!tpu.dma_semaphore, #tpu.memory_space<semaphore_mem>>
      %dma_start3A_153 = arith.constant 0 : i32
      %dma_start3A_154 = tpu.memref_slice %arg4[%add3A_108, %dma_start3A_153] : memref<128x64xi32, #tpu.memory_space<hbm>> -> memref<1x64xi32, #tpu.memory_space<hbm>>
      %dma_start3A_155 = tpu.memref_squeeze %dma_start3A_154 : memref<1x64xi32, #tpu.memory_space<hbm>> -> memref<64xi32, #tpu.memory_space<hbm>>
      %dma_start3A_156 = arith.constant 0 : i32
      %dma_start3A_157 = tpu.memref_slice %arg4[%add3A_108, %dma_start3A_156] : memref<128x64xi32, #tpu.memory_space<hbm>> -> memref<1x64xi32, #tpu.memory_space<hbm>>
      %dma_start3A_158 = tpu.memref_squeeze %dma_start3A_157 : memref<1x64xi32, #tpu.memory_space<hbm>> -> memref<64xi32, #tpu.memory_space<hbm>>
      tpu.enqueue_dma source(%arg11 : memref<64xi32, #tpu.memory_space<vmem>>) target(%dma_start3A_158 : memref<64xi32, #tpu.memory_space<hbm>>) target_semaphore(%run_scoped3A : memref<!tpu.dma_semaphore, #tpu.memory_space<semaphore_mem>>)
      %dma_wait3A_159 = arith.constant 0 : i32
      %dma_wait3A_160 = tpu.memref_slice %arg4[%add3A_108, %dma_wait3A_159] : memref<128x64xi32, #tpu.memory_space<hbm>> -> memref<1x64xi32, #tpu.memory_space<hbm>>
      %dma_wait3A_161 = tpu.memref_squeeze %dma_wait3A_160 : memref<1x64xi32, #tpu.memory_space<hbm>> -> memref<64xi32, #tpu.memory_space<hbm>>
      %dma_wait3A_162 = arith.constant 0 : i32
      %dma_wait3A_163 = tpu.memref_slice %arg4[%add3A_108, %dma_wait3A_162] : memref<128x64xi32, #tpu.memory_space<hbm>> -> memref<1x64xi32, #tpu.memory_space<hbm>>
      %dma_wait3A_164 = tpu.memref_squeeze %dma_wait3A_163 : memref<1x64xi32, #tpu.memory_space<hbm>> -> memref<64xi32, #tpu.memory_space<hbm>>
      tpu.wait_dma2 semaphore(%run_scoped3A : memref<!tpu.dma_semaphore, #tpu.memory_space<semaphore_mem>>) src(%arg11 : memref<64xi32, #tpu.memory_space<vmem>>) dst(%dma_wait3A_164 : memref<64xi32, #tpu.memory_space<hbm>>)
      tpu.yield
    }) : () -> ()
    return
  }
}

</mosaic_0001>

<sc_bundles>
// kernel: kernel.3.cloned.1.call-start
scs
__scs_entry_jumppad:
0x0: {  	(pc) =	sbr.rel $0x88, $3  }
0x1: {  	(tag) =	ssettag $0x0;
	lr =	simm.s32 $0x1  }
0x2: {  	[smem:$0x3FA0] =	sst lr;
	_ =	strace $0xD0000000  }
0x3: {  	_ = 	snop  }
0x4: {  	_ = 	snop  }
0x5: {  	_ = 	snop  }
0x6: {  	_ = 	snop  }
0x7: {  	_ = 	snop  }
__scs_overlays_trampoline_lowered:
0x8: {  	[smem:$0x3FAF] =	sst s0  }
0x9: {  	[smem:$0x3FB0] =	sst s1  }
0xa: {  	[smem:$0x3FB1] =	sst s2  }
0xb: {  	[smem:$0x3FB2] =	sst s3  }
0xc: {  	[smem:$0x3FB3] =	sst s4  }
0xd: {  	[smem:$0x3FB4] =	sst s5  }
0xe: {  	[smem:$0x3FB5] =	sst s6  }
0xf: {  	[smem:$0x3FB6] =	sst s7  }
0x10: {  	[smem:$0x3FB7] =	sst s8  }
0x11: {  	[smem:$0x3FB8] =	sst s9;
	s0 =	simm.s32 @!p0 $0x0  }
0x12: {  	s1 =	sld [smem:$0x3F9E];
	s0 =	simm.s32 @p0 $0x1  }
0x13: {  	[smem:$0x3FB9] =	sst s0;
	s0 =	simm.s32 @!p1 $0x0  }
0x14: {  	s2 =	sld [smem:$0x3F9D];
	s0 =	simm.s32 @p1 $0x1  }
0x15: {  	[smem:$0x3FBA] =	sst s0;
	s0 =	simm.s32 @!p2 $0x0  }
0x16: {  	s3 =	sld [smem:$0x3FDB];
	s0 =	simm.s32 @p2 $0x1  }
0x17: {  	s4 =	simm.s32 $0x1BF5;
	[smem:$0x3FBC] =	sst s0  }
0x18: {  	s0 =	sld [smem:$0x3F9F];
	_ =	swait.ge [sflag:s4], $0x0  }
0x19: {  	s7 =	sld [smem:$0x3FA0]  }
0x1a: {  	s8 =	sadd.s32 $0xFFFFE003, lr  }
0x1b: {  	s9 =	sadd.s32 $0xFFFFFEF7, lr;
	s5 =	simm.s32 $0xFFFFFFFF;
	p2 =	slt.u32 s8, $0xFFFFF086  }
0x1c: {  	p1 =	slt.u32 s9, $0xF7A;
	s5 =	simm.s32 @!p2 $0x0  }
0x1d: {  	s5 =	simm.s32 @p1 $0x1;
	p0 =	seq.s32 s7, s2  }
0x1e: {  	s7 =	smul.u32 @!p0 $0xF7A, s2;
	p2 =	seq.s32 @!p0 s5, $0x0  }
0x1f: {  	s9 =	smul.u32 $0xF7A, s1;
	s8 =	simm.s32 @!p0 $0x1BF5;
	p2 =	por !p2, p0  }
0x20: {  	[sflag:s8] =	ssyncset.s32 @!p0 $0xFFFFF086;
	s6 =	sadd.s32 @!p0 s3, s7;
	s7 =	simm.s32 @!p0 $0x108  }
0x21: {  	s3 =	sadd.s32 s3, s9;
	s6 =	sadd.s32 @!p0 $0x88, s6;
	s7 =	simm.s32 @p2 $0x1082  }
0x22: {  	[simem:s7], [sflag:s8] =	dma.local @!p0 [hbm:s6], $0xF7A  }
0x23: {  	s9 =	sor.u32 $0xD0000000, s2;
	s6 =	simm.s32 $0x108;
	_ =	swait.ge @!p0 [sflag:s8], $0x0  }
0x24: {  	s3 =	sadd.s32 $0x88, s3;
	s6 =	simm.s32 @!p1 $0x1082;
	[sflag:s4] =	ssyncset.s32 $0xFFFFF086  }
0x25: {  	[simem:s6], [sflag:s4] =	dma.local [hbm:s3], $0xF7A  }
0x26: {  	[smem:$0x3FA0] =	sst s1;
	(tag) =	ssettag s2;
	_ =	strace s9  }
0x27: {  	s1 =	sld [smem:$0x3FB0]  }
0x28: {  	s2 =	sld [smem:$0x3FB1]  }
0x29: {  	s4 =	sld [smem:$0x3FB3]  }
0x2a: {  	p0 =	seq.s32 s5, $0x0;
	s5 =	sld [smem:$0x3FB4]  }
0x2b: {  	s6 =	sld [smem:$0x3FB5]  }
0x2c: {  	s7 =	sld [smem:$0x3FB6]  }
0x2d: {  	s3 =	simm.s32 $0x108;
	s8 =	sld [smem:$0x3FB7]  }
0x2e: {  	s3 =	simm.s32 @!p0 $0x1082;
	s9 =	sld [smem:$0x3FB8]  }
0x2f: {  	lr =	sadd.s32 s0, s3;
	s0 =	sld [smem:$0x3FAF]  }
0x30: {  	s3 =	sld [smem:$0x3FB2]  }
0x31: {  	[smem:$0x3FBB] =	sst s10  }
0x32: {  	s10 =	sld [smem:$0x3FB9];
	_ =	sdelay $0x3  }
0x33: {  	p0 =	seq.s32 s10, $0x1;
	s10 =	sld [smem:$0x3FBB];
	_ =	sdelay $0x3  }
0x34: {  	[smem:$0x3FBB] =	sst s10  }
0x35: {  	s10 =	sld [smem:$0x3FBA];
	_ =	sdelay $0x3  }
0x36: {  	p1 =	seq.s32 s10, $0x1;
	s10 =	sld [smem:$0x3FBB];
	_ =	sdelay $0x3  }
0x37: {  	[smem:$0x3FBB] =	sst s10  }
0x38: {  	s10 =	sld [smem:$0x3FBC]  }
0x39: {  	_ = 	snop;
	(pc) =	sbr.ind lr, $3  }
0x3a: {  	_ = 	snop  }
0x3b: {  	_ = 	snop  }
0x3c: {  	p2 =	seq.s32 s10, $0x1;
	s10 =	sld [smem:$0x3FBB]  }
0x3d: {  	_ =	shalt  }
0x3e: {  	_ =	shalt  }
0x3f: {  	_ =	shalt  }
0x40: {  	_ =	shalt  }
0x41: {  	_ =	shalt  }
0x42: {  	_ =	shalt  }
0x43: {  	_ =	shalt  }
0x44: {  	_ =	shalt  }
0x45: {  	_ =	shalt  }
0x46: {  	_ =	shalt  }
0x47: {  	_ =	shalt  }
0x48: {  	_ =	shalt  }
0x49: {  	_ =	shalt  }
0x4a: {  	_ =	shalt  }
0x4b: {  	_ =	shalt  }
0x4c: {  	_ =	shalt  }
0x4d: {  	_ =	shalt  }
0x4e: {  	_ =	shalt  }
0x4f: {  	_ =	shalt  }
0x50: {  	_ =	shalt  }
0x51: {  	_ =	shalt  }
0x52: {  	_ =	shalt  }
0x53: {  	_ =	shalt  }
0x54: {  	_ =	shalt  }
0x55: {  	_ =	shalt  }
0x56: {  	_ =	shalt  }
0x57: {  	_ =	shalt  }
0x58: {  	_ =	shalt  }
0x59: {  	_ =	shalt  }
0x5a: {  	_ =	shalt  }
0x5b: {  	_ =	shalt  }
0x5c: {  	_ =	shalt  }
0x5d: {  	_ =	shalt  }
0x5e: {  	_ =	shalt  }
0x5f: {  	_ =	shalt  }
0x60: {  	_ =	shalt  }
0x61: {  	_ =	shalt  }
0x62: {  	_ =	shalt  }
0x63: {  	_ =	shalt  }
0x64: {  	_ =	shalt  }
0x65: {  	_ =	shalt  }
0x66: {  	_ =	shalt  }
0x67: {  	_ =	shalt  }
0x68: {  	_ =	shalt  }
0x69: {  	_ =	shalt  }
0x6a: {  	_ =	shalt  }
0x6b: {  	_ =	shalt  }
0x6c: {  	_ =	shalt  }
0x6d: {  	_ =	shalt  }
0x6e: {  	_ =	shalt  }
0x6f: {  	_ =	shalt  }
0x70: {  	_ =	shalt  }
0x71: {  	_ =	shalt  }
0x72: {  	_ =	shalt  }
0x73: {  	_ =	shalt  }
0x74: {  	_ =	shalt  }
0x75: {  	_ =	shalt  }
0x76: {  	_ =	shalt  }
0x77: {  	_ =	shalt  }
0x78: {  	_ =	shalt  }
0x79: {  	_ =	shalt  }
0x7a: {  	_ =	shalt  }
0x7b: {  	_ =	shalt  }
0x7c: {  	_ =	shalt  }
0x7d: {  	_ =	shalt  }
0x7e: {  	_ =	shalt  }
0x7f: {  	_ =	shalt  }
0x80: {  	_ =	shalt  }
0x81: {  	_ =	shalt  }
0x82: {  	_ =	shalt  }
0x83: {  	_ =	shalt  }
0x84: {  	_ =	shalt  }
0x85: {  	_ =	shalt  }
0x86: {  	_ =	shalt  }
0x87: {  	_ =	shalt  }
.Lfunc_end0:
.L_simem_size_0:
called_computation_lowered:
.L_overlay_start_0:
0x88: {  	s2 =	sld [smem:$0x3FD9]  }
0x89: {  	s3 =	sld [smem:$0x3FFE];
	_ =	sdelay $0x1  }
0x8a: {  	s1 =	srdreg.scid  }
0x8b: {  	s0 =	sand.u32 $0x1, s1  }
0x8c: {  	s17 =	sshll.u32 s0, $0xA;
	s2 =	sadd.s32 s3, s2  }
0x8d: {  	s2 =	sadd.s32 s2, s17  }
0x8e: {  	[smem:$0x3FC7] =	sst s2  }
0x8f: {  	_ = 	snop  }
0x90: {  	s2 =	sld [smem:$0x3FC9];
	(tm) =	ssettm $0x1  }
0x91: {  	s18 =	sld [smem:$0x3FFB];
	_ =	sdelay $0x3  }
0x92: {  	_ =	strace s18  }
0x93: {  	s3 =	sld [smem:$0x3FFC];
	_ =	sdelay $0x3  }
0x94: {  	_ =	strace s3  }
0x95: {  	s3 =	sld [smem:$0x3FFD];
	_ =	sdelay $0x3  }
0x96: {  	_ =	strace s3  }
0x97: {  	_ =	strace $0x8FFFFFFF  }
0x98: {  	s19 =	sld [smem:$0x3FDB];
	_ =	sdelay $0x1  }
0x99: {  	s4 =	simm.s32 $_scs_section_size  }
0x9a: {  	s5 =	simm.s32 $_size__tile_overlayer_lowered;
	s6 =	simm.s32 $_tile_overlayer_lowered  }
0x9b: {  	s22 =	simm.s32 $0x1BFF;
	s21 =	sshll.u32 s6, $0x1;
	s3 =	sadd.s32 s4, s19  }
0x9c: {  	s7 =	simm.s32 $0x0;
	s20 =	sshll.u32 s5, $0x1;
	s5 =	sadd.s32 s21, s3  }
0x9d: {  	[timem:s7], [sflag:s22] =	dma.local [hbm:s5], s20  }
0x9e: {  	_ =	swait.ge [sflag:s22], s20  }
0x9f: {  	s4 =	ssub.s32 $0x0, s20;
	[sflag:s22] =	ssyncset.done $0x0  }
0xa0: {  	[sflag:s22] =	ssyncadd.s32 s4;
	_ =	sdelay $0x1  }
0xa1: {  	s23 =	simm.s32 $0x1B8B  }
0xa2: {  	_ =	swait.ge [sflag:s23], $0x1  }
0xa3: {  	[sflag:s23] =	ssyncset.done $0x0  }
0xa4: {  	s25 =	simm.s32 $0x1B8E;
	s24 =	sld [smem:$0x3FFE];
	[sflag:s23] =	ssyncadd.s32 $0xFFFFFFFF  }
0xa5: {  	s26 =	simm.s32 $execute0_lowered;
	[smem:$0x3FD2] =	sst s25  }
0xa6: {  	s5 =	sshll.u32 s26, $0x1;
	_ =	strace $0x80000046;
	[dreg:$0x1] =	wrdreg $0xFFFFFFFF  }
0xa7: {  	s28 =	simm.s32 $_size_execute0_lowered;
	s3 =	sadd.s32 s3, s5;
	[dreg:$0x0] =	wrdreg $0x0  }
0xa8: {  	s5 =	sshll.u32 s28, $0x1;
	[dreg:$0x2] =	wrdreg s3  }
0xa9: {  	[dreg:$0x3] =	wrdreg s5  }
0xaa: {  	[dreg:$0x4] =	wrdreg $0xC0  }
0xab: {  	_ =	task [dreg:s7], $0x5FFFF  }
0xac: {  	[dreg:$0x1] =	wrdreg $0xFFFFFFFF  }
0xad: {  	[dreg:$0x0] =	wrdreg $0x60  }
0xae: {  	[dreg:$0x2] =	wrdreg s2  }
0xaf: {  	[dreg:$0x3] =	wrdreg s24  }
0xb0: {  	[dreg:$0x4] =	wrdreg $0x9  }
0xb1: {  	_ =	task.clear_ibuf [dreg:s7], $0x5FFFF;
	_ =	strace $0x90000046  }
0xb2: {  	s29 =	simm.s32 $0x9;
	_ =	strace $0x80000048  }
0xb3: {  	_ =	swait.ge [sflag:s29], $0x1  }
0xb4: {  	[sflag:s29] =	ssyncadd.s32 $0xFFFFFFFF  }
0xb5: {  	_ =	strace $0x90000048  }
0xb6: {  	_ =	sfence  }
0xb7: {  	s30 =	sld [smem:$0x0];
	_ =	sdelay $0x2  }
0xb8: {  	s31 =	sshll.u32 s1, $0xD;
	s1 =	sshrl.u32 s1, $0x2  }
0xb9: {  	s3 =	sand.u32 $0x4000, s31;
	s1 =	sadd.s32 s1, s30  }
0xba: {  	s0 =	sor.u32 s3, s0;
	s1 =	sshll.u32 s1, $0x11  }
0xbb: {  	s0 =	sor.u32 s1, s0  }
0xbc: {  	s0 =	sadd.s32 $0x8F2B, s0  }
0xbd: {  	[sflag:s0] =	ssyncadd.remote.s32 $0x1  }
0xbe: {  	_ =	sfence.sel $0xFFFF  }
0xbf: {  	[dreg:$0x0] =	wrdreg $0xFFFFFFFF;
	(pc) =	sbr.abs _section_cstart, $3  }
0xc0: {  	[dreg:$0x1] =	wrdreg $0xFFFFFFFF  }
0xc1: {  	_ =	task.clear_ibuf [dreg:s7], $0x2FFFF;
	_ =	strace $0x9FFFFFFF  }
0xc2: {  	(tm) =	ssettm $0x7FFFFFFF  }
0xc3: {  	_ =	shalt  }
tec
execute0_lowered:
.L_overlay_start_1:
0x0: {  	(tag) =	ssettag $0x1  }
0x1: {  	s10 =	rddreg [dreg:$0x0]  }
0x2: {  	s2 =	rddreg [dreg:$0x1];
	s1 =	simm.s32 $0x0;
	s3 =	srdreg.scid  }
0x3: {  	v0 =	vimm.s32 $0xFEDCBA98;
	s8 =	stileid.u32;
	s17 =	simm.s32 $0x8000;
	s18 =	simm.s32 $0x10000  }
0x4: {  	v1 =	vimm.s32 $0x76543210;
	v2 =	vimm.s32 $0xBA98FEDC;
	s19 =	simm.s32 $0x1;
	s20 =	simm.s32 $0x18000;
	s21 =	simm.s32 $0x18100  }
0x5: {  	v3 =	vimm.s32 $0x32107654;
	v4 =	vimm.s32 $0xDCFE98BA;
	s22 =	simm.s32 $0x18080;
	s23 =	simm.s32 $0x18180;
	s28 =	simm.s32 $0x0  }
0x6: {  	v5 =	vimm.s32 $0x54761032;
	[smem:$0x7FF] =	sst s1;
	s0 =	sadd.s32 $0x800, s2;
	s2 =	sadd.s32 $0x1000, s2  }
0x7: {  	v6 =	vimm.s32 $0xEFCDAB89;
	v7 =	vimm.s32 $0x67452301;
	vm0 =	vmxor vm0, vm0;
	s3 =	sand.u32 $0x1, s3;
	s9 =	sshll.u32 s8, $0x12;
	s12 =	sshll.u32 s8, $0xA  }
0x8: {  	v12 =	vimm.s32 $0x0;
	v13 =	vimm.f32 $-Inf;
	v0 =	vunpack.c.l.s4.s8 v0;
	_ =	strace $0x80000047;
	s4 =	ssub.s32 $0x2, s3;
	s7 =	sshll.u32 s3, $0x9  }
0x9: {  	v1 =	vunpack.c.l.s4.s8 v1;
	v2 =	vunpack.c.l.s4.s8 v2;
	v3 =	vunpack.c.l.s4.s8 v3;
	s24 =	sshrl.u32 s4, $0x1;
	s5 =	sor.u32 s7, s9;
	s6 =	sor.u32 $0x80, s7  }
0xa: {  	v4 =	vunpack.c.l.s4.s8 v4;
	v5 =	vunpack.c.l.s4.s8 v5;
	v6 =	vunpack.c.l.s4.s8 v6;
	s11 =	sor.u32 $0x100, s7;
	s8 =	sor.u32 s7, s12;
	s14 =	sor.u32 $0x180, s7  }
0xb: {  	v7 =	vunpack.c.l.s4.s8 v7;
	v0 =	vunpack.c.0.s8.s32 v0;
	v2 =	vunpack.c.0.s8.s32 v2;
	s15 =	ssub.s32 s4, s24;
	s25 =	sshrl.u32 s5, $0x3;
	s26 =	sor.u32 s9, s6  }
0xc: {  	v3 =	vunpack.c.0.s8.s32 v3;
	v4 =	vunpack.c.0.s8.s32 v4;
	v5 =	vunpack.c.0.s8.s32 v5;
	s29 =	sor.u32 s9, s11;
	s8 =	sshrl.u32 s8, $0x3;
	s13 =	sor.u32 s12, s6  }
0xd: {  	v6 =	vunpack.c.0.s8.s32 v6;
	v7 =	vunpack.c.0.s8.s32 v7;
	v1 =	vunpack.c.0.s8.s32 v1;
	s16 =	sor.u32 s9, s14;
	s11 =	sor.u32 s12, s11;
	s14 =	sor.u32 s12, s14  }
0xe: {  	s24 =	simm.s32 $0x3;
	s3 =	sadd.s32 s10, s25;
	s4 =	sshrl.u32 s26, $0x3;
	v2 =	vcombine.low v3, v2;
	v3 =	vand.u32 $0xF, v0;
	v4 =	vcombine.low v5, v4  }
0xf: {  	s5 =	sshrl.u32 s29, $0x3;
	s6 =	sadd.s32 s0, s8;
	s13 =	sshrl.u32 s13, $0x3;
	v5 =	vcombine.low v7, v6;
	v0 =	vlaneseq.u32;
	v1 =	vcombine.low v3, v1  }
0x10: {  	s7 =	sadd.s32 s2, s8;
	s30 =	sshrl.u32 s16, $0x3;
	s31 =	sshrl.u32 s11, $0x3;
	v6 =	vor.u32 $0x20, v0;
	v7 =	vor.u32 $0x30, v0;
	v8 =	vor.u32 $0x40, v0  }
0x11: {  	s14 =	sshrl.u32 s14, $0x3;
	s15 =	smax.u32 s15, $0x1;
	s16 =	simm.s32 $0x400;
	v9 =	vor.u32 $0x50, v0;
	v10 =	vor.u32 $0x60, v0;
	v11 =	vor.u32 $0x70, v0  }
0x12: {  	s25 =	simm.s32 $0x80;
	s26 =	simm.s32 $0x2;
	[dreg:$0x3] =	wrdreg s3;
	v14 =	vor.u32 $0x80, v0;
	v15 =	vor.u32 $0x90, v0;
	v16 =	vor.u32 $0xA0, v0  }
0x13: {  	s4 =	sadd.s32 s10, s4;
	s5 =	sadd.s32 s10, s5;
	s8 =	sadd.s32 s0, s13;
	v17 =	vor.u32 $0xB0, v0;
	v18 =	vor.u32 $0xC0, v0;
	v19 =	vor.u32 $0xD0, v0  }
0x14: {  	s9 =	sadd.s32 s2, s13;
	s10 =	sadd.s32 s10, s30;
	s11 =	sadd.s32 s0, s31;
	v20 =	vor.u32 $0xE0, v0;
	v21 =	vor.u32 $0xF0, v0;
	v2 =	vand.u32 $0xF, v2  }
0x15: {  	s12 =	sadd.s32 s2, s31;
	s13 =	sadd.s32 s0, s14;
	s14 =	sadd.s32 s2, s14;
	v3 =	vand.u32 $0xF, v4;
	v4 =	vand.u32 $0xF, v5;
	v5 =	vor.u32 $0x10, v0  }
.LBB2_1:
0x16: {  	s0 =	rddreg [dreg:$0x3]  }
0x17: {  	[tilespmem:s1], [sflag:$0x1] =	stream.strided.gather [hbm4b:s0+s25], $0x8000, s16, s25, $0x38;
	[tilespmem:$0x18200] =	vst v63  }
0x18: {  	_ = 	snop  }
0x19: {  	[tilespmem:s17], [sflag:$0x1] =	stream.strided.gather [hbm4b:s4+s25], $0x8000, s16, s25, $0x38;
	[tilespmem:$0x18200] =	vst v63  }
0x1a: {  	_ = 	snop  }
0x1b: {  	[tilespmem:s18], [sflag:$0x2] =	stream.strided.gather [hbm4b:s5+s25], $0x8000, s16, s25, $0x38;
	[tilespmem:$0x18200] =	vst v63  }
0x1c: {  	_ =	swait.ge [sflag:s19], $0x8000  }
0x1d: {  	[sflag:s19] =	ssyncset.done $0x0  }
0x1e: {  	[sflag:s19] =	ssyncadd.s32 $0xFFFF8000  }
0x1f: {  	_ =	swait.ge [sflag:s19], $0x8000  }
0x20: {  	[sflag:s19] =	ssyncset.done $0x0  }
0x21: {  	[sflag:s19] =	ssyncadd.s32 $0xFFFF8000  }
0x22: {  	v22 =	vld [tilespmem:s25+$0xFFFFFF80]  }
0x23: {  	v23 =	vld [tilespmem:s25+$0xFFFFFF90]  }
0x24: {  	v24 =	vld [tilespmem:s25+$0xFFFFFFA0]  }
0x25: {  	v25 =	vld [tilespmem:s25+$0xFFFFFFB0]  }
0x26: {  	v26 =	vld [tilespmem:s25+$0xFFFFFFC0]  }
0x27: {  	v27 =	vld [tilespmem:s25+$0xFFFFFFD0]  }
0x28: {  	v28 =	vld [tilespmem:s25+$0xFFFFFFE0]  }
0x29: {  	v29 =	vld [tilespmem:s25+$0xFFFFFFF0]  }
0x2a: {  	v30 =	vld [tilespmem:s25+$0x0]  }
0x2b: {  	v31 =	vld [tilespmem:s25+$0x70]  }
0x2c: {  	v32 =	vld [tilespmem:s25+$0x60]  }
0x2d: {  	v33 =	vld [tilespmem:s25+$0x50]  }
0x2e: {  	v34 =	vld [tilespmem:s25+$0x40]  }
0x2f: {  	v35 =	vld [tilespmem:s25+$0x30]  }
0x30: {  	v36 =	vld [tilespmem:s25+$0x20]  }
0x31: {  	s3 =	simm.s32 $0x8080;
	v37 =	vld [tilespmem:s25+$0x10]  }
0x32: {  	v38 =	vld [tilespmem:s3+$0xFFFFFF80]  }
0x33: {  	v39 =	vld [tilespmem:s3+$0xFFFFFF90]  }
0x34: {  	v40 =	vld [tilespmem:s3+$0xFFFFFFA0]  }
0x35: {  	v41 =	vld [tilespmem:s3+$0xFFFFFFB0]  }
0x36: {  	v22 =	vmax.f32 v22, v23;
	v23 =	vld [tilespmem:s3+$0xFFFFFFC0]  }
0x37: {  	v63 =	vld [tilespmem:s3+$0xFFFFFFE0];
	v22 =	vmax.f32 v22, v24  }
0x38: {  	v24 =	vld [tilespmem:s3+$0xFFFFFFD0];
	v22 =	vmax.f32 v22, v25;
	v25 =	vmax.f32 v38, v39  }
0x39: {  	v22 =	vmax.f32 v22, v26;
	v25 =	vmax.f32 v25, v40;
	v26 =	vld [tilespmem:s3+$0xFFFFFFF0]  }
0x3a: {  	v22 =	vmax.f32 v22, v27;
	v25 =	vmax.f32 v25, v41;
	v27 =	vld [tilespmem:s3+$0x0]  }
0x3b: {  	v23 =	vmax.f32 v25, v23;
	v25 =	vld [tilespmem:s3+$0x10]  }
0x3c: {  	vm3 =	vmmov vm0;
	v22 =	vmax.f32 v22, v28;
	v28 =	vld [tilespmem:s3+$0x30]  }
0x3d: {  	s29 =	simm.s32 $0x180;
	vm1 =	vmmov vm0;
	v22 =	vmax.f32 v22, v29;
	v23 =	vmax.f32 v23, v24;
	v24 =	vld [tilespmem:s3+$0x20]  }
0x3e: {  	vm4 =	vmmov vm0;
	v29 =	vld [tilespmem:s29+$0xFFFFFF80];
	v22 =	vmax.f32 v22, v30;
	v23 =	vmax.f32 v23, v63  }
0x3f: {  	vm6 =	vmmov vm0;
	v23 =	vmax.f32 v23, v26;
	v22 =	vmax.f32 v22, v37;
	v26 =	vld [tilespmem:s3+$0x40]  }
0x40: {  	p0 =	por $0x1, $0x1;
	vm5 =	vmmov vm0;
	v23 =	vmax.f32 v23, v27;
	v22 =	vmax.f32 v22, v36;
	v27 =	vld [tilespmem:s3+$0x50]  }
0x41: {  	p1 =	por $0x0, $0x0;
	vm3 =	vmneg @p0 vm3;
	v23 =	vmax.f32 v23, v25;
	v22 =	vmax.f32 v22, v35;
	v25 =	vld [tilespmem:s3+$0x60]  }
0x42: {  	p2 =	por $0x0, $0x0;
	vm1 =	vmneg @p1 vm1;
	v23 =	vmax.f32 v23, v24;
	v22 =	vmax.f32 v22, v34;
	v24 =	vld [tilespmem:s3+$0x70]  }
0x43: {  	p0 =	por $0x0, $0x0;
	vm4 =	vmneg @p2 vm4;
	v23 =	vmax.f32 v23, v28;
	v22 =	vmax.f32 v22, v33;
	v28 =	vld [tilespmem:s29+$0xFFFFFF90]  }
0x44: {  	p1 =	por $0x0, $0x0;
	vm6 =	vmneg @p0 vm6;
	v23 =	vmax.f32 v23, v26;
	v22 =	vmax.f32 v22, v32;
	v26 =	vld [tilespmem:s29+$0xFFFFFFA0]  }
0x45: {  	vm5 =	vmneg @p1 vm5;
	v23 =	vmax.f32 v23, v27;
	v22 =	vmax.f32 v22, v31;
	v27 =	vld [tilespmem:s29+$0xFFFFFFB0]  }
0x46: {  	v30 =	vld [tilespmem:s29+$0xFFFFFFC0];
	v37 =	vimm.f32 $-Inf;
	v23 =	vmax.f32 v23, v25;
	v25 =	vperm.xlane v22, v1  }
0x47: {  	v36 =	vimm.f32 $-Inf;
	v35 =	vimm.f32 $-Inf;
	v23 =	vmax.f32 v23, v24;
	v24 =	vld [tilespmem:s29+$0xFFFFFFD0]  }
0x48: {  	v22 =	vmax.f32 v22, v25;
	v25 =	vperm.xlane v23, v1;
	v28 =	vmax.f32 v29, v28;
	v29 =	vld [tilespmem:s29+$0xFFFFFFE0]  }
0x49: {  	v34 =	vimm.f32 $-Inf;
	v31 =	vperm.xlane v22, v2;
	v26 =	vmax.f32 v28, v26  }
0x4a: {  	v33 =	vimm.f32 $-Inf;
	v28 =	vld [tilespmem:s29+$0xFFFFFFF0];
	v23 =	vmax.f32 v23, v25;
	v25 =	vmax.f32 v26, v27  }
0x4b: {  	v26 =	vld [tilespmem:s29+$0x0];
	v22 =	vmax.f32 v22, v31;
	v27 =	vperm.xlane v23, v2;
	v25 =	vmax.f32 v25, v30  }
0x4c: {  	v43 =	vld [tilespmem:s29+$0x40];
	v32 =	vimm.f32 $-Inf;
	v30 =	vperm.xlane v22, v3;
	v24 =	vmax.f32 v25, v24  }
0x4d: {  	v45 =	vld [tilespmem:s29+$0x30];
	v31 =	vimm.f32 $-Inf;
	v23 =	vmax.f32 v23, v27;
	v24 =	vmax.f32 v24, v29  }
0x4e: {  	v46 =	vld [tilespmem:s29+$0x20];
	v29 =	vimm.f32 $-Inf;
	v22 =	vmax.f32 v22, v30;
	v25 =	vperm.xlane v23, v3  }
0x4f: {  	s0 =	simm.s32 $0x8180;
	v47 =	vld [tilespmem:s29+$0x10];
	v24 =	vmax.f32 v24, v28;
	v28 =	vimm.f32 $-Inf;
	v27 =	vperm.xlane v22, v4  }
0x50: {  	s31 =	sand.u32 $0xF, s1;
	v48 =	vld [tilespmem:s0+$0xFFFFFF80];
	v30 =	vimm.f32 $-Inf;
	v44 =	vmax.f32 v24, v26;
	v23 =	vmax.f32 v23, v25  }
0x51: {  	v49 =	vld [tilespmem:s0+$0xFFFFFF90];
	v24 =	vmov s31;
	v42 =	vmax.f32 v22, v27;
	v22 =	vperm.xlane v23, v4  }
0x52: {  	v38 =	vld [tilespmem:s29+$0x70];
	v26 =	vimm.f32 $-Inf;
	vm2 =	veq.s32 v24, v0;
	v25 =	vimm.f32 $-Inf  }
0x53: {  	s30 =	simm.s32 $0x1;
	p3 =	por $0x0, $0x0;
	v39 =	vld [tilespmem:s29+$0x60];
	v24 =	vimm.f32 $-Inf;
	vm1 =	vmand vm1, vm2;
	v41 =	vmax.f32 v23, v22  }
0x54: {  	s2 =	simm.s32 $0x2;
	p2 =	por $0x0, $0x0;
	p1 =	por $0x0, $0x0;
	v40 =	vld [tilespmem:s29+$0x50];
	v27 =	vimm.f32 $-Inf;
	v23 =	vimm.f32 $-Inf;
	v22 =	vsel vm1, v41, v13  }
.LBB2_2:
0x55: {  	vm7 =	vmmov vm0;
	vm8 =	vmmov vm0;
	vm9 =	vmmov vm0  }
0x56: {  	p0 =	sne.s32 s2, $0x7F;
	v50 =	vld [tilespmem:s0+$0xFFFFFFA0];
	vm7 =	vmneg @p3 vm7;
	vm8 =	vmneg @p2 vm8;
	vm9 =	vmneg @p1 vm9  }
0x57: {  	vm10 =	vmand vm3, vm2;
	vm11 =	vmand vm4, vm2;
	vm6 =	vmand vm6, vm2;
	v51 =	vld [tilespmem:s0+$0xFFFFFFB0]  }
0x58: {  	vm5 =	vmand vm5, vm2;
	vm3 =	vmand vm7, vm2;
	vm4 =	vmand vm8, vm2;
	v52 =	vld [tilespmem:s0+$0xFFFFFFC0]  }
0x59: {  	v37 =	vsel vm10, v42, v37;
	v35 =	vsel vm11, v42, v35;
	vm2 =	vmand vm9, vm2;
	v53 =	vld [tilespmem:s0+$0xFFFFFFD0]  }
0x5a: {  	v32 =	vsel vm6, v42, v32;
	v26 =	vsel vm5, v42, v26;
	v48 =	vmax.f32 v48, v49;
	v49 =	vld [tilespmem:s0+$0xFFFFFFE0]  }
0x5b: {  	v27 =	vsel vm3, v42, v27;
	v25 =	vsel vm4, v42, v25;
	v48 =	vmax.f32 v48, v50;
	v50 =	vld [tilespmem:s0+$0xFFFFFFF0]  }
0x5c: {  	v28 =	vsel vm1, v42, v28;
	v33 =	vsel vm2, v42, v33;
	v48 =	vmax.f32 v48, v51;
	v51 =	vld [tilespmem:s0+$0x0]  }
0x5d: {  	v24 =	vsel vm10, v41, v24;
	v34 =	vsel vm11, v41, v34;
	v42 =	vmax.f32 v48, v52;
	v48 =	vld [tilespmem:s0+$0x10]  }
0x5e: {  	v29 =	vsel vm6, v41, v29;
	v30 =	vsel vm5, v41, v30;
	v42 =	vmax.f32 v42, v53;
	v52 =	vld [tilespmem:s0+$0x20]  }
0x5f: {  	v36 =	vsel vm3, v41, v36;
	v31 =	vsel vm4, v41, v31;
	v42 =	vmax.f32 v42, v49;
	v49 =	vld [tilespmem:s0+$0x30]  }
0x60: {  	v44 =	vmax.f32 v44, v47;
	v23 =	vsel vm2, v41, v23;
	v42 =	vmax.f32 v42, v50;
	v47 =	vld [tilespmem:s0+$0x40]  }
0x61: {  	v41 =	vmax.f32 v42, v51;
	v42 =	vmax.f32 v44, v46;
	v44 =	vld [tilespmem:s0+$0x50]  }
0x62: {  	v41 =	vmax.f32 v41, v48;
	v42 =	vmax.f32 v42, v45;
	v45 =	vld [tilespmem:s0+$0x60]  }
0x63: {  	s29 =	sadd.s32 $0x100, s29;
	v41 =	vmax.f32 v41, v52;
	v42 =	vmax.f32 v42, v43;
	v43 =	vld [tilespmem:s0+$0x70]  }
0x64: {  	v46 =	vld [tilespmem:s29+$0xFFFFFF80];
	v41 =	vmax.f32 v41, v49;
	v40 =	vmax.f32 v42, v40  }
0x65: {  	v42 =	vld [tilespmem:s29+$0xFFFFFF90];
	v41 =	vmax.f32 v41, v47;
	v39 =	vmax.f32 v40, v39  }
0x66: {  	v40 =	vld [tilespmem:s29+$0xFFFFFFA0];
	v41 =	vmax.f32 v41, v44;
	v38 =	vmax.f32 v39, v38  }
0x67: {  	v39 =	vld [tilespmem:s29+$0xFFFFFFB0];
	v41 =	vmax.f32 v41, v45;
	v44 =	vperm.xlane v38, v1  }
0x68: {  	v45 =	vld [tilespmem:s29+$0xFFFFFFC0];
	v41 =	vmax.f32 v41, v43  }
0x69: {  	v43 =	vld [tilespmem:s29+$0xFFFFFFD0];
	v38 =	vmax.f32 v38, v44;
	v44 =	vperm.xlane v41, v1  }
0x6a: {  	v42 =	vmax.f32 v46, v42;
	v46 =	vld [tilespmem:s29+$0xFFFFFFE0];
	v47 =	vperm.xlane v38, v2  }
0x6b: {  	vm1 =	vmmov vm0;
	v40 =	vmax.f32 v42, v40;
	v42 =	vld [tilespmem:s29+$0xFFFFFFF0];
	v41 =	vmax.f32 v41, v44  }
0x6c: {  	v39 =	vmax.f32 v40, v39;
	v44 =	vld [tilespmem:s29+$0x0];
	v47 =	vmax.f32 v38, v47;
	v40 =	vperm.xlane v41, v2  }
0x6d: {  	vm6 =	vmmov vm0;
	v39 =	vmax.f32 v39, v45;
	v38 =	vld [tilespmem:s29+$0x70];
	v45 =	vperm.xlane v47, v3  }
0x6e: {  	s31 =	sand.u32 $0xF, s30;
	s30 =	sshrl.u32 s30, $0x4;
	vm5 =	vmmov vm0;
	v43 =	vmax.f32 v39, v43;
	v39 =	vld [tilespmem:s29+$0x60];
	v41 =	vmax.f32 v41, v40  }
0x6f: {  	p3 =	seq.s32 s30, $0x7;
	v43 =	vmax.f32 v43, v46;
	v40 =	vld [tilespmem:s29+$0x50];
	v47 =	vmax.f32 v47, v45;
	v46 =	vperm.xlane v41, v3  }
0x70: {  	vm1 =	vmneg @p3 vm1;
	v42 =	vmax.f32 v43, v42;
	v43 =	vld [tilespmem:s29+$0x40];
	v48 =	vperm.xlane v47, v4  }
.Ltmp0:
0x71: {  	vm3 =	vmmov vm0;
	v44 =	vmax.f32 v42, v44;
	v45 =	vld [tilespmem:s29+$0x30];
	v41 =	vmax.f32 v41, v46;
	(pc) =	sbr.rel @p0 .LBB2_2-.Ltmp0, $4  }
0x72: {  	p2 =	seq.s32 s30, $0x0;
	p1 =	seq.s32 s30, $0x1;
	v49 =	vmov s31;
	v46 =	vld [tilespmem:s29+$0x20];
	v42 =	vmax.f32 v47, v48;
	v50 =	vperm.xlane v41, v4  }
0x73: {  	p5 =	seq.s32 s30, $0x2;
	p4 =	seq.s32 s30, $0x3;
	vm4 =	vmmov vm0;
	vm3 =	vmneg @p2 vm3;
	s0 =	sadd.s32 $0x100, s0;
	vm2 =	veq.s32 v49, v0;
	v47 =	vld [tilespmem:s29+$0x10]  }
0x74: {  	p3 =	seq.s32 s30, $0x4;
	vm4 =	vmneg @p1 vm4;
	p2 =	seq.s32 s30, $0x5;
	p1 =	seq.s32 s30, $0x6;
	vm1 =	vmand vm1, vm2;
	v48 =	vld [tilespmem:s0+$0xFFFFFF80];
	v41 =	vmax.f32 v41, v50  }
0x75: {  	vm6 =	vmneg @p5 vm6;
	vm5 =	vmneg @p4 vm5;
	s30 =	smov.u32 s2;
	s2 =	sadd.s32 $0x1, s2;
	v49 =	vld [tilespmem:s0+$0xFFFFFF90];
	v22 =	vsel vm1, v41, v22  }
0x76: {  	vm7 =	vmmov vm0;
	vm8 =	vmmov vm0;
	vm9 =	vmmov vm0  }
0x77: {  	vm3 =	vmand vm3, vm2;
	vm4 =	vmand vm4, vm2;
	vm6 =	vmand vm6, vm2  }
0x78: {  	v50 =	vld [tilespmem:s0+$0xFFFFFFA0];
	vm5 =	vmand vm5, vm2;
	vm7 =	vmneg @p3 vm7;
	vm8 =	vmneg @p2 vm8  }
0x79: {  	v51 =	vld [tilespmem:s0+$0xFFFFFFB0];
	vm9 =	vmneg @p1 vm9;
	v37 =	vsel vm3, v42, v37;
	v35 =	vsel vm4, v42, v35  }
0x7a: {  	v52 =	vld [tilespmem:s0+$0xFFFFFFC0];
	v32 =	vsel vm6, v42, v32;
	v26 =	vsel vm5, v42, v26;
	v34 =	vsel vm4, v41, v34  }
0x7b: {  	v53 =	vld [tilespmem:s0+$0xFFFFFFD0];
	vm4 =	vmmov vm0;
	v44 =	vmax.f32 v44, v47;
	vm7 =	vmand vm7, vm2  }
0x7c: {  	v59 =	vld [tilespmem:s0+$0xFFFFFFE0];
	s2 =	sshrl.u32 s30, $0x4;
	vm8 =	vmand vm8, vm2;
	v44 =	vmax.f32 v44, v46;
	v48 =	vmax.f32 v48, v49  }
0x7d: {  	v60 =	vld [tilespmem:s0+$0xFFFFFFF0];
	p2 =	seq.s32 s2, $0x1;
	vm2 =	vmand vm9, vm2;
	v44 =	vmax.f32 v44, v45;
	v48 =	vmax.f32 v48, v50  }
0x7e: {  	v61 =	vld [tilespmem:s0+$0x0];
	vm4 =	vmneg @p2 vm4;
	v43 =	vmax.f32 v44, v43;
	v48 =	vmax.f32 v48, v51  }
0x7f: {  	v62 =	vld [tilespmem:s0+$0x10];
	vm9 =	vmmov vm0;
	v40 =	vmax.f32 v43, v40;
	v48 =	vmax.f32 v48, v52  }
0x80: {  	v63 =	vld [tilespmem:s0+$0x20];
	v27 =	vsel vm7, v42, v27;
	v39 =	vmax.f32 v40, v39;
	v48 =	vmax.f32 v48, v53  }
0x81: {  	v56 =	vld [tilespmem:s0+$0x30];
	v33 =	vsel vm2, v42, v33;
	v38 =	vmax.f32 v39, v38;
	v48 =	vmax.f32 v48, v59  }
0x82: {  	v57 =	vld [tilespmem:s0+$0x40];
	p3 =	seq.s32 s2, $0x6;
	v36 =	vsel vm7, v41, v36;
	v54 =	vperm.xlane v38, v1;
	v48 =	vmax.f32 v48, v60  }
0x83: {  	p2 =	seq.s32 s2, $0x4;
	vm7 =	vmmov vm0;
	vm9 =	vmneg @p3 vm9;
	v59 =	vld [tilespmem:s0+$0x50];
	v58 =	vmax.f32 v48, v61  }
0x84: {  	vm7 =	vmneg @p2 vm7;
	v61 =	vld [tilespmem:s0+$0x60];
	v38 =	vmax.f32 v38, v54;
	v60 =	vmax.f32 v58, v62  }
0x85: {  	v40 =	vperm.xlane v38, v2;
	v58 =	vsel vm3, v41, v24;
	v62 =	vmax.f32 v60, v63;
	v63 =	vld [tilespmem:s0+$0x70]  }
0x86: {  	p1 =	seq.s32 s2, $0x7;
	vm3 =	vmmov vm0;
	v60 =	vsel vm5, v41, v30;
	v49 =	vmax.f32 v62, v56  }
0x87: {  	vm3 =	vmneg @p1 vm3;
	vm5 =	vmmov vm0;
	v51 =	vmax.f32 v49, v57  }
0x88: {  	v56 =	vsel vm8, v42, v25;
	v25 =	vmax.f32 v38, v40;
	v52 =	vmax.f32 v51, v59  }
0x89: {  	v62 =	vsel vm2, v41, v23;
	vm2 =	vmmov vm0;
	v53 =	vmax.f32 v52, v61  }
0x8a: {  	p0 =	seq.s32 s2, $0x0;
	v57 =	vsel vm1, v42, v28;
	v28 =	vperm.xlane v25, v3;
	v39 =	vmax.f32 v53, v63  }
0x8b: {  	s31 =	sand.u32 $0xF, s30;
	vm2 =	vmneg @p0 vm2;
	p0 =	seq.s32 s2, $0x2;
	v59 =	vsel vm6, v41, v29;
	v55 =	vperm.xlane v39, v1  }
0x8c: {  	v29 =	vmov s31;
	vm5 =	vmneg @p0 vm5;
	vm6 =	vmmov vm0  }
0x8d: {  	p1 =	seq.s32 s2, $0x3;
	v25 =	vmax.f32 v25, v28;
	v61 =	vsel vm8, v41, v31;
	v39 =	vmax.f32 v39, v55  }
0x8e: {  	vm1 =	veq.s32 v29, v0;
	vm6 =	vmneg @p1 vm6;
	v43 =	vperm.xlane v39, v2  }
0x8f: {  	p0 =	seq.s32 s2, $0x5;
	vm8 =	vmmov vm0;
	v28 =	vperm.xlane v25, v4;
	vm3 =	vmand vm3, vm1  }
0x90: {  	vm8 =	vmneg @p0 vm8;
	vm2 =	vmand vm2, vm1;
	v39 =	vmax.f32 v39, v43  }
0x91: {  	vm4 =	vmand vm4, vm1;
	vm5 =	vmand vm5, vm1;
	v24 =	vperm.xlane v39, v3  }
0x92: {  	vm6 =	vmand vm6, vm1;
	vm7 =	vmand vm7, vm1;
	vm8 =	vmand vm8, vm1  }
0x93: {  	vm1 =	vmand vm9, vm1;
	v31 =	vmax.f32 v25, v28;
	v24 =	vmax.f32 v39, v24  }
0x94: {  	v23 =	vsel vm2, v31, v37;
	v25 =	vsel vm5, v31, v32;
	v30 =	vperm.xlane v24, v4  }
0x95: {  	v26 =	vsel vm6, v31, v26;
	v27 =	vsel vm7, v31, v27;
	v28 =	vsel vm8, v31, v56  }
0x96: {  	v29 =	vsel vm1, v31, v33;
	v63 =	vmax.f32 v24, v30;
	v24 =	vsel vm4, v31, v35  }
0x97: {  	v30 =	vsel vm3, v31, v57;
	v22 =	vsel vm3, v63, v22;
	v31 =	vsel vm2, v63, v58  }
0x98: {  	v32 =	vsel vm4, v63, v34;
	v33 =	vsel vm5, v63, v59;
	v34 =	vsel vm6, v63, v60  }
0x99: {  	s29 =	simm.s32 $0x0;
	v35 =	vsel vm7, v63, v36;
	v36 =	vsel vm8, v63, v61;
	v37 =	vsel vm1, v63, v62  }
.LBB2_4:
0x9a: {  	vm1 =	vgt.f32 v24, v23  }
0x9b: {  	v38 =	vsel vm1, v24, v23  }
0x9c: {  	vm2 =	vgt.f32 v25, v38  }
0x9d: {  	v38 =	vsel vm2, v25, v38  }
0x9e: {  	vm3 =	vgt.f32 v26, v38  }
0x9f: {  	v38 =	vsel vm3, v26, v38  }
0xa0: {  	vm4 =	vgt.f32 v27, v38  }
0xa1: {  	v38 =	vsel vm4, v27, v38  }
0xa2: {  	vm5 =	vgt.f32 v28, v38  }
0xa3: {  	v38 =	vsel vm5, v28, v38  }
0xa4: {  	vm6 =	vgt.f32 v29, v38  }
0xa5: {  	v38 =	vsel vm6, v29, v38  }
0xa6: {  	vm7 =	vgt.f32 v30, v38  }
0xa7: {  	v38 =	vsel vm7, v30, v38  }
0xa8: {  	v39 =	vperm.xlane v38, v1;
	_ =	sdelay $0x1  }
0xa9: {  	v39 =	vmax.f32 v38, v39  }
0xaa: {  	v40 =	vperm.xlane v39, v2;
	_ =	sdelay $0x1  }
0xab: {  	v39 =	vmax.f32 v39, v40  }
0xac: {  	v53 =	vsel vm1, v5, v0;
	v41 =	vperm.xlane v39, v3  }
0xad: {  	v40 =	vsel vm2, v6, v53  }
0xae: {  	v40 =	vsel vm3, v7, v40;
	v39 =	vmax.f32 v39, v41  }
0xaf: {  	v40 =	vsel vm4, v8, v40;
	v41 =	vperm.xlane v39, v4  }
0xb0: {  	v40 =	vsel vm5, v9, v40  }
0xb1: {  	v42 =	vsel vm6, v10, v40;
	v40 =	vmax.f32 v39, v41  }
0xb2: {  	v54 =	vsel vm7, v11, v42;
	vm1 =	veq.f32 v38, v40  }
0xb3: {  	v38 =	vnsel vm1, $0x40000000, v54  }
0xb4: {  	v39 =	vperm.xlane v38, v1;
	_ =	sdelay $0x1  }
0xb5: {  	vm1 =	vlt.s32 v38, v39  }
0xb6: {  	v38 =	vsel vm1, v38, v39  }
0xb7: {  	v39 =	vperm.xlane v38, v2;
	_ =	sdelay $0x1  }
0xb8: {  	vm1 =	vlt.s32 v38, v39  }
0xb9: {  	v38 =	vsel vm1, v38, v39  }
0xba: {  	v39 =	vperm.xlane v38, v3;
	_ =	sdelay $0x1  }
0xbb: {  	vm1 =	vlt.s32 v38, v39  }
0xbc: {  	v38 =	vsel vm1, v38, v39  }
0xbd: {  	v39 =	vperm.xlane v38, v4;
	_ =	sdelay $0x1  }
0xbe: {  	vm1 =	vlt.s32 v38, v39  }
0xbf: {  	v38 =	vsel vm1, v38, v39  }
0xc0: {  	v39 =	vshll.u32 v38, $0x8  }
0xc1: {  	v55 =	vor.u32 v0, v39  }
0xc2: {  	v56 =	vor.u32 v5, v39  }
0xc3: {  	v53 =	vor.u32 v11, v39;
	_ =	sdelay $0x1  }
0xc4: {  	v44 =	vor.u32 v6, v39  }
0xc5: {  	v43 =	vld.idx.msk [tilespmem:v55+s1+$0x0], $0xffff  }
0xc6: {  	v45 =	vor.u32 v7, v39;
	vm1 =	vlt.s32 v55, $0x40000000;
	v46 =	vld.idx.msk [tilespmem:v56+s1+$0x0], $0xffff  }
0xc7: {  	v41 =	vnsel vm1, $0x40000000, v55;
	v55 =	vld.idx.msk [tilespmem:v53+s1+$0x0], $0xffff;
	_ =	sdelay $0x1  }
0xc8: {  	v48 =	vor.u32 v8, v39;
	v47 =	vld.idx.msk [tilespmem:v44+s1+$0x0], $0xffff  }
0xc9: {  	vm6 =	vgt.f32 v32, v31;
	v50 =	vor.u32 v9, v39;
	vm2 =	veq.f32 v43, v40  }
0xca: {  	v52 =	vor.u32 v10, v39;
	v63 =	vor.u32 v14, v39;
	v49 =	vld.idx.msk [tilespmem:v45+s1+$0x0], $0xffff;
	v41 =	vnsel vm2, $0x40000000, v41  }
0xcb: {  	vm3 =	veq.f32 v46, v40;
	vm14 =	veq.f32 v55, v40;
	vm1 =	vlt.s32 v41, v56  }
0xcc: {  	v51 =	vsel vm2, $0x1, v12;
	v57 =	vsel vm3, $0xFF800000, v46;
	v42 =	vsel vm1, v41, v56  }
0xcd: {  	v58 =	vld.idx.msk [tilespmem:v48+s1+$0x0], $0xffff;
	v43 =	vmax.f32 v43, v57;
	vm1 =	veq.f32 v47, v40;
	v41 =	vsel vm3, v42, v41  }
0xce: {  	v42 =	vsel vm2, v57, v43;
	v43 =	vsel vm3, $0x1, v12;
	v44 =	vnsel vm1, $0x40000000, v44  }
0xcf: {  	vm3 =	veq.f32 v49, v40;
	v57 =	vor.u32 v17, v39;
	vm2 =	vlt.s32 v41, v44  }
0xd0: {  	v60 =	vld.idx.msk [tilespmem:v50+s1+$0x0], $0xffff;
	v59 =	vmax.f32 v42, v47;
	v45 =	vnsel vm3, $0x40000000, v45;
	v41 =	vsel vm2, v41, v44  }
0xd1: {  	v42 =	vsel vm1, v42, v59;
	v44 =	vsel vm1, $0x1, v12;
	vm1 =	vlt.s32 v41, v45  }
0xd2: {  	v54 =	vsel vm3, $0x1, v12;
	v41 =	vsel vm1, v41, v45;
	vm1 =	veq.f32 v58, v40  }
0xd3: {  	v43 =	vadd.s32 v51, v43;
	v61 =	vmax.f32 v42, v49;
	v62 =	vnsel vm1, $0x40000000, v48  }
0xd4: {  	v49 =	vld.idx.msk [tilespmem:v52+s1+$0x0], $0xffff;
	v43 =	vadd.s32 v44, v43;
	v42 =	vsel vm3, v42, v61;
	vm2 =	vlt.s32 v41, v62  }
0xd5: {  	v61 =	vnsel vm14, $0x40000000, v53;
	v41 =	vsel vm2, v41, v62;
	vm2 =	veq.f32 v60, v40  }
0xd6: {  	v46 =	vmax.f32 v42, v58;
	v59 =	vnsel vm2, $0x40000000, v50;
	v50 =	vor.u32 v15, v39  }
0xd7: {  	v43 =	vadd.s32 v54, v43;
	v45 =	vsel vm1, $0x1, v12;
	v42 =	vsel vm1, v42, v46  }
0xd8: {  	v58 =	vsel vm14, $0x1, v12;
	v43 =	vadd.s32 v45, v43;
	v47 =	vmax.f32 v42, v60  }
0xd9: {  	vm3 =	veq.f32 v49, v40;
	v42 =	vsel vm2, v42, v47;
	v47 =	vld.idx.msk [tilespmem:v63+s1+$0x0], $0xffff;
	v56 =	vsel vm2, $0x1, v12  }
0xda: {  	vm1 =	vlt.s32 v41, v59;
	v60 =	vnsel vm3, $0x40000000, v52;
	v52 =	vor.u32 v16, v39  }
0xdb: {  	v49 =	vmax.f32 v42, v49;
	v54 =	vadd.s32 v56, v43;
	v41 =	vsel vm1, v41, v59;
	v53 =	vld.idx.msk [tilespmem:v50+s1+$0x0], $0xffff  }
0xdc: {  	v42 =	vsel vm3, v42, v49;
	v49 =	vsel vm3, $0x1, v12;
	vm1 =	vlt.s32 v41, v60  }
0xdd: {  	v59 =	vsel vm6, v32, v31;
	v62 =	vmax.f32 v42, v55;
	v41 =	vsel vm1, v41, v60  }
0xde: {  	v55 =	vor.u32 v18, v39;
	vm1 =	vlt.s32 v41, v61;
	vm4 =	veq.f32 v47, v40  }
0xdf: {  	vm8 =	vgt.f32 v33, v59;
	v41 =	vsel vm1, v41, v61;
	v46 =	vnsel vm4, $0x40000000, v63  }
0xe0: {  	v43 =	vadd.s32 v49, v54;
	v48 =	vld.idx.msk [tilespmem:v52+s1+$0x0], $0xffff;
	vm1 =	vlt.s32 v41, v46;
	vm7 =	veq.f32 v53, v40  }
0xe1: {  	v41 =	vsel vm1, v41, v46;
	v46 =	vnsel vm7, $0x40000000, v50;
	v50 =	vsel vm8, v33, v59  }
0xe2: {  	v42 =	vsel vm14, v42, v62;
	v60 =	vld.idx.msk [tilespmem:v57+s1+$0x0], $0xffff;
	v62 =	vor.u32 v20, v39;
	vm9 =	vgt.f32 v34, v50  }
0xe3: {  	v43 =	vadd.s32 v58, v43;
	v61 =	vor.u32 v19, v39;
	v59 =	vld.idx.msk [tilespmem:v55+s1+$0x0], $0xffff;
	v50 =	vsel vm9, v34, v50  }
0xe4: {  	v47 =	vmax.f32 v42, v47;
	v39 =	vor.u32 v21, v39;
	vm10 =	vgt.f32 v35, v50  }
0xe5: {  	vm5 =	veq.f32 v48, v40;
	vm1 =	vlt.s32 v41, v46;
	v50 =	vsel vm10, v35, v50  }
0xe6: {  	v63 =	vnsel vm5, $0x40000000, v52;
	v41 =	vsel vm1, v41, v46;
	vm11 =	vgt.f32 v36, v50  }
0xe7: {  	vm2 =	veq.f32 v60, v40;
	vm1 =	vlt.s32 v41, v63;
	v50 =	vsel vm11, v36, v50  }
0xe8: {  	v52 =	vld.idx.msk [tilespmem:v61+s1+$0x0], $0xffff;
	v41 =	vsel vm1, v41, v63;
	vm1 =	veq.f32 v59, v40;
	vm12 =	vgt.f32 v37, v50  }
0xe9: {  	v63 =	vnsel vm2, $0x40000000, v57;
	v57 =	vnsel vm1, $0x40000000, v55;
	v55 =	vld.idx.msk [tilespmem:v62+s1+$0x0], $0xffff;
	v50 =	vsel vm12, v37, v50  }
0xea: {  	v42 =	vsel vm4, v42, v47;
	vm3 =	vlt.s32 v41, v63;
	vm13 =	vgt.f32 v22, v50  }
0xeb: {  	v53 =	vmax.f32 v42, v53;
	v41 =	vsel vm3, v41, v63;
	v47 =	vsel vm13, v22, v50  }
0xec: {  	v42 =	vsel vm7, v42, v53;
	vm3 =	vlt.s32 v41, v57;
	v63 =	vperm.xlane v47, v1  }
0xed: {  	v56 =	vmax.f32 v42, v48;
	v41 =	vsel vm3, v41, v57;
	vm3 =	veq.f32 v52, v40  }
0xee: {  	v61 =	vnsel vm3, $0x40000000, v61;
	vm14 =	veq.f32 v55, v40;
	v57 =	vmax.f32 v47, v63  }
0xef: {  	v53 =	vld.idx.msk [tilespmem:v39+s1+$0x0], $0xffff;
	vm15 =	vlt.s32 v41, v61;
	v46 =	vnsel vm14, $0x40000000, v62;
	v62 =	vperm.xlane v57, v2  }
0xf0: {  	v50 =	vsel vm4, $0x1, v12;
	v41 =	vsel vm15, v41, v61;
	v61 =	vsel vm6, v5, v0  }
0xf1: {  	v61 =	vsel vm8, v6, v61;
	vm15 =	vlt.s32 v41, v46;
	v57 =	vmax.f32 v57, v62  }
0xf2: {  	v41 =	vsel vm15, v41, v46;
	v46 =	vsel vm9, v7, v61;
	v61 =	vperm.xlane v57, v3  }
0xf3: {  	v42 =	vsel vm5, v42, v56;
	v43 =	vadd.s32 v50, v43  }
0xf4: {  	v63 =	vsel vm7, $0x1, v12;
	vm9 =	veq.f32 v53, v40;
	v44 =	vmax.f32 v57, v61  }
0xf5: {  	v46 =	vsel vm10, v8, v46;
	v39 =	vnsel vm9, $0x40000000, v39;
	v51 =	vperm.xlane v44, v4  }
0xf6: {  	v43 =	vadd.s32 v63, v43;
	v46 =	vsel vm11, v9, v46;
	vm10 =	vlt.s32 v41, v39  }
0xf7: {  	v62 =	vsel vm12, v10, v46;
	v41 =	vsel vm10, v41, v39;
	v39 =	vmax.f32 v44, v51  }
0xf8: {  	v63 =	vsel vm9, $0x1, v12;
	v45 =	vsel vm13, v11, v62;
	vm11 =	veq.f32 v47, v39  }
0xf9: {  	v58 =	vperm.xlane v41, v1;
	v57 =	vsel vm5, $0x1, v12;
	v45 =	vnsel vm11, $0x40000000, v45  }
0xfa: {  	v61 =	vmax.f32 v42, v60;
	v60 =	vsel vm3, $0x1, v12;
	v62 =	vperm.xlane v45, v1  }
0xfb: {  	v42 =	vsel vm2, v42, v61;
	v51 =	vsel vm2, $0x1, v12;
	vm2 =	vlt.s32 v41, v58  }
0xfc: {  	v43 =	vadd.s32 v57, v43;
	v41 =	vsel vm2, v41, v58;
	vm2 =	vlt.s32 v45, v62  }
0xfd: {  	v57 =	vsel vm1, $0x1, v12;
	v54 =	vmax.f32 v42, v59;
	v45 =	vsel vm2, v45, v62  }
0xfe: {  	v42 =	vsel vm1, v42, v54;
	v43 =	vadd.s32 v51, v43;
	v56 =	vperm.xlane v45, v2  }
0xff: {  	v58 =	vmax.f32 v42, v52;
	v59 =	vperm.xlane v41, v2;
	v43 =	vadd.s32 v57, v43  }
0x100: {  	v42 =	vsel vm3, v42, v58;
	v43 =	vadd.s32 v60, v43;
	vm1 =	vlt.s32 v45, v56  }
0x101: {  	v61 =	vmax.f32 v42, v55;
	vm2 =	vlt.s32 v41, v59;
	v44 =	vsel vm1, v45, v56  }
0x102: {  	v62 =	vsel vm14, $0x1, v12;
	v41 =	vsel vm2, v41, v59;
	v45 =	vperm.xlane v44, v3  }
0x103: {  	v42 =	vsel vm14, v42, v61;
	v43 =	vadd.s32 v62, v43;
	v48 =	vperm.xlane v41, v3  }
0x104: {  	v46 =	vmax.f32 v42, v53;
	v43 =	vadd.s32 v63, v43;
	vm1 =	vlt.s32 v44, v45  }
0x105: {  	v55 =	vperm.xlane v43, v1;
	vm2 =	vlt.s32 v41, v48;
	v44 =	vsel vm1, v44, v45  }
0x106: {  	v46 =	vsel vm9, v42, v46;
	v52 =	vsel vm2, v41, v48;
	v53 =	vperm.xlane v44, v4  }
0x107: {  	v56 =	vperm.xlane v46, v1;
	v58 =	vadd.s32 v43, v55;
	v54 =	vperm.xlane v52, v4  }
0x108: {  	v41 =	vmov s29;
	v59 =	vperm.xlane v58, v2;
	vm1 =	vlt.s32 v44, v53  }
0x109: {  	v46 =	vmax.f32 v46, v56;
	vm2 =	vlt.s32 v52, v54;
	v42 =	vsel vm1, v44, v53  }
0x10a: {  	v61 =	vperm.xlane v46, v2;
	v57 =	vsel vm2, v52, v54;
	v43 =	vshll.u32 v42, $0x8  }
0x10b: {  	v45 =	vadd.s32 v59, v58;
	v60 =	vor.u32 v0, v43  }
0x10c: {  	v47 =	vperm.xlane v45, v3;
	v46 =	vmax.f32 v46, v61;
	v49 =	vor.u32 v5, v43  }
0x10d: {  	[tilespmem:v41+s20+$0x0] =	vst.idx.msk $0x1, v40;
	v62 =	vperm.xlane v46, v3;
	v52 =	vor.u32 v7, v43  }
0x10e: {  	[tilespmem:v41+s21+$0x0] =	vst.idx.msk $0x1, v57;
	v45 =	vadd.s32 v47, v45;
	v54 =	vor.u32 v9, v43  }
0x10f: {  	v56 =	vperm.xlane v45, v4;
	v44 =	vmax.f32 v46, v62;
	[tilespmem:v57+s1+$0x0] =	vst.idx.msk $0x1, v13  }
0x110: {  	v46 =	vperm.xlane v44, v4;
	v63 =	vld.idx.msk [tilespmem:v60+s17+$0x0], $0xffff  }
0x111: {  	v50 =	vor.u32 v6, v43;
	v45 =	vadd.s32 v56, v45;
	v57 =	vld.idx.msk [tilespmem:v49+s17+$0x0], $0xffff  }
0x112: {  	v59 =	vand.u32 $0xF, v38;
	vm1 =	vgt.s32 v45, $0x1;
	v44 =	vmax.f32 v44, v46;
	v61 =	vld.idx.msk [tilespmem:v52+s17+$0x0], $0xffff  }
0x113: {  	v40 =	vsel vm1, v40, v44;
	vm1 =	veq.s32 v59, v0;
	v59 =	vld.idx.msk [tilespmem:v54+s17+$0x0], $0xffff  }
0x114: {  	v38 =	vshrl.u32 v38, $0x4  }
0x115: {  	vm10 =	veq.s32 v38, $0x1;
	v48 =	vor.u32 v8, v43;
	vm2 =	vlt.s32 v60, $0x40000000  }
0x116: {  	v53 =	vor.u32 v14, v43;
	v55 =	vor.u32 v15, v43;
	v58 =	vnsel vm2, $0x40000000, v60;
	v45 =	vld.idx.msk [tilespmem:v50+s17+$0x0], $0xffff  }
0x117: {  	vm3 =	veq.f32 v63, v39;
	vm12 =	veq.f32 v57, v39;
	vm13 =	veq.f32 v61, v39  }
0x118: {  	vm14 =	veq.f32 v59, v39;
	v46 =	vnsel vm3, $0x40000000, v58;
	v60 =	vsel vm3, $0x1, v12  }
0x119: {  	v62 =	vsel vm12, $0xFF800000, v57;
	v58 =	vnsel vm13, $0x40000000, v52;
	v52 =	vor.u32 v11, v43  }
0x11a: {  	vm2 =	vlt.s32 v46, v49;
	v47 =	vmax.f32 v63, v62;
	v63 =	vsel vm12, $0x1, v12  }
0x11b: {  	v49 =	vsel vm2, v46, v49;
	vm2 =	veq.f32 v45, v39;
	v47 =	vsel vm3, v62, v47  }
0x11c: {  	v44 =	vadd.s32 v60, v63;
	v62 =	vsel vm13, $0x1, v12;
	v46 =	vsel vm12, v49, v46  }
0x11d: {  	v50 =	vnsel vm2, $0x40000000, v50;
	v45 =	vmax.f32 v47, v45;
	v49 =	vor.u32 v10, v43  }
0x11e: {  	v57 =	vld.idx.msk [tilespmem:v48+s17+$0x0], $0xffff;
	v60 =	vsel vm2, $0x1, v12;
	vm12 =	veq.s32 v38, $0x3;
	vm3 =	vlt.s32 v46, v50  }
0x11f: {  	v45 =	vsel vm2, v47, v45;
	v44 =	vadd.s32 v60, v44;
	v60 =	vsel vm14, $0x1, v12  }
0x120: {  	vm4 =	vmand vm12, vm1;
	v46 =	vsel vm3, v46, v50;
	v61 =	vmax.f32 v45, v61  }
0x121: {  	v44 =	vadd.s32 v62, v44;
	v50 =	vor.u32 v16, v43;
	vm2 =	vlt.s32 v46, v58  }
0x122: {  	v51 =	vld.idx.msk [tilespmem:v52+s17+$0x0], $0xffff;
	v26 =	vsel vm4, v40, v26;
	v45 =	vsel vm13, v45, v61;
	v46 =	vsel vm2, v46, v58  }
0x123: {  	vm2 =	veq.f32 v57, v39;
	v56 =	vmax.f32 v45, v57;
	v57 =	vnsel vm14, $0x40000000, v54;
	v63 =	vld.idx.msk [tilespmem:v49+s17+$0x0], $0xffff  }
0x124: {  	v54 =	vor.u32 v17, v43;
	v48 =	vnsel vm2, $0x40000000, v48;
	v45 =	vsel vm2, v45, v56  }
0x125: {  	v58 =	vsel vm2, $0x1, v12;
	vm3 =	vlt.s32 v46, v48;
	v59 =	vmax.f32 v45, v59  }
0x126: {  	v44 =	vadd.s32 v58, v44;
	v46 =	vsel vm3, v46, v48;
	v45 =	vsel vm14, v45, v59  }
0x127: {  	v44 =	vadd.s32 v60, v44;
	vm15 =	veq.f32 v51, v39;
	v48 =	vld.idx.msk [tilespmem:v55+s17+$0x0], $0xffff;
	vm2 =	vlt.s32 v46, v57  }
0x128: {  	v59 =	vsel vm15, $0x1, v12;
	v46 =	vsel vm2, v46, v57;
	vm2 =	veq.f32 v63, v39  }
0x129: {  	v62 =	vld.idx.msk [tilespmem:v53+s17+$0x0], $0xffff;
	v47 =	vmax.f32 v45, v63;
	v63 =	vnsel vm15, $0x40000000, v52;
	v52 =	vor.u32 v18, v43  }
0x12a: {  	v61 =	vnsel vm2, $0x40000000, v49;
	v45 =	vsel vm2, v45, v47;
	v57 =	vsel vm2, $0x1, v12  }
0x12b: {  	vm3 =	vlt.s32 v46, v61;
	v44 =	vadd.s32 v57, v44;
	v58 =	vmax.f32 v45, v51  }
0x12c: {  	vm8 =	veq.f32 v48, v39;
	v46 =	vsel vm3, v46, v61;
	v45 =	vsel vm15, v45, v58  }
0x12d: {  	v44 =	vadd.s32 v59, v44;
	v58 =	vsel vm8, $0x1, v12;
	vm2 =	vlt.s32 v46, v63  }
0x12e: {  	v60 =	vld.idx.msk [tilespmem:v50+s17+$0x0], $0xffff;
	v49 =	vmax.f32 v45, v62;
	v46 =	vsel vm2, v46, v63;
	vm2 =	veq.f32 v62, v39  }
0x12f: {  	v62 =	vnsel vm8, $0x40000000, v55;
	v55 =	vor.u32 v19, v43;
	v61 =	vnsel vm2, $0x40000000, v53  }
0x130: {  	v45 =	vsel vm2, v45, v49;
	v53 =	vor.u32 v20, v43;
	vm3 =	vlt.s32 v46, v61  }
0x131: {  	v49 =	vld.idx.msk [tilespmem:v54+s17+$0x0], $0xffff;
	v63 =	vsel vm2, $0x1, v12;
	v43 =	vor.u32 v21, v43;
	v46 =	vsel vm3, v46, v61  }
0x132: {  	v44 =	vadd.s32 v63, v44;
	v56 =	vmax.f32 v45, v48;
	vm2 =	vlt.s32 v46, v62  }
0x133: {  	v45 =	vsel vm8, v45, v56;
	v46 =	vsel vm2, v46, v62;
	vm2 =	veq.f32 v60, v39  }
0x134: {  	v44 =	vadd.s32 v58, v44;
	v59 =	vmax.f32 v45, v60;
	v57 =	vnsel vm2, $0x40000000, v50;
	v50 =	vld.idx.msk [tilespmem:v52+s17+$0x0], $0xffff  }
0x135: {  	v60 =	vsel vm2, $0x1, v12;
	v45 =	vsel vm2, v45, v59;
	v47 =	vld.idx.msk [tilespmem:v53+s17+$0x0], $0xffff;
	vm3 =	vlt.s32 v46, v57  }
0x136: {  	v44 =	vadd.s32 v60, v44;
	v46 =	vsel vm3, v46, v57;
	vm3 =	veq.f32 v49, v39  }
0x137: {  	v62 =	vld.idx.msk [tilespmem:v55+s17+$0x0], $0xffff;
	v63 =	vmax.f32 v45, v49;
	v61 =	vnsel vm3, $0x40000000, v54;
	v56 =	vsel vm3, $0x1, v12  }
0x138: {  	v45 =	vsel vm3, v45, v63;
	vm2 =	vlt.s32 v46, v61;
	v44 =	vadd.s32 v56, v44  }
0x139: {  	v60 =	vld.idx.msk [tilespmem:v43+s17+$0x0], $0xffff;
	v46 =	vsel vm2, v46, v61;
	vm2 =	veq.f32 v50, v39;
	v48 =	vmax.f32 v45, v50  }
0x13a: {  	vm9 =	veq.f32 v47, v39;
	v57 =	vnsel vm2, $0x40000000, v52;
	v45 =	vsel vm2, v45, v48  }
0x13b: {  	v58 =	vsel vm2, $0x1, v12;
	v49 =	vsel vm9, $0x1, v12;
	vm3 =	vlt.s32 v46, v57  }
0x13c: {  	v44 =	vadd.s32 v58, v44;
	v46 =	vsel vm3, v46, v57;
	vm3 =	veq.f32 v62, v39  }
0x13d: {  	v61 =	vmax.f32 v45, v62;
	v62 =	vnsel vm9, $0x40000000, v53;
	v59 =	vnsel vm3, $0x40000000, v55  }
0x13e: {  	v45 =	vsel vm3, v45, v61;
	v63 =	vsel vm3, $0x1, v12;
	vm3 =	veq.f32 v60, v39  }
0x13f: {  	vm2 =	vlt.s32 v46, v59;
	v44 =	vadd.s32 v63, v44;
	v47 =	vmax.f32 v45, v47  }
0x140: {  	v43 =	vnsel vm3, $0x40000000, v43;
	v50 =	vsel vm3, $0x1, v12;
	v63 =	vand.u32 $0xF, v42  }
0x141: {  	v42 =	vshrl.u32 v42, $0x4;
	v46 =	vsel vm2, v46, v59;
	v45 =	vsel vm9, v45, v47  }
0x142: {  	v44 =	vadd.s32 v49, v44;
	vm14 =	veq.s32 v42, $0x4;
	vm2 =	vlt.s32 v46, v62  }
0x143: {  	v44 =	vadd.s32 v50, v44;
	v52 =	vmax.f32 v45, v60;
	v46 =	vsel vm2, v46, v62  }
0x144: {  	vm2 =	veq.s32 v38, $0x0;
	v45 =	vsel vm3, v45, v52;
	v53 =	vperm.xlane v44, v1  }
0x145: {  	vm2 =	vmand vm2, vm1;
	vm11 =	vlt.s32 v46, v43;
	v54 =	vperm.xlane v45, v1  }
0x146: {  	v23 =	vsel vm2, v40, v23;
	vm2 =	vmand vm10, vm1;
	v43 =	vsel vm11, v46, v43  }
0x147: {  	v44 =	vadd.s32 v44, v53;
	v24 =	vsel vm2, v40, v24;
	v51 =	vperm.xlane v43, v1  }
0x148: {  	vm2 =	veq.s32 v38, $0x2;
	v45 =	vmax.f32 v45, v54;
	v55 =	vperm.xlane v44, v2  }
0x149: {  	vm2 =	vmand vm2, vm1;
	v56 =	vperm.xlane v45, v2;
	vm3 =	vlt.s32 v43, v51  }
0x14a: {  	v44 =	vadd.s32 v55, v44;
	v43 =	vsel vm3, v43, v51;
	vm3 =	veq.s32 v38, $0x4  }
0x14b: {  	v45 =	vmax.f32 v45, v56;
	v57 =	vperm.xlane v44, v3;
	v46 =	vperm.xlane v43, v2  }
0x14c: {  	v25 =	vsel vm2, v40, v25;
	vm2 =	vmand vm3, vm1;
	v58 =	vperm.xlane v45, v3  }
0x14d: {  	v27 =	vsel vm2, v40, v27;
	v44 =	vadd.s32 v57, v44;
	vm3 =	vlt.s32 v43, v46  }
0x14e: {  	v60 =	vperm.xlane v44, v4;
	v43 =	vsel vm3, v43, v46;
	vm3 =	veq.s32 v38, $0x5  }
0x14f: {  	v45 =	vmax.f32 v45, v58;
	vm2 =	vmand vm3, vm1;
	vm3 =	veq.s32 v38, $0x6  }
0x150: {  	v47 =	vperm.xlane v45, v4;
	v28 =	vsel vm2, v40, v28;
	vm2 =	vmand vm3, vm1  }
0x151: {  	v59 =	vperm.xlane v43, v3;
	v29 =	vsel vm2, v40, v29;
	vm2 =	veq.s32 v38, $0x7  }
0x152: {  	v62 =	vmax.f32 v45, v47;
	vm3 =	veq.s32 v42, $0x1;
	vm1 =	vmand vm2, vm1  }
0x153: {  	v38 =	vadd.s32 v60, v44;
	vm2 =	vlt.s32 v43, v59;
	v30 =	vsel vm1, v40, v30  }
0x154: {  	v61 =	vsel vm2, v43, v59;
	vm1 =	vgt.s32 v38, $0x1;
	vm2 =	veq.s32 v42, $0x0  }
0x155: {  	v43 =	vperm.xlane v61, v4;
	v38 =	vsel vm1, v39, v62;
	vm1 =	veq.s32 v63, v0  }
0x156: {  	vm15 =	veq.s32 v42, $0x7;
	vm2 =	vmand vm2, vm1;
	vm3 =	vmand vm3, vm1  }
0x157: {  	vm4 =	vmand vm14, vm1;
	vm13 =	vlt.s32 v61, v43;
	v31 =	vsel vm2, v38, v31  }
0x158: {  	p0 =	sne.s32 s29, $0x3F;
	v32 =	vsel vm3, v38, v32;
	vm2 =	veq.s32 v42, $0x2;
	v40 =	vsel vm13, v61, v43  }
.Ltmp1:
0x159: {  	vm3 =	veq.s32 v42, $0x3;
	v35 =	vsel vm4, v38, v35;
	vm2 =	vmand vm2, vm1;
	(pc) =	sbr.rel @p0 .LBB2_4-.Ltmp1, $4  }
0x15a: {  	vm3 =	vmand vm3, vm1;
	v33 =	vsel vm2, v38, v33;
	vm2 =	veq.s32 v42, $0x5  }
0x15b: {  	[tilespmem:v41+s22+$0x0] =	vst.idx.msk $0x1, v39;
	v34 =	vsel vm3, v38, v34;
	vm3 =	veq.s32 v42, $0x6;
	vm2 =	vmand vm2, vm1  }
0x15c: {  	[tilespmem:v41+s23+$0x0] =	vst.idx.msk $0x1, v40;
	vm3 =	vmand vm3, vm1;
	vm1 =	vmand vm15, vm1;
	v36 =	vsel vm2, v38, v36  }
0x15d: {  	s29 =	sadd.s32 $0x1, s29;
	v37 =	vsel vm3, v38, v37;
	v22 =	vsel vm1, v38, v22;
	[tilespmem:v40+s17+$0x0] =	vst.idx.msk $0x1, v13  }
0x15e: {  	s29 =	simm.s32 $0x0  }
0x15f: {  	[hbm4b:s6+s29] =	stream.linear.scatter [tilespmem:s20], [sflag:$0x3], $0x80, $0x38;
	[tilespmem:$0x18200] =	vst v63  }
0x160: {  	_ =	swait.ge [sflag:s24], $0x80  }
0x161: {  	[sflag:s24] =	ssyncset.done $0x0  }
0x162: {  	[sflag:s24] =	ssyncadd.s32 $0xFFFFFF80  }
0x163: {  	[hbm4b:s7+s29] =	stream.linear.scatter [tilespmem:s21], [sflag:$0x3], $0x80, $0x38;
	[tilespmem:$0x18200] =	vst v63  }
0x164: {  	_ =	swait.ge [sflag:s24], $0x80  }
0x165: {  	[sflag:s24] =	ssyncset.done $0x0  }
0x166: {  	[sflag:s24] =	ssyncadd.s32 $0xFFFFFF80  }
0x167: {  	[hbm4b:s8+s29] =	stream.linear.scatter [tilespmem:s22], [sflag:$0x3], $0x80, $0x38;
	[tilespmem:$0x18200] =	vst v63  }
0x168: {  	_ =	swait.ge [sflag:s24], $0x80  }
0x169: {  	[sflag:s24] =	ssyncset.done $0x0  }
0x16a: {  	[sflag:s24] =	ssyncadd.s32 $0xFFFFFF80  }
0x16b: {  	[hbm4b:s9+s29] =	stream.linear.scatter [tilespmem:s23], [sflag:$0x3], $0x80, $0x38;
	[tilespmem:$0x18200] =	vst v63  }
0x16c: {  	_ =	swait.ge [sflag:s24], $0x80  }
0x16d: {  	[sflag:s24] =	ssyncset.done $0x0  }
0x16e: {  	[sflag:s24] =	ssyncadd.s32 $0xFFFFFF80  }
0x16f: {  	[tilespmem:s17], [sflag:$0x2] =	stream.strided.gather [hbm4b:s10+s25], $0x8000, s16, s25, $0x38;
	[tilespmem:$0x18200] =	vst v63  }
0x170: {  	_ =	swait.ge [sflag:s26], $0x8000  }
0x171: {  	[sflag:s26] =	ssyncset.done $0x0  }
0x172: {  	[sflag:s26] =	ssyncadd.s32 $0xFFFF8000  }
0x173: {  	_ =	swait.ge [sflag:s26], $0x8000  }
0x174: {  	[sflag:s26] =	ssyncset.done $0x0  }
0x175: {  	s0 =	simm.s32 $0x10080;
	[sflag:s26] =	ssyncadd.s32 $0xFFFF8000  }
0x176: {  	v22 =	vld [tilespmem:s0+$0xFFFFFF80]  }
0x177: {  	v23 =	vld [tilespmem:s0+$0xFFFFFF90]  }
0x178: {  	v24 =	vld [tilespmem:s0+$0xFFFFFFA0]  }
0x179: {  	v25 =	vld [tilespmem:s0+$0xFFFFFFB0]  }
0x17a: {  	v26 =	vld [tilespmem:s0+$0xFFFFFFC0]  }
0x17b: {  	v27 =	vld [tilespmem:s0+$0xFFFFFFD0]  }
0x17c: {  	v28 =	vld [tilespmem:s0+$0xFFFFFFE0]  }
0x17d: {  	v29 =	vld [tilespmem:s0+$0xFFFFFFF0]  }
0x17e: {  	v30 =	vld [tilespmem:s0+$0x0]  }
0x17f: {  	v31 =	vld [tilespmem:s0+$0x70]  }
0x180: {  	v32 =	vld [tilespmem:s0+$0x60]  }
0x181: {  	v33 =	vld [tilespmem:s0+$0x50]  }
0x182: {  	v34 =	vld [tilespmem:s0+$0x40]  }
0x183: {  	v35 =	vld [tilespmem:s0+$0x30]  }
0x184: {  	v36 =	vld [tilespmem:s0+$0x20]  }
0x185: {  	s2 =	simm.s32 $0x8080;
	v37 =	vld [tilespmem:s0+$0x10]  }
0x186: {  	v38 =	vld [tilespmem:s2+$0xFFFFFF80]  }
0x187: {  	v39 =	vld [tilespmem:s2+$0xFFFFFF90]  }
0x188: {  	v40 =	vld [tilespmem:s2+$0xFFFFFFA0]  }
0x189: {  	v41 =	vld [tilespmem:s2+$0xFFFFFFB0]  }
0x18a: {  	v42 =	vld [tilespmem:s2+$0xFFFFFFC0]  }
0x18b: {  	v22 =	vmax.f32 v22, v23;
	v23 =	vld [tilespmem:s2+$0xFFFFFFD0]  }
0x18c: {  	v63 =	vld [tilespmem:s2+$0xFFFFFFE0];
	v22 =	vmax.f32 v22, v24;
	v24 =	vmax.f32 v38, v39  }
0x18d: {  	v22 =	vmax.f32 v22, v25;
	v24 =	vmax.f32 v24, v40;
	v25 =	vld [tilespmem:s2+$0xFFFFFFF0]  }
0x18e: {  	v22 =	vmax.f32 v22, v26;
	v24 =	vmax.f32 v24, v41;
	v26 =	vld [tilespmem:s2+$0x0]  }
0x18f: {  	v22 =	vmax.f32 v22, v27;
	v24 =	vmax.f32 v24, v42;
	v27 =	vld [tilespmem:s2+$0x10]  }
0x190: {  	v22 =	vmax.f32 v22, v28;
	v23 =	vmax.f32 v24, v23;
	v24 =	vld [tilespmem:s2+$0x20]  }
0x191: {  	vm3 =	vmmov vm0;
	v28 =	vld [tilespmem:s2+$0x30];
	v22 =	vmax.f32 v22, v29;
	v23 =	vmax.f32 v23, v63  }
0x192: {  	vm2 =	vmmov vm0;
	v22 =	vmax.f32 v22, v30;
	v23 =	vmax.f32 v23, v25;
	v25 =	vld [tilespmem:s2+$0x40]  }
0x193: {  	vm4 =	vmmov vm0;
	v22 =	vmax.f32 v22, v37;
	v23 =	vmax.f32 v23, v26;
	v26 =	vld [tilespmem:s2+$0x50]  }
0x194: {  	vm6 =	vmmov vm0;
	v22 =	vmax.f32 v22, v36;
	v23 =	vmax.f32 v23, v27;
	v27 =	vld [tilespmem:s2+$0x60]  }
0x195: {  	p0 =	por $0x1, $0x1;
	vm5 =	vmmov vm0;
	v22 =	vmax.f32 v22, v35;
	v23 =	vmax.f32 v23, v24;
	v24 =	vld [tilespmem:s2+$0x70]  }
0x196: {  	s30 =	simm.s32 $0x10180;
	p2 =	por $0x0, $0x0;
	vm3 =	vmneg @p0 vm3;
	v22 =	vmax.f32 v22, v34;
	v23 =	vmax.f32 v23, v28  }
0x197: {  	p1 =	por $0x0, $0x0;
	vm2 =	vmneg @p2 vm2;
	v28 =	vld [tilespmem:s30+$0xFFFFFF80];
	v22 =	vmax.f32 v22, v33;
	v23 =	vmax.f32 v23, v25  }
0x198: {  	p3 =	por $0x0, $0x0;
	vm4 =	vmneg @p1 vm4;
	v25 =	vld [tilespmem:s30+$0xFFFFFF90];
	v22 =	vmax.f32 v22, v32;
	v23 =	vmax.f32 v23, v26  }
0x199: {  	p0 =	por $0x0, $0x0;
	vm5 =	vmneg @p3 vm5;
	v26 =	vld [tilespmem:s30+$0xFFFFFFA0];
	v22 =	vmax.f32 v22, v31;
	v23 =	vmax.f32 v23, v27  }
0x19a: {  	vm6 =	vmneg @p0 vm6;
	v27 =	vld [tilespmem:s30+$0xFFFFFFB0];
	v29 =	vperm.xlane v22, v1;
	v23 =	vmax.f32 v23, v24  }
0x19b: {  	v37 =	vimm.f32 $-Inf;
	v36 =	vimm.f32 $-Inf;
	v24 =	vld [tilespmem:s30+$0xFFFFFFC0];
	v30 =	vperm.xlane v23, v1  }
0x19c: {  	v35 =	vimm.f32 $-Inf;
	v34 =	vimm.f32 $-Inf;
	v31 =	vld [tilespmem:s30+$0xFFFFFFD0];
	v22 =	vmax.f32 v22, v29  }
0x19d: {  	v25 =	vmax.f32 v28, v25;
	v28 =	vld [tilespmem:s30+$0xFFFFFFE0];
	v29 =	vperm.xlane v22, v2;
	v23 =	vmax.f32 v23, v30  }
0x19e: {  	v33 =	vimm.f32 $-Inf;
	v25 =	vmax.f32 v25, v26;
	v26 =	vld [tilespmem:s30+$0xFFFFFFF0];
	v30 =	vperm.xlane v23, v2  }
0x19f: {  	v32 =	vimm.f32 $-Inf;
	v25 =	vmax.f32 v25, v27;
	v27 =	vld [tilespmem:s30+$0x0];
	v22 =	vmax.f32 v22, v29  }
0x1a0: {  	v43 =	vld [tilespmem:s30+$0x40];
	v24 =	vmax.f32 v25, v24;
	v25 =	vperm.xlane v22, v3;
	v29 =	vmax.f32 v23, v30  }
0x1a1: {  	v45 =	vld [tilespmem:s30+$0x30];
	v24 =	vmax.f32 v24, v31;
	v23 =	vimm.f32 $-Inf;
	v31 =	vimm.f32 $-Inf  }
0x1a2: {  	v46 =	vld [tilespmem:s30+$0x20];
	v30 =	vperm.xlane v29, v3;
	v24 =	vmax.f32 v24, v28;
	v22 =	vmax.f32 v22, v25  }
0x1a3: {  	s3 =	sand.u32 $0xF, s29;
	v47 =	vld [tilespmem:s30+$0x10];
	s0 =	simm.s32 $0x8180;
	v28 =	vimm.f32 $-Inf;
	v24 =	vmax.f32 v24, v26;
	v25 =	vperm.xlane v22, v4  }
0x1a4: {  	v48 =	vld [tilespmem:s0+$0xFFFFFF80];
	v26 =	vmax.f32 v29, v30;
	v44 =	vmax.f32 v24, v27;
	v24 =	vmov s3  }
0x1a5: {  	v49 =	vld [tilespmem:s0+$0xFFFFFF90];
	v29 =	vimm.f32 $-Inf;
	v30 =	vimm.f32 $-Inf;
	v27 =	vperm.xlane v26, v4  }
0x1a6: {  	v38 =	vld [tilespmem:s30+$0x70];
	vm1 =	veq.s32 v24, v0;
	v24 =	vimm.f32 $-Inf;
	v42 =	vmax.f32 v22, v25  }
0x1a7: {  	s31 =	simm.s32 $0x1;
	p3 =	por $0x0, $0x0;
	v39 =	vld [tilespmem:s30+$0x60];
	vm2 =	vmand vm2, vm1;
	v25 =	vimm.f32 $-Inf;
	v41 =	vmax.f32 v26, v27  }
0x1a8: {  	p2 =	por $0x0, $0x0;
	p1 =	por $0x0, $0x0;
	v40 =	vld [tilespmem:s30+$0x50];
	s2 =	simm.s32 $0x2;
	v27 =	vimm.f32 $-Inf;
	v26 =	vimm.f32 $-Inf;
	v22 =	vsel vm2, v41, v23  }
.LBB2_6:
0x1a9: {  	vm7 =	vmmov vm0;
	vm8 =	vmmov vm0;
	vm9 =	vmmov vm0  }
0x1aa: {  	p0 =	sne.s32 s2, $0x7F;
	v50 =	vld [tilespmem:s0+$0xFFFFFFA0];
	vm7 =	vmneg @p3 vm7;
	vm8 =	vmneg @p2 vm8;
	vm9 =	vmneg @p1 vm9  }
0x1ab: {  	vm10 =	vmand vm3, vm1;
	vm11 =	vmand vm4, vm1;
	vm6 =	vmand vm6, vm1;
	v51 =	vld [tilespmem:s0+$0xFFFFFFB0]  }
0x1ac: {  	vm5 =	vmand vm5, vm1;
	vm3 =	vmand vm7, vm1;
	vm4 =	vmand vm8, vm1;
	v52 =	vld [tilespmem:s0+$0xFFFFFFC0]  }
0x1ad: {  	v23 =	vsel vm10, v42, v23;
	v36 =	vsel vm11, v42, v36;
	vm1 =	vmand vm9, vm1;
	v53 =	vld [tilespmem:s0+$0xFFFFFFD0]  }
0x1ae: {  	v33 =	vsel vm6, v42, v33;
	v27 =	vsel vm5, v42, v27;
	v48 =	vmax.f32 v48, v49;
	v49 =	vld [tilespmem:s0+$0xFFFFFFE0]  }
0x1af: {  	v28 =	vsel vm3, v42, v28;
	v26 =	vsel vm4, v42, v26;
	v48 =	vmax.f32 v48, v50;
	v50 =	vld [tilespmem:s0+$0xFFFFFFF0]  }
0x1b0: {  	v29 =	vsel vm2, v42, v29;
	v34 =	vsel vm1, v42, v34;
	v48 =	vmax.f32 v48, v51;
	v51 =	vld [tilespmem:s0+$0x0]  }
0x1b1: {  	v25 =	vsel vm10, v41, v25;
	v35 =	vsel vm11, v41, v35;
	v42 =	vmax.f32 v48, v52;
	v48 =	vld [tilespmem:s0+$0x10]  }
0x1b2: {  	v30 =	vsel vm6, v41, v30;
	v31 =	vsel vm5, v41, v31;
	v42 =	vmax.f32 v42, v53;
	v52 =	vld [tilespmem:s0+$0x20]  }
0x1b3: {  	v37 =	vsel vm3, v41, v37;
	v32 =	vsel vm4, v41, v32;
	v42 =	vmax.f32 v42, v49;
	v49 =	vld [tilespmem:s0+$0x30]  }
0x1b4: {  	v44 =	vmax.f32 v44, v47;
	v24 =	vsel vm1, v41, v24;
	v42 =	vmax.f32 v42, v50;
	v47 =	vld [tilespmem:s0+$0x40]  }
0x1b5: {  	v41 =	vmax.f32 v42, v51;
	v42 =	vmax.f32 v44, v46;
	v44 =	vld [tilespmem:s0+$0x50]  }
0x1b6: {  	v41 =	vmax.f32 v41, v48;
	v42 =	vmax.f32 v42, v45;
	v45 =	vld [tilespmem:s0+$0x60]  }
0x1b7: {  	s30 =	sadd.s32 $0x100, s30;
	v41 =	vmax.f32 v41, v52;
	v42 =	vmax.f32 v42, v43;
	v43 =	vld [tilespmem:s0+$0x70]  }
0x1b8: {  	v46 =	vld [tilespmem:s30+$0xFFFFFF80];
	v41 =	vmax.f32 v41, v49;
	v40 =	vmax.f32 v42, v40  }
0x1b9: {  	v42 =	vld [tilespmem:s30+$0xFFFFFF90];
	v41 =	vmax.f32 v41, v47;
	v39 =	vmax.f32 v40, v39  }
0x1ba: {  	v40 =	vld [tilespmem:s30+$0xFFFFFFA0];
	v41 =	vmax.f32 v41, v44;
	v38 =	vmax.f32 v39, v38  }
0x1bb: {  	v39 =	vld [tilespmem:s30+$0xFFFFFFB0];
	v41 =	vmax.f32 v41, v45;
	v44 =	vperm.xlane v38, v1  }
0x1bc: {  	v45 =	vld [tilespmem:s30+$0xFFFFFFC0];
	v41 =	vmax.f32 v41, v43  }
0x1bd: {  	v43 =	vld [tilespmem:s30+$0xFFFFFFD0];
	v38 =	vmax.f32 v38, v44;
	v44 =	vperm.xlane v41, v1  }
0x1be: {  	v42 =	vmax.f32 v46, v42;
	v46 =	vld [tilespmem:s30+$0xFFFFFFE0];
	v47 =	vperm.xlane v38, v2  }
0x1bf: {  	vm2 =	vmmov vm0;
	v40 =	vmax.f32 v42, v40;
	v42 =	vld [tilespmem:s30+$0xFFFFFFF0];
	v41 =	vmax.f32 v41, v44  }
0x1c0: {  	v39 =	vmax.f32 v40, v39;
	v44 =	vld [tilespmem:s30+$0x0];
	v47 =	vmax.f32 v38, v47;
	v40 =	vperm.xlane v41, v2  }
0x1c1: {  	vm6 =	vmmov vm0;
	v39 =	vmax.f32 v39, v45;
	v38 =	vld [tilespmem:s30+$0x70];
	v45 =	vperm.xlane v47, v3  }
0x1c2: {  	s3 =	sand.u32 $0xF, s31;
	s31 =	sshrl.u32 s31, $0x4;
	vm5 =	vmmov vm0;
	v43 =	vmax.f32 v39, v43;
	v39 =	vld [tilespmem:s30+$0x60];
	v41 =	vmax.f32 v41, v40  }
0x1c3: {  	p3 =	seq.s32 s31, $0x7;
	v43 =	vmax.f32 v43, v46;
	v40 =	vld [tilespmem:s30+$0x50];
	v47 =	vmax.f32 v47, v45;
	v46 =	vperm.xlane v41, v3  }
0x1c4: {  	vm2 =	vmneg @p3 vm2;
	v42 =	vmax.f32 v43, v42;
	v43 =	vld [tilespmem:s30+$0x40];
	v48 =	vperm.xlane v47, v4  }
.Ltmp2:
0x1c5: {  	vm3 =	vmmov vm0;
	v44 =	vmax.f32 v42, v44;
	v45 =	vld [tilespmem:s30+$0x30];
	v41 =	vmax.f32 v41, v46;
	(pc) =	sbr.rel @p0 .LBB2_6-.Ltmp2, $4  }
0x1c6: {  	p2 =	seq.s32 s31, $0x0;
	p1 =	seq.s32 s31, $0x1;
	v49 =	vmov s3;
	v46 =	vld [tilespmem:s30+$0x20];
	v42 =	vmax.f32 v47, v48;
	v50 =	vperm.xlane v41, v4  }
0x1c7: {  	p5 =	seq.s32 s31, $0x2;
	p4 =	seq.s32 s31, $0x3;
	vm4 =	vmmov vm0;
	vm3 =	vmneg @p2 vm3;
	s0 =	sadd.s32 $0x100, s0;
	vm1 =	veq.s32 v49, v0;
	v47 =	vld [tilespmem:s30+$0x10]  }
0x1c8: {  	p3 =	seq.s32 s31, $0x4;
	vm4 =	vmneg @p1 vm4;
	p2 =	seq.s32 s31, $0x5;
	p1 =	seq.s32 s31, $0x6;
	vm2 =	vmand vm2, vm1;
	v48 =	vld [tilespmem:s0+$0xFFFFFF80];
	v41 =	vmax.f32 v41, v50  }
0x1c9: {  	vm6 =	vmneg @p5 vm6;
	vm5 =	vmneg @p4 vm5;
	s31 =	smov.u32 s2;
	s2 =	sadd.s32 $0x1, s2;
	v49 =	vld [tilespmem:s0+$0xFFFFFF90];
	v22 =	vsel vm2, v41, v22  }
0x1ca: {  	vm7 =	vmmov vm0;
	vm8 =	vmmov vm0;
	vm9 =	vmmov vm0  }
0x1cb: {  	vm3 =	vmand vm3, vm1;
	vm4 =	vmand vm4, vm1;
	vm6 =	vmand vm6, vm1  }
0x1cc: {  	v50 =	vld [tilespmem:s0+$0xFFFFFFA0];
	vm5 =	vmand vm5, vm1;
	vm7 =	vmneg @p3 vm7;
	vm8 =	vmneg @p2 vm8  }
0x1cd: {  	v51 =	vld [tilespmem:s0+$0xFFFFFFB0];
	vm9 =	vmneg @p1 vm9;
	v23 =	vsel vm3, v42, v23;
	v36 =	vsel vm4, v42, v36  }
0x1ce: {  	v52 =	vld [tilespmem:s0+$0xFFFFFFC0];
	v33 =	vsel vm6, v42, v33;
	v27 =	vsel vm5, v42, v27;
	v35 =	vsel vm4, v41, v35  }
0x1cf: {  	v53 =	vld [tilespmem:s0+$0xFFFFFFD0];
	vm4 =	vmmov vm0;
	v44 =	vmax.f32 v44, v47;
	vm7 =	vmand vm7, vm1  }
0x1d0: {  	v59 =	vld [tilespmem:s0+$0xFFFFFFE0];
	s2 =	sshrl.u32 s31, $0x4;
	vm8 =	vmand vm8, vm1;
	v44 =	vmax.f32 v44, v46;
	v48 =	vmax.f32 v48, v49  }
0x1d1: {  	v60 =	vld [tilespmem:s0+$0xFFFFFFF0];
	p2 =	seq.s32 s2, $0x1;
	vm1 =	vmand vm9, vm1;
	v44 =	vmax.f32 v44, v45;
	v48 =	vmax.f32 v48, v50  }
0x1d2: {  	v61 =	vld [tilespmem:s0+$0x0];
	vm4 =	vmneg @p2 vm4;
	v43 =	vmax.f32 v44, v43;
	v48 =	vmax.f32 v48, v51  }
0x1d3: {  	v62 =	vld [tilespmem:s0+$0x10];
	vm9 =	vmmov vm0;
	v40 =	vmax.f32 v43, v40;
	v48 =	vmax.f32 v48, v52  }
0x1d4: {  	v63 =	vld [tilespmem:s0+$0x20];
	v28 =	vsel vm7, v42, v28;
	v39 =	vmax.f32 v40, v39;
	v48 =	vmax.f32 v48, v53  }
0x1d5: {  	v56 =	vld [tilespmem:s0+$0x30];
	v55 =	vsel vm8, v42, v26;
	v38 =	vmax.f32 v39, v38;
	v48 =	vmax.f32 v48, v59  }
0x1d6: {  	v57 =	vld [tilespmem:s0+$0x40];
	v34 =	vsel vm1, v42, v34;
	v53 =	vperm.xlane v38, v1;
	v48 =	vmax.f32 v48, v60  }
0x1d7: {  	p3 =	seq.s32 s2, $0x6;
	v37 =	vsel vm7, v41, v37;
	vm7 =	vmmov vm0;
	v59 =	vld [tilespmem:s0+$0x50];
	v58 =	vmax.f32 v48, v61  }
0x1d8: {  	p2 =	seq.s32 s2, $0x4;
	vm9 =	vmneg @p3 vm9;
	v61 =	vld [tilespmem:s0+$0x60];
	v38 =	vmax.f32 v38, v53;
	v60 =	vmax.f32 v58, v62  }
0x1d9: {  	s30 =	sand.u32 $0xF, s31;
	vm7 =	vmneg @p2 vm7;
	v40 =	vperm.xlane v38, v2;
	v62 =	vmax.f32 v60, v63;
	v63 =	vld [tilespmem:s0+$0x70]  }
0x1da: {  	v58 =	vsel vm6, v41, v30;
	v30 =	vmov s30;
	v49 =	vmax.f32 v62, v56  }
0x1db: {  	vm6 =	vmmov vm0;
	v60 =	vsel vm8, v41, v32;
	v50 =	vmax.f32 v49, v57  }
0x1dc: {  	vm8 =	vmmov vm0;
	v26 =	vmax.f32 v38, v40;
	v51 =	vmax.f32 v50, v59  }
0x1dd: {  	v56 =	vsel vm2, v42, v29;
	vm2 =	vmmov vm0;
	v52 =	vmax.f32 v51, v61  }
0x1de: {  	p0 =	seq.s32 s2, $0x0;
	v29 =	vperm.xlane v26, v3;
	v57 =	vsel vm3, v41, v25;
	v39 =	vmax.f32 v52, v63  }
0x1df: {  	p1 =	seq.s32 s2, $0x7;
	vm3 =	vmmov vm0;
	vm2 =	vmneg @p0 vm2;
	v54 =	vperm.xlane v39, v1  }
0x1e0: {  	v59 =	vsel vm5, v41, v31;
	vm3 =	vmneg @p1 vm3;
	vm5 =	vmmov vm0  }
0x1e1: {  	p0 =	seq.s32 s2, $0x2;
	v26 =	vmax.f32 v26, v29;
	v61 =	vsel vm1, v41, v24;
	v39 =	vmax.f32 v39, v54  }
0x1e2: {  	p1 =	seq.s32 s2, $0x3;
	vm1 =	veq.s32 v30, v0;
	vm5 =	vmneg @p0 vm5;
	v43 =	vperm.xlane v39, v2  }
0x1e3: {  	p0 =	seq.s32 s2, $0x5;
	vm6 =	vmneg @p1 vm6;
	v29 =	vperm.xlane v26, v4;
	vm3 =	vmand vm3, vm1  }
0x1e4: {  	vm8 =	vmneg @p0 vm8;
	vm2 =	vmand vm2, vm1;
	v39 =	vmax.f32 v39, v43  }
0x1e5: {  	vm4 =	vmand vm4, vm1;
	vm5 =	vmand vm5, vm1;
	v25 =	vperm.xlane v39, v3  }
0x1e6: {  	vm6 =	vmand vm6, vm1;
	vm7 =	vmand vm7, vm1;
	vm8 =	vmand vm8, vm1  }
0x1e7: {  	vm1 =	vmand vm9, vm1;
	v62 =	vmax.f32 v26, v29;
	v25 =	vmax.f32 v39, v25  }
0x1e8: {  	v23 =	vsel vm2, v62, v23;
	v24 =	vsel vm4, v62, v36;
	v31 =	vperm.xlane v25, v4  }
0x1e9: {  	v26 =	vsel vm6, v62, v27;
	v27 =	vsel vm7, v62, v28;
	v28 =	vsel vm8, v62, v55  }
0x1ea: {  	v29 =	vsel vm1, v62, v34;
	v30 =	vsel vm3, v62, v56;
	v63 =	vmax.f32 v25, v31  }
0x1eb: {  	v25 =	vsel vm5, v62, v33;
	v22 =	vsel vm3, v63, v22;
	v31 =	vsel vm2, v63, v57  }
0x1ec: {  	v32 =	vsel vm4, v63, v35;
	v33 =	vsel vm5, v63, v58;
	v34 =	vsel vm6, v63, v59  }
0x1ed: {  	v35 =	vsel vm7, v63, v37;
	v36 =	vsel vm8, v63, v60;
	v37 =	vsel vm1, v63, v61  }
.LBB2_8:
0x1ee: {  	vm1 =	vgt.f32 v24, v23  }
0x1ef: {  	v38 =	vsel vm1, v24, v23  }
0x1f0: {  	vm2 =	vgt.f32 v25, v38  }
0x1f1: {  	v38 =	vsel vm2, v25, v38  }
0x1f2: {  	vm3 =	vgt.f32 v26, v38  }
0x1f3: {  	v38 =	vsel vm3, v26, v38  }
0x1f4: {  	vm4 =	vgt.f32 v27, v38  }
0x1f5: {  	v38 =	vsel vm4, v27, v38  }
0x1f6: {  	vm5 =	vgt.f32 v28, v38  }
0x1f7: {  	v38 =	vsel vm5, v28, v38  }
0x1f8: {  	vm6 =	vgt.f32 v29, v38  }
0x1f9: {  	v38 =	vsel vm6, v29, v38  }
0x1fa: {  	vm7 =	vgt.f32 v30, v38  }
0x1fb: {  	v38 =	vsel vm7, v30, v38  }
0x1fc: {  	v39 =	vperm.xlane v38, v1;
	_ =	sdelay $0x1  }
0x1fd: {  	v39 =	vmax.f32 v38, v39  }
0x1fe: {  	v40 =	vperm.xlane v39, v2;
	_ =	sdelay $0x1  }
0x1ff: {  	v39 =	vmax.f32 v39, v40  }
0x200: {  	v53 =	vsel vm1, v5, v0;
	v41 =	vperm.xlane v39, v3  }
0x201: {  	v40 =	vsel vm2, v6, v53  }
0x202: {  	v40 =	vsel vm3, v7, v40;
	v39 =	vmax.f32 v39, v41  }
0x203: {  	v40 =	vsel vm4, v8, v40;
	v41 =	vperm.xlane v39, v4  }
0x204: {  	v40 =	vsel vm5, v9, v40  }
0x205: {  	v42 =	vsel vm6, v10, v40;
	v40 =	vmax.f32 v39, v41  }
0x206: {  	v54 =	vsel vm7, v11, v42;
	vm1 =	veq.f32 v38, v40  }
0x207: {  	v38 =	vnsel vm1, $0x40000000, v54  }
0x208: {  	v39 =	vperm.xlane v38, v1;
	_ =	sdelay $0x1  }
0x209: {  	vm1 =	vlt.s32 v38, v39  }
0x20a: {  	v38 =	vsel vm1, v38, v39  }
0x20b: {  	v39 =	vperm.xlane v38, v2;
	_ =	sdelay $0x1  }
0x20c: {  	vm1 =	vlt.s32 v38, v39  }
0x20d: {  	v38 =	vsel vm1, v38, v39  }
0x20e: {  	v39 =	vperm.xlane v38, v3;
	_ =	sdelay $0x1  }
0x20f: {  	vm1 =	vlt.s32 v38, v39  }
0x210: {  	v38 =	vsel vm1, v38, v39  }
0x211: {  	v39 =	vperm.xlane v38, v4;
	_ =	sdelay $0x1  }
0x212: {  	vm1 =	vlt.s32 v38, v39  }
0x213: {  	v38 =	vsel vm1, v38, v39  }
0x214: {  	v39 =	vshll.u32 v38, $0x8  }
0x215: {  	v55 =	vor.u32 v0, v39  }
0x216: {  	v56 =	vor.u32 v5, v39  }
0x217: {  	v53 =	vor.u32 v11, v39;
	_ =	sdelay $0x1  }
0x218: {  	v44 =	vor.u32 v6, v39  }
0x219: {  	v43 =	vld.idx.msk [tilespmem:v55+s18+$0x0], $0xffff  }
0x21a: {  	v45 =	vor.u32 v7, v39;
	vm1 =	vlt.s32 v55, $0x40000000;
	v46 =	vld.idx.msk [tilespmem:v56+s18+$0x0], $0xffff  }
0x21b: {  	v41 =	vnsel vm1, $0x40000000, v55;
	v55 =	vld.idx.msk [tilespmem:v53+s18+$0x0], $0xffff;
	_ =	sdelay $0x1  }
0x21c: {  	v48 =	vor.u32 v8, v39;
	v47 =	vld.idx.msk [tilespmem:v44+s18+$0x0], $0xffff  }
0x21d: {  	vm6 =	vgt.f32 v32, v31;
	v50 =	vor.u32 v9, v39;
	vm2 =	veq.f32 v43, v40  }
0x21e: {  	v52 =	vor.u32 v10, v39;
	v63 =	vor.u32 v14, v39;
	v49 =	vld.idx.msk [tilespmem:v45+s18+$0x0], $0xffff;
	v41 =	vnsel vm2, $0x40000000, v41  }
0x21f: {  	vm3 =	veq.f32 v46, v40;
	vm14 =	veq.f32 v55, v40;
	vm1 =	vlt.s32 v41, v56  }
0x220: {  	v51 =	vsel vm2, $0x1, v12;
	v57 =	vsel vm3, $0xFF800000, v46;
	v42 =	vsel vm1, v41, v56  }
0x221: {  	v58 =	vld.idx.msk [tilespmem:v48+s18+$0x0], $0xffff;
	v43 =	vmax.f32 v43, v57;
	vm1 =	veq.f32 v47, v40;
	v41 =	vsel vm3, v42, v41  }
0x222: {  	v42 =	vsel vm2, v57, v43;
	v43 =	vsel vm3, $0x1, v12;
	v44 =	vnsel vm1, $0x40000000, v44  }
0x223: {  	vm3 =	veq.f32 v49, v40;
	v57 =	vor.u32 v17, v39;
	vm2 =	vlt.s32 v41, v44  }
0x224: {  	v60 =	vld.idx.msk [tilespmem:v50+s18+$0x0], $0xffff;
	v59 =	vmax.f32 v42, v47;
	v45 =	vnsel vm3, $0x40000000, v45;
	v41 =	vsel vm2, v41, v44  }
0x225: {  	v42 =	vsel vm1, v42, v59;
	v44 =	vsel vm1, $0x1, v12;
	vm1 =	vlt.s32 v41, v45  }
0x226: {  	v54 =	vsel vm3, $0x1, v12;
	v41 =	vsel vm1, v41, v45;
	vm1 =	veq.f32 v58, v40  }
0x227: {  	v43 =	vadd.s32 v51, v43;
	v61 =	vmax.f32 v42, v49;
	v62 =	vnsel vm1, $0x40000000, v48  }
0x228: {  	v49 =	vld.idx.msk [tilespmem:v52+s18+$0x0], $0xffff;
	v43 =	vadd.s32 v44, v43;
	v42 =	vsel vm3, v42, v61;
	vm2 =	vlt.s32 v41, v62  }
0x229: {  	v61 =	vnsel vm14, $0x40000000, v53;
	v41 =	vsel vm2, v41, v62;
	vm2 =	veq.f32 v60, v40  }
0x22a: {  	v46 =	vmax.f32 v42, v58;
	v59 =	vnsel vm2, $0x40000000, v50;
	v50 =	vor.u32 v15, v39  }
0x22b: {  	v43 =	vadd.s32 v54, v43;
	v45 =	vsel vm1, $0x1, v12;
	v42 =	vsel vm1, v42, v46  }
0x22c: {  	v58 =	vsel vm14, $0x1, v12;
	v43 =	vadd.s32 v45, v43;
	v47 =	vmax.f32 v42, v60  }
0x22d: {  	vm3 =	veq.f32 v49, v40;
	v42 =	vsel vm2, v42, v47;
	v47 =	vld.idx.msk [tilespmem:v63+s18+$0x0], $0xffff;
	v56 =	vsel vm2, $0x1, v12  }
0x22e: {  	vm1 =	vlt.s32 v41, v59;
	v60 =	vnsel vm3, $0x40000000, v52;
	v52 =	vor.u32 v16, v39  }
0x22f: {  	v49 =	vmax.f32 v42, v49;
	v54 =	vadd.s32 v56, v43;
	v41 =	vsel vm1, v41, v59;
	v53 =	vld.idx.msk [tilespmem:v50+s18+$0x0], $0xffff  }
0x230: {  	v42 =	vsel vm3, v42, v49;
	v49 =	vsel vm3, $0x1, v12;
	vm1 =	vlt.s32 v41, v60  }
0x231: {  	v59 =	vsel vm6, v32, v31;
	v62 =	vmax.f32 v42, v55;
	v41 =	vsel vm1, v41, v60  }
0x232: {  	v55 =	vor.u32 v18, v39;
	vm1 =	vlt.s32 v41, v61;
	vm4 =	veq.f32 v47, v40  }
0x233: {  	vm8 =	vgt.f32 v33, v59;
	v41 =	vsel vm1, v41, v61;
	v46 =	vnsel vm4, $0x40000000, v63  }
0x234: {  	v43 =	vadd.s32 v49, v54;
	v48 =	vld.idx.msk [tilespmem:v52+s18+$0x0], $0xffff;
	vm1 =	vlt.s32 v41, v46;
	vm7 =	veq.f32 v53, v40  }
0x235: {  	v41 =	vsel vm1, v41, v46;
	v46 =	vnsel vm7, $0x40000000, v50;
	v50 =	vsel vm8, v33, v59  }
0x236: {  	v42 =	vsel vm14, v42, v62;
	v60 =	vld.idx.msk [tilespmem:v57+s18+$0x0], $0xffff;
	v62 =	vor.u32 v20, v39;
	vm9 =	vgt.f32 v34, v50  }
0x237: {  	v43 =	vadd.s32 v58, v43;
	v61 =	vor.u32 v19, v39;
	v59 =	vld.idx.msk [tilespmem:v55+s18+$0x0], $0xffff;
	v50 =	vsel vm9, v34, v50  }
0x238: {  	v47 =	vmax.f32 v42, v47;
	v39 =	vor.u32 v21, v39;
	vm10 =	vgt.f32 v35, v50  }
0x239: {  	vm5 =	veq.f32 v48, v40;
	vm1 =	vlt.s32 v41, v46;
	v50 =	vsel vm10, v35, v50  }
0x23a: {  	v63 =	vnsel vm5, $0x40000000, v52;
	v41 =	vsel vm1, v41, v46;
	vm11 =	vgt.f32 v36, v50  }
0x23b: {  	vm2 =	veq.f32 v60, v40;
	vm1 =	vlt.s32 v41, v63;
	v50 =	vsel vm11, v36, v50  }
0x23c: {  	v52 =	vld.idx.msk [tilespmem:v61+s18+$0x0], $0xffff;
	v41 =	vsel vm1, v41, v63;
	vm1 =	veq.f32 v59, v40;
	vm12 =	vgt.f32 v37, v50  }
0x23d: {  	v63 =	vnsel vm2, $0x40000000, v57;
	v57 =	vnsel vm1, $0x40000000, v55;
	v55 =	vld.idx.msk [tilespmem:v62+s18+$0x0], $0xffff;
	v50 =	vsel vm12, v37, v50  }
0x23e: {  	v42 =	vsel vm4, v42, v47;
	vm3 =	vlt.s32 v41, v63;
	vm13 =	vgt.f32 v22, v50  }
0x23f: {  	v53 =	vmax.f32 v42, v53;
	v41 =	vsel vm3, v41, v63;
	v47 =	vsel vm13, v22, v50  }
0x240: {  	v42 =	vsel vm7, v42, v53;
	vm3 =	vlt.s32 v41, v57;
	v63 =	vperm.xlane v47, v1  }
0x241: {  	v56 =	vmax.f32 v42, v48;
	v41 =	vsel vm3, v41, v57;
	vm3 =	veq.f32 v52, v40  }
0x242: {  	v61 =	vnsel vm3, $0x40000000, v61;
	vm14 =	veq.f32 v55, v40;
	v57 =	vmax.f32 v47, v63  }
0x243: {  	v53 =	vld.idx.msk [tilespmem:v39+s18+$0x0], $0xffff;
	vm15 =	vlt.s32 v41, v61;
	v46 =	vnsel vm14, $0x40000000, v62;
	v62 =	vperm.xlane v57, v2  }
0x244: {  	v50 =	vsel vm4, $0x1, v12;
	v41 =	vsel vm15, v41, v61;
	v61 =	vsel vm6, v5, v0  }
0x245: {  	v61 =	vsel vm8, v6, v61;
	vm15 =	vlt.s32 v41, v46;
	v57 =	vmax.f32 v57, v62  }
0x246: {  	v41 =	vsel vm15, v41, v46;
	v46 =	vsel vm9, v7, v61;
	v61 =	vperm.xlane v57, v3  }
0x247: {  	v42 =	vsel vm5, v42, v56;
	v43 =	vadd.s32 v50, v43  }
0x248: {  	v63 =	vsel vm7, $0x1, v12;
	vm9 =	veq.f32 v53, v40;
	v44 =	vmax.f32 v57, v61  }
0x249: {  	v46 =	vsel vm10, v8, v46;
	v39 =	vnsel vm9, $0x40000000, v39;
	v51 =	vperm.xlane v44, v4  }
0x24a: {  	v43 =	vadd.s32 v63, v43;
	v46 =	vsel vm11, v9, v46;
	vm10 =	vlt.s32 v41, v39  }
0x24b: {  	v62 =	vsel vm12, v10, v46;
	v41 =	vsel vm10, v41, v39;
	v39 =	vmax.f32 v44, v51  }
0x24c: {  	v63 =	vsel vm9, $0x1, v12;
	v45 =	vsel vm13, v11, v62;
	vm11 =	veq.f32 v47, v39  }
0x24d: {  	v58 =	vperm.xlane v41, v1;
	v57 =	vsel vm5, $0x1, v12;
	v45 =	vnsel vm11, $0x40000000, v45  }
0x24e: {  	v61 =	vmax.f32 v42, v60;
	v60 =	vsel vm3, $0x1, v12;
	v62 =	vperm.xlane v45, v1  }
0x24f: {  	v42 =	vsel vm2, v42, v61;
	v51 =	vsel vm2, $0x1, v12;
	vm2 =	vlt.s32 v41, v58  }
0x250: {  	v43 =	vadd.s32 v57, v43;
	v41 =	vsel vm2, v41, v58;
	vm2 =	vlt.s32 v45, v62  }
0x251: {  	v57 =	vsel vm1, $0x1, v12;
	v54 =	vmax.f32 v42, v59;
	v45 =	vsel vm2, v45, v62  }
0x252: {  	v42 =	vsel vm1, v42, v54;
	v43 =	vadd.s32 v51, v43;
	v56 =	vperm.xlane v45, v2  }
0x253: {  	v58 =	vmax.f32 v42, v52;
	v59 =	vperm.xlane v41, v2;
	v43 =	vadd.s32 v57, v43  }
0x254: {  	v42 =	vsel vm3, v42, v58;
	v43 =	vadd.s32 v60, v43;
	vm1 =	vlt.s32 v45, v56  }
0x255: {  	v61 =	vmax.f32 v42, v55;
	vm2 =	vlt.s32 v41, v59;
	v44 =	vsel vm1, v45, v56  }
0x256: {  	v62 =	vsel vm14, $0x1, v12;
	v41 =	vsel vm2, v41, v59;
	v45 =	vperm.xlane v44, v3  }
0x257: {  	v42 =	vsel vm14, v42, v61;
	v43 =	vadd.s32 v62, v43;
	v48 =	vperm.xlane v41, v3  }
0x258: {  	v46 =	vmax.f32 v42, v53;
	v43 =	vadd.s32 v63, v43;
	vm1 =	vlt.s32 v44, v45  }
0x259: {  	v55 =	vperm.xlane v43, v1;
	vm2 =	vlt.s32 v41, v48;
	v44 =	vsel vm1, v44, v45  }
0x25a: {  	v46 =	vsel vm9, v42, v46;
	v52 =	vsel vm2, v41, v48;
	v53 =	vperm.xlane v44, v4  }
0x25b: {  	v56 =	vperm.xlane v46, v1;
	v58 =	vadd.s32 v43, v55;
	v54 =	vperm.xlane v52, v4  }
0x25c: {  	v41 =	vmov s29;
	v59 =	vperm.xlane v58, v2;
	vm1 =	vlt.s32 v44, v53  }
0x25d: {  	v46 =	vmax.f32 v46, v56;
	vm2 =	vlt.s32 v52, v54;
	v42 =	vsel vm1, v44, v53  }
0x25e: {  	v61 =	vperm.xlane v46, v2;
	v57 =	vsel vm2, v52, v54;
	v43 =	vshll.u32 v42, $0x8  }
0x25f: {  	v45 =	vadd.s32 v59, v58;
	v60 =	vor.u32 v0, v43  }
0x260: {  	v47 =	vperm.xlane v45, v3;
	v46 =	vmax.f32 v46, v61;
	v49 =	vor.u32 v5, v43  }
0x261: {  	[tilespmem:v41+s20+$0x0] =	vst.idx.msk $0x1, v40;
	v62 =	vperm.xlane v46, v3;
	v52 =	vor.u32 v7, v43  }
0x262: {  	[tilespmem:v41+s21+$0x0] =	vst.idx.msk $0x1, v57;
	v45 =	vadd.s32 v47, v45;
	v54 =	vor.u32 v9, v43  }
0x263: {  	v56 =	vperm.xlane v45, v4;
	v44 =	vmax.f32 v46, v62;
	[tilespmem:v57+s18+$0x0] =	vst.idx.msk $0x1, v13  }
0x264: {  	v46 =	vperm.xlane v44, v4;
	v63 =	vld.idx.msk [tilespmem:v60+s17+$0x0], $0xffff  }
0x265: {  	v50 =	vor.u32 v6, v43;
	v45 =	vadd.s32 v56, v45;
	v57 =	vld.idx.msk [tilespmem:v49+s17+$0x0], $0xffff  }
0x266: {  	v59 =	vand.u32 $0xF, v38;
	vm1 =	vgt.s32 v45, $0x1;
	v44 =	vmax.f32 v44, v46;
	v61 =	vld.idx.msk [tilespmem:v52+s17+$0x0], $0xffff  }
0x267: {  	v40 =	vsel vm1, v40, v44;
	vm1 =	veq.s32 v59, v0;
	v59 =	vld.idx.msk [tilespmem:v54+s17+$0x0], $0xffff  }
0x268: {  	v38 =	vshrl.u32 v38, $0x4  }
0x269: {  	vm10 =	veq.s32 v38, $0x1;
	v48 =	vor.u32 v8, v43;
	vm2 =	vlt.s32 v60, $0x40000000  }
0x26a: {  	v53 =	vor.u32 v14, v43;
	v55 =	vor.u32 v15, v43;
	v58 =	vnsel vm2, $0x40000000, v60;
	v45 =	vld.idx.msk [tilespmem:v50+s17+$0x0], $0xffff  }
0x26b: {  	vm3 =	veq.f32 v63, v39;
	vm12 =	veq.f32 v57, v39;
	vm13 =	veq.f32 v61, v39  }
0x26c: {  	vm14 =	veq.f32 v59, v39;
	v46 =	vnsel vm3, $0x40000000, v58;
	v60 =	vsel vm3, $0x1, v12  }
0x26d: {  	v62 =	vsel vm12, $0xFF800000, v57;
	v58 =	vnsel vm13, $0x40000000, v52;
	v52 =	vor.u32 v11, v43  }
0x26e: {  	vm2 =	vlt.s32 v46, v49;
	v47 =	vmax.f32 v63, v62;
	v63 =	vsel vm12, $0x1, v12  }
0x26f: {  	v49 =	vsel vm2, v46, v49;
	vm2 =	veq.f32 v45, v39;
	v47 =	vsel vm3, v62, v47  }
0x270: {  	v44 =	vadd.s32 v60, v63;
	v62 =	vsel vm13, $0x1, v12;
	v46 =	vsel vm12, v49, v46  }
0x271: {  	v50 =	vnsel vm2, $0x40000000, v50;
	v45 =	vmax.f32 v47, v45;
	v49 =	vor.u32 v10, v43  }
0x272: {  	v57 =	vld.idx.msk [tilespmem:v48+s17+$0x0], $0xffff;
	v60 =	vsel vm2, $0x1, v12;
	vm12 =	veq.s32 v38, $0x3;
	vm3 =	vlt.s32 v46, v50  }
0x273: {  	v45 =	vsel vm2, v47, v45;
	v44 =	vadd.s32 v60, v44;
	v60 =	vsel vm14, $0x1, v12  }
0x274: {  	vm4 =	vmand vm12, vm1;
	v46 =	vsel vm3, v46, v50;
	v61 =	vmax.f32 v45, v61  }
0x275: {  	v44 =	vadd.s32 v62, v44;
	v50 =	vor.u32 v16, v43;
	vm2 =	vlt.s32 v46, v58  }
0x276: {  	v51 =	vld.idx.msk [tilespmem:v52+s17+$0x0], $0xffff;
	v26 =	vsel vm4, v40, v26;
	v45 =	vsel vm13, v45, v61;
	v46 =	vsel vm2, v46, v58  }
0x277: {  	vm2 =	veq.f32 v57, v39;
	v56 =	vmax.f32 v45, v57;
	v57 =	vnsel vm14, $0x40000000, v54;
	v63 =	vld.idx.msk [tilespmem:v49+s17+$0x0], $0xffff  }
0x278: {  	v54 =	vor.u32 v17, v43;
	v48 =	vnsel vm2, $0x40000000, v48;
	v45 =	vsel vm2, v45, v56  }
0x279: {  	v58 =	vsel vm2, $0x1, v12;
	vm3 =	vlt.s32 v46, v48;
	v59 =	vmax.f32 v45, v59  }
0x27a: {  	v44 =	vadd.s32 v58, v44;
	v46 =	vsel vm3, v46, v48;
	v45 =	vsel vm14, v45, v59  }
0x27b: {  	v44 =	vadd.s32 v60, v44;
	vm15 =	veq.f32 v51, v39;
	v48 =	vld.idx.msk [tilespmem:v55+s17+$0x0], $0xffff;
	vm2 =	vlt.s32 v46, v57  }
0x27c: {  	v59 =	vsel vm15, $0x1, v12;
	v46 =	vsel vm2, v46, v57;
	vm2 =	veq.f32 v63, v39  }
0x27d: {  	v62 =	vld.idx.msk [tilespmem:v53+s17+$0x0], $0xffff;
	v47 =	vmax.f32 v45, v63;
	v63 =	vnsel vm15, $0x40000000, v52;
	v52 =	vor.u32 v18, v43  }
0x27e: {  	v61 =	vnsel vm2, $0x40000000, v49;
	v45 =	vsel vm2, v45, v47;
	v57 =	vsel vm2, $0x1, v12  }
0x27f: {  	vm3 =	vlt.s32 v46, v61;
	v44 =	vadd.s32 v57, v44;
	v58 =	vmax.f32 v45, v51  }
0x280: {  	vm8 =	veq.f32 v48, v39;
	v46 =	vsel vm3, v46, v61;
	v45 =	vsel vm15, v45, v58  }
0x281: {  	v44 =	vadd.s32 v59, v44;
	v58 =	vsel vm8, $0x1, v12;
	vm2 =	vlt.s32 v46, v63  }
0x282: {  	v60 =	vld.idx.msk [tilespmem:v50+s17+$0x0], $0xffff;
	v49 =	vmax.f32 v45, v62;
	v46 =	vsel vm2, v46, v63;
	vm2 =	veq.f32 v62, v39  }
0x283: {  	v62 =	vnsel vm8, $0x40000000, v55;
	v55 =	vor.u32 v19, v43;
	v61 =	vnsel vm2, $0x40000000, v53  }
0x284: {  	v45 =	vsel vm2, v45, v49;
	v53 =	vor.u32 v20, v43;
	vm3 =	vlt.s32 v46, v61  }
0x285: {  	v49 =	vld.idx.msk [tilespmem:v54+s17+$0x0], $0xffff;
	v63 =	vsel vm2, $0x1, v12;
	v43 =	vor.u32 v21, v43;
	v46 =	vsel vm3, v46, v61  }
0x286: {  	v44 =	vadd.s32 v63, v44;
	v56 =	vmax.f32 v45, v48;
	vm2 =	vlt.s32 v46, v62  }
0x287: {  	v45 =	vsel vm8, v45, v56;
	v46 =	vsel vm2, v46, v62;
	vm2 =	veq.f32 v60, v39  }
0x288: {  	v44 =	vadd.s32 v58, v44;
	v59 =	vmax.f32 v45, v60;
	v57 =	vnsel vm2, $0x40000000, v50;
	v50 =	vld.idx.msk [tilespmem:v52+s17+$0x0], $0xffff  }
0x289: {  	v60 =	vsel vm2, $0x1, v12;
	v45 =	vsel vm2, v45, v59;
	v47 =	vld.idx.msk [tilespmem:v53+s17+$0x0], $0xffff;
	vm3 =	vlt.s32 v46, v57  }
0x28a: {  	v44 =	vadd.s32 v60, v44;
	v46 =	vsel vm3, v46, v57;
	vm3 =	veq.f32 v49, v39  }
0x28b: {  	v62 =	vld.idx.msk [tilespmem:v55+s17+$0x0], $0xffff;
	v63 =	vmax.f32 v45, v49;
	v61 =	vnsel vm3, $0x40000000, v54;
	v56 =	vsel vm3, $0x1, v12  }
0x28c: {  	v45 =	vsel vm3, v45, v63;
	vm2 =	vlt.s32 v46, v61;
	v44 =	vadd.s32 v56, v44  }
0x28d: {  	v60 =	vld.idx.msk [tilespmem:v43+s17+$0x0], $0xffff;
	v46 =	vsel vm2, v46, v61;
	vm2 =	veq.f32 v50, v39;
	v48 =	vmax.f32 v45, v50  }
0x28e: {  	vm9 =	veq.f32 v47, v39;
	v57 =	vnsel vm2, $0x40000000, v52;
	v45 =	vsel vm2, v45, v48  }
0x28f: {  	v58 =	vsel vm2, $0x1, v12;
	v49 =	vsel vm9, $0x1, v12;
	vm3 =	vlt.s32 v46, v57  }
0x290: {  	v44 =	vadd.s32 v58, v44;
	v46 =	vsel vm3, v46, v57;
	vm3 =	veq.f32 v62, v39  }
0x291: {  	v61 =	vmax.f32 v45, v62;
	v62 =	vnsel vm9, $0x40000000, v53;
	v59 =	vnsel vm3, $0x40000000, v55  }
0x292: {  	v45 =	vsel vm3, v45, v61;
	v63 =	vsel vm3, $0x1, v12;
	vm3 =	veq.f32 v60, v39  }
0x293: {  	vm2 =	vlt.s32 v46, v59;
	v44 =	vadd.s32 v63, v44;
	v47 =	vmax.f32 v45, v47  }
0x294: {  	v43 =	vnsel vm3, $0x40000000, v43;
	v50 =	vsel vm3, $0x1, v12;
	v63 =	vand.u32 $0xF, v42  }
0x295: {  	v42 =	vshrl.u32 v42, $0x4;
	v46 =	vsel vm2, v46, v59;
	v45 =	vsel vm9, v45, v47  }
0x296: {  	v44 =	vadd.s32 v49, v44;
	vm14 =	veq.s32 v42, $0x4;
	vm2 =	vlt.s32 v46, v62  }
0x297: {  	v44 =	vadd.s32 v50, v44;
	v52 =	vmax.f32 v45, v60;
	v46 =	vsel vm2, v46, v62  }
0x298: {  	vm2 =	veq.s32 v38, $0x0;
	v45 =	vsel vm3, v45, v52;
	v53 =	vperm.xlane v44, v1  }
0x299: {  	vm2 =	vmand vm2, vm1;
	vm11 =	vlt.s32 v46, v43;
	v54 =	vperm.xlane v45, v1  }
0x29a: {  	v23 =	vsel vm2, v40, v23;
	vm2 =	vmand vm10, vm1;
	v43 =	vsel vm11, v46, v43  }
0x29b: {  	v44 =	vadd.s32 v44, v53;
	v24 =	vsel vm2, v40, v24;
	v51 =	vperm.xlane v43, v1  }
0x29c: {  	vm2 =	veq.s32 v38, $0x2;
	v45 =	vmax.f32 v45, v54;
	v55 =	vperm.xlane v44, v2  }
0x29d: {  	vm2 =	vmand vm2, vm1;
	v56 =	vperm.xlane v45, v2;
	vm3 =	vlt.s32 v43, v51  }
0x29e: {  	v44 =	vadd.s32 v55, v44;
	v43 =	vsel vm3, v43, v51;
	vm3 =	veq.s32 v38, $0x4  }
0x29f: {  	v45 =	vmax.f32 v45, v56;
	v57 =	vperm.xlane v44, v3;
	v46 =	vperm.xlane v43, v2  }
0x2a0: {  	v25 =	vsel vm2, v40, v25;
	vm2 =	vmand vm3, vm1;
	v58 =	vperm.xlane v45, v3  }
0x2a1: {  	v27 =	vsel vm2, v40, v27;
	v44 =	vadd.s32 v57, v44;
	vm3 =	vlt.s32 v43, v46  }
0x2a2: {  	v60 =	vperm.xlane v44, v4;
	v43 =	vsel vm3, v43, v46;
	vm3 =	veq.s32 v38, $0x5  }
0x2a3: {  	v45 =	vmax.f32 v45, v58;
	vm2 =	vmand vm3, vm1;
	vm3 =	veq.s32 v38, $0x6  }
0x2a4: {  	v47 =	vperm.xlane v45, v4;
	v28 =	vsel vm2, v40, v28;
	vm2 =	vmand vm3, vm1  }
0x2a5: {  	v59 =	vperm.xlane v43, v3;
	v29 =	vsel vm2, v40, v29;
	vm2 =	veq.s32 v38, $0x7  }
0x2a6: {  	v62 =	vmax.f32 v45, v47;
	vm3 =	veq.s32 v42, $0x1;
	vm1 =	vmand vm2, vm1  }
0x2a7: {  	v38 =	vadd.s32 v60, v44;
	vm2 =	vlt.s32 v43, v59;
	v30 =	vsel vm1, v40, v30  }
0x2a8: {  	v61 =	vsel vm2, v43, v59;
	vm1 =	vgt.s32 v38, $0x1;
	vm2 =	veq.s32 v42, $0x0  }
0x2a9: {  	v43 =	vperm.xlane v61, v4;
	v38 =	vsel vm1, v39, v62;
	vm1 =	veq.s32 v63, v0  }
0x2aa: {  	vm15 =	veq.s32 v42, $0x7;
	vm2 =	vmand vm2, vm1;
	vm3 =	vmand vm3, vm1  }
0x2ab: {  	vm4 =	vmand vm14, vm1;
	vm13 =	vlt.s32 v61, v43;
	v31 =	vsel vm2, v38, v31  }
0x2ac: {  	p0 =	sne.s32 s29, $0x3F;
	v32 =	vsel vm3, v38, v32;
	vm2 =	veq.s32 v42, $0x2;
	v40 =	vsel vm13, v61, v43  }
.Ltmp3:
0x2ad: {  	vm3 =	veq.s32 v42, $0x3;
	v35 =	vsel vm4, v38, v35;
	vm2 =	vmand vm2, vm1;
	(pc) =	sbr.rel @p0 .LBB2_8-.Ltmp3, $4  }
0x2ae: {  	vm3 =	vmand vm3, vm1;
	v33 =	vsel vm2, v38, v33;
	vm2 =	veq.s32 v42, $0x5  }
0x2af: {  	[tilespmem:v41+s22+$0x0] =	vst.idx.msk $0x1, v39;
	v34 =	vsel vm3, v38, v34;
	vm3 =	veq.s32 v42, $0x6;
	vm2 =	vmand vm2, vm1  }
0x2b0: {  	[tilespmem:v41+s23+$0x0] =	vst.idx.msk $0x1, v40;
	vm3 =	vmand vm3, vm1;
	vm1 =	vmand vm15, vm1;
	v36 =	vsel vm2, v38, v36  }
0x2b1: {  	s29 =	sadd.s32 $0x1, s29;
	v37 =	vsel vm3, v38, v37;
	v22 =	vsel vm1, v38, v22;
	[tilespmem:v40+s17+$0x0] =	vst.idx.msk $0x1, v13  }
0x2b2: {  	[hbm4b:s11+s1] =	stream.linear.scatter [tilespmem:s20], [sflag:$0x3], $0x80, $0x38;
	[tilespmem:$0x18200] =	vst v63  }
0x2b3: {  	_ =	swait.ge [sflag:s24], $0x80  }
0x2b4: {  	[sflag:s24] =	ssyncset.done $0x0  }
0x2b5: {  	[sflag:s24] =	ssyncadd.s32 $0xFFFFFF80  }
0x2b6: {  	[hbm4b:s12+s1] =	stream.linear.scatter [tilespmem:s21], [sflag:$0x3], $0x80, $0x38;
	[tilespmem:$0x18200] =	vst v63  }
0x2b7: {  	_ =	swait.ge [sflag:s24], $0x80  }
0x2b8: {  	[sflag:s24] =	ssyncset.done $0x0  }
0x2b9: {  	[sflag:s24] =	ssyncadd.s32 $0xFFFFFF80  }
0x2ba: {  	[hbm4b:s13+s1] =	stream.linear.scatter [tilespmem:s22], [sflag:$0x3], $0x80, $0x38;
	[tilespmem:$0x18200] =	vst v63  }
0x2bb: {  	s28 =	sadd.s32 $0x1, s28;
	_ =	swait.ge [sflag:s24], $0x80  }
0x2bc: {  	p0 =	sne.s32 s28, s15;
	[sflag:s24] =	ssyncset.done $0x0  }
.Ltmp4:
0x2bd: {  	[sflag:s24] =	ssyncadd.s32 $0xFFFFFF80;
	(pc) =	sbr.rel @p0 .LBB2_1-.Ltmp4, $4  }
0x2be: {  	[hbm4b:s14+s1] =	stream.linear.scatter [tilespmem:s23], [sflag:$0x3], $0x80, $0x38;
	[tilespmem:$0x18200] =	vst v63  }
0x2bf: {  	_ =	swait.ge [sflag:s24], $0x80  }
0x2c0: {  	[sflag:s24] =	ssyncset.done $0x0  }
0x2c1: {  	[sflag:s24] =	ssyncadd.s32 $0xFFFFFF80  }
0x2c2: {  	_ =	sfence.sel $0x180000  }
0x2c3: {  	[bflag:$0x0] =	sbarrier.arrive $0xFFFF  }
0x2c4: {  	_ =	strace $0x90000047  }
0x2c5: {  	s0 =	stileid.u32;
	[bflag:$0x2] =	sbarrier.arrive $0xFFFF  }
0x2c6: {  	p0 =	sne.s32 s0, $0x0;
	s0 =	rddreg [dreg:$0x2]  }
0x2c7: {  	s0 =	sadd.s32 @!p0 $0x100000, s0  }
0x2c8: {  	[sflag:s0] =	ssyncadd.tile.s32 @!p0 $0x1;
	_ =	shalt  }
.Lfunc_end2:
_tile_overlayer_lowered:
.L_overlay_start_2:
0x2c9: {  	(tag) =	ssettag $0x2  }
0x2ca: {  	s0 =	rddreg [dreg:$0x0];
	s2 =	stileid.u32  }
0x2cb: {  	s1 =	rddreg [dreg:$0x1];
	p0 =	sne.s32 s2, $0x0  }
0x2cc: {  	s3 =	rddreg [dreg:$0x2];
	[bflag:$0x3] =	sbarrier.arrive $0xFFFF;
	s2 =	simm.s32 @!p0 $0x1C03  }
0x2cd: {  	[timem:s3], [sflag:s2] =	dma.local @!p0 [hbm:s0], s1  }
0x2ce: {  	s0 =	simm.s32 @!p0 $0x3  }
0x2cf: {  	_ =	swait.ge @!p0 [sflag:s0], s1  }
0x2d0: {  	s1 =	ssub.s32 @!p0 $0x0, s1;
	[sflag:s0] =	ssyncset.done @!p0 $0x0  }
0x2d1: {  	[sflag:s0] =	ssyncadd.s32 @!p0 s1  }
0x2d2: {  	[bflag:$0x3] =	sbarrier.arrive $0xFFFF  }
0x2d3: {  	_ =	shalt  }

</sc_bundles>
